<compile_context>
chip_gen: v7x
topology: tpu7x:2x2x1
jax: 0.10.2.dev20260603
libtpu: 0.0.44.dev20260713+nightly
codegen_flags: <defaults>
</compile_context>

<pallas_src>
import functools

import numpy as np
import jax
import jax.numpy as jnp
from jax import lax
from jax.experimental import pallas as pl
from jax.experimental.pallas import tpu as pltpu
from jax.experimental.pallas import tpu_sc as plsc

_DIM = 64
_NB = 4096
_NS = 200
_NW = 32
_BT = _NB // 128
_HALF = 524_288
_BANDWIDTH = 2.0


def _gaussian_kernel_const() -> np.ndarray:
    t = np.arange(24, dtype=np.float32)
    ad = np.abs(t[None, :] - t[:, None])
    dist = np.minimum(ad, 24.0 - ad)
    return np.exp(-0.5 * (dist / _BANDWIDTH) ** 2).astype(np.float32)


_KMAT = _gaussian_kernel_const()


def _tc_pack(table_t):
    w = 8192
    g = _HALF // w
    jmax = 1_000_000 // w

    def body(a_ref, b_ref, eye_ref, out_ref):
        eye = eye_ref[...]
        dn = (((0,), (0,)), ((), ()))
        out_ref[:, 0:_DIM] = lax.dot_general(
            a_ref[...], eye, dn, preferred_element_type=jnp.float32)
        out_ref[:, _DIM:128] = lax.dot_general(
            b_ref[...], eye, dn, preferred_element_type=jnp.float32)

    return pl.pallas_call(
        body,
        grid=(g,),
        in_specs=[
            pl.BlockSpec((_DIM, w), lambda i: (0, i)),
            pl.BlockSpec((_DIM, w), lambda i: (0, jnp.minimum(i + g, jmax))),
            pl.BlockSpec((_DIM, _DIM), lambda i: (0, 0)),
        ],
        out_specs=pl.BlockSpec((w, 128), lambda i: (i, 0)),
        out_shape=jax.ShapeDtypeStruct((_HALF, 128), jnp.float32),
    )(table_t, table_t, jnp.eye(_DIM, dtype=jnp.float32))


def _sc_gather_fused(idx3, par3, table2):
    mesh = plsc.VectorSubcoreMesh(core_axis_name="c", subcore_axis_name="s")

    @functools.partial(
        pl.kernel,
        mesh=mesh,
        out_type=jax.ShapeDtypeStruct((_NS, 8, _BT, 8, 128), jnp.float32),
        scratch_types=[
            pltpu.VMEM((_NS, 128), jnp.int32),
            pltpu.VMEM((_NS, 128), jnp.int32),
            pltpu.VMEM((2, 128, 128), jnp.float32),
            pltpu.VMEM((2, 8, 8, 128), jnp.float32),
            pltpu.SemaphoreType.DMA,
            pltpu.SemaphoreType.DMA,
            pltpu.SemaphoreType.DMA,
            pltpu.SemaphoreType.DMA,
        ],
        compiler_params=pltpu.CompilerParams(
            use_tc_tiling_on_sc=False, needs_layout_passes=False
        ),
    )
    def gather_kernel(idx_hbm, par_hbm, table_hbm, out_hbm,
                      idxv, parv, rowbuf, tbuf, gsem0, gsem1, wsem0, wsem1):
        w = lax.axis_index("s") * 2 + lax.axis_index("c")
        gsems = (gsem0, gsem1)
        wsems = (wsem0, wsem1)
        pltpu.sync_copy(idx_hbm.at[:, w], idxv)
        pltpu.sync_copy(par_hbm.at[:, w], parv)

        lvec = lax.iota(jnp.int32, 16)
        doffs = [(lvec + i) & 15 for i in range(16)]

        def gather_desc(s, b):
            return pltpu.make_async_copy(
                table_hbm.at[idxv.at[s]], rowbuf.at[b], gsems[b])

        def write_desc(s, b):
            return pltpu.make_async_copy(
                tbuf.at[b], out_hbm.at[s, :, w], wsems[b])

        def transpose(s, b):
            def blk(kb, carry):
                rows = kb * 16 + lvec
                par16 = parv[s, pl.ds(kb * 16, 16)]
                for kd in range(4):
                    base = kd * 16 + par16
                    for step in range(16):
                        doff = doffs[step]
                        v = plsc.load_gather(
                            rowbuf.at[b], [rows, base + doff])
                        plsc.store_scatter(
                            tbuf.at[b],
                            [2 * kd + (doff >> 3), doff & 7, rows], v)
                return carry

            lax.fori_loop(0, 8, blk, 0)

        gather_desc(0, 0).start()
        gather_desc(1, 1).start()

        def body(g, carry):
            for b in (0, 1):
                s = 2 * g + b
                gather_desc(s, b).wait()

                @pl.when(g >= 1)
                def _drain():
                    write_desc(s - 2, b).wait()

                transpose(s, b)

                @pl.when(g < _NS // 2 - 1)
                def _next():
                    gather_desc(s + 2, b).start()

                write_desc(s, b).start()

            return carry

        lax.fori_loop(0, _NS // 2, body, 0)
        write_desc(_NS - 2, 0).wait()
        write_desc(_NS - 1, 1).wait()

    return gather_kernel(idx3, par3, table2)


def _tc_small(user_t, time_table, kmat):
    nu = user_t.shape[1]
    blk = 8192
    grid = (nu + blk - 1) // blk

    def body(user_ref, time_ref, kmat_ref, user_out, time_out, smooth_out):
        i = pl.program_id(0)
        user_out[...] = user_ref[...]

        @pl.when(i == 0)
        def _():
            time_out[...] = time_ref[...]
            smooth_out[...] = jnp.dot(
                kmat_ref[...], time_ref[...], preferred_element_type=jnp.float32
            )

    return pl.pallas_call(
        body,
        grid=(grid,),
        in_specs=[
            pl.BlockSpec((_DIM, blk), lambda i: (0, i)),
            pl.BlockSpec((24, _DIM), lambda i: (0, 0)),
            pl.BlockSpec((24, 24), lambda i: (0, 0)),
        ],
        out_specs=[
            pl.BlockSpec((_DIM, blk), lambda i: (0, i)),
            pl.BlockSpec((24, _DIM), lambda i: (0, 0)),
            pl.BlockSpec((24, _DIM), lambda i: (0, 0)),
        ],
        out_shape=[
            jax.ShapeDtypeStruct((_DIM, nu), jnp.float32),
            jax.ShapeDtypeStruct((24, _DIM), jnp.float32),
            jax.ShapeDtypeStruct((24, _DIM), jnp.float32),
        ],
    )(user_t, time_table, kmat)


def kernel(location_x, loc_table, user_table, time_table):
    locs = jnp.transpose(location_x.astype(jnp.int32)).reshape(_NS, _BT, 128)
    hi = locs >= _HALF
    idx3 = jnp.where(hi, locs - _HALF, locs)
    par3 = jnp.where(hi, _DIM, 0).astype(jnp.int32)
    table2 = _tc_pack(loc_table.T)
    x = _sc_gather_fused(idx3, par3, table2)
    loc_embedded = x.transpose(2, 4, 0, 1, 3).reshape(_NB, _NS, _DIM)
    user_t_out, time_out, smooth_out = _tc_small(
        user_table.T, time_table, jnp.asarray(_KMAT)
    )
    return (loc_embedded, time_out, smooth_out, user_t_out.T)

# --- scband reference (transcript-rebuilt; emitter-appended) ---
"""Pipeline reference for scband-multimodal-contextual-embedding-86406152061242 (READ-ONLY COPY).

The authoritative reference and input builder live on the scoring server;
editing this copy changes nothing except your own understanding.
"""

import jax, jax.numpy as jnp
import numpy as np

NUM_LOCATIONS = 1000000
NUM_USERS = 100000
DIM = 64
BANDWIDTH = 2.0


def setup_inputs(seed: int = 0) -> dict:
    key = jax.random.key(seed)
    k1, k2, k3, k4 = jax.random.split(key, 4)
    location_x = jax.random.randint(k1, (4096, 200), 0, NUM_LOCATIONS, dtype=jnp.int64 if jax.config.jax_enable_x64 else jnp.int32)
    # nn.Embedding default init: N(0, 1)
    loc_table = jax.random.normal(k2, (NUM_LOCATIONS, DIM), dtype=jnp.float32)
    user_table = jax.random.normal(k3, (NUM_USERS, DIM), dtype=jnp.float32)
    time_table = jax.random.normal(k4, (24, DIM), dtype=jnp.float32)
    return {"location_x": location_x, "loc_table": loc_table, "user_table": user_table, "time_table": time_table}


def reference(location_x, loc_table, user_table, time_table):
    # loc_embedded = self.location_embedding(location_x)
    loc_embedded = jnp.take(loc_table, location_x, axis=0)
    # user_embedded = self.user_embedding(arange(num_users)) -> full table gather
    user_idx = jnp.arange(NUM_USERS)
    user_embedded = jnp.take(user_table, user_idx, axis=0)
    # timeslot_embedded = self.timeslot_embedding(arange(24))
    time_idx = jnp.arange(24)
    timeslot_embedded = jnp.take(time_table, time_idx, axis=0)
    # smoothed timeslot embeddings via circular gaussian kernel
    t = jnp.arange(24, dtype=jnp.float32)
    tns = jnp.arange(24, dtype=jnp.float32)
    ad = jnp.abs(t[None, :] - tns[:, None])
    dist = jnp.minimum(ad, 24.0 - ad)
    kernel = jnp.exp(-0.5 * (dist / BANDWIDTH) ** 2)  # [24(tn), 24(t)]
    # smoothed[tn] = sum_t kernel[tn, t] * timeslot_embedded[t]
    smoothed_timeslot_embedded = kernel @ timeslot_embedded  # [24, DIM]
    return (loc_embedded, timeslot_embedded, smoothed_timeslot_embedded, user_embedded)

if __name__ == "__main__":
    import jax
    _d = setup_inputs()
    print(jax.jit(kernel)(*tuple(_d.values())))

</pallas_src>

<mosaic_0001>
#map = affine_map<(d0, d1) -> (0, 0, 0)>
#map1 = affine_map<(d0, d1) -> (0, 0)>
#map2 = affine_map<(d0, d1) -> (0, 0, 0, 0, 0)>
module attributes {stable_mosaic.version = 14 : i64} {
  func.func @gather_kernel(%arg0: i32, %arg1: i32, %arg2: memref<200x32x128xi32, #tpu.memory_space<hbm>>, %arg3: memref<200x32x128xi32, #tpu.memory_space<hbm>>, %arg4: memref<524288x128xf32, #tpu.memory_space<hbm>>, %arg5: memref<200x8x32x8x128xf32, #tpu.memory_space<hbm>>, %arg6: memref<200x128xi32, #tpu.memory_space<vmem>>, %arg7: memref<200x128xi32, #tpu.memory_space<vmem>>, %arg8: memref<2x128x128xf32, #tpu.memory_space<vmem>>, %arg9: memref<2x8x8x128xf32, #tpu.memory_space<vmem>>, %arg10: memref<!tpu.dma_semaphore, #tpu.memory_space<semaphore_mem>>, %arg11: memref<!tpu.dma_semaphore, #tpu.memory_space<semaphore_mem>>, %arg12: memref<!tpu.dma_semaphore, #tpu.memory_space<semaphore_mem>>, %arg13: memref<!tpu.dma_semaphore, #tpu.memory_space<semaphore_mem>>) attributes {dimension_semantics = [#tpu.dimension_semantics<core_parallel>, #tpu.dimension_semantics<subcore_parallel>], iteration_bounds = array<i64: 2, 16>, scalar_prefetch = 0 : i64, scratch_operands = 8 : i64, tpu.core_type = #tpu.core_type<sc_vector_subcore>, window_params = [{transform_indices = #map}, {transform_indices = #map}, {transform_indices = #map1}, {transform_indices = #map2}]} {
    %mul3A = arith.constant 2 : i32
    %mul3A_0 = arith.muli %arg1, %mul3A : i32
    %add3A = arith.addi %mul3A_0, %arg0 : i32
    "tpu.region"() ({
      %run_scoped3A = tpu.sem_alloc : memref<!tpu.dma_semaphore, #tpu.memory_space<semaphore_mem>>
      %dma_start3A_167 = arith.constant 0 : i32
      %dma_start3A_168 = arith.constant 0 : i32
      %dma_start3A_169 = tpu.memref_slice %arg2[%dma_start3A_167, %add3A, %dma_start3A_168] : memref<200x32x128xi32, #tpu.memory_space<hbm>> -> memref<200x1x128xi32, #tpu.memory_space<hbm>>
      %dma_start3A_170 = tpu.memref_squeeze %dma_start3A_169 : memref<200x1x128xi32, #tpu.memory_space<hbm>> -> memref<200x128xi32, #tpu.memory_space<hbm>>
      %dma_start3A_171 = arith.constant 0 : i32
      %dma_start3A_172 = arith.constant 0 : i32
      %dma_start3A_173 = tpu.memref_slice %arg2[%dma_start3A_171, %add3A, %dma_start3A_172] : memref<200x32x128xi32, #tpu.memory_space<hbm>> -> memref<200x1x128xi32, #tpu.memory_space<hbm>>
      %dma_start3A_174 = tpu.memref_squeeze %dma_start3A_173 : memref<200x1x128xi32, #tpu.memory_space<hbm>> -> memref<200x128xi32, #tpu.memory_space<hbm>>
      tpu.enqueue_dma source(%dma_start3A_174 : memref<200x128xi32, #tpu.memory_space<hbm>>) target(%arg6 : memref<200x128xi32, #tpu.memory_space<vmem>>) target_semaphore(%run_scoped3A : memref<!tpu.dma_semaphore, #tpu.memory_space<semaphore_mem>>)
      %dma_wait3A_175 = arith.constant 0 : i32
      %dma_wait3A_176 = arith.constant 0 : i32
      %dma_wait3A_177 = tpu.memref_slice %arg2[%dma_wait3A_175, %add3A, %dma_wait3A_176] : memref<200x32x128xi32, #tpu.memory_space<hbm>> -> memref<200x1x128xi32, #tpu.memory_space<hbm>>
      %dma_wait3A_178 = tpu.memref_squeeze %dma_wait3A_177 : memref<200x1x128xi32, #tpu.memory_space<hbm>> -> memref<200x128xi32, #tpu.memory_space<hbm>>
      %dma_wait3A_179 = arith.constant 0 : i32
      %dma_wait3A_180 = arith.constant 0 : i32
      %dma_wait3A_181 = tpu.memref_slice %arg2[%dma_wait3A_179, %add3A, %dma_wait3A_180] : memref<200x32x128xi32, #tpu.memory_space<hbm>> -> memref<200x1x128xi32, #tpu.memory_space<hbm>>
      %dma_wait3A_182 = tpu.memref_squeeze %dma_wait3A_181 : memref<200x1x128xi32, #tpu.memory_space<hbm>> -> memref<200x128xi32, #tpu.memory_space<hbm>>
      tpu.wait_dma2 semaphore(%run_scoped3A : memref<!tpu.dma_semaphore, #tpu.memory_space<semaphore_mem>>) src(%dma_wait3A_182 : memref<200x128xi32, #tpu.memory_space<hbm>>) dst(%arg6 : memref<200x128xi32, #tpu.memory_space<vmem>>)
      tpu.yield
    }) : () -> ()
    "tpu.region"() ({
      %run_scoped3A = tpu.sem_alloc : memref<!tpu.dma_semaphore, #tpu.memory_space<semaphore_mem>>
      %dma_start3A_167 = arith.constant 0 : i32
      %dma_start3A_168 = arith.constant 0 : i32
      %dma_start3A_169 = tpu.memref_slice %arg3[%dma_start3A_167, %add3A, %dma_start3A_168] : memref<200x32x128xi32, #tpu.memory_space<hbm>> -> memref<200x1x128xi32, #tpu.memory_space<hbm>>
      %dma_start3A_170 = tpu.memref_squeeze %dma_start3A_169 : memref<200x1x128xi32, #tpu.memory_space<hbm>> -> memref<200x128xi32, #tpu.memory_space<hbm>>
      %dma_start3A_171 = arith.constant 0 : i32
      %dma_start3A_172 = arith.constant 0 : i32
      %dma_start3A_173 = tpu.memref_slice %arg3[%dma_start3A_171, %add3A, %dma_start3A_172] : memref<200x32x128xi32, #tpu.memory_space<hbm>> -> memref<200x1x128xi32, #tpu.memory_space<hbm>>
      %dma_start3A_174 = tpu.memref_squeeze %dma_start3A_173 : memref<200x1x128xi32, #tpu.memory_space<hbm>> -> memref<200x128xi32, #tpu.memory_space<hbm>>
      tpu.enqueue_dma source(%dma_start3A_174 : memref<200x128xi32, #tpu.memory_space<hbm>>) target(%arg7 : memref<200x128xi32, #tpu.memory_space<vmem>>) target_semaphore(%run_scoped3A : memref<!tpu.dma_semaphore, #tpu.memory_space<semaphore_mem>>)
      %dma_wait3A_175 = arith.constant 0 : i32
      %dma_wait3A_176 = arith.constant 0 : i32
      %dma_wait3A_177 = tpu.memref_slice %arg3[%dma_wait3A_175, %add3A, %dma_wait3A_176] : memref<200x32x128xi32, #tpu.memory_space<hbm>> -> memref<200x1x128xi32, #tpu.memory_space<hbm>>
      %dma_wait3A_178 = tpu.memref_squeeze %dma_wait3A_177 : memref<200x1x128xi32, #tpu.memory_space<hbm>> -> memref<200x128xi32, #tpu.memory_space<hbm>>
      %dma_wait3A_179 = arith.constant 0 : i32
      %dma_wait3A_180 = arith.constant 0 : i32
      %dma_wait3A_181 = tpu.memref_slice %arg3[%dma_wait3A_179, %add3A, %dma_wait3A_180] : memref<200x32x128xi32, #tpu.memory_space<hbm>> -> memref<200x1x128xi32, #tpu.memory_space<hbm>>
      %dma_wait3A_182 = tpu.memref_squeeze %dma_wait3A_181 : memref<200x1x128xi32, #tpu.memory_space<hbm>> -> memref<200x128xi32, #tpu.memory_space<hbm>>
      tpu.wait_dma2 semaphore(%run_scoped3A : memref<!tpu.dma_semaphore, #tpu.memory_space<semaphore_mem>>) src(%dma_wait3A_182 : memref<200x128xi32, #tpu.memory_space<hbm>>) dst(%arg7 : memref<200x128xi32, #tpu.memory_space<vmem>>)
      tpu.yield
    }) : () -> ()
    %iota3A = tpu.iota {dimensions = array<i32: 0>} : vector<16xi32>
    %add3A_1 = arith.constant 0 : i32
    %add3A_2 = vector.broadcast %add3A_1 : i32 to vector<16xi32>
    %add3A_3 = arith.addi %iota3A, %add3A_2 : vector<16xi32>
    %and3A = arith.constant 15 : i32
    %and3A_4 = vector.broadcast %and3A : i32 to vector<16xi32>
    %and3A_5 = arith.andi %add3A_3, %and3A_4 : vector<16xi32>
    %add3A_6 = arith.constant 1 : i32
    %add3A_7 = vector.broadcast %add3A_6 : i32 to vector<16xi32>
    %add3A_8 = arith.addi %iota3A, %add3A_7 : vector<16xi32>
    %and3A_9 = arith.constant 15 : i32
    %and3A_10 = vector.broadcast %and3A_9 : i32 to vector<16xi32>
    %and3A_11 = arith.andi %add3A_8, %and3A_10 : vector<16xi32>
    %add3A_12 = arith.constant 2 : i32
    %add3A_13 = vector.broadcast %add3A_12 : i32 to vector<16xi32>
    %add3A_14 = arith.addi %iota3A, %add3A_13 : vector<16xi32>
    %and3A_15 = arith.constant 15 : i32
    %and3A_16 = vector.broadcast %and3A_15 : i32 to vector<16xi32>
    %and3A_17 = arith.andi %add3A_14, %and3A_16 : vector<16xi32>
    %add3A_18 = arith.constant 3 : i32
    %add3A_19 = vector.broadcast %add3A_18 : i32 to vector<16xi32>
    %add3A_20 = arith.addi %iota3A, %add3A_19 : vector<16xi32>
    %and3A_21 = arith.constant 15 : i32
    %and3A_22 = vector.broadcast %and3A_21 : i32 to vector<16xi32>
    %and3A_23 = arith.andi %add3A_20, %and3A_22 : vector<16xi32>
    %add3A_24 = arith.constant 4 : i32
    %add3A_25 = vector.broadcast %add3A_24 : i32 to vector<16xi32>
    %add3A_26 = arith.addi %iota3A, %add3A_25 : vector<16xi32>
    %and3A_27 = arith.constant 15 : i32
    %and3A_28 = vector.broadcast %and3A_27 : i32 to vector<16xi32>
    %and3A_29 = arith.andi %add3A_26, %and3A_28 : vector<16xi32>
    %add3A_30 = arith.constant 5 : i32
    %add3A_31 = vector.broadcast %add3A_30 : i32 to vector<16xi32>
    %add3A_32 = arith.addi %iota3A, %add3A_31 : vector<16xi32>
    %and3A_33 = arith.constant 15 : i32
    %and3A_34 = vector.broadcast %and3A_33 : i32 to vector<16xi32>
    %and3A_35 = arith.andi %add3A_32, %and3A_34 : vector<16xi32>
    %add3A_36 = arith.constant 6 : i32
    %add3A_37 = vector.broadcast %add3A_36 : i32 to vector<16xi32>
    %add3A_38 = arith.addi %iota3A, %add3A_37 : vector<16xi32>
    %and3A_39 = arith.constant 15 : i32
    %and3A_40 = vector.broadcast %and3A_39 : i32 to vector<16xi32>
    %and3A_41 = arith.andi %add3A_38, %and3A_40 : vector<16xi32>
    %add3A_42 = arith.constant 7 : i32
    %add3A_43 = vector.broadcast %add3A_42 : i32 to vector<16xi32>
    %add3A_44 = arith.addi %iota3A, %add3A_43 : vector<16xi32>
    %and3A_45 = arith.constant 15 : i32
    %and3A_46 = vector.broadcast %and3A_45 : i32 to vector<16xi32>
    %and3A_47 = arith.andi %add3A_44, %and3A_46 : vector<16xi32>
    %add3A_48 = arith.constant 8 : i32
    %add3A_49 = vector.broadcast %add3A_48 : i32 to vector<16xi32>
    %add3A_50 = arith.addi %iota3A, %add3A_49 : vector<16xi32>
    %and3A_51 = arith.constant 15 : i32
    %and3A_52 = vector.broadcast %and3A_51 : i32 to vector<16xi32>
    %and3A_53 = arith.andi %add3A_50, %and3A_52 : vector<16xi32>
    %add3A_54 = arith.constant 9 : i32
    %add3A_55 = vector.broadcast %add3A_54 : i32 to vector<16xi32>
    %add3A_56 = arith.addi %iota3A, %add3A_55 : vector<16xi32>
    %and3A_57 = arith.constant 15 : i32
    %and3A_58 = vector.broadcast %and3A_57 : i32 to vector<16xi32>
    %and3A_59 = arith.andi %add3A_56, %and3A_58 : vector<16xi32>
    %add3A_60 = arith.constant 10 : i32
    %add3A_61 = vector.broadcast %add3A_60 : i32 to vector<16xi32>
    %add3A_62 = arith.addi %iota3A, %add3A_61 : vector<16xi32>
    %and3A_63 = arith.constant 15 : i32
    %and3A_64 = vector.broadcast %and3A_63 : i32 to vector<16xi32>
    %and3A_65 = arith.andi %add3A_62, %and3A_64 : vector<16xi32>
    %add3A_66 = arith.constant 11 : i32
    %add3A_67 = vector.broadcast %add3A_66 : i32 to vector<16xi32>
    %add3A_68 = arith.addi %iota3A, %add3A_67 : vector<16xi32>
    %and3A_69 = arith.constant 15 : i32
    %and3A_70 = vector.broadcast %and3A_69 : i32 to vector<16xi32>
    %and3A_71 = arith.andi %add3A_68, %and3A_70 : vector<16xi32>
    %add3A_72 = arith.constant 12 : i32
    %add3A_73 = vector.broadcast %add3A_72 : i32 to vector<16xi32>
    %add3A_74 = arith.addi %iota3A, %add3A_73 : vector<16xi32>
    %and3A_75 = arith.constant 15 : i32
    %and3A_76 = vector.broadcast %and3A_75 : i32 to vector<16xi32>
    %and3A_77 = arith.andi %add3A_74, %and3A_76 : vector<16xi32>
    %add3A_78 = arith.constant 13 : i32
    %add3A_79 = vector.broadcast %add3A_78 : i32 to vector<16xi32>
    %add3A_80 = arith.addi %iota3A, %add3A_79 : vector<16xi32>
    %and3A_81 = arith.constant 15 : i32
    %and3A_82 = vector.broadcast %and3A_81 : i32 to vector<16xi32>
    %and3A_83 = arith.andi %add3A_80, %and3A_82 : vector<16xi32>
    %add3A_84 = arith.constant 14 : i32
    %add3A_85 = vector.broadcast %add3A_84 : i32 to vector<16xi32>
    %add3A_86 = arith.addi %iota3A, %add3A_85 : vector<16xi32>
    %and3A_87 = arith.constant 15 : i32
    %and3A_88 = vector.broadcast %and3A_87 : i32 to vector<16xi32>
    %and3A_89 = arith.andi %add3A_86, %and3A_88 : vector<16xi32>
    %add3A_90 = arith.constant 15 : i32
    %add3A_91 = vector.broadcast %add3A_90 : i32 to vector<16xi32>
    %add3A_92 = arith.addi %iota3A, %add3A_91 : vector<16xi32>
    %and3A_93 = arith.constant 15 : i32
    %and3A_94 = vector.broadcast %and3A_93 : i32 to vector<16xi32>
    %and3A_95 = arith.andi %add3A_92, %and3A_94 : vector<16xi32>
    %dma_start3A = arith.constant 0 : i32
    %dma_start3A_96 = arith.constant 0 : i32
    %dma_start3A_97 = arith.constant 0 : i32
    %dma_start3A_98 = arith.constant 0 : i32
    %dma_start3A_99 = tpu.memref_slice %arg8[%dma_start3A_96, %dma_start3A_97, %dma_start3A_98] : memref<2x128x128xf32, #tpu.memory_space<vmem>> -> memref<1x128x128xf32, #tpu.memory_space<vmem>>
    %dma_start3A_100 = tpu.memref_squeeze %dma_start3A_99 : memref<1x128x128xf32, #tpu.memory_space<vmem>> -> memref<128x128xf32, #tpu.memory_space<vmem>>
    %dma_start3A_101 = arith.constant 0 : i32
    %dma_start3A_102 = tpu.memref_slice %arg6[%dma_start3A, %dma_start3A_101] : memref<200x128xi32, #tpu.memory_space<vmem>> -> memref<1x128xi32, #tpu.memory_space<vmem>>
    %dma_start3A_103 = tpu.memref_squeeze %dma_start3A_102 : memref<1x128xi32, #tpu.memory_space<vmem>> -> memref<128xi32, #tpu.memory_space<vmem>>
    %dma_start3A_104 = arith.constant 0 : i32
    %dma_start3A_105 = arith.constant 0 : i32
    %dma_start3A_106 = tpu.memref_slice %arg4[%dma_start3A_104, %dma_start3A_105] : memref<524288x128xf32, #tpu.memory_space<hbm>> -> memref<524288x128xf32, #tpu.memory_space<hbm>>
    tpu.enqueue_indirect_dma source(%dma_start3A_106 : memref<524288x128xf32, #tpu.memory_space<hbm>>) target(%dma_start3A_100 : memref<128x128xf32, #tpu.memory_space<vmem>>) offsets(%dma_start3A_103 : memref<128xi32, #tpu.memory_space<vmem>>) semaphore(%arg10 : memref<!tpu.dma_semaphore, #tpu.memory_space<semaphore_mem>>)
    %dma_start3A_107 = arith.constant 1 : i32
    %dma_start3A_108 = arith.constant 1 : i32
    %dma_start3A_109 = arith.constant 0 : i32
    %dma_start3A_110 = arith.constant 0 : i32
    %dma_start3A_111 = tpu.memref_slice %arg8[%dma_start3A_108, %dma_start3A_109, %dma_start3A_110] : memref<2x128x128xf32, #tpu.memory_space<vmem>> -> memref<1x128x128xf32, #tpu.memory_space<vmem>>
    %dma_start3A_112 = tpu.memref_squeeze %dma_start3A_111 : memref<1x128x128xf32, #tpu.memory_space<vmem>> -> memref<128x128xf32, #tpu.memory_space<vmem>>
    %dma_start3A_113 = arith.constant 0 : i32
    %dma_start3A_114 = tpu.memref_slice %arg6[%dma_start3A_107, %dma_start3A_113] : memref<200x128xi32, #tpu.memory_space<vmem>> -> memref<1x128xi32, #tpu.memory_space<vmem>>
    %dma_start3A_115 = tpu.memref_squeeze %dma_start3A_114 : memref<1x128xi32, #tpu.memory_space<vmem>> -> memref<128xi32, #tpu.memory_space<vmem>>
    %dma_start3A_116 = arith.constant 0 : i32
    %dma_start3A_117 = arith.constant 0 : i32
    %dma_start3A_118 = tpu.memref_slice %arg4[%dma_start3A_116, %dma_start3A_117] : memref<524288x128xf32, #tpu.memory_space<hbm>> -> memref<524288x128xf32, #tpu.memory_space<hbm>>
    tpu.enqueue_indirect_dma source(%dma_start3A_118 : memref<524288x128xf32, #tpu.memory_space<hbm>>) target(%dma_start3A_112 : memref<128x128xf32, #tpu.memory_space<vmem>>) offsets(%dma_start3A_115 : memref<128xi32, #tpu.memory_space<vmem>>) semaphore(%arg11 : memref<!tpu.dma_semaphore, #tpu.memory_space<semaphore_mem>>)
    %scan3A = arith.constant 0 : i32
    %scan3A_119 = arith.constant 0 : i32
    %scan3A_120 = arith.constant 100 : i32
    %scan3A_121 = arith.addi %scan3A_119, %scan3A_120 : i32
    %scan3A_122 = arith.constant 1 : i32
    scf.for %scan3A_167 = %scan3A_119 to %scan3A_121 step %scan3A_122  : i32 {
      %mul3A_168 = arith.constant 2 : i32
      %mul3A_169 = arith.muli %mul3A_168, %scan3A_167 : i32
      %add3A_170 = arith.constant 0 : i32
      %add3A_171 = arith.addi %mul3A_169, %add3A_170 : i32
      %dma_wait3A_172 = arith.constant 0 : i32
      %dma_wait3A_173 = arith.constant 0 : i32
      %dma_wait3A_174 = arith.constant 0 : i32
      %dma_wait3A_175 = tpu.memref_slice %arg8[%dma_wait3A_172, %dma_wait3A_173, %dma_wait3A_174] : memref<2x128x128xf32, #tpu.memory_space<vmem>> -> memref<1x128x128xf32, #tpu.memory_space<vmem>>
      %dma_wait3A_176 = tpu.memref_squeeze %dma_wait3A_175 : memref<1x128x128xf32, #tpu.memory_space<vmem>> -> memref<128x128xf32, #tpu.memory_space<vmem>>
      %dma_wait3A_177 = arith.constant 0 : i32
      %dma_wait3A_178 = tpu.memref_slice %arg6[%add3A_171, %dma_wait3A_177] : memref<200x128xi32, #tpu.memory_space<vmem>> -> memref<1x128xi32, #tpu.memory_space<vmem>>
      %dma_wait3A_179 = tpu.memref_squeeze %dma_wait3A_178 : memref<1x128xi32, #tpu.memory_space<vmem>> -> memref<128xi32, #tpu.memory_space<vmem>>
      %dma_wait3A_180 = arith.constant 0 : i32
      %dma_wait3A_181 = arith.constant 0 : i32
      %dma_wait3A_182 = tpu.memref_slice %arg4[%dma_wait3A_180, %dma_wait3A_181] : memref<524288x128xf32, #tpu.memory_space<hbm>> -> memref<524288x128xf32, #tpu.memory_space<hbm>>
      tpu.wait_indirect_dma semaphore(%arg10 : memref<!tpu.dma_semaphore, #tpu.memory_space<semaphore_mem>>) src(%dma_wait3A_182 : memref<524288x128xf32, #tpu.memory_space<hbm>>) dst(%dma_wait3A_176 : memref<128x128xf32, #tpu.memory_space<vmem>>)
      %ge3A = arith.constant 1 : i32
      %ge3A_183 = arith.cmpi sge, %scan3A_167, %ge3A : i32
      %convert_element_type3A = arith.extui %ge3A_183 : i1 to i32
      %cond3A = arith.constant 0 : i32
      %cond3A_184 = arith.cmpi ne, %convert_element_type3A, %cond3A : i32
      scf.if %cond3A_184 {
        %sub3A = arith.constant 2 : i32
        %sub3A_268 = arith.subi %add3A_171, %sub3A : i32
        %dma_wait3A_269 = arith.constant 0 : i32
        %dma_wait3A_270 = arith.constant 0 : i32
        %dma_wait3A_271 = arith.constant 0 : i32
        %dma_wait3A_272 = arith.constant 0 : i32
        %dma_wait3A_273 = tpu.memref_slice %arg9[%dma_wait3A_269, %dma_wait3A_270, %dma_wait3A_271, %dma_wait3A_272] : memref<2x8x8x128xf32, #tpu.memory_space<vmem>> -> memref<1x8x8x128xf32, #tpu.memory_space<vmem>>
        %dma_wait3A_274 = tpu.memref_squeeze %dma_wait3A_273 : memref<1x8x8x128xf32, #tpu.memory_space<vmem>> -> memref<8x8x128xf32, #tpu.memory_space<vmem>>
        %dma_wait3A_275 = arith.constant 0 : i32
        %dma_wait3A_276 = arith.constant 0 : i32
        %dma_wait3A_277 = arith.constant 0 : i32
        %dma_wait3A_278 = tpu.memref_slice %arg5[%sub3A_268, %dma_wait3A_275, %add3A, %dma_wait3A_276, %dma_wait3A_277] : memref<200x8x32x8x128xf32, #tpu.memory_space<hbm>> -> memref<1x8x1x8x128xf32, #tpu.memory_space<hbm>>
        %dma_wait3A_279 = tpu.memref_squeeze %dma_wait3A_278 : memref<1x8x1x8x128xf32, #tpu.memory_space<hbm>> -> memref<8x8x128xf32, #tpu.memory_space<hbm>>
        %dma_wait3A_280 = arith.constant 0 : i32
        %dma_wait3A_281 = arith.constant 0 : i32
        %dma_wait3A_282 = arith.constant 0 : i32
        %dma_wait3A_283 = tpu.memref_slice %arg5[%sub3A_268, %dma_wait3A_280, %add3A, %dma_wait3A_281, %dma_wait3A_282] : memref<200x8x32x8x128xf32, #tpu.memory_space<hbm>> -> memref<1x8x1x8x128xf32, #tpu.memory_space<hbm>>
        %dma_wait3A_284 = tpu.memref_squeeze %dma_wait3A_283 : memref<1x8x1x8x128xf32, #tpu.memory_space<hbm>> -> memref<8x8x128xf32, #tpu.memory_space<hbm>>
        %dma_wait3A_285 = arith.constant 0 : i32
        %dma_wait3A_286 = arith.constant 0 : i32
        %dma_wait3A_287 = arith.constant 0 : i32
        %dma_wait3A_288 = tpu.memref_slice %arg9[%dma_wait3A_269, %dma_wait3A_285, %dma_wait3A_286, %dma_wait3A_287] : memref<2x8x8x128xf32, #tpu.memory_space<vmem>> -> memref<1x8x8x128xf32, #tpu.memory_space<vmem>>
        %dma_wait3A_289 = tpu.memref_squeeze %dma_wait3A_288 : memref<1x8x8x128xf32, #tpu.memory_space<vmem>> -> memref<8x8x128xf32, #tpu.memory_space<vmem>>
        tpu.wait_dma2 semaphore(%arg12 : memref<!tpu.dma_semaphore, #tpu.memory_space<semaphore_mem>>) src(%dma_wait3A_289 : memref<8x8x128xf32, #tpu.memory_space<vmem>>) dst(%dma_wait3A_284 : memref<8x8x128xf32, #tpu.memory_space<hbm>>)
      } else {
      }
      %scan3A_185 = arith.constant 0 : i32
      %scan3A_186 = arith.constant 0 : i32
      %scan3A_187 = arith.constant 8 : i32
      %scan3A_188 = arith.addi %scan3A_186, %scan3A_187 : i32
      %scan3A_189 = arith.constant 1 : i32
      scf.for %scan3A_268 = %scan3A_186 to %scan3A_188 step %scan3A_189  : i32 {
        %mul3A_269 = arith.constant 16 : i32
        %mul3A_270 = arith.muli %scan3A_268, %mul3A_269 : i32
        %add3A_271 = vector.broadcast %mul3A_270 : i32 to vector<16xi32>
        %add3A_272 = arith.addi %add3A_271, %iota3A : vector<16xi32>
        %mul3A_273 = arith.constant 16 : i32
        %mul3A_274 = arith.muli %scan3A_268, %mul3A_273 : i32
        %get3A = arith.index_cast %add3A_171 : i32 to index
        %get3A_275 = arith.index_cast %mul3A_274 : i32 to index
        %get3A_276 = tpu.vector_load %arg7[%get3A, %get3A_275] {strides = array<i32>} : memref<200x128xi32, #tpu.memory_space<vmem>>, vector<16xi32>,
        %add3A_277 = arith.constant 0 : i32
        %add3A_278 = vector.broadcast %add3A_277 : i32 to vector<16xi32>
        %add3A_279 = arith.addi %add3A_278, %get3A_276 : vector<16xi32>
        %add3A_280 = arith.addi %add3A_279, %and3A_5 : vector<16xi32>
        %gather3A = arith.constant 0 : i32
        %gather3A_281 = arith.constant 0 : i32
        %gather3A_282 = arith.constant 0 : i32
        %gather3A_283 = tpu.memref_slice %arg8[%gather3A, %gather3A_281, %gather3A_282] : memref<2x128x128xf32, #tpu.memory_space<vmem>> -> memref<1x128x128xf32, #tpu.memory_space<vmem>>
        %gather3A_284 = tpu.memref_squeeze %gather3A_283 : memref<1x128x128xf32, #tpu.memory_space<vmem>> -> memref<128x128xf32, #tpu.memory_space<vmem>>
        %gather3A_285 = tpu.vector_load_idx %gather3A_284[%add3A_272, %add3A_280] : memref<128x128xf32, #tpu.memory_space<vmem>>[vector<16xi32>, vector<16xi32>], vector<16xf32>,
        %shift_right_arithmetic3A = arith.constant 3 : i32
        %shift_right_arithmetic3A_286 = vector.broadcast %shift_right_arithmetic3A : i32 to vector<16xi32>
        %shift_right_arithmetic3A_287 = arith.shrsi %and3A_5, %shift_right_arithmetic3A_286 : vector<16xi32>
        %add3A_288 = arith.constant 0 : i32
        %add3A_289 = vector.broadcast %add3A_288 : i32 to vector<16xi32>
        %add3A_290 = arith.addi %add3A_289, %shift_right_arithmetic3A_287 : vector<16xi32>
        %and3A_291 = arith.constant 7 : i32
        %and3A_292 = vector.broadcast %and3A_291 : i32 to vector<16xi32>
        %and3A_293 = arith.andi %and3A_5, %and3A_292 : vector<16xi32>
        %scatter3A = arith.constant 0 : i32
        %scatter3A_294 = arith.constant 0 : i32
        %scatter3A_295 = arith.constant 0 : i32
        %scatter3A_296 = arith.constant 0 : i32
        %scatter3A_297 = tpu.memref_slice %arg9[%scatter3A, %scatter3A_294, %scatter3A_295, %scatter3A_296] : memref<2x8x8x128xf32, #tpu.memory_space<vmem>> -> memref<1x8x8x128xf32, #tpu.memory_space<vmem>>
        %scatter3A_298 = tpu.memref_squeeze %scatter3A_297 : memref<1x8x8x128xf32, #tpu.memory_space<vmem>> -> memref<8x8x128xf32, #tpu.memory_space<vmem>>
        tpu.vector_store_idx %scatter3A_298[%add3A_290, %and3A_293, %add3A_272], %gather3A_285 : memref<8x8x128xf32, #tpu.memory_space<vmem>>[vector<16xi32>, vector<16xi32>, vector<16xi32>], vector<16xf32>,
        %add3A_299 = arith.addi %add3A_279, %and3A_11 : vector<16xi32>
        %gather3A_300 = arith.constant 0 : i32
        %gather3A_301 = arith.constant 0 : i32
        %gather3A_302 = arith.constant 0 : i32
        %gather3A_303 = tpu.memref_slice %arg8[%gather3A_300, %gather3A_301, %gather3A_302] : memref<2x128x128xf32, #tpu.memory_space<vmem>> -> memref<1x128x128xf32, #tpu.memory_space<vmem>>
        %gather3A_304 = tpu.memref_squeeze %gather3A_303 : memref<1x128x128xf32, #tpu.memory_space<vmem>> -> memref<128x128xf32, #tpu.memory_space<vmem>>
        %gather3A_305 = tpu.vector_load_idx %gather3A_304[%add3A_272, %add3A_299] : memref<128x128xf32, #tpu.memory_space<vmem>>[vector<16xi32>, vector<16xi32>], vector<16xf32>,
        %shift_right_arithmetic3A_306 = arith.constant 3 : i32
        %shift_right_arithmetic3A_307 = vector.broadcast %shift_right_arithmetic3A_306 : i32 to vector<16xi32>
        %shift_right_arithmetic3A_308 = arith.shrsi %and3A_11, %shift_right_arithmetic3A_307 : vector<16xi32>
        %add3A_309 = arith.constant 0 : i32
        %add3A_310 = vector.broadcast %add3A_309 : i32 to vector<16xi32>
        %add3A_311 = arith.addi %add3A_310, %shift_right_arithmetic3A_308 : vector<16xi32>
        %and3A_312 = arith.constant 7 : i32
        %and3A_313 = vector.broadcast %and3A_312 : i32 to vector<16xi32>
        %and3A_314 = arith.andi %and3A_11, %and3A_313 : vector<16xi32>
        %scatter3A_315 = arith.constant 0 : i32
        %scatter3A_316 = arith.constant 0 : i32
        %scatter3A_317 = arith.constant 0 : i32
        %scatter3A_318 = arith.constant 0 : i32
        %scatter3A_319 = tpu.memref_slice %arg9[%scatter3A_315, %scatter3A_316, %scatter3A_317, %scatter3A_318] : memref<2x8x8x128xf32, #tpu.memory_space<vmem>> -> memref<1x8x8x128xf32, #tpu.memory_space<vmem>>
        %scatter3A_320 = tpu.memref_squeeze %scatter3A_319 : memref<1x8x8x128xf32, #tpu.memory_space<vmem>> -> memref<8x8x128xf32, #tpu.memory_space<vmem>>
        tpu.vector_store_idx %scatter3A_320[%add3A_311, %and3A_314, %add3A_272], %gather3A_305 : memref<8x8x128xf32, #tpu.memory_space<vmem>>[vector<16xi32>, vector<16xi32>, vector<16xi32>], vector<16xf32>,
        %add3A_321 = arith.addi %add3A_279, %and3A_17 : vector<16xi32>
        %gather3A_322 = arith.constant 0 : i32
        %gather3A_323 = arith.constant 0 : i32
        %gather3A_324 = arith.constant 0 : i32
        %gather3A_325 = tpu.memref_slice %arg8[%gather3A_322, %gather3A_323, %gather3A_324] : memref<2x128x128xf32, #tpu.memory_space<vmem>> -> memref<1x128x128xf32, #tpu.memory_space<vmem>>
        %gather3A_326 = tpu.memref_squeeze %gather3A_325 : memref<1x128x128xf32, #tpu.memory_space<vmem>> -> memref<128x128xf32, #tpu.memory_space<vmem>>
        %gather3A_327 = tpu.vector_load_idx %gather3A_326[%add3A_272, %add3A_321] : memref<128x128xf32, #tpu.memory_space<vmem>>[vector<16xi32>, vector<16xi32>], vector<16xf32>,
        %shift_right_arithmetic3A_328 = arith.constant 3 : i32
        %shift_right_arithmetic3A_329 = vector.broadcast %shift_right_arithmetic3A_328 : i32 to vector<16xi32>
        %shift_right_arithmetic3A_330 = arith.shrsi %and3A_17, %shift_right_arithmetic3A_329 : vector<16xi32>
        %add3A_331 = arith.constant 0 : i32
        %add3A_332 = vector.broadcast %add3A_331 : i32 to vector<16xi32>
        %add3A_333 = arith.addi %add3A_332, %shift_right_arithmetic3A_330 : vector<16xi32>
        %and3A_334 = arith.constant 7 : i32
        %and3A_335 = vector.broadcast %and3A_334 : i32 to vector<16xi32>
        %and3A_336 = arith.andi %and3A_17, %and3A_335 : vector<16xi32>
        %scatter3A_337 = arith.constant 0 : i32
        %scatter3A_338 = arith.constant 0 : i32
        %scatter3A_339 = arith.constant 0 : i32
        %scatter3A_340 = arith.constant 0 : i32
        %scatter3A_341 = tpu.memref_slice %arg9[%scatter3A_337, %scatter3A_338, %scatter3A_339, %scatter3A_340] : memref<2x8x8x128xf32, #tpu.memory_space<vmem>> -> memref<1x8x8x128xf32, #tpu.memory_space<vmem>>
        %scatter3A_342 = tpu.memref_squeeze %scatter3A_341 : memref<1x8x8x128xf32, #tpu.memory_space<vmem>> -> memref<8x8x128xf32, #tpu.memory_space<vmem>>
        tpu.vector_store_idx %scatter3A_342[%add3A_333, %and3A_336, %add3A_272], %gather3A_327 : memref<8x8x128xf32, #tpu.memory_space<vmem>>[vector<16xi32>, vector<16xi32>, vector<16xi32>], vector<16xf32>,
        %add3A_343 = arith.addi %add3A_279, %and3A_23 : vector<16xi32>
        %gather3A_344 = arith.constant 0 : i32
        %gather3A_345 = arith.constant 0 : i32
        %gather3A_346 = arith.constant 0 : i32
        %gather3A_347 = tpu.memref_slice %arg8[%gather3A_344, %gather3A_345, %gather3A_346] : memref<2x128x128xf32, #tpu.memory_space<vmem>> -> memref<1x128x128xf32, #tpu.memory_space<vmem>>
        %gather3A_348 = tpu.memref_squeeze %gather3A_347 : memref<1x128x128xf32, #tpu.memory_space<vmem>> -> memref<128x128xf32, #tpu.memory_space<vmem>>
        %gather3A_349 = tpu.vector_load_idx %gather3A_348[%add3A_272, %add3A_343] : memref<128x128xf32, #tpu.memory_space<vmem>>[vector<16xi32>, vector<16xi32>], vector<16xf32>,
        %shift_right_arithmetic3A_350 = arith.constant 3 : i32
        %shift_right_arithmetic3A_351 = vector.broadcast %shift_right_arithmetic3A_350 : i32 to vector<16xi32>
        %shift_right_arithmetic3A_352 = arith.shrsi %and3A_23, %shift_right_arithmetic3A_351 : vector<16xi32>
        %add3A_353 = arith.constant 0 : i32
        %add3A_354 = vector.broadcast %add3A_353 : i32 to vector<16xi32>
        %add3A_355 = arith.addi %add3A_354, %shift_right_arithmetic3A_352 : vector<16xi32>
        %and3A_356 = arith.constant 7 : i32
        %and3A_357 = vector.broadcast %and3A_356 : i32 to vector<16xi32>
        %and3A_358 = arith.andi %and3A_23, %and3A_357 : vector<16xi32>
        %scatter3A_359 = arith.constant 0 : i32
        %scatter3A_360 = arith.constant 0 : i32
        %scatter3A_361 = arith.constant 0 : i32
        %scatter3A_362 = arith.constant 0 : i32
        %scatter3A_363 = tpu.memref_slice %arg9[%scatter3A_359, %scatter3A_360, %scatter3A_361, %scatter3A_362] : memref<2x8x8x128xf32, #tpu.memory_space<vmem>> -> memref<1x8x8x128xf32, #tpu.memory_space<vmem>>
        %scatter3A_364 = tpu.memref_squeeze %scatter3A_363 : memref<1x8x8x128xf32, #tpu.memory_space<vmem>> -> memref<8x8x128xf32, #tpu.memory_space<vmem>>
        tpu.vector_store_idx %scatter3A_364[%add3A_355, %and3A_358, %add3A_272], %gather3A_349 : memref<8x8x128xf32, #tpu.memory_space<vmem>>[vector<16xi32>, vector<16xi32>, vector<16xi32>], vector<16xf32>,
        %add3A_365 = arith.addi %add3A_279, %and3A_29 : vector<16xi32>
        %gather3A_366 = arith.constant 0 : i32
        %gather3A_367 = arith.constant 0 : i32
        %gather3A_368 = arith.constant 0 : i32
        %gather3A_369 = tpu.memref_slice %arg8[%gather3A_366, %gather3A_367, %gather3A_368] : memref<2x128x128xf32, #tpu.memory_space<vmem>> -> memref<1x128x128xf32, #tpu.memory_space<vmem>>
        %gather3A_370 = tpu.memref_squeeze %gather3A_369 : memref<1x128x128xf32, #tpu.memory_space<vmem>> -> memref<128x128xf32, #tpu.memory_space<vmem>>
        %gather3A_371 = tpu.vector_load_idx %gather3A_370[%add3A_272, %add3A_365] : memref<128x128xf32, #tpu.memory_space<vmem>>[vector<16xi32>, vector<16xi32>], vector<16xf32>,
        %shift_right_arithmetic3A_372 = arith.constant 3 : i32
        %shift_right_arithmetic3A_373 = vector.broadcast %shift_right_arithmetic3A_372 : i32 to vector<16xi32>
        %shift_right_arithmetic3A_374 = arith.shrsi %and3A_29, %shift_right_arithmetic3A_373 : vector<16xi32>
        %add3A_375 = arith.constant 0 : i32
        %add3A_376 = vector.broadcast %add3A_375 : i32 to vector<16xi32>
        %add3A_377 = arith.addi %add3A_376, %shift_right_arithmetic3A_374 : vector<16xi32>
        %and3A_378 = arith.constant 7 : i32
        %and3A_379 = vector.broadcast %and3A_378 : i32 to vector<16xi32>
        %and3A_380 = arith.andi %and3A_29, %and3A_379 : vector<16xi32>
        %scatter3A_381 = arith.constant 0 : i32
        %scatter3A_382 = arith.constant 0 : i32
        %scatter3A_383 = arith.constant 0 : i32
        %scatter3A_384 = arith.constant 0 : i32
        %scatter3A_385 = tpu.memref_slice %arg9[%scatter3A_381, %scatter3A_382, %scatter3A_383, %scatter3A_384] : memref<2x8x8x128xf32, #tpu.memory_space<vmem>> -> memref<1x8x8x128xf32, #tpu.memory_space<vmem>>
        %scatter3A_386 = tpu.memref_squeeze %scatter3A_385 : memref<1x8x8x128xf32, #tpu.memory_space<vmem>> -> memref<8x8x128xf32, #tpu.memory_space<vmem>>
        tpu.vector_store_idx %scatter3A_386[%add3A_377, %and3A_380, %add3A_272], %gather3A_371 : memref<8x8x128xf32, #tpu.memory_space<vmem>>[vector<16xi32>, vector<16xi32>, vector<16xi32>], vector<16xf32>,
        %add3A_387 = arith.addi %add3A_279, %and3A_35 : vector<16xi32>
        %gather3A_388 = arith.constant 0 : i32
        %gather3A_389 = arith.constant 0 : i32
        %gather3A_390 = arith.constant 0 : i32
        %gather3A_391 = tpu.memref_slice %arg8[%gather3A_388, %gather3A_389, %gather3A_390] : memref<2x128x128xf32, #tpu.memory_space<vmem>> -> memref<1x128x128xf32, #tpu.memory_space<vmem>>
        %gather3A_392 = tpu.memref_squeeze %gather3A_391 : memref<1x128x128xf32, #tpu.memory_space<vmem>> -> memref<128x128xf32, #tpu.memory_space<vmem>>
        %gather3A_393 = tpu.vector_load_idx %gather3A_392[%add3A_272, %add3A_387] : memref<128x128xf32, #tpu.memory_space<vmem>>[vector<16xi32>, vector<16xi32>], vector<16xf32>,
        %shift_right_arithmetic3A_394 = arith.constant 3 : i32
        %shift_right_arithmetic3A_395 = vector.broadcast %shift_right_arithmetic3A_394 : i32 to vector<16xi32>
        %shift_right_arithmetic3A_396 = arith.shrsi %and3A_35, %shift_right_arithmetic3A_395 : vector<16xi32>
        %add3A_397 = arith.constant 0 : i32
        %add3A_398 = vector.broadcast %add3A_397 : i32 to vector<16xi32>
        %add3A_399 = arith.addi %add3A_398, %shift_right_arithmetic3A_396 : vector<16xi32>
        %and3A_400 = arith.constant 7 : i32
        %and3A_401 = vector.broadcast %and3A_400 : i32 to vector<16xi32>
        %and3A_402 = arith.andi %and3A_35, %and3A_401 : vector<16xi32>
        %scatter3A_403 = arith.constant 0 : i32
        %scatter3A_404 = arith.constant 0 : i32
        %scatter3A_405 = arith.constant 0 : i32
        %scatter3A_406 = arith.constant 0 : i32
        %scatter3A_407 = tpu.memref_slice %arg9[%scatter3A_403, %scatter3A_404, %scatter3A_405, %scatter3A_406] : memref<2x8x8x128xf32, #tpu.memory_space<vmem>> -> memref<1x8x8x128xf32, #tpu.memory_space<vmem>>
        %scatter3A_408 = tpu.memref_squeeze %scatter3A_407 : memref<1x8x8x128xf32, #tpu.memory_space<vmem>> -> memref<8x8x128xf32, #tpu.memory_space<vmem>>
        tpu.vector_store_idx %scatter3A_408[%add3A_399, %and3A_402, %add3A_272], %gather3A_393 : memref<8x8x128xf32, #tpu.memory_space<vmem>>[vector<16xi32>, vector<16xi32>, vector<16xi32>], vector<16xf32>,
        %add3A_409 = arith.addi %add3A_279, %and3A_41 : vector<16xi32>
        %gather3A_410 = arith.constant 0 : i32
        %gather3A_411 = arith.constant 0 : i32
        %gather3A_412 = arith.constant 0 : i32
        %gather3A_413 = tpu.memref_slice %arg8[%gather3A_410, %gather3A_411, %gather3A_412] : memref<2x128x128xf32, #tpu.memory_space<vmem>> -> memref<1x128x128xf32, #tpu.memory_space<vmem>>
        %gather3A_414 = tpu.memref_squeeze %gather3A_413 : memref<1x128x128xf32, #tpu.memory_space<vmem>> -> memref<128x128xf32, #tpu.memory_space<vmem>>
        %gather3A_415 = tpu.vector_load_idx %gather3A_414[%add3A_272, %add3A_409] : memref<128x128xf32, #tpu.memory_space<vmem>>[vector<16xi32>, vector<16xi32>], vector<16xf32>,
        %shift_right_arithmetic3A_416 = arith.constant 3 : i32
        %shift_right_arithmetic3A_417 = vector.broadcast %shift_right_arithmetic3A_416 : i32 to vector<16xi32>
        %shift_right_arithmetic3A_418 = arith.shrsi %and3A_41, %shift_right_arithmetic3A_417 : vector<16xi32>
        %add3A_419 = arith.constant 0 : i32
        %add3A_420 = vector.broadcast %add3A_419 : i32 to vector<16xi32>
        %add3A_421 = arith.addi %add3A_420, %shift_right_arithmetic3A_418 : vector<16xi32>
        %and3A_422 = arith.constant 7 : i32
        %and3A_423 = vector.broadcast %and3A_422 : i32 to vector<16xi32>
        %and3A_424 = arith.andi %and3A_41, %and3A_423 : vector<16xi32>
        %scatter3A_425 = arith.constant 0 : i32
        %scatter3A_426 = arith.constant 0 : i32
        %scatter3A_427 = arith.constant 0 : i32
        %scatter3A_428 = arith.constant 0 : i32
        %scatter3A_429 = tpu.memref_slice %arg9[%scatter3A_425, %scatter3A_426, %scatter3A_427, %scatter3A_428] : memref<2x8x8x128xf32, #tpu.memory_space<vmem>> -> memref<1x8x8x128xf32, #tpu.memory_space<vmem>>
        %scatter3A_430 = tpu.memref_squeeze %scatter3A_429 : memref<1x8x8x128xf32, #tpu.memory_space<vmem>> -> memref<8x8x128xf32, #tpu.memory_space<vmem>>
        tpu.vector_store_idx %scatter3A_430[%add3A_421, %and3A_424, %add3A_272], %gather3A_415 : memref<8x8x128xf32, #tpu.memory_space<vmem>>[vector<16xi32>, vector<16xi32>, vector<16xi32>], vector<16xf32>,
        %add3A_431 = arith.addi %add3A_279, %and3A_47 : vector<16xi32>
        %gather3A_432 = arith.constant 0 : i32
        %gather3A_433 = arith.constant 0 : i32
        %gather3A_434 = arith.constant 0 : i32
        %gather3A_435 = tpu.memref_slice %arg8[%gather3A_432, %gather3A_433, %gather3A_434] : memref<2x128x128xf32, #tpu.memory_space<vmem>> -> memref<1x128x128xf32, #tpu.memory_space<vmem>>
        %gather3A_436 = tpu.memref_squeeze %gather3A_435 : memref<1x128x128xf32, #tpu.memory_space<vmem>> -> memref<128x128xf32, #tpu.memory_space<vmem>>
        %gather3A_437 = tpu.vector_load_idx %gather3A_436[%add3A_272, %add3A_431] : memref<128x128xf32, #tpu.memory_space<vmem>>[vector<16xi32>, vector<16xi32>], vector<16xf32>,
        %shift_right_arithmetic3A_438 = arith.constant 3 : i32
        %shift_right_arithmetic3A_439 = vector.broadcast %shift_right_arithmetic3A_438 : i32 to vector<16xi32>
        %shift_right_arithmetic3A_440 = arith.shrsi %and3A_47, %shift_right_arithmetic3A_439 : vector<16xi32>
        %add3A_441 = arith.constant 0 : i32
        %add3A_442 = vector.broadcast %add3A_441 : i32 to vector<16xi32>
        %add3A_443 = arith.addi %add3A_442, %shift_right_arithmetic3A_440 : vector<16xi32>
        %and3A_444 = arith.constant 7 : i32
        %and3A_445 = vector.broadcast %and3A_444 : i32 to vector<16xi32>
        %and3A_446 = arith.andi %and3A_47, %and3A_445 : vector<16xi32>
        %scatter3A_447 = arith.constant 0 : i32
        %scatter3A_448 = arith.constant 0 : i32
        %scatter3A_449 = arith.constant 0 : i32
        %scatter3A_450 = arith.constant 0 : i32
        %scatter3A_451 = tpu.memref_slice %arg9[%scatter3A_447, %scatter3A_448, %scatter3A_449, %scatter3A_450] : memref<2x8x8x128xf32, #tpu.memory_space<vmem>> -> memref<1x8x8x128xf32, #tpu.memory_space<vmem>>
        %scatter3A_452 = tpu.memref_squeeze %scatter3A_451 : memref<1x8x8x128xf32, #tpu.memory_space<vmem>> -> memref<8x8x128xf32, #tpu.memory_space<vmem>>
        tpu.vector_store_idx %scatter3A_452[%add3A_443, %and3A_446, %add3A_272], %gather3A_437 : memref<8x8x128xf32, #tpu.memory_space<vmem>>[vector<16xi32>, vector<16xi32>, vector<16xi32>], vector<16xf32>,
        %add3A_453 = arith.addi %add3A_279, %and3A_53 : vector<16xi32>
        %gather3A_454 = arith.constant 0 : i32
        %gather3A_455 = arith.constant 0 : i32
        %gather3A_456 = arith.constant 0 : i32
        %gather3A_457 = tpu.memref_slice %arg8[%gather3A_454, %gather3A_455, %gather3A_456] : memref<2x128x128xf32, #tpu.memory_space<vmem>> -> memref<1x128x128xf32, #tpu.memory_space<vmem>>
        %gather3A_458 = tpu.memref_squeeze %gather3A_457 : memref<1x128x128xf32, #tpu.memory_space<vmem>> -> memref<128x128xf32, #tpu.memory_space<vmem>>
        %gather3A_459 = tpu.vector_load_idx %gather3A_458[%add3A_272, %add3A_453] : memref<128x128xf32, #tpu.memory_space<vmem>>[vector<16xi32>, vector<16xi32>], vector<16xf32>,
        %shift_right_arithmetic3A_460 = arith.constant 3 : i32
        %shift_right_arithmetic3A_461 = vector.broadcast %shift_right_arithmetic3A_460 : i32 to vector<16xi32>
        %shift_right_arithmetic3A_462 = arith.shrsi %and3A_53, %shift_right_arithmetic3A_461 : vector<16xi32>
        %add3A_463 = arith.constant 0 : i32
        %add3A_464 = vector.broadcast %add3A_463 : i32 to vector<16xi32>
        %add3A_465 = arith.addi %add3A_464, %shift_right_arithmetic3A_462 : vector<16xi32>
        %and3A_466 = arith.constant 7 : i32
        %and3A_467 = vector.broadcast %and3A_466 : i32 to vector<16xi32>
        %and3A_468 = arith.andi %and3A_53, %and3A_467 : vector<16xi32>
        %scatter3A_469 = arith.constant 0 : i32
        %scatter3A_470 = arith.constant 0 : i32
        %scatter3A_471 = arith.constant 0 : i32
        %scatter3A_472 = arith.constant 0 : i32
        %scatter3A_473 = tpu.memref_slice %arg9[%scatter3A_469, %scatter3A_470, %scatter3A_471, %scatter3A_472] : memref<2x8x8x128xf32, #tpu.memory_space<vmem>> -> memref<1x8x8x128xf32, #tpu.memory_space<vmem>>
        %scatter3A_474 = tpu.memref_squeeze %scatter3A_473 : memref<1x8x8x128xf32, #tpu.memory_space<vmem>> -> memref<8x8x128xf32, #tpu.memory_space<vmem>>
        tpu.vector_store_idx %scatter3A_474[%add3A_465, %and3A_468, %add3A_272], %gather3A_459 : memref<8x8x128xf32, #tpu.memory_space<vmem>>[vector<16xi32>, vector<16xi32>, vector<16xi32>], vector<16xf32>,
        %add3A_475 = arith.addi %add3A_279, %and3A_59 : vector<16xi32>
        %gather3A_476 = arith.constant 0 : i32
        %gather3A_477 = arith.constant 0 : i32
        %gather3A_478 = arith.constant 0 : i32
        %gather3A_479 = tpu.memref_slice %arg8[%gather3A_476, %gather3A_477, %gather3A_478] : memref<2x128x128xf32, #tpu.memory_space<vmem>> -> memref<1x128x128xf32, #tpu.memory_space<vmem>>
        %gather3A_480 = tpu.memref_squeeze %gather3A_479 : memref<1x128x128xf32, #tpu.memory_space<vmem>> -> memref<128x128xf32, #tpu.memory_space<vmem>>
        %gather3A_481 = tpu.vector_load_idx %gather3A_480[%add3A_272, %add3A_475] : memref<128x128xf32, #tpu.memory_space<vmem>>[vector<16xi32>, vector<16xi32>], vector<16xf32>,
        %shift_right_arithmetic3A_482 = arith.constant 3 : i32
        %shift_right_arithmetic3A_483 = vector.broadcast %shift_right_arithmetic3A_482 : i32 to vector<16xi32>
        %shift_right_arithmetic3A_484 = arith.shrsi %and3A_59, %shift_right_arithmetic3A_483 : vector<16xi32>
        %add3A_485 = arith.constant 0 : i32
        %add3A_486 = vector.broadcast %add3A_485 : i32 to vector<16xi32>
        %add3A_487 = arith.addi %add3A_486, %shift_right_arithmetic3A_484 : vector<16xi32>
        %and3A_488 = arith.constant 7 : i32
        %and3A_489 = vector.broadcast %and3A_488 : i32 to vector<16xi32>
        %and3A_490 = arith.andi %and3A_59, %and3A_489 : vector<16xi32>
        %scatter3A_491 = arith.constant 0 : i32
        %scatter3A_492 = arith.constant 0 : i32
        %scatter3A_493 = arith.constant 0 : i32
        %scatter3A_494 = arith.constant 0 : i32
        %scatter3A_495 = tpu.memref_slice %arg9[%scatter3A_491, %scatter3A_492, %scatter3A_493, %scatter3A_494] : memref<2x8x8x128xf32, #tpu.memory_space<vmem>> -> memref<1x8x8x128xf32, #tpu.memory_space<vmem>>
        %scatter3A_496 = tpu.memref_squeeze %scatter3A_495 : memref<1x8x8x128xf32, #tpu.memory_space<vmem>> -> memref<8x8x128xf32, #tpu.memory_space<vmem>>
        tpu.vector_store_idx %scatter3A_496[%add3A_487, %and3A_490, %add3A_272], %gather3A_481 : memref<8x8x128xf32, #tpu.memory_space<vmem>>[vector<16xi32>, vector<16xi32>, vector<16xi32>], vector<16xf32>,
        %add3A_497 = arith.addi %add3A_279, %and3A_65 : vector<16xi32>
        %gather3A_498 = arith.constant 0 : i32
        %gather3A_499 = arith.constant 0 : i32
        %gather3A_500 = arith.constant 0 : i32
        %gather3A_501 = tpu.memref_slice %arg8[%gather3A_498, %gather3A_499, %gather3A_500] : memref<2x128x128xf32, #tpu.memory_space<vmem>> -> memref<1x128x128xf32, #tpu.memory_space<vmem>>
        %gather3A_502 = tpu.memref_squeeze %gather3A_501 : memref<1x128x128xf32, #tpu.memory_space<vmem>> -> memref<128x128xf32, #tpu.memory_space<vmem>>
        %gather3A_503 = tpu.vector_load_idx %gather3A_502[%add3A_272, %add3A_497] : memref<128x128xf32, #tpu.memory_space<vmem>>[vector<16xi32>, vector<16xi32>], vector<16xf32>,
        %shift_right_arithmetic3A_504 = arith.constant 3 : i32
        %shift_right_arithmetic3A_505 = vector.broadcast %shift_right_arithmetic3A_504 : i32 to vector<16xi32>
        %shift_right_arithmetic3A_506 = arith.shrsi %and3A_65, %shift_right_arithmetic3A_505 : vector<16xi32>
        %add3A_507 = arith.constant 0 : i32
        %add3A_508 = vector.broadcast %add3A_507 : i32 to vector<16xi32>
        %add3A_509 = arith.addi %add3A_508, %shift_right_arithmetic3A_506 : vector<16xi32>
        %and3A_510 = arith.constant 7 : i32
        %and3A_511 = vector.broadcast %and3A_510 : i32 to vector<16xi32>
        %and3A_512 = arith.andi %and3A_65, %and3A_511 : vector<16xi32>
        %scatter3A_513 = arith.constant 0 : i32
        %scatter3A_514 = arith.constant 0 : i32
        %scatter3A_515 = arith.constant 0 : i32
        %scatter3A_516 = arith.constant 0 : i32
        %scatter3A_517 = tpu.memref_slice %arg9[%scatter3A_513, %scatter3A_514, %scatter3A_515, %scatter3A_516] : memref<2x8x8x128xf32, #tpu.memory_space<vmem>> -> memref<1x8x8x128xf32, #tpu.memory_space<vmem>>
        %scatter3A_518 = tpu.memref_squeeze %scatter3A_517 : memref<1x8x8x128xf32, #tpu.memory_space<vmem>> -> memref<8x8x128xf32, #tpu.memory_space<vmem>>
        tpu.vector_store_idx %scatter3A_518[%add3A_509, %and3A_512, %add3A_272], %gather3A_503 : memref<8x8x128xf32, #tpu.memory_space<vmem>>[vector<16xi32>, vector<16xi32>, vector<16xi32>], vector<16xf32>,
        %add3A_519 = arith.addi %add3A_279, %and3A_71 : vector<16xi32>
        %gather3A_520 = arith.constant 0 : i32
        %gather3A_521 = arith.constant 0 : i32
        %gather3A_522 = arith.constant 0 : i32
        %gather3A_523 = tpu.memref_slice %arg8[%gather3A_520, %gather3A_521, %gather3A_522] : memref<2x128x128xf32, #tpu.memory_space<vmem>> -> memref<1x128x128xf32, #tpu.memory_space<vmem>>
        %gather3A_524 = tpu.memref_squeeze %gather3A_523 : memref<1x128x128xf32, #tpu.memory_space<vmem>> -> memref<128x128xf32, #tpu.memory_space<vmem>>
        %gather3A_525 = tpu.vector_load_idx %gather3A_524[%add3A_272, %add3A_519] : memref<128x128xf32, #tpu.memory_space<vmem>>[vector<16xi32>, vector<16xi32>], vector<16xf32>,
        %shift_right_arithmetic3A_526 = arith.constant 3 : i32
        %shift_right_arithmetic3A_527 = vector.broadcast %shift_right_arithmetic3A_526 : i32 to vector<16xi32>
        %shift_right_arithmetic3A_528 = arith.shrsi %and3A_71, %shift_right_arithmetic3A_527 : vector<16xi32>
        %add3A_529 = arith.constant 0 : i32
        %add3A_530 = vector.broadcast %add3A_529 : i32 to vector<16xi32>
        %add3A_531 = arith.addi %add3A_530, %shift_right_arithmetic3A_528 : vector<16xi32>
        %and3A_532 = arith.constant 7 : i32
        %and3A_533 = vector.broadcast %and3A_532 : i32 to vector<16xi32>
        %and3A_534 = arith.andi %and3A_71, %and3A_533 : vector<16xi32>
        %scatter3A_535 = arith.constant 0 : i32
        %scatter3A_536 = arith.constant 0 : i32
        %scatter3A_537 = arith.constant 0 : i32
        %scatter3A_538 = arith.constant 0 : i32
        %scatter3A_539 = tpu.memref_slice %arg9[%scatter3A_535, %scatter3A_536, %scatter3A_537, %scatter3A_538] : memref<2x8x8x128xf32, #tpu.memory_space<vmem>> -> memref<1x8x8x128xf32, #tpu.memory_space<vmem>>
        %scatter3A_540 = tpu.memref_squeeze %scatter3A_539 : memref<1x8x8x128xf32, #tpu.memory_space<vmem>> -> memref<8x8x128xf32, #tpu.memory_space<vmem>>
        tpu.vector_store_idx %scatter3A_540[%add3A_531, %and3A_534, %add3A_272], %gather3A_525 : memref<8x8x128xf32, #tpu.memory_space<vmem>>[vector<16xi32>, vector<16xi32>, vector<16xi32>], vector<16xf32>,
        %add3A_541 = arith.addi %add3A_279, %and3A_77 : vector<16xi32>
        %gather3A_542 = arith.constant 0 : i32
        %gather3A_543 = arith.constant 0 : i32
        %gather3A_544 = arith.constant 0 : i32
        %gather3A_545 = tpu.memref_slice %arg8[%gather3A_542, %gather3A_543, %gather3A_544] : memref<2x128x128xf32, #tpu.memory_space<vmem>> -> memref<1x128x128xf32, #tpu.memory_space<vmem>>
        %gather3A_546 = tpu.memref_squeeze %gather3A_545 : memref<1x128x128xf32, #tpu.memory_space<vmem>> -> memref<128x128xf32, #tpu.memory_space<vmem>>
        %gather3A_547 = tpu.vector_load_idx %gather3A_546[%add3A_272, %add3A_541] : memref<128x128xf32, #tpu.memory_space<vmem>>[vector<16xi32>, vector<16xi32>], vector<16xf32>,
        %shift_right_arithmetic3A_548 = arith.constant 3 : i32
        %shift_right_arithmetic3A_549 = vector.broadcast %shift_right_arithmetic3A_548 : i32 to vector<16xi32>
        %shift_right_arithmetic3A_550 = arith.shrsi %and3A_77, %shift_right_arithmetic3A_549 : vector<16xi32>
        %add3A_551 = arith.constant 0 : i32
        %add3A_552 = vector.broadcast %add3A_551 : i32 to vector<16xi32>
        %add3A_553 = arith.addi %add3A_552, %shift_right_arithmetic3A_550 : vector<16xi32>
        %and3A_554 = arith.constant 7 : i32
        %and3A_555 = vector.broadcast %and3A_554 : i32 to vector<16xi32>
        %and3A_556 = arith.andi %and3A_77, %and3A_555 : vector<16xi32>
        %scatter3A_557 = arith.constant 0 : i32
        %scatter3A_558 = arith.constant 0 : i32
        %scatter3A_559 = arith.constant 0 : i32
        %scatter3A_560 = arith.constant 0 : i32
        %scatter3A_561 = tpu.memref_slice %arg9[%scatter3A_557, %scatter3A_558, %scatter3A_559, %scatter3A_560] : memref<2x8x8x128xf32, #tpu.memory_space<vmem>> -> memref<1x8x8x128xf32, #tpu.memory_space<vmem>>
        %scatter3A_562 = tpu.memref_squeeze %scatter3A_561 : memref<1x8x8x128xf32, #tpu.memory_space<vmem>> -> memref<8x8x128xf32, #tpu.memory_space<vmem>>
        tpu.vector_store_idx %scatter3A_562[%add3A_553, %and3A_556, %add3A_272], %gather3A_547 : memref<8x8x128xf32, #tpu.memory_space<vmem>>[vector<16xi32>, vector<16xi32>, vector<16xi32>], vector<16xf32>,
        %add3A_563 = arith.addi %add3A_279, %and3A_83 : vector<16xi32>
        %gather3A_564 = arith.constant 0 : i32
        %gather3A_565 = arith.constant 0 : i32
        %gather3A_566 = arith.constant 0 : i32
        %gather3A_567 = tpu.memref_slice %arg8[%gather3A_564, %gather3A_565, %gather3A_566] : memref<2x128x128xf32, #tpu.memory_space<vmem>> -> memref<1x128x128xf32, #tpu.memory_space<vmem>>
        %gather3A_568 = tpu.memref_squeeze %gather3A_567 : memref<1x128x128xf32, #tpu.memory_space<vmem>> -> memref<128x128xf32, #tpu.memory_space<vmem>>
        %gather3A_569 = tpu.vector_load_idx %gather3A_568[%add3A_272, %add3A_563] : memref<128x128xf32, #tpu.memory_space<vmem>>[vector<16xi32>, vector<16xi32>], vector<16xf32>,
        %shift_right_arithmetic3A_570 = arith.constant 3 : i32
        %shift_right_arithmetic3A_571 = vector.broadcast %shift_right_arithmetic3A_570 : i32 to vector<16xi32>
        %shift_right_arithmetic3A_572 = arith.shrsi %and3A_83, %shift_right_arithmetic3A_571 : vector<16xi32>
        %add3A_573 = arith.constant 0 : i32
        %add3A_574 = vector.broadcast %add3A_573 : i32 to vector<16xi32>
        %add3A_575 = arith.addi %add3A_574, %shift_right_arithmetic3A_572 : vector<16xi32>
        %and3A_576 = arith.constant 7 : i32
        %and3A_577 = vector.broadcast %and3A_576 : i32 to vector<16xi32>
        %and3A_578 = arith.andi %and3A_83, %and3A_577 : vector<16xi32>
        %scatter3A_579 = arith.constant 0 : i32
        %scatter3A_580 = arith.constant 0 : i32
        %scatter3A_581 = arith.constant 0 : i32
        %scatter3A_582 = arith.constant 0 : i32
        %scatter3A_583 = tpu.memref_slice %arg9[%scatter3A_579, %scatter3A_580, %scatter3A_581, %scatter3A_582] : memref<2x8x8x128xf32, #tpu.memory_space<vmem>> -> memref<1x8x8x128xf32, #tpu.memory_space<vmem>>
        %scatter3A_584 = tpu.memref_squeeze %scatter3A_583 : memref<1x8x8x128xf32, #tpu.memory_space<vmem>> -> memref<8x8x128xf32, #tpu.memory_space<vmem>>
        tpu.vector_store_idx %scatter3A_584[%add3A_575, %and3A_578, %add3A_272], %gather3A_569 : memref<8x8x128xf32, #tpu.memory_space<vmem>>[vector<16xi32>, vector<16xi32>, vector<16xi32>], vector<16xf32>,
        %add3A_585 = arith.addi %add3A_279, %and3A_89 : vector<16xi32>
        %gather3A_586 = arith.constant 0 : i32
        %gather3A_587 = arith.constant 0 : i32
        %gather3A_588 = arith.constant 0 : i32
        %gather3A_589 = tpu.memref_slice %arg8[%gather3A_586, %gather3A_587, %gather3A_588] : memref<2x128x128xf32, #tpu.memory_space<vmem>> -> memref<1x128x128xf32, #tpu.memory_space<vmem>>
        %gather3A_590 = tpu.memref_squeeze %gather3A_589 : memref<1x128x128xf32, #tpu.memory_space<vmem>> -> memref<128x128xf32, #tpu.memory_space<vmem>>
        %gather3A_591 = tpu.vector_load_idx %gather3A_590[%add3A_272, %add3A_585] : memref<128x128xf32, #tpu.memory_space<vmem>>[vector<16xi32>, vector<16xi32>], vector<16xf32>,
        %shift_right_arithmetic3A_592 = arith.constant 3 : i32
        %shift_right_arithmetic3A_593 = vector.broadcast %shift_right_arithmetic3A_592 : i32 to vector<16xi32>
        %shift_right_arithmetic3A_594 = arith.shrsi %and3A_89, %shift_right_arithmetic3A_593 : vector<16xi32>
        %add3A_595 = arith.constant 0 : i32
        %add3A_596 = vector.broadcast %add3A_595 : i32 to vector<16xi32>
        %add3A_597 = arith.addi %add3A_596, %shift_right_arithmetic3A_594 : vector<16xi32>
        %and3A_598 = arith.constant 7 : i32
        %and3A_599 = vector.broadcast %and3A_598 : i32 to vector<16xi32>
        %and3A_600 = arith.andi %and3A_89, %and3A_599 : vector<16xi32>
        %scatter3A_601 = arith.constant 0 : i32
        %scatter3A_602 = arith.constant 0 : i32
        %scatter3A_603 = arith.constant 0 : i32
        %scatter3A_604 = arith.constant 0 : i32
        %scatter3A_605 = tpu.memref_slice %arg9[%scatter3A_601, %scatter3A_602, %scatter3A_603, %scatter3A_604] : memref<2x8x8x128xf32, #tpu.memory_space<vmem>> -> memref<1x8x8x128xf32, #tpu.memory_space<vmem>>
        %scatter3A_606 = tpu.memref_squeeze %scatter3A_605 : memref<1x8x8x128xf32, #tpu.memory_space<vmem>> -> memref<8x8x128xf32, #tpu.memory_space<vmem>>
        tpu.vector_store_idx %scatter3A_606[%add3A_597, %and3A_600, %add3A_272], %gather3A_591 : memref<8x8x128xf32, #tpu.memory_space<vmem>>[vector<16xi32>, vector<16xi32>, vector<16xi32>], vector<16xf32>,
        %add3A_607 = arith.addi %add3A_279, %and3A_95 : vector<16xi32>
        %gather3A_608 = arith.constant 0 : i32
        %gather3A_609 = arith.constant 0 : i32
        %gather3A_610 = arith.constant 0 : i32
        %gather3A_611 = tpu.memref_slice %arg8[%gather3A_608, %gather3A_609, %gather3A_610] : memref<2x128x128xf32, #tpu.memory_space<vmem>> -> memref<1x128x128xf32, #tpu.memory_space<vmem>>
        %gather3A_612 = tpu.memref_squeeze %gather3A_611 : memref<1x128x128xf32, #tpu.memory_space<vmem>> -> memref<128x128xf32, #tpu.memory_space<vmem>>
        %gather3A_613 = tpu.vector_load_idx %gather3A_612[%add3A_272, %add3A_607] : memref<128x128xf32, #tpu.memory_space<vmem>>[vector<16xi32>, vector<16xi32>], vector<16xf32>,
        %shift_right_arithmetic3A_614 = arith.constant 3 : i32
        %shift_right_arithmetic3A_615 = vector.broadcast %shift_right_arithmetic3A_614 : i32 to vector<16xi32>
        %shift_right_arithmetic3A_616 = arith.shrsi %and3A_95, %shift_right_arithmetic3A_615 : vector<16xi32>
        %add3A_617 = arith.constant 0 : i32
        %add3A_618 = vector.broadcast %add3A_617 : i32 to vector<16xi32>
        %add3A_619 = arith.addi %add3A_618, %shift_right_arithmetic3A_616 : vector<16xi32>
        %and3A_620 = arith.constant 7 : i32
        %and3A_621 = vector.broadcast %and3A_620 : i32 to vector<16xi32>
        %and3A_622 = arith.andi %and3A_95, %and3A_621 : vector<16xi32>
        %scatter3A_623 = arith.constant 0 : i32
        %scatter3A_624 = arith.constant 0 : i32
        %scatter3A_625 = arith.constant 0 : i32
        %scatter3A_626 = arith.constant 0 : i32
        %scatter3A_627 = tpu.memref_slice %arg9[%scatter3A_623, %scatter3A_624, %scatter3A_625, %scatter3A_626] : memref<2x8x8x128xf32, #tpu.memory_space<vmem>> -> memref<1x8x8x128xf32, #tpu.memory_space<vmem>>
        %scatter3A_628 = tpu.memref_squeeze %scatter3A_627 : memref<1x8x8x128xf32, #tpu.memory_space<vmem>> -> memref<8x8x128xf32, #tpu.memory_space<vmem>>
        tpu.vector_store_idx %scatter3A_628[%add3A_619, %and3A_622, %add3A_272], %gather3A_613 : memref<8x8x128xf32, #tpu.memory_space<vmem>>[vector<16xi32>, vector<16xi32>, vector<16xi32>], vector<16xf32>,
        %add3A_629 = arith.constant 16 : i32
        %add3A_630 = vector.broadcast %add3A_629 : i32 to vector<16xi32>
        %add3A_631 = arith.addi %add3A_630, %get3A_276 : vector<16xi32>
        %add3A_632 = arith.addi %add3A_631, %and3A_5 : vector<16xi32>
        %gather3A_633 = arith.constant 0 : i32
        %gather3A_634 = arith.constant 0 : i32
        %gather3A_635 = arith.constant 0 : i32
        %gather3A_636 = tpu.memref_slice %arg8[%gather3A_633, %gather3A_634, %gather3A_635] : memref<2x128x128xf32, #tpu.memory_space<vmem>> -> memref<1x128x128xf32, #tpu.memory_space<vmem>>
        %gather3A_637 = tpu.memref_squeeze %gather3A_636 : memref<1x128x128xf32, #tpu.memory_space<vmem>> -> memref<128x128xf32, #tpu.memory_space<vmem>>
        %gather3A_638 = tpu.vector_load_idx %gather3A_637[%add3A_272, %add3A_632] : memref<128x128xf32, #tpu.memory_space<vmem>>[vector<16xi32>, vector<16xi32>], vector<16xf32>,
        %shift_right_arithmetic3A_639 = arith.constant 3 : i32
        %shift_right_arithmetic3A_640 = vector.broadcast %shift_right_arithmetic3A_639 : i32 to vector<16xi32>
        %shift_right_arithmetic3A_641 = arith.shrsi %and3A_5, %shift_right_arithmetic3A_640 : vector<16xi32>
        %add3A_642 = arith.constant 2 : i32
        %add3A_643 = vector.broadcast %add3A_642 : i32 to vector<16xi32>
        %add3A_644 = arith.addi %add3A_643, %shift_right_arithmetic3A_641 : vector<16xi32>
        %and3A_645 = arith.constant 7 : i32
        %and3A_646 = vector.broadcast %and3A_645 : i32 to vector<16xi32>
        %and3A_647 = arith.andi %and3A_5, %and3A_646 : vector<16xi32>
        %scatter3A_648 = arith.constant 0 : i32
        %scatter3A_649 = arith.constant 0 : i32
        %scatter3A_650 = arith.constant 0 : i32
        %scatter3A_651 = arith.constant 0 : i32
        %scatter3A_652 = tpu.memref_slice %arg9[%scatter3A_648, %scatter3A_649, %scatter3A_650, %scatter3A_651] : memref<2x8x8x128xf32, #tpu.memory_space<vmem>> -> memref<1x8x8x128xf32, #tpu.memory_space<vmem>>
        %scatter3A_653 = tpu.memref_squeeze %scatter3A_652 : memref<1x8x8x128xf32, #tpu.memory_space<vmem>> -> memref<8x8x128xf32, #tpu.memory_space<vmem>>
        tpu.vector_store_idx %scatter3A_653[%add3A_644, %and3A_647, %add3A_272], %gather3A_638 : memref<8x8x128xf32, #tpu.memory_space<vmem>>[vector<16xi32>, vector<16xi32>, vector<16xi32>], vector<16xf32>,
        %add3A_654 = arith.addi %add3A_631, %and3A_11 : vector<16xi32>
        %gather3A_655 = arith.constant 0 : i32
        %gather3A_656 = arith.constant 0 : i32
        %gather3A_657 = arith.constant 0 : i32
        %gather3A_658 = tpu.memref_slice %arg8[%gather3A_655, %gather3A_656, %gather3A_657] : memref<2x128x128xf32, #tpu.memory_space<vmem>> -> memref<1x128x128xf32, #tpu.memory_space<vmem>>
        %gather3A_659 = tpu.memref_squeeze %gather3A_658 : memref<1x128x128xf32, #tpu.memory_space<vmem>> -> memref<128x128xf32, #tpu.memory_space<vmem>>
        %gather3A_660 = tpu.vector_load_idx %gather3A_659[%add3A_272, %add3A_654] : memref<128x128xf32, #tpu.memory_space<vmem>>[vector<16xi32>, vector<16xi32>], vector<16xf32>,
        %shift_right_arithmetic3A_661 = arith.constant 3 : i32
        %shift_right_arithmetic3A_662 = vector.broadcast %shift_right_arithmetic3A_661 : i32 to vector<16xi32>
        %shift_right_arithmetic3A_663 = arith.shrsi %and3A_11, %shift_right_arithmetic3A_662 : vector<16xi32>
        %add3A_664 = arith.constant 2 : i32
        %add3A_665 = vector.broadcast %add3A_664 : i32 to vector<16xi32>
        %add3A_666 = arith.addi %add3A_665, %shift_right_arithmetic3A_663 : vector<16xi32>
        %and3A_667 = arith.constant 7 : i32
        %and3A_668 = vector.broadcast %and3A_667 : i32 to vector<16xi32>
        %and3A_669 = arith.andi %and3A_11, %and3A_668 : vector<16xi32>
        %scatter3A_670 = arith.constant 0 : i32
        %scatter3A_671 = arith.constant 0 : i32
        %scatter3A_672 = arith.constant 0 : i32
        %scatter3A_673 = arith.constant 0 : i32
        %scatter3A_674 = tpu.memref_slice %arg9[%scatter3A_670, %scatter3A_671, %scatter3A_672, %scatter3A_673] : memref<2x8x8x128xf32, #tpu.memory_space<vmem>> -> memref<1x8x8x128xf32, #tpu.memory_space<vmem>>
        %scatter3A_675 = tpu.memref_squeeze %scatter3A_674 : memref<1x8x8x128xf32, #tpu.memory_space<vmem>> -> memref<8x8x128xf32, #tpu.memory_space<vmem>>
        tpu.vector_store_idx %scatter3A_675[%add3A_666, %and3A_669, %add3A_272], %gather3A_660 : memref<8x8x128xf32, #tpu.memory_space<vmem>>[vector<16xi32>, vector<16xi32>, vector<16xi32>], vector<16xf32>,
        %add3A_676 = arith.addi %add3A_631, %and3A_17 : vector<16xi32>
        %gather3A_677 = arith.constant 0 : i32
        %gather3A_678 = arith.constant 0 : i32
        %gather3A_679 = arith.constant 0 : i32
        %gather3A_680 = tpu.memref_slice %arg8[%gather3A_677, %gather3A_678, %gather3A_679] : memref<2x128x128xf32, #tpu.memory_space<vmem>> -> memref<1x128x128xf32, #tpu.memory_space<vmem>>
        %gather3A_681 = tpu.memref_squeeze %gather3A_680 : memref<1x128x128xf32, #tpu.memory_space<vmem>> -> memref<128x128xf32, #tpu.memory_space<vmem>>
        %gather3A_682 = tpu.vector_load_idx %gather3A_681[%add3A_272, %add3A_676] : memref<128x128xf32, #tpu.memory_space<vmem>>[vector<16xi32>, vector<16xi32>], vector<16xf32>,
        %shift_right_arithmetic3A_683 = arith.constant 3 : i32
        %shift_right_arithmetic3A_684 = vector.broadcast %shift_right_arithmetic3A_683 : i32 to vector<16xi32>
        %shift_right_arithmetic3A_685 = arith.shrsi %and3A_17, %shift_right_arithmetic3A_684 : vector<16xi32>
        %add3A_686 = arith.constant 2 : i32
        %add3A_687 = vector.broadcast %add3A_686 : i32 to vector<16xi32>
        %add3A_688 = arith.addi %add3A_687, %shift_right_arithmetic3A_685 : vector<16xi32>
        %and3A_689 = arith.constant 7 : i32
        %and3A_690 = vector.broadcast %and3A_689 : i32 to vector<16xi32>
        %and3A_691 = arith.andi %and3A_17, %and3A_690 : vector<16xi32>
        %scatter3A_692 = arith.constant 0 : i32
        %scatter3A_693 = arith.constant 0 : i32
        %scatter3A_694 = arith.constant 0 : i32
        %scatter3A_695 = arith.constant 0 : i32
        %scatter3A_696 = tpu.memref_slice %arg9[%scatter3A_692, %scatter3A_693, %scatter3A_694, %scatter3A_695] : memref<2x8x8x128xf32, #tpu.memory_space<vmem>> -> memref<1x8x8x128xf32, #tpu.memory_space<vmem>>
        %scatter3A_697 = tpu.memref_squeeze %scatter3A_696 : memref<1x8x8x128xf32, #tpu.memory_space<vmem>> -> memref<8x8x128xf32, #tpu.memory_space<vmem>>
        tpu.vector_store_idx %scatter3A_697[%add3A_688, %and3A_691, %add3A_272], %gather3A_682 : memref<8x8x128xf32, #tpu.memory_space<vmem>>[vector<16xi32>, vector<16xi32>, vector<16xi32>], vector<16xf32>,
        %add3A_698 = arith.addi %add3A_631, %and3A_23 : vector<16xi32>
        %gather3A_699 = arith.constant 0 : i32
        %gather3A_700 = arith.constant 0 : i32
        %gather3A_701 = arith.constant 0 : i32
        %gather3A_702 = tpu.memref_slice %arg8[%gather3A_699, %gather3A_700, %gather3A_701] : memref<2x128x128xf32, #tpu.memory_space<vmem>> -> memref<1x128x128xf32, #tpu.memory_space<vmem>>
        %gather3A_703 = tpu.memref_squeeze %gather3A_702 : memref<1x128x128xf32, #tpu.memory_space<vmem>> -> memref<128x128xf32, #tpu.memory_space<vmem>>
        %gather3A_704 = tpu.vector_load_idx %gather3A_703[%add3A_272, %add3A_698] : memref<128x128xf32, #tpu.memory_space<vmem>>[vector<16xi32>, vector<16xi32>], vector<16xf32>,
        %shift_right_arithmetic3A_705 = arith.constant 3 : i32
        %shift_right_arithmetic3A_706 = vector.broadcast %shift_right_arithmetic3A_705 : i32 to vector<16xi32>
        %shift_right_arithmetic3A_707 = arith.shrsi %and3A_23, %shift_right_arithmetic3A_706 : vector<16xi32>
        %add3A_708 = arith.constant 2 : i32
        %add3A_709 = vector.broadcast %add3A_708 : i32 to vector<16xi32>
        %add3A_710 = arith.addi %add3A_709, %shift_right_arithmetic3A_707 : vector<16xi32>
        %and3A_711 = arith.constant 7 : i32
        %and3A_712 = vector.broadcast %and3A_711 : i32 to vector<16xi32>
        %and3A_713 = arith.andi %and3A_23, %and3A_712 : vector<16xi32>
        %scatter3A_714 = arith.constant 0 : i32
        %scatter3A_715 = arith.constant 0 : i32
        %scatter3A_716 = arith.constant 0 : i32
        %scatter3A_717 = arith.constant 0 : i32
        %scatter3A_718 = tpu.memref_slice %arg9[%scatter3A_714, %scatter3A_715, %scatter3A_716, %scatter3A_717] : memref<2x8x8x128xf32, #tpu.memory_space<vmem>> -> memref<1x8x8x128xf32, #tpu.memory_space<vmem>>
        %scatter3A_719 = tpu.memref_squeeze %scatter3A_718 : memref<1x8x8x128xf32, #tpu.memory_space<vmem>> -> memref<8x8x128xf32, #tpu.memory_space<vmem>>
        tpu.vector_store_idx %scatter3A_719[%add3A_710, %and3A_713, %add3A_272], %gather3A_704 : memref<8x8x128xf32, #tpu.memory_space<vmem>>[vector<16xi32>, vector<16xi32>, vector<16xi32>], vector<16xf32>,
        %add3A_720 = arith.addi %add3A_631, %and3A_29 : vector<16xi32>
        %gather3A_721 = arith.constant 0 : i32
        %gather3A_722 = arith.constant 0 : i32
        %gather3A_723 = arith.constant 0 : i32
        %gather3A_724 = tpu.memref_slice %arg8[%gather3A_721, %gather3A_722, %gather3A_723] : memref<2x128x128xf32, #tpu.memory_space<vmem>> -> memref<1x128x128xf32, #tpu.memory_space<vmem>>
        %gather3A_725 = tpu.memref_squeeze %gather3A_724 : memref<1x128x128xf32, #tpu.memory_space<vmem>> -> memref<128x128xf32, #tpu.memory_space<vmem>>
        %gather3A_726 = tpu.vector_load_idx %gather3A_725[%add3A_272, %add3A_720] : memref<128x128xf32, #tpu.memory_space<vmem>>[vector<16xi32>, vector<16xi32>], vector<16xf32>,
        %shift_right_arithmetic3A_727 = arith.constant 3 : i32
        %shift_right_arithmetic3A_728 = vector.broadcast %shift_right_arithmetic3A_727 : i32 to vector<16xi32>
        %shift_right_arithmetic3A_729 = arith.shrsi %and3A_29, %shift_right_arithmetic3A_728 : vector<16xi32>
        %add3A_730 = arith.constant 2 : i32
        %add3A_731 = vector.broadcast %add3A_730 : i32 to vector<16xi32>
        %add3A_732 = arith.addi %add3A_731, %shift_right_arithmetic3A_729 : vector<16xi32>
        %and3A_733 = arith.constant 7 : i32
        %and3A_734 = vector.broadcast %and3A_733 : i32 to vector<16xi32>
        %and3A_735 = arith.andi %and3A_29, %and3A_734 : vector<16xi32>
        %scatter3A_736 = arith.constant 0 : i32
        %scatter3A_737 = arith.constant 0 : i32
        %scatter3A_738 = arith.constant 0 : i32
        %scatter3A_739 = arith.constant 0 : i32
        %scatter3A_740 = tpu.memref_slice %arg9[%scatter3A_736, %scatter3A_737, %scatter3A_738, %scatter3A_739] : memref<2x8x8x128xf32, #tpu.memory_space<vmem>> -> memref<1x8x8x128xf32, #tpu.memory_space<vmem>>
        %scatter3A_741 = tpu.memref_squeeze %scatter3A_740 : memref<1x8x8x128xf32, #tpu.memory_space<vmem>> -> memref<8x8x128xf32, #tpu.memory_space<vmem>>
        tpu.vector_store_idx %scatter3A_741[%add3A_732, %and3A_735, %add3A_272], %gather3A_726 : memref<8x8x128xf32, #tpu.memory_space<vmem>>[vector<16xi32>, vector<16xi32>, vector<16xi32>], vector<16xf32>,
        %add3A_742 = arith.addi %add3A_631, %and3A_35 : vector<16xi32>
        %gather3A_743 = arith.constant 0 : i32
        %gather3A_744 = arith.constant 0 : i32
        %gather3A_745 = arith.constant 0 : i32
        %gather3A_746 = tpu.memref_slice %arg8[%gather3A_743, %gather3A_744, %gather3A_745] : memref<2x128x128xf32, #tpu.memory_space<vmem>> -> memref<1x128x128xf32, #tpu.memory_space<vmem>>
        %gather3A_747 = tpu.memref_squeeze %gather3A_746 : memref<1x128x128xf32, #tpu.memory_space<vmem>> -> memref<128x128xf32, #tpu.memory_space<vmem>>
        %gather3A_748 = tpu.vector_load_idx %gather3A_747[%add3A_272, %add3A_742] : memref<128x128xf32, #tpu.memory_space<vmem>>[vector<16xi32>, vector<16xi32>], vector<16xf32>,
        %shift_right_arithmetic3A_749 = arith.constant 3 : i32
        %shift_right_arithmetic3A_750 = vector.broadcast %shift_right_arithmetic3A_749 : i32 to vector<16xi32>
        %shift_right_arithmetic3A_751 = arith.shrsi %and3A_35, %shift_right_arithmetic3A_750 : vector<16xi32>
        %add3A_752 = arith.constant 2 : i32
        %add3A_753 = vector.broadcast %add3A_752 : i32 to vector<16xi32>
        %add3A_754 = arith.addi %add3A_753, %shift_right_arithmetic3A_751 : vector<16xi32>
        %and3A_755 = arith.constant 7 : i32
        %and3A_756 = vector.broadcast %and3A_755 : i32 to vector<16xi32>
        %and3A_757 = arith.andi %and3A_35, %and3A_756 : vector<16xi32>
        %scatter3A_758 = arith.constant 0 : i32
        %scatter3A_759 = arith.constant 0 : i32
        %scatter3A_760 = arith.constant 0 : i32
        %scatter3A_761 = arith.constant 0 : i32
        %scatter3A_762 = tpu.memref_slice %arg9[%scatter3A_758, %scatter3A_759, %scatter3A_760, %scatter3A_761] : memref<2x8x8x128xf32, #tpu.memory_space<vmem>> -> memref<1x8x8x128xf32, #tpu.memory_space<vmem>>
        %scatter3A_763 = tpu.memref_squeeze %scatter3A_762 : memref<1x8x8x128xf32, #tpu.memory_space<vmem>> -> memref<8x8x128xf32, #tpu.memory_space<vmem>>
        tpu.vector_store_idx %scatter3A_763[%add3A_754, %and3A_757, %add3A_272], %gather3A_748 : memref<8x8x128xf32, #tpu.memory_space<vmem>>[vector<16xi32>, vector<16xi32>, vector<16xi32>], vector<16xf32>,
        %add3A_764 = arith.addi %add3A_631, %and3A_41 : vector<16xi32>
        %gather3A_765 = arith.constant 0 : i32
        %gather3A_766 = arith.constant 0 : i32
        %gather3A_767 = arith.constant 0 : i32
        %gather3A_768 = tpu.memref_slice %arg8[%gather3A_765, %gather3A_766, %gather3A_767] : memref<2x128x128xf32, #tpu.memory_space<vmem>> -> memref<1x128x128xf32, #tpu.memory_space<vmem>>
        %gather3A_769 = tpu.memref_squeeze %gather3A_768 : memref<1x128x128xf32, #tpu.memory_space<vmem>> -> memref<128x128xf32, #tpu.memory_space<vmem>>
        %gather3A_770 = tpu.vector_load_idx %gather3A_769[%add3A_272, %add3A_764] : memref<128x128xf32, #tpu.memory_space<vmem>>[vector<16xi32>, vector<16xi32>], vector<16xf32>,
        %shift_right_arithmetic3A_771 = arith.constant 3 : i32
        %shift_right_arithmetic3A_772 = vector.broadcast %shift_right_arithmetic3A_771 : i32 to vector<16xi32>
        %shift_right_arithmetic3A_773 = arith.shrsi %and3A_41, %shift_right_arithmetic3A_772 : vector<16xi32>
        %add3A_774 = arith.constant 2 : i32
        %add3A_775 = vector.broadcast %add3A_774 : i32 to vector<16xi32>
        %add3A_776 = arith.addi %add3A_775, %shift_right_arithmetic3A_773 : vector<16xi32>
        %and3A_777 = arith.constant 7 : i32
        %and3A_778 = vector.broadcast %and3A_777 : i32 to vector<16xi32>
        %and3A_779 = arith.andi %and3A_41, %and3A_778 : vector<16xi32>
        %scatter3A_780 = arith.constant 0 : i32
        %scatter3A_781 = arith.constant 0 : i32
        %scatter3A_782 = arith.constant 0 : i32
        %scatter3A_783 = arith.constant 0 : i32
        %scatter3A_784 = tpu.memref_slice %arg9[%scatter3A_780, %scatter3A_781, %scatter3A_782, %scatter3A_783] : memref<2x8x8x128xf32, #tpu.memory_space<vmem>> -> memref<1x8x8x128xf32, #tpu.memory_space<vmem>>
        %scatter3A_785 = tpu.memref_squeeze %scatter3A_784 : memref<1x8x8x128xf32, #tpu.memory_space<vmem>> -> memref<8x8x128xf32, #tpu.memory_space<vmem>>
        tpu.vector_store_idx %scatter3A_785[%add3A_776, %and3A_779, %add3A_272], %gather3A_770 : memref<8x8x128xf32, #tpu.memory_space<vmem>>[vector<16xi32>, vector<16xi32>, vector<16xi32>], vector<16xf32>,
        %add3A_786 = arith.addi %add3A_631, %and3A_47 : vector<16xi32>
        %gather3A_787 = arith.constant 0 : i32
        %gather3A_788 = arith.constant 0 : i32
        %gather3A_789 = arith.constant 0 : i32
        %gather3A_790 = tpu.memref_slice %arg8[%gather3A_787, %gather3A_788, %gather3A_789] : memref<2x128x128xf32, #tpu.memory_space<vmem>> -> memref<1x128x128xf32, #tpu.memory_space<vmem>>
        %gather3A_791 = tpu.memref_squeeze %gather3A_790 : memref<1x128x128xf32, #tpu.memory_space<vmem>> -> memref<128x128xf32, #tpu.memory_space<vmem>>
        %gather3A_792 = tpu.vector_load_idx %gather3A_791[%add3A_272, %add3A_786] : memref<128x128xf32, #tpu.memory_space<vmem>>[vector<16xi32>, vector<16xi32>], vector<16xf32>,
        %shift_right_arithmetic3A_793 = arith.constant 3 : i32
        %shift_right_arithmetic3A_794 = vector.broadcast %shift_right_arithmetic3A_793 : i32 to vector<16xi32>
        %shift_right_arithmetic3A_795 = arith.shrsi %and3A_47, %shift_right_arithmetic3A_794 : vector<16xi32>
        %add3A_796 = arith.constant 2 : i32
        %add3A_797 = vector.broadcast %add3A_796 : i32 to vector<16xi32>
        %add3A_798 = arith.addi %add3A_797, %shift_right_arithmetic3A_795 : vector<16xi32>
        %and3A_799 = arith.constant 7 : i32
        %and3A_800 = vector.broadcast %and3A_799 : i32 to vector<16xi32>
        %and3A_801 = arith.andi %and3A_47, %and3A_800 : vector<16xi32>
        %scatter3A_802 = arith.constant 0 : i32
        %scatter3A_803 = arith.constant 0 : i32
        %scatter3A_804 = arith.constant 0 : i32
        %scatter3A_805 = arith.constant 0 : i32
        %scatter3A_806 = tpu.memref_slice %arg9[%scatter3A_802, %scatter3A_803, %scatter3A_804, %scatter3A_805] : memref<2x8x8x128xf32, #tpu.memory_space<vmem>> -> memref<1x8x8x128xf32, #tpu.memory_space<vmem>>
        %scatter3A_807 = tpu.memref_squeeze %scatter3A_806 : memref<1x8x8x128xf32, #tpu.memory_space<vmem>> -> memref<8x8x128xf32, #tpu.memory_space<vmem>>
        tpu.vector_store_idx %scatter3A_807[%add3A_798, %and3A_801, %add3A_272], %gather3A_792 : memref<8x8x128xf32, #tpu.memory_space<vmem>>[vector<16xi32>, vector<16xi32>, vector<16xi32>], vector<16xf32>,
        %add3A_808 = arith.addi %add3A_631, %and3A_53 : vector<16xi32>
        %gather3A_809 = arith.constant 0 : i32
        %gather3A_810 = arith.constant 0 : i32
        %gather3A_811 = arith.constant 0 : i32
        %gather3A_812 = tpu.memref_slice %arg8[%gather3A_809, %gather3A_810, %gather3A_811] : memref<2x128x128xf32, #tpu.memory_space<vmem>> -> memref<1x128x128xf32, #tpu.memory_space<vmem>>
        %gather3A_813 = tpu.memref_squeeze %gather3A_812 : memref<1x128x128xf32, #tpu.memory_space<vmem>> -> memref<128x128xf32, #tpu.memory_space<vmem>>
        %gather3A_814 = tpu.vector_load_idx %gather3A_813[%add3A_272, %add3A_808] : memref<128x128xf32, #tpu.memory_space<vmem>>[vector<16xi32>, vector<16xi32>], vector<16xf32>,
        %shift_right_arithmetic3A_815 = arith.constant 3 : i32
        %shift_right_arithmetic3A_816 = vector.broadcast %shift_right_arithmetic3A_815 : i32 to vector<16xi32>
        %shift_right_arithmetic3A_817 = arith.shrsi %and3A_53, %shift_right_arithmetic3A_816 : vector<16xi32>
        %add3A_818 = arith.constant 2 : i32
        %add3A_819 = vector.broadcast %add3A_818 : i32 to vector<16xi32>
        %add3A_820 = arith.addi %add3A_819, %shift_right_arithmetic3A_817 : vector<16xi32>
        %and3A_821 = arith.constant 7 : i32
        %and3A_822 = vector.broadcast %and3A_821 : i32 to vector<16xi32>
        %and3A_823 = arith.andi %and3A_53, %and3A_822 : vector<16xi32>
        %scatter3A_824 = arith.constant 0 : i32
        %scatter3A_825 = arith.constant 0 : i32
        %scatter3A_826 = arith.constant 0 : i32
        %scatter3A_827 = arith.constant 0 : i32
        %scatter3A_828 = tpu.memref_slice %arg9[%scatter3A_824, %scatter3A_825, %scatter3A_826, %scatter3A_827] : memref<2x8x8x128xf32, #tpu.memory_space<vmem>> -> memref<1x8x8x128xf32, #tpu.memory_space<vmem>>
        %scatter3A_829 = tpu.memref_squeeze %scatter3A_828 : memref<1x8x8x128xf32, #tpu.memory_space<vmem>> -> memref<8x8x128xf32, #tpu.memory_space<vmem>>
        tpu.vector_store_idx %scatter3A_829[%add3A_820, %and3A_823, %add3A_272], %gather3A_814 : memref<8x8x128xf32, #tpu.memory_space<vmem>>[vector<16xi32>, vector<16xi32>, vector<16xi32>], vector<16xf32>,
        %add3A_830 = arith.addi %add3A_631, %and3A_59 : vector<16xi32>
        %gather3A_831 = arith.constant 0 : i32
        %gather3A_832 = arith.constant 0 : i32
        %gather3A_833 = arith.constant 0 : i32
        %gather3A_834 = tpu.memref_slice %arg8[%gather3A_831, %gather3A_832, %gather3A_833] : memref<2x128x128xf32, #tpu.memory_space<vmem>> -> memref<1x128x128xf32, #tpu.memory_space<vmem>>
        %gather3A_835 = tpu.memref_squeeze %gather3A_834 : memref<1x128x128xf32, #tpu.memory_space<vmem>> -> memref<128x128xf32, #tpu.memory_space<vmem>>
        %gather3A_836 = tpu.vector_load_idx %gather3A_835[%add3A_272, %add3A_830] : memref<128x128xf32, #tpu.memory_space<vmem>>[vector<16xi32>, vector<16xi32>], vector<16xf32>,
        %shift_right_arithmetic3A_837 = arith.constant 3 : i32
        %shift_right_arithmetic3A_838 = vector.broadcast %shift_right_arithmetic3A_837 : i32 to vector<16xi32>
        %shift_right_arithmetic3A_839 = arith.shrsi %and3A_59, %shift_right_arithmetic3A_838 : vector<16xi32>
        %add3A_840 = arith.constant 2 : i32
        %add3A_841 = vector.broadcast %add3A_840 : i32 to vector<16xi32>
        %add3A_842 = arith.addi %add3A_841, %shift_right_arithmetic3A_839 : vector<16xi32>
        %and3A_843 = arith.constant 7 : i32
        %and3A_844 = vector.broadcast %and3A_843 : i32 to vector<16xi32>
        %and3A_845 = arith.andi %and3A_59, %and3A_844 : vector<16xi32>
        %scatter3A_846 = arith.constant 0 : i32
        %scatter3A_847 = arith.constant 0 : i32
        %scatter3A_848 = arith.constant 0 : i32
        %scatter3A_849 = arith.constant 0 : i32
        %scatter3A_850 = tpu.memref_slice %arg9[%scatter3A_846, %scatter3A_847, %scatter3A_848, %scatter3A_849] : memref<2x8x8x128xf32, #tpu.memory_space<vmem>> -> memref<1x8x8x128xf32, #tpu.memory_space<vmem>>
        %scatter3A_851 = tpu.memref_squeeze %scatter3A_850 : memref<1x8x8x128xf32, #tpu.memory_space<vmem>> -> memref<8x8x128xf32, #tpu.memory_space<vmem>>
        tpu.vector_store_idx %scatter3A_851[%add3A_842, %and3A_845, %add3A_272], %gather3A_836 : memref<8x8x128xf32, #tpu.memory_space<vmem>>[vector<16xi32>, vector<16xi32>, vector<16xi32>], vector<16xf32>,
        %add3A_852 = arith.addi %add3A_631, %and3A_65 : vector<16xi32>
        %gather3A_853 = arith.constant 0 : i32
        %gather3A_854 = arith.constant 0 : i32
        %gather3A_855 = arith.constant 0 : i32
        %gather3A_856 = tpu.memref_slice %arg8[%gather3A_853, %gather3A_854, %gather3A_855] : memref<2x128x128xf32, #tpu.memory_space<vmem>> -> memref<1x128x128xf32, #tpu.memory_space<vmem>>
        %gather3A_857 = tpu.memref_squeeze %gather3A_856 : memref<1x128x128xf32, #tpu.memory_space<vmem>> -> memref<128x128xf32, #tpu.memory_space<vmem>>
        %gather3A_858 = tpu.vector_load_idx %gather3A_857[%add3A_272, %add3A_852] : memref<128x128xf32, #tpu.memory_space<vmem>>[vector<16xi32>, vector<16xi32>], vector<16xf32>,
        %shift_right_arithmetic3A_859 = arith.constant 3 : i32
        %shift_right_arithmetic3A_860 = vector.broadcast %shift_right_arithmetic3A_859 : i32 to vector<16xi32>
        %shift_right_arithmetic3A_861 = arith.shrsi %and3A_65, %shift_right_arithmetic3A_860 : vector<16xi32>
        %add3A_862 = arith.constant 2 : i32
        %add3A_863 = vector.broadcast %add3A_862 : i32 to vector<16xi32>
        %add3A_864 = arith.addi %add3A_863, %shift_right_arithmetic3A_861 : vector<16xi32>
        %and3A_865 = arith.constant 7 : i32
        %and3A_866 = vector.broadcast %and3A_865 : i32 to vector<16xi32>
        %and3A_867 = arith.andi %and3A_65, %and3A_866 : vector<16xi32>
        %scatter3A_868 = arith.constant 0 : i32
        %scatter3A_869 = arith.constant 0 : i32
        %scatter3A_870 = arith.constant 0 : i32
        %scatter3A_871 = arith.constant 0 : i32
        %scatter3A_872 = tpu.memref_slice %arg9[%scatter3A_868, %scatter3A_869, %scatter3A_870, %scatter3A_871] : memref<2x8x8x128xf32, #tpu.memory_space<vmem>> -> memref<1x8x8x128xf32, #tpu.memory_space<vmem>>
        %scatter3A_873 = tpu.memref_squeeze %scatter3A_872 : memref<1x8x8x128xf32, #tpu.memory_space<vmem>> -> memref<8x8x128xf32, #tpu.memory_space<vmem>>
        tpu.vector_store_idx %scatter3A_873[%add3A_864, %and3A_867, %add3A_272], %gather3A_858 : memref<8x8x128xf32, #tpu.memory_space<vmem>>[vector<16xi32>, vector<16xi32>, vector<16xi32>], vector<16xf32>,
        %add3A_874 = arith.addi %add3A_631, %and3A_71 : vector<16xi32>
        %gather3A_875 = arith.constant 0 : i32
        %gather3A_876 = arith.constant 0 : i32
        %gather3A_877 = arith.constant 0 : i32
        %gather3A_878 = tpu.memref_slice %arg8[%gather3A_875, %gather3A_876, %gather3A_877] : memref<2x128x128xf32, #tpu.memory_space<vmem>> -> memref<1x128x128xf32, #tpu.memory_space<vmem>>
        %gather3A_879 = tpu.memref_squeeze %gather3A_878 : memref<1x128x128xf32, #tpu.memory_space<vmem>> -> memref<128x128xf32, #tpu.memory_space<vmem>>
        %gather3A_880 = tpu.vector_load_idx %gather3A_879[%add3A_272, %add3A_874] : memref<128x128xf32, #tpu.memory_space<vmem>>[vector<16xi32>, vector<16xi32>], vector<16xf32>,
        %shift_right_arithmetic3A_881 = arith.constant 3 : i32
        %shift_right_arithmetic3A_882 = vector.broadcast %shift_right_arithmetic3A_881 : i32 to vector<16xi32>
        %shift_right_arithmetic3A_883 = arith.shrsi %and3A_71, %shift_right_arithmetic3A_882 : vector<16xi32>
        %add3A_884 = arith.constant 2 : i32
        %add3A_885 = vector.broadcast %add3A_884 : i32 to vector<16xi32>
        %add3A_886 = arith.addi %add3A_885, %shift_right_arithmetic3A_883 : vector<16xi32>
        %and3A_887 = arith.constant 7 : i32
        %and3A_888 = vector.broadcast %and3A_887 : i32 to vector<16xi32>
        %and3A_889 = arith.andi %and3A_71, %and3A_888 : vector<16xi32>
        %scatter3A_890 = arith.constant 0 : i32
        %scatter3A_891 = arith.constant 0 : i32
        %scatter3A_892 = arith.constant 0 : i32
        %scatter3A_893 = arith.constant 0 : i32
        %scatter3A_894 = tpu.memref_slice %arg9[%scatter3A_890, %scatter3A_891, %scatter3A_892, %scatter3A_893] : memref<2x8x8x128xf32, #tpu.memory_space<vmem>> -> memref<1x8x8x128xf32, #tpu.memory_space<vmem>>
        %scatter3A_895 = tpu.memref_squeeze %scatter3A_894 : memref<1x8x8x128xf32, #tpu.memory_space<vmem>> -> memref<8x8x128xf32, #tpu.memory_space<vmem>>
        tpu.vector_store_idx %scatter3A_895[%add3A_886, %and3A_889, %add3A_272], %gather3A_880 : memref<8x8x128xf32, #tpu.memory_space<vmem>>[vector<16xi32>, vector<16xi32>, vector<16xi32>], vector<16xf32>,
        %add3A_896 = arith.addi %add3A_631, %and3A_77 : vector<16xi32>
        %gather3A_897 = arith.constant 0 : i32
        %gather3A_898 = arith.constant 0 : i32
        %gather3A_899 = arith.constant 0 : i32
        %gather3A_900 = tpu.memref_slice %arg8[%gather3A_897, %gather3A_898, %gather3A_899] : memref<2x128x128xf32, #tpu.memory_space<vmem>> -> memref<1x128x128xf32, #tpu.memory_space<vmem>>
        %gather3A_901 = tpu.memref_squeeze %gather3A_900 : memref<1x128x128xf32, #tpu.memory_space<vmem>> -> memref<128x128xf32, #tpu.memory_space<vmem>>
        %gather3A_902 = tpu.vector_load_idx %gather3A_901[%add3A_272, %add3A_896] : memref<128x128xf32, #tpu.memory_space<vmem>>[vector<16xi32>, vector<16xi32>], vector<16xf32>,
        %shift_right_arithmetic3A_903 = arith.constant 3 : i32
        %shift_right_arithmetic3A_904 = vector.broadcast %shift_right_arithmetic3A_903 : i32 to vector<16xi32>
        %shift_right_arithmetic3A_905 = arith.shrsi %and3A_77, %shift_right_arithmetic3A_904 : vector<16xi32>
        %add3A_906 = arith.constant 2 : i32
        %add3A_907 = vector.broadcast %add3A_906 : i32 to vector<16xi32>
        %add3A_908 = arith.addi %add3A_907, %shift_right_arithmetic3A_905 : vector<16xi32>
        %and3A_909 = arith.constant 7 : i32
        %and3A_910 = vector.broadcast %and3A_909 : i32 to vector<16xi32>
        %and3A_911 = arith.andi %and3A_77, %and3A_910 : vector<16xi32>
        %scatter3A_912 = arith.constant 0 : i32
        %scatter3A_913 = arith.constant 0 : i32
        %scatter3A_914 = arith.constant 0 : i32
        %scatter3A_915 = arith.constant 0 : i32
        %scatter3A_916 = tpu.memref_slice %arg9[%scatter3A_912, %scatter3A_913, %scatter3A_914, %scatter3A_915] : memref<2x8x8x128xf32, #tpu.memory_space<vmem>> -> memref<1x8x8x128xf32, #tpu.memory_space<vmem>>
        %scatter3A_917 = tpu.memref_squeeze %scatter3A_916 : memref<1x8x8x128xf32, #tpu.memory_space<vmem>> -> memref<8x8x128xf32, #tpu.memory_space<vmem>>
        tpu.vector_store_idx %scatter3A_917[%add3A_908, %and3A_911, %add3A_272], %gather3A_902 : memref<8x8x128xf32, #tpu.memory_space<vmem>>[vector<16xi32>, vector<16xi32>, vector<16xi32>], vector<16xf32>,
        %add3A_918 = arith.addi %add3A_631, %and3A_83 : vector<16xi32>
        %gather3A_919 = arith.constant 0 : i32
        %gather3A_920 = arith.constant 0 : i32
        %gather3A_921 = arith.constant 0 : i32
        %gather3A_922 = tpu.memref_slice %arg8[%gather3A_919, %gather3A_920, %gather3A_921] : memref<2x128x128xf32, #tpu.memory_space<vmem>> -> memref<1x128x128xf32, #tpu.memory_space<vmem>>
        %gather3A_923 = tpu.memref_squeeze %gather3A_922 : memref<1x128x128xf32, #tpu.memory_space<vmem>> -> memref<128x128xf32, #tpu.memory_space<vmem>>
        %gather3A_924 = tpu.vector_load_idx %gather3A_923[%add3A_272, %add3A_918] : memref<128x128xf32, #tpu.memory_space<vmem>>[vector<16xi32>, vector<16xi32>], vector<16xf32>,
        %shift_right_arithmetic3A_925 = arith.constant 3 : i32
        %shift_right_arithmetic3A_926 = vector.broadcast %shift_right_arithmetic3A_925 : i32 to vector<16xi32>
        %shift_right_arithmetic3A_927 = arith.shrsi %and3A_83, %shift_right_arithmetic3A_926 : vector<16xi32>
        %add3A_928 = arith.constant 2 : i32
        %add3A_929 = vector.broadcast %add3A_928 : i32 to vector<16xi32>
        %add3A_930 = arith.addi %add3A_929, %shift_right_arithmetic3A_927 : vector<16xi32>
        %and3A_931 = arith.constant 7 : i32
        %and3A_932 = vector.broadcast %and3A_931 : i32 to vector<16xi32>
        %and3A_933 = arith.andi %and3A_83, %and3A_932 : vector<16xi32>
        %scatter3A_934 = arith.constant 0 : i32
        %scatter3A_935 = arith.constant 0 : i32
        %scatter3A_936 = arith.constant 0 : i32
        %scatter3A_937 = arith.constant 0 : i32
        %scatter3A_938 = tpu.memref_slice %arg9[%scatter3A_934, %scatter3A_935, %scatter3A_936, %scatter3A_937] : memref<2x8x8x128xf32, #tpu.memory_space<vmem>> -> memref<1x8x8x128xf32, #tpu.memory_space<vmem>>
        %scatter3A_939 = tpu.memref_squeeze %scatter3A_938 : memref<1x8x8x128xf32, #tpu.memory_space<vmem>> -> memref<8x8x128xf32, #tpu.memory_space<vmem>>
        tpu.vector_store_idx %scatter3A_939[%add3A_930, %and3A_933, %add3A_272], %gather3A_924 : memref<8x8x128xf32, #tpu.memory_space<vmem>>[vector<16xi32>, vector<16xi32>, vector<16xi32>], vector<16xf32>,
        %add3A_940 = arith.addi %add3A_631, %and3A_89 : vector<16xi32>
        %gather3A_941 = arith.constant 0 : i32
        %gather3A_942 = arith.constant 0 : i32
        %gather3A_943 = arith.constant 0 : i32
        %gather3A_944 = tpu.memref_slice %arg8[%gather3A_941, %gather3A_942, %gather3A_943] : memref<2x128x128xf32, #tpu.memory_space<vmem>> -> memref<1x128x128xf32, #tpu.memory_space<vmem>>
        %gather3A_945 = tpu.memref_squeeze %gather3A_944 : memref<1x128x128xf32, #tpu.memory_space<vmem>> -> memref<128x128xf32, #tpu.memory_space<vmem>>
        %gather3A_946 = tpu.vector_load_idx %gather3A_945[%add3A_272, %add3A_940] : memref<128x128xf32, #tpu.memory_space<vmem>>[vector<16xi32>, vector<16xi32>], vector<16xf32>,
        %shift_right_arithmetic3A_947 = arith.constant 3 : i32
        %shift_right_arithmetic3A_948 = vector.broadcast %shift_right_arithmetic3A_947 : i32 to vector<16xi32>
        %shift_right_arithmetic3A_949 = arith.shrsi %and3A_89, %shift_right_arithmetic3A_948 : vector<16xi32>
        %add3A_950 = arith.constant 2 : i32
        %add3A_951 = vector.broadcast %add3A_950 : i32 to vector<16xi32>
        %add3A_952 = arith.addi %add3A_951, %shift_right_arithmetic3A_949 : vector<16xi32>
        %and3A_953 = arith.constant 7 : i32
        %and3A_954 = vector.broadcast %and3A_953 : i32 to vector<16xi32>
        %and3A_955 = arith.andi %and3A_89, %and3A_954 : vector<16xi32>
        %scatter3A_956 = arith.constant 0 : i32
        %scatter3A_957 = arith.constant 0 : i32
        %scatter3A_958 = arith.constant 0 : i32
        %scatter3A_959 = arith.constant 0 : i32
        %scatter3A_960 = tpu.memref_slice %arg9[%scatter3A_956, %scatter3A_957, %scatter3A_958, %scatter3A_959] : memref<2x8x8x128xf32, #tpu.memory_space<vmem>> -> memref<1x8x8x128xf32, #tpu.memory_space<vmem>>
        %scatter3A_961 = tpu.memref_squeeze %scatter3A_960 : memref<1x8x8x128xf32, #tpu.memory_space<vmem>> -> memref<8x8x128xf32, #tpu.memory_space<vmem>>
        tpu.vector_store_idx %scatter3A_961[%add3A_952, %and3A_955, %add3A_272], %gather3A_946 : memref<8x8x128xf32, #tpu.memory_space<vmem>>[vector<16xi32>, vector<16xi32>, vector<16xi32>], vector<16xf32>,
        %add3A_962 = arith.addi %add3A_631, %and3A_95 : vector<16xi32>
        %gather3A_963 = arith.constant 0 : i32
        %gather3A_964 = arith.constant 0 : i32
        %gather3A_965 = arith.constant 0 : i32
        %gather3A_966 = tpu.memref_slice %arg8[%gather3A_963, %gather3A_964, %gather3A_965] : memref<2x128x128xf32, #tpu.memory_space<vmem>> -> memref<1x128x128xf32, #tpu.memory_space<vmem>>
        %gather3A_967 = tpu.memref_squeeze %gather3A_966 : memref<1x128x128xf32, #tpu.memory_space<vmem>> -> memref<128x128xf32, #tpu.memory_space<vmem>>
        %gather3A_968 = tpu.vector_load_idx %gather3A_967[%add3A_272, %add3A_962] : memref<128x128xf32, #tpu.memory_space<vmem>>[vector<16xi32>, vector<16xi32>], vector<16xf32>,
        %shift_right_arithmetic3A_969 = arith.constant 3 : i32
        %shift_right_arithmetic3A_970 = vector.broadcast %shift_right_arithmetic3A_969 : i32 to vector<16xi32>
        %shift_right_arithmetic3A_971 = arith.shrsi %and3A_95, %shift_right_arithmetic3A_970 : vector<16xi32>
        %add3A_972 = arith.constant 2 : i32
        %add3A_973 = vector.broadcast %add3A_972 : i32 to vector<16xi32>
        %add3A_974 = arith.addi %add3A_973, %shift_right_arithmetic3A_971 : vector<16xi32>
        %and3A_975 = arith.constant 7 : i32
        %and3A_976 = vector.broadcast %and3A_975 : i32 to vector<16xi32>
        %and3A_977 = arith.andi %and3A_95, %and3A_976 : vector<16xi32>
        %scatter3A_978 = arith.constant 0 : i32
        %scatter3A_979 = arith.constant 0 : i32
        %scatter3A_980 = arith.constant 0 : i32
        %scatter3A_981 = arith.constant 0 : i32
        %scatter3A_982 = tpu.memref_slice %arg9[%scatter3A_978, %scatter3A_979, %scatter3A_980, %scatter3A_981] : memref<2x8x8x128xf32, #tpu.memory_space<vmem>> -> memref<1x8x8x128xf32, #tpu.memory_space<vmem>>
        %scatter3A_983 = tpu.memref_squeeze %scatter3A_982 : memref<1x8x8x128xf32, #tpu.memory_space<vmem>> -> memref<8x8x128xf32, #tpu.memory_space<vmem>>
        tpu.vector_store_idx %scatter3A_983[%add3A_974, %and3A_977, %add3A_272], %gather3A_968 : memref<8x8x128xf32, #tpu.memory_space<vmem>>[vector<16xi32>, vector<16xi32>, vector<16xi32>], vector<16xf32>,
        %add3A_984 = arith.constant 32 : i32
        %add3A_985 = vector.broadcast %add3A_984 : i32 to vector<16xi32>
        %add3A_986 = arith.addi %add3A_985, %get3A_276 : vector<16xi32>
        %add3A_987 = arith.addi %add3A_986, %and3A_5 : vector<16xi32>
        %gather3A_988 = arith.constant 0 : i32
        %gather3A_989 = arith.constant 0 : i32
        %gather3A_990 = arith.constant 0 : i32
        %gather3A_991 = tpu.memref_slice %arg8[%gather3A_988, %gather3A_989, %gather3A_990] : memref<2x128x128xf32, #tpu.memory_space<vmem>> -> memref<1x128x128xf32, #tpu.memory_space<vmem>>
        %gather3A_992 = tpu.memref_squeeze %gather3A_991 : memref<1x128x128xf32, #tpu.memory_space<vmem>> -> memref<128x128xf32, #tpu.memory_space<vmem>>
        %gather3A_993 = tpu.vector_load_idx %gather3A_992[%add3A_272, %add3A_987] : memref<128x128xf32, #tpu.memory_space<vmem>>[vector<16xi32>, vector<16xi32>], vector<16xf32>,
        %shift_right_arithmetic3A_994 = arith.constant 3 : i32
        %shift_right_arithmetic3A_995 = vector.broadcast %shift_right_arithmetic3A_994 : i32 to vector<16xi32>
        %shift_right_arithmetic3A_996 = arith.shrsi %and3A_5, %shift_right_arithmetic3A_995 : vector<16xi32>
        %add3A_997 = arith.constant 4 : i32
        %add3A_998 = vector.broadcast %add3A_997 : i32 to vector<16xi32>
        %add3A_999 = arith.addi %add3A_998, %shift_right_arithmetic3A_996 : vector<16xi32>
        %and3A_1000 = arith.constant 7 : i32
        %and3A_1001 = vector.broadcast %and3A_1000 : i32 to vector<16xi32>
        %and3A_1002 = arith.andi %and3A_5, %and3A_1001 : vector<16xi32>
        %scatter3A_1003 = arith.constant 0 : i32
        %scatter3A_1004 = arith.constant 0 : i32
        %scatter3A_1005 = arith.constant 0 : i32
        %scatter3A_1006 = arith.constant 0 : i32
        %scatter3A_1007 = tpu.memref_slice %arg9[%scatter3A_1003, %scatter3A_1004, %scatter3A_1005, %scatter3A_1006] : memref<2x8x8x128xf32, #tpu.memory_space<vmem>> -> memref<1x8x8x128xf32, #tpu.memory_space<vmem>>
        %scatter3A_1008 = tpu.memref_squeeze %scatter3A_1007 : memref<1x8x8x128xf32, #tpu.memory_space<vmem>> -> memref<8x8x128xf32, #tpu.memory_space<vmem>>
        tpu.vector_store_idx %scatter3A_1008[%add3A_999, %and3A_1002, %add3A_272], %gather3A_993 : memref<8x8x128xf32, #tpu.memory_space<vmem>>[vector<16xi32>, vector<16xi32>, vector<16xi32>], vector<16xf32>,
        %add3A_1009 = arith.addi %add3A_986, %and3A_11 : vector<16xi32>
        %gather3A_1010 = arith.constant 0 : i32
        %gather3A_1011 = arith.constant 0 : i32
        %gather3A_1012 = arith.constant 0 : i32
        %gather3A_1013 = tpu.memref_slice %arg8[%gather3A_1010, %gather3A_1011, %gather3A_1012] : memref<2x128x128xf32, #tpu.memory_space<vmem>> -> memref<1x128x128xf32, #tpu.memory_space<vmem>>
        %gather3A_1014 = tpu.memref_squeeze %gather3A_1013 : memref<1x128x128xf32, #tpu.memory_space<vmem>> -> memref<128x128xf32, #tpu.memory_space<vmem>>
        %gather3A_1015 = tpu.vector_load_idx %gather3A_1014[%add3A_272, %add3A_1009] : memref<128x128xf32, #tpu.memory_space<vmem>>[vector<16xi32>, vector<16xi32>], vector<16xf32>,
        %shift_right_arithmetic3A_1016 = arith.constant 3 : i32
        %shift_right_arithmetic3A_1017 = vector.broadcast %shift_right_arithmetic3A_1016 : i32 to vector<16xi32>
        %shift_right_arithmetic3A_1018 = arith.shrsi %and3A_11, %shift_right_arithmetic3A_1017 : vector<16xi32>
        %add3A_1019 = arith.constant 4 : i32
        %add3A_1020 = vector.broadcast %add3A_1019 : i32 to vector<16xi32>
        %add3A_1021 = arith.addi %add3A_1020, %shift_right_arithmetic3A_1018 : vector<16xi32>
        %and3A_1022 = arith.constant 7 : i32
        %and3A_1023 = vector.broadcast %and3A_1022 : i32 to vector<16xi32>
        %and3A_1024 = arith.andi %and3A_11, %and3A_1023 : vector<16xi32>
        %scatter3A_1025 = arith.constant 0 : i32
        %scatter3A_1026 = arith.constant 0 : i32
        %scatter3A_1027 = arith.constant 0 : i32
        %scatter3A_1028 = arith.constant 0 : i32
        %scatter3A_1029 = tpu.memref_slice %arg9[%scatter3A_1025, %scatter3A_1026, %scatter3A_1027, %scatter3A_1028] : memref<2x8x8x128xf32, #tpu.memory_space<vmem>> -> memref<1x8x8x128xf32, #tpu.memory_space<vmem>>
        %scatter3A_1030 = tpu.memref_squeeze %scatter3A_1029 : memref<1x8x8x128xf32, #tpu.memory_space<vmem>> -> memref<8x8x128xf32, #tpu.memory_space<vmem>>
        tpu.vector_store_idx %scatter3A_1030[%add3A_1021, %and3A_1024, %add3A_272], %gather3A_1015 : memref<8x8x128xf32, #tpu.memory_space<vmem>>[vector<16xi32>, vector<16xi32>, vector<16xi32>], vector<16xf32>,
        %add3A_1031 = arith.addi %add3A_986, %and3A_17 : vector<16xi32>
        %gather3A_1032 = arith.constant 0 : i32
        %gather3A_1033 = arith.constant 0 : i32
        %gather3A_1034 = arith.constant 0 : i32
        %gather3A_1035 = tpu.memref_slice %arg8[%gather3A_1032, %gather3A_1033, %gather3A_1034] : memref<2x128x128xf32, #tpu.memory_space<vmem>> -> memref<1x128x128xf32, #tpu.memory_space<vmem>>
        %gather3A_1036 = tpu.memref_squeeze %gather3A_1035 : memref<1x128x128xf32, #tpu.memory_space<vmem>> -> memref<128x128xf32, #tpu.memory_space<vmem>>
        %gather3A_1037 = tpu.vector_load_idx %gather3A_1036[%add3A_272, %add3A_1031] : memref<128x128xf32, #tpu.memory_space<vmem>>[vector<16xi32>, vector<16xi32>], vector<16xf32>,
        %shift_right_arithmetic3A_1038 = arith.constant 3 : i32
        %shift_right_arithmetic3A_1039 = vector.broadcast %shift_right_arithmetic3A_1038 : i32 to vector<16xi32>
        %shift_right_arithmetic3A_1040 = arith.shrsi %and3A_17, %shift_right_arithmetic3A_1039 : vector<16xi32>
        %add3A_1041 = arith.constant 4 : i32
        %add3A_1042 = vector.broadcast %add3A_1041 : i32 to vector<16xi32>
        %add3A_1043 = arith.addi %add3A_1042, %shift_right_arithmetic3A_1040 : vector<16xi32>
        %and3A_1044 = arith.constant 7 : i32
        %and3A_1045 = vector.broadcast %and3A_1044 : i32 to vector<16xi32>
        %and3A_1046 = arith.andi %and3A_17, %and3A_1045 : vector<16xi32>
        %scatter3A_1047 = arith.constant 0 : i32
        %scatter3A_1048 = arith.constant 0 : i32
        %scatter3A_1049 = arith.constant 0 : i32
        %scatter3A_1050 = arith.constant 0 : i32
        %scatter3A_1051 = tpu.memref_slice %arg9[%scatter3A_1047, %scatter3A_1048, %scatter3A_1049, %scatter3A_1050] : memref<2x8x8x128xf32, #tpu.memory_space<vmem>> -> memref<1x8x8x128xf32, #tpu.memory_space<vmem>>
        %scatter3A_1052 = tpu.memref_squeeze %scatter3A_1051 : memref<1x8x8x128xf32, #tpu.memory_space<vmem>> -> memref<8x8x128xf32, #tpu.memory_space<vmem>>
        tpu.vector_store_idx %scatter3A_1052[%add3A_1043, %and3A_1046, %add3A_272], %gather3A_1037 : memref<8x8x128xf32, #tpu.memory_space<vmem>>[vector<16xi32>, vector<16xi32>, vector<16xi32>], vector<16xf32>,
        %add3A_1053 = arith.addi %add3A_986, %and3A_23 : vector<16xi32>
        %gather3A_1054 = arith.constant 0 : i32
        %gather3A_1055 = arith.constant 0 : i32
        %gather3A_1056 = arith.constant 0 : i32
        %gather3A_1057 = tpu.memref_slice %arg8[%gather3A_1054, %gather3A_1055, %gather3A_1056] : memref<2x128x128xf32, #tpu.memory_space<vmem>> -> memref<1x128x128xf32, #tpu.memory_space<vmem>>
        %gather3A_1058 = tpu.memref_squeeze %gather3A_1057 : memref<1x128x128xf32, #tpu.memory_space<vmem>> -> memref<128x128xf32, #tpu.memory_space<vmem>>
        %gather3A_1059 = tpu.vector_load_idx %gather3A_1058[%add3A_272, %add3A_1053] : memref<128x128xf32, #tpu.memory_space<vmem>>[vector<16xi32>, vector<16xi32>], vector<16xf32>,
        %shift_right_arithmetic3A_1060 = arith.constant 3 : i32
        %shift_right_arithmetic3A_1061 = vector.broadcast %shift_right_arithmetic3A_1060 : i32 to vector<16xi32>
        %shift_right_arithmetic3A_1062 = arith.shrsi %and3A_23, %shift_right_arithmetic3A_1061 : vector<16xi32>
        %add3A_1063 = arith.constant 4 : i32
        %add3A_1064 = vector.broadcast %add3A_1063 : i32 to vector<16xi32>
        %add3A_1065 = arith.addi %add3A_1064, %shift_right_arithmetic3A_1062 : vector<16xi32>
        %and3A_1066 = arith.constant 7 : i32
        %and3A_1067 = vector.broadcast %and3A_1066 : i32 to vector<16xi32>
        %and3A_1068 = arith.andi %and3A_23, %and3A_1067 : vector<16xi32>
        %scatter3A_1069 = arith.constant 0 : i32
        %scatter3A_1070 = arith.constant 0 : i32
        %scatter3A_1071 = arith.constant 0 : i32
        %scatter3A_1072 = arith.constant 0 : i32
        %scatter3A_1073 = tpu.memref_slice %arg9[%scatter3A_1069, %scatter3A_1070, %scatter3A_1071, %scatter3A_1072] : memref<2x8x8x128xf32, #tpu.memory_space<vmem>> -> memref<1x8x8x128xf32, #tpu.memory_space<vmem>>
        %scatter3A_1074 = tpu.memref_squeeze %scatter3A_1073 : memref<1x8x8x128xf32, #tpu.memory_space<vmem>> -> memref<8x8x128xf32, #tpu.memory_space<vmem>>
        tpu.vector_store_idx %scatter3A_1074[%add3A_1065, %and3A_1068, %add3A_272], %gather3A_1059 : memref<8x8x128xf32, #tpu.memory_space<vmem>>[vector<16xi32>, vector<16xi32>, vector<16xi32>], vector<16xf32>,
        %add3A_1075 = arith.addi %add3A_986, %and3A_29 : vector<16xi32>
        %gather3A_1076 = arith.constant 0 : i32
        %gather3A_1077 = arith.constant 0 : i32
        %gather3A_1078 = arith.constant 0 : i32
        %gather3A_1079 = tpu.memref_slice %arg8[%gather3A_1076, %gather3A_1077, %gather3A_1078] : memref<2x128x128xf32, #tpu.memory_space<vmem>> -> memref<1x128x128xf32, #tpu.memory_space<vmem>>
        %gather3A_1080 = tpu.memref_squeeze %gather3A_1079 : memref<1x128x128xf32, #tpu.memory_space<vmem>> -> memref<128x128xf32, #tpu.memory_space<vmem>>
        %gather3A_1081 = tpu.vector_load_idx %gather3A_1080[%add3A_272, %add3A_1075] : memref<128x128xf32, #tpu.memory_space<vmem>>[vector<16xi32>, vector<16xi32>], vector<16xf32>,
        %shift_right_arithmetic3A_1082 = arith.constant 3 : i32
        %shift_right_arithmetic3A_1083 = vector.broadcast %shift_right_arithmetic3A_1082 : i32 to vector<16xi32>
        %shift_right_arithmetic3A_1084 = arith.shrsi %and3A_29, %shift_right_arithmetic3A_1083 : vector<16xi32>
        %add3A_1085 = arith.constant 4 : i32
        %add3A_1086 = vector.broadcast %add3A_1085 : i32 to vector<16xi32>
        %add3A_1087 = arith.addi %add3A_1086, %shift_right_arithmetic3A_1084 : vector<16xi32>
        %and3A_1088 = arith.constant 7 : i32
        %and3A_1089 = vector.broadcast %and3A_1088 : i32 to vector<16xi32>
        %and3A_1090 = arith.andi %and3A_29, %and3A_1089 : vector<16xi32>
        %scatter3A_1091 = arith.constant 0 : i32
        %scatter3A_1092 = arith.constant 0 : i32
        %scatter3A_1093 = arith.constant 0 : i32
        %scatter3A_1094 = arith.constant 0 : i32
        %scatter3A_1095 = tpu.memref_slice %arg9[%scatter3A_1091, %scatter3A_1092, %scatter3A_1093, %scatter3A_1094] : memref<2x8x8x128xf32, #tpu.memory_space<vmem>> -> memref<1x8x8x128xf32, #tpu.memory_space<vmem>>
        %scatter3A_1096 = tpu.memref_squeeze %scatter3A_1095 : memref<1x8x8x128xf32, #tpu.memory_space<vmem>> -> memref<8x8x128xf32, #tpu.memory_space<vmem>>
        tpu.vector_store_idx %scatter3A_1096[%add3A_1087, %and3A_1090, %add3A_272], %gather3A_1081 : memref<8x8x128xf32, #tpu.memory_space<vmem>>[vector<16xi32>, vector<16xi32>, vector<16xi32>], vector<16xf32>,
        %add3A_1097 = arith.addi %add3A_986, %and3A_35 : vector<16xi32>
        %gather3A_1098 = arith.constant 0 : i32
        %gather3A_1099 = arith.constant 0 : i32
        %gather3A_1100 = arith.constant 0 : i32
        %gather3A_1101 = tpu.memref_slice %arg8[%gather3A_1098, %gather3A_1099, %gather3A_1100] : memref<2x128x128xf32, #tpu.memory_space<vmem>> -> memref<1x128x128xf32, #tpu.memory_space<vmem>>
        %gather3A_1102 = tpu.memref_squeeze %gather3A_1101 : memref<1x128x128xf32, #tpu.memory_space<vmem>> -> memref<128x128xf32, #tpu.memory_space<vmem>>
        %gather3A_1103 = tpu.vector_load_idx %gather3A_1102[%add3A_272, %add3A_1097] : memref<128x128xf32, #tpu.memory_space<vmem>>[vector<16xi32>, vector<16xi32>], vector<16xf32>,
        %shift_right_arithmetic3A_1104 = arith.constant 3 : i32
        %shift_right_arithmetic3A_1105 = vector.broadcast %shift_right_arithmetic3A_1104 : i32 to vector<16xi32>
        %shift_right_arithmetic3A_1106 = arith.shrsi %and3A_35, %shift_right_arithmetic3A_1105 : vector<16xi32>
        %add3A_1107 = arith.constant 4 : i32
        %add3A_1108 = vector.broadcast %add3A_1107 : i32 to vector<16xi32>
        %add3A_1109 = arith.addi %add3A_1108, %shift_right_arithmetic3A_1106 : vector<16xi32>
        %and3A_1110 = arith.constant 7 : i32
        %and3A_1111 = vector.broadcast %and3A_1110 : i32 to vector<16xi32>
        %and3A_1112 = arith.andi %and3A_35, %and3A_1111 : vector<16xi32>
        %scatter3A_1113 = arith.constant 0 : i32
        %scatter3A_1114 = arith.constant 0 : i32
        %scatter3A_1115 = arith.constant 0 : i32
        %scatter3A_1116 = arith.constant 0 : i32
        %scatter3A_1117 = tpu.memref_slice %arg9[%scatter3A_1113, %scatter3A_1114, %scatter3A_1115, %scatter3A_1116] : memref<2x8x8x128xf32, #tpu.memory_space<vmem>> -> memref<1x8x8x128xf32, #tpu.memory_space<vmem>>
        %scatter3A_1118 = tpu.memref_squeeze %scatter3A_1117 : memref<1x8x8x128xf32, #tpu.memory_space<vmem>> -> memref<8x8x128xf32, #tpu.memory_space<vmem>>
        tpu.vector_store_idx %scatter3A_1118[%add3A_1109, %and3A_1112, %add3A_272], %gather3A_1103 : memref<8x8x128xf32, #tpu.memory_space<vmem>>[vector<16xi32>, vector<16xi32>, vector<16xi32>], vector<16xf32>,
        %add3A_1119 = arith.addi %add3A_986, %and3A_41 : vector<16xi32>
        %gather3A_1120 = arith.constant 0 : i32
        %gather3A_1121 = arith.constant 0 : i32
        %gather3A_1122 = arith.constant 0 : i32
        %gather3A_1123 = tpu.memref_slice %arg8[%gather3A_1120, %gather3A_1121, %gather3A_1122] : memref<2x128x128xf32, #tpu.memory_space<vmem>> -> memref<1x128x128xf32, #tpu.memory_space<vmem>>
        %gather3A_1124 = tpu.memref_squeeze %gather3A_1123 : memref<1x128x128xf32, #tpu.memory_space<vmem>> -> memref<128x128xf32, #tpu.memory_space<vmem>>
        %gather3A_1125 = tpu.vector_load_idx %gather3A_1124[%add3A_272, %add3A_1119] : memref<128x128xf32, #tpu.memory_space<vmem>>[vector<16xi32>, vector<16xi32>], vector<16xf32>,
        %shift_right_arithmetic3A_1126 = arith.constant 3 : i32
        %shift_right_arithmetic3A_1127 = vector.broadcast %shift_right_arithmetic3A_1126 : i32 to vector<16xi32>
        %shift_right_arithmetic3A_1128 = arith.shrsi %and3A_41, %shift_right_arithmetic3A_1127 : vector<16xi32>
        %add3A_1129 = arith.constant 4 : i32
        %add3A_1130 = vector.broadcast %add3A_1129 : i32 to vector<16xi32>
        %add3A_1131 = arith.addi %add3A_1130, %shift_right_arithmetic3A_1128 : vector<16xi32>
        %and3A_1132 = arith.constant 7 : i32
        %and3A_1133 = vector.broadcast %and3A_1132 : i32 to vector<16xi32>
        %and3A_1134 = arith.andi %and3A_41, %and3A_1133 : vector<16xi32>
        %scatter3A_1135 = arith.constant 0 : i32
        %scatter3A_1136 = arith.constant 0 : i32
        %scatter3A_1137 = arith.constant 0 : i32
        %scatter3A_1138 = arith.constant 0 : i32
        %scatter3A_1139 = tpu.memref_slice %arg9[%scatter3A_1135, %scatter3A_1136, %scatter3A_1137, %scatter3A_1138] : memref<2x8x8x128xf32, #tpu.memory_space<vmem>> -> memref<1x8x8x128xf32, #tpu.memory_space<vmem>>
        %scatter3A_1140 = tpu.memref_squeeze %scatter3A_1139 : memref<1x8x8x128xf32, #tpu.memory_space<vmem>> -> memref<8x8x128xf32, #tpu.memory_space<vmem>>
        tpu.vector_store_idx %scatter3A_1140[%add3A_1131, %and3A_1134, %add3A_272], %gather3A_1125 : memref<8x8x128xf32, #tpu.memory_space<vmem>>[vector<16xi32>, vector<16xi32>, vector<16xi32>], vector<16xf32>,
        %add3A_1141 = arith.addi %add3A_986, %and3A_47 : vector<16xi32>
        %gather3A_1142 = arith.constant 0 : i32
        %gather3A_1143 = arith.constant 0 : i32
        %gather3A_1144 = arith.constant 0 : i32
        %gather3A_1145 = tpu.memref_slice %arg8[%gather3A_1142, %gather3A_1143, %gather3A_1144] : memref<2x128x128xf32, #tpu.memory_space<vmem>> -> memref<1x128x128xf32, #tpu.memory_space<vmem>>
        %gather3A_1146 = tpu.memref_squeeze %gather3A_1145 : memref<1x128x128xf32, #tpu.memory_space<vmem>> -> memref<128x128xf32, #tpu.memory_space<vmem>>
        %gather3A_1147 = tpu.vector_load_idx %gather3A_1146[%add3A_272, %add3A_1141] : memref<128x128xf32, #tpu.memory_space<vmem>>[vector<16xi32>, vector<16xi32>], vector<16xf32>,
        %shift_right_arithmetic3A_1148 = arith.constant 3 : i32
        %shift_right_arithmetic3A_1149 = vector.broadcast %shift_right_arithmetic3A_1148 : i32 to vector<16xi32>
        %shift_right_arithmetic3A_1150 = arith.shrsi %and3A_47, %shift_right_arithmetic3A_1149 : vector<16xi32>
        %add3A_1151 = arith.constant 4 : i32
        %add3A_1152 = vector.broadcast %add3A_1151 : i32 to vector<16xi32>
        %add3A_1153 = arith.addi %add3A_1152, %shift_right_arithmetic3A_1150 : vector<16xi32>
        %and3A_1154 = arith.constant 7 : i32
        %and3A_1155 = vector.broadcast %and3A_1154 : i32 to vector<16xi32>
        %and3A_1156 = arith.andi %and3A_47, %and3A_1155 : vector<16xi32>
        %scatter3A_1157 = arith.constant 0 : i32
        %scatter3A_1158 = arith.constant 0 : i32
        %scatter3A_1159 = arith.constant 0 : i32
        %scatter3A_1160 = arith.constant 0 : i32
        %scatter3A_1161 = tpu.memref_slice %arg9[%scatter3A_1157, %scatter3A_1158, %scatter3A_1159, %scatter3A_1160] : memref<2x8x8x128xf32, #tpu.memory_space<vmem>> -> memref<1x8x8x128xf32, #tpu.memory_space<vmem>>
        %scatter3A_1162 = tpu.memref_squeeze %scatter3A_1161 : memref<1x8x8x128xf32, #tpu.memory_space<vmem>> -> memref<8x8x128xf32, #tpu.memory_space<vmem>>
        tpu.vector_store_idx %scatter3A_1162[%add3A_1153, %and3A_1156, %add3A_272], %gather3A_1147 : memref<8x8x128xf32, #tpu.memory_space<vmem>>[vector<16xi32>, vector<16xi32>, vector<16xi32>], vector<16xf32>,
        %add3A_1163 = arith.addi %add3A_986, %and3A_53 : vector<16xi32>
        %gather3A_1164 = arith.constant 0 : i32
        %gather3A_1165 = arith.constant 0 : i32
        %gather3A_1166 = arith.constant 0 : i32
        %gather3A_1167 = tpu.memref_slice %arg8[%gather3A_1164, %gather3A_1165, %gather3A_1166] : memref<2x128x128xf32, #tpu.memory_space<vmem>> -> memref<1x128x128xf32, #tpu.memory_space<vmem>>
        %gather3A_1168 = tpu.memref_squeeze %gather3A_1167 : memref<1x128x128xf32, #tpu.memory_space<vmem>> -> memref<128x128xf32, #tpu.memory_space<vmem>>
        %gather3A_1169 = tpu.vector_load_idx %gather3A_1168[%add3A_272, %add3A_1163] : memref<128x128xf32, #tpu.memory_space<vmem>>[vector<16xi32>, vector<16xi32>], vector<16xf32>,
        %shift_right_arithmetic3A_1170 = arith.constant 3 : i32
        %shift_right_arithmetic3A_1171 = vector.broadcast %shift_right_arithmetic3A_1170 : i32 to vector<16xi32>
        %shift_right_arithmetic3A_1172 = arith.shrsi %and3A_53, %shift_right_arithmetic3A_1171 : vector<16xi32>
        %add3A_1173 = arith.constant 4 : i32
        %add3A_1174 = vector.broadcast %add3A_1173 : i32 to vector<16xi32>
        %add3A_1175 = arith.addi %add3A_1174, %shift_right_arithmetic3A_1172 : vector<16xi32>
        %and3A_1176 = arith.constant 7 : i32
        %and3A_1177 = vector.broadcast %and3A_1176 : i32 to vector<16xi32>
        %and3A_1178 = arith.andi %and3A_53, %and3A_1177 : vector<16xi32>
        %scatter3A_1179 = arith.constant 0 : i32
        %scatter3A_1180 = arith.constant 0 : i32
        %scatter3A_1181 = arith.constant 0 : i32
        %scatter3A_1182 = arith.constant 0 : i32
        %scatter3A_1183 = tpu.memref_slice %arg9[%scatter3A_1179, %scatter3A_1180, %scatter3A_1181, %scatter3A_1182] : memref<2x8x8x128xf32, #tpu.memory_space<vmem>> -> memref<1x8x8x128xf32, #tpu.memory_space<vmem>>
        %scatter3A_1184 = tpu.memref_squeeze %scatter3A_1183 : memref<1x8x8x128xf32, #tpu.memory_space<vmem>> -> memref<8x8x128xf32, #tpu.memory_space<vmem>>
        tpu.vector_store_idx %scatter3A_1184[%add3A_1175, %and3A_1178, %add3A_272], %gather3A_1169 : memref<8x8x128xf32, #tpu.memory_space<vmem>>[vector<16xi32>, vector<16xi32>, vector<16xi32>], vector<16xf32>,
        %add3A_1185 = arith.addi %add3A_986, %and3A_59 : vector<16xi32>
        %gather3A_1186 = arith.constant 0 : i32
        %gather3A_1187 = arith.constant 0 : i32
        %gather3A_1188 = arith.constant 0 : i32
        %gather3A_1189 = tpu.memref_slice %arg8[%gather3A_1186, %gather3A_1187, %gather3A_1188] : memref<2x128x128xf32, #tpu.memory_space<vmem>> -> memref<1x128x128xf32, #tpu.memory_space<vmem>>
        %gather3A_1190 = tpu.memref_squeeze %gather3A_1189 : memref<1x128x128xf32, #tpu.memory_space<vmem>> -> memref<128x128xf32, #tpu.memory_space<vmem>>
        %gather3A_1191 = tpu.vector_load_idx %gather3A_1190[%add3A_272, %add3A_1185] : memref<128x128xf32, #tpu.memory_space<vmem>>[vector<16xi32>, vector<16xi32>], vector<16xf32>,
        %shift_right_arithmetic3A_1192 = arith.constant 3 : i32
        %shift_right_arithmetic3A_1193 = vector.broadcast %shift_right_arithmetic3A_1192 : i32 to vector<16xi32>
        %shift_right_arithmetic3A_1194 = arith.shrsi %and3A_59, %shift_right_arithmetic3A_1193 : vector<16xi32>
        %add3A_1195 = arith.constant 4 : i32
        %add3A_1196 = vector.broadcast %add3A_1195 : i32 to vector<16xi32>
        %add3A_1197 = arith.addi %add3A_1196, %shift_right_arithmetic3A_1194 : vector<16xi32>
        %and3A_1198 = arith.constant 7 : i32
        %and3A_1199 = vector.broadcast %and3A_1198 : i32 to vector<16xi32>
        %and3A_1200 = arith.andi %and3A_59, %and3A_1199 : vector<16xi32>
        %scatter3A_1201 = arith.constant 0 : i32
        %scatter3A_1202 = arith.constant 0 : i32
        %scatter3A_1203 = arith.constant 0 : i32
        %scatter3A_1204 = arith.constant 0 : i32
        %scatter3A_1205 = tpu.memref_slice %arg9[%scatter3A_1201, %scatter3A_1202, %scatter3A_1203, %scatter3A_1204] : memref<2x8x8x128xf32, #tpu.memory_space<vmem>> -> memref<1x8x8x128xf32, #tpu.memory_space<vmem>>
        %scatter3A_1206 = tpu.memref_squeeze %scatter3A_1205 : memref<1x8x8x128xf32, #tpu.memory_space<vmem>> -> memref<8x8x128xf32, #tpu.memory_space<vmem>>
        tpu.vector_store_idx %scatter3A_1206[%add3A_1197, %and3A_1200, %add3A_272], %gather3A_1191 : memref<8x8x128xf32, #tpu.memory_space<vmem>>[vector<16xi32>, vector<16xi32>, vector<16xi32>], vector<16xf32>,
        %add3A_1207 = arith.addi %add3A_986, %and3A_65 : vector<16xi32>
        %gather3A_1208 = arith.constant 0 : i32
        %gather3A_1209 = arith.constant 0 : i32
        %gather3A_1210 = arith.constant 0 : i32
        %gather3A_1211 = tpu.memref_slice %arg8[%gather3A_1208, %gather3A_1209, %gather3A_1210] : memref<2x128x128xf32, #tpu.memory_space<vmem>> -> memref<1x128x128xf32, #tpu.memory_space<vmem>>
        %gather3A_1212 = tpu.memref_squeeze %gather3A_1211 : memref<1x128x128xf32, #tpu.memory_space<vmem>> -> memref<128x128xf32, #tpu.memory_space<vmem>>
        %gather3A_1213 = tpu.vector_load_idx %gather3A_1212[%add3A_272, %add3A_1207] : memref<128x128xf32, #tpu.memory_space<vmem>>[vector<16xi32>, vector<16xi32>], vector<16xf32>,
        %shift_right_arithmetic3A_1214 = arith.constant 3 : i32
        %shift_right_arithmetic3A_1215 = vector.broadcast %shift_right_arithmetic3A_1214 : i32 to vector<16xi32>
        %shift_right_arithmetic3A_1216 = arith.shrsi %and3A_65, %shift_right_arithmetic3A_1215 : vector<16xi32>
        %add3A_1217 = arith.constant 4 : i32
        %add3A_1218 = vector.broadcast %add3A_1217 : i32 to vector<16xi32>
        %add3A_1219 = arith.addi %add3A_1218, %shift_right_arithmetic3A_1216 : vector<16xi32>
        %and3A_1220 = arith.constant 7 : i32
        %and3A_1221 = vector.broadcast %and3A_1220 : i32 to vector<16xi32>
        %and3A_1222 = arith.andi %and3A_65, %and3A_1221 : vector<16xi32>
        %scatter3A_1223 = arith.constant 0 : i32
        %scatter3A_1224 = arith.constant 0 : i32
        %scatter3A_1225 = arith.constant 0 : i32
        %scatter3A_1226 = arith.constant 0 : i32
        %scatter3A_1227 = tpu.memref_slice %arg9[%scatter3A_1223, %scatter3A_1224, %scatter3A_1225, %scatter3A_1226] : memref<2x8x8x128xf32, #tpu.memory_space<vmem>> -> memref<1x8x8x128xf32, #tpu.memory_space<vmem>>
        %scatter3A_1228 = tpu.memref_squeeze %scatter3A_1227 : memref<1x8x8x128xf32, #tpu.memory_space<vmem>> -> memref<8x8x128xf32, #tpu.memory_space<vmem>>
        tpu.vector_store_idx %scatter3A_1228[%add3A_1219, %and3A_1222, %add3A_272], %gather3A_1213 : memref<8x8x128xf32, #tpu.memory_space<vmem>>[vector<16xi32>, vector<16xi32>, vector<16xi32>], vector<16xf32>,
        %add3A_1229 = arith.addi %add3A_986, %and3A_71 : vector<16xi32>
        %gather3A_1230 = arith.constant 0 : i32
        %gather3A_1231 = arith.constant 0 : i32
        %gather3A_1232 = arith.constant 0 : i32
        %gather3A_1233 = tpu.memref_slice %arg8[%gather3A_1230, %gather3A_1231, %gather3A_1232] : memref<2x128x128xf32, #tpu.memory_space<vmem>> -> memref<1x128x128xf32, #tpu.memory_space<vmem>>
        %gather3A_1234 = tpu.memref_squeeze %gather3A_1233 : memref<1x128x128xf32, #tpu.memory_space<vmem>> -> memref<128x128xf32, #tpu.memory_space<vmem>>
        %gather3A_1235 = tpu.vector_load_idx %gather3A_1234[%add3A_272, %add3A_1229] : memref<128x128xf32, #tpu.memory_space<vmem>>[vector<16xi32>, vector<16xi32>], vector<16xf32>,
        %shift_right_arithmetic3A_1236 = arith.constant 3 : i32
        %shift_right_arithmetic3A_1237 = vector.broadcast %shift_right_arithmetic3A_1236 : i32 to vector<16xi32>
        %shift_right_arithmetic3A_1238 = arith.shrsi %and3A_71, %shift_right_arithmetic3A_1237 : vector<16xi32>
        %add3A_1239 = arith.constant 4 : i32
        %add3A_1240 = vector.broadcast %add3A_1239 : i32 to vector<16xi32>
        %add3A_1241 = arith.addi %add3A_1240, %shift_right_arithmetic3A_1238 : vector<16xi32>
        %and3A_1242 = arith.constant 7 : i32
        %and3A_1243 = vector.broadcast %and3A_1242 : i32 to vector<16xi32>
        %and3A_1244 = arith.andi %and3A_71, %and3A_1243 : vector<16xi32>
        %scatter3A_1245 = arith.constant 0 : i32
        %scatter3A_1246 = arith.constant 0 : i32
        %scatter3A_1247 = arith.constant 0 : i32
        %scatter3A_1248 = arith.constant 0 : i32
        %scatter3A_1249 = tpu.memref_slice %arg9[%scatter3A_1245, %scatter3A_1246, %scatter3A_1247, %scatter3A_1248] : memref<2x8x8x128xf32, #tpu.memory_space<vmem>> -> memref<1x8x8x128xf32, #tpu.memory_space<vmem>>
        %scatter3A_1250 = tpu.memref_squeeze %scatter3A_1249 : memref<1x8x8x128xf32, #tpu.memory_space<vmem>> -> memref<8x8x128xf32, #tpu.memory_space<vmem>>
        tpu.vector_store_idx %scatter3A_1250[%add3A_1241, %and3A_1244, %add3A_272], %gather3A_1235 : memref<8x8x128xf32, #tpu.memory_space<vmem>>[vector<16xi32>, vector<16xi32>, vector<16xi32>], vector<16xf32>,
        %add3A_1251 = arith.addi %add3A_986, %and3A_77 : vector<16xi32>
        %gather3A_1252 = arith.constant 0 : i32
        %gather3A_1253 = arith.constant 0 : i32
        %gather3A_1254 = arith.constant 0 : i32
        %gather3A_1255 = tpu.memref_slice %arg8[%gather3A_1252, %gather3A_1253, %gather3A_1254] : memref<2x128x128xf32, #tpu.memory_space<vmem>> -> memref<1x128x128xf32, #tpu.memory_space<vmem>>
        %gather3A_1256 = tpu.memref_squeeze %gather3A_1255 : memref<1x128x128xf32, #tpu.memory_space<vmem>> -> memref<128x128xf32, #tpu.memory_space<vmem>>
        %gather3A_1257 = tpu.vector_load_idx %gather3A_1256[%add3A_272, %add3A_1251] : memref<128x128xf32, #tpu.memory_space<vmem>>[vector<16xi32>, vector<16xi32>], vector<16xf32>,
        %shift_right_arithmetic3A_1258 = arith.constant 3 : i32
        %shift_right_arithmetic3A_1259 = vector.broadcast %shift_right_arithmetic3A_1258 : i32 to vector<16xi32>
        %shift_right_arithmetic3A_1260 = arith.shrsi %and3A_77, %shift_right_arithmetic3A_1259 : vector<16xi32>
        %add3A_1261 = arith.constant 4 : i32
        %add3A_1262 = vector.broadcast %add3A_1261 : i32 to vector<16xi32>
        %add3A_1263 = arith.addi %add3A_1262, %shift_right_arithmetic3A_1260 : vector<16xi32>
        %and3A_1264 = arith.constant 7 : i32
        %and3A_1265 = vector.broadcast %and3A_1264 : i32 to vector<16xi32>
        %and3A_1266 = arith.andi %and3A_77, %and3A_1265 : vector<16xi32>
        %scatter3A_1267 = arith.constant 0 : i32
        %scatter3A_1268 = arith.constant 0 : i32
        %scatter3A_1269 = arith.constant 0 : i32
        %scatter3A_1270 = arith.constant 0 : i32
        %scatter3A_1271 = tpu.memref_slice %arg9[%scatter3A_1267, %scatter3A_1268, %scatter3A_1269, %scatter3A_1270] : memref<2x8x8x128xf32, #tpu.memory_space<vmem>> -> memref<1x8x8x128xf32, #tpu.memory_space<vmem>>
        %scatter3A_1272 = tpu.memref_squeeze %scatter3A_1271 : memref<1x8x8x128xf32, #tpu.memory_space<vmem>> -> memref<8x8x128xf32, #tpu.memory_space<vmem>>
        tpu.vector_store_idx %scatter3A_1272[%add3A_1263, %and3A_1266, %add3A_272], %gather3A_1257 : memref<8x8x128xf32, #tpu.memory_space<vmem>>[vector<16xi32>, vector<16xi32>, vector<16xi32>], vector<16xf32>,
        %add3A_1273 = arith.addi %add3A_986, %and3A_83 : vector<16xi32>
        %gather3A_1274 = arith.constant 0 : i32
        %gather3A_1275 = arith.constant 0 : i32
        %gather3A_1276 = arith.constant 0 : i32
        %gather3A_1277 = tpu.memref_slice %arg8[%gather3A_1274, %gather3A_1275, %gather3A_1276] : memref<2x128x128xf32, #tpu.memory_space<vmem>> -> memref<1x128x128xf32, #tpu.memory_space<vmem>>
        %gather3A_1278 = tpu.memref_squeeze %gather3A_1277 : memref<1x128x128xf32, #tpu.memory_space<vmem>> -> memref<128x128xf32, #tpu.memory_space<vmem>>
        %gather3A_1279 = tpu.vector_load_idx %gather3A_1278[%add3A_272, %add3A_1273] : memref<128x128xf32, #tpu.memory_space<vmem>>[vector<16xi32>, vector<16xi32>], vector<16xf32>,
        %shift_right_arithmetic3A_1280 = arith.constant 3 : i32
        %shift_right_arithmetic3A_1281 = vector.broadcast %shift_right_arithmetic3A_1280 : i32 to vector<16xi32>
        %shift_right_arithmetic3A_1282 = arith.shrsi %and3A_83, %shift_right_arithmetic3A_1281 : vector<16xi32>
        %add3A_1283 = arith.constant 4 : i32
        %add3A_1284 = vector.broadcast %add3A_1283 : i32 to vector<16xi32>
        %add3A_1285 = arith.addi %add3A_1284, %shift_right_arithmetic3A_1282 : vector<16xi32>
        %and3A_1286 = arith.constant 7 : i32
        %and3A_1287 = vector.broadcast %and3A_1286 : i32 to vector<16xi32>
        %and3A_1288 = arith.andi %and3A_83, %and3A_1287 : vector<16xi32>
        %scatter3A_1289 = arith.constant 0 : i32
        %scatter3A_1290 = arith.constant 0 : i32
        %scatter3A_1291 = arith.constant 0 : i32
        %scatter3A_1292 = arith.constant 0 : i32
        %scatter3A_1293 = tpu.memref_slice %arg9[%scatter3A_1289, %scatter3A_1290, %scatter3A_1291, %scatter3A_1292] : memref<2x8x8x128xf32, #tpu.memory_space<vmem>> -> memref<1x8x8x128xf32, #tpu.memory_space<vmem>>
        %scatter3A_1294 = tpu.memref_squeeze %scatter3A_1293 : memref<1x8x8x128xf32, #tpu.memory_space<vmem>> -> memref<8x8x128xf32, #tpu.memory_space<vmem>>
        tpu.vector_store_idx %scatter3A_1294[%add3A_1285, %and3A_1288, %add3A_272], %gather3A_1279 : memref<8x8x128xf32, #tpu.memory_space<vmem>>[vector<16xi32>, vector<16xi32>, vector<16xi32>], vector<16xf32>,
        %add3A_1295 = arith.addi %add3A_986, %and3A_89 : vector<16xi32>
        %gather3A_1296 = arith.constant 0 : i32
        %gather3A_1297 = arith.constant 0 : i32
        %gather3A_1298 = arith.constant 0 : i32
        %gather3A_1299 = tpu.memref_slice %arg8[%gather3A_1296, %gather3A_1297, %gather3A_1298] : memref<2x128x128xf32, #tpu.memory_space<vmem>> -> memref<1x128x128xf32, #tpu.memory_space<vmem>>
        %gather3A_1300 = tpu.memref_squeeze %gather3A_1299 : memref<1x128x128xf32, #tpu.memory_space<vmem>> -> memref<128x128xf32, #tpu.memory_space<vmem>>
        %gather3A_1301 = tpu.vector_load_idx %gather3A_1300[%add3A_272, %add3A_1295] : memref<128x128xf32, #tpu.memory_space<vmem>>[vector<16xi32>, vector<16xi32>], vector<16xf32>,
        %shift_right_arithmetic3A_1302 = arith.constant 3 : i32
        %shift_right_arithmetic3A_1303 = vector.broadcast %shift_right_arithmetic3A_1302 : i32 to vector<16xi32>
        %shift_right_arithmetic3A_1304 = arith.shrsi %and3A_89, %shift_right_arithmetic3A_1303 : vector<16xi32>
        %add3A_1305 = arith.constant 4 : i32
        %add3A_1306 = vector.broadcast %add3A_1305 : i32 to vector<16xi32>
        %add3A_1307 = arith.addi %add3A_1306, %shift_right_arithmetic3A_1304 : vector<16xi32>
        %and3A_1308 = arith.constant 7 : i32
        %and3A_1309 = vector.broadcast %and3A_1308 : i32 to vector<16xi32>
        %and3A_1310 = arith.andi %and3A_89, %and3A_1309 : vector<16xi32>
        %scatter3A_1311 = arith.constant 0 : i32
        %scatter3A_1312 = arith.constant 0 : i32
        %scatter3A_1313 = arith.constant 0 : i32
        %scatter3A_1314 = arith.constant 0 : i32
        %scatter3A_1315 = tpu.memref_slice %arg9[%scatter3A_1311, %scatter3A_1312, %scatter3A_1313, %scatter3A_1314] : memref<2x8x8x128xf32, #tpu.memory_space<vmem>> -> memref<1x8x8x128xf32, #tpu.memory_space<vmem>>
        %scatter3A_1316 = tpu.memref_squeeze %scatter3A_1315 : memref<1x8x8x128xf32, #tpu.memory_space<vmem>> -> memref<8x8x128xf32, #tpu.memory_space<vmem>>
        tpu.vector_store_idx %scatter3A_1316[%add3A_1307, %and3A_1310, %add3A_272], %gather3A_1301 : memref<8x8x128xf32, #tpu.memory_space<vmem>>[vector<16xi32>, vector<16xi32>, vector<16xi32>], vector<16xf32>,
        %add3A_1317 = arith.addi %add3A_986, %and3A_95 : vector<16xi32>
        %gather3A_1318 = arith.constant 0 : i32
        %gather3A_1319 = arith.constant 0 : i32
        %gather3A_1320 = arith.constant 0 : i32
        %gather3A_1321 = tpu.memref_slice %arg8[%gather3A_1318, %gather3A_1319, %gather3A_1320] : memref<2x128x128xf32, #tpu.memory_space<vmem>> -> memref<1x128x128xf32, #tpu.memory_space<vmem>>
        %gather3A_1322 = tpu.memref_squeeze %gather3A_1321 : memref<1x128x128xf32, #tpu.memory_space<vmem>> -> memref<128x128xf32, #tpu.memory_space<vmem>>
        %gather3A_1323 = tpu.vector_load_idx %gather3A_1322[%add3A_272, %add3A_1317] : memref<128x128xf32, #tpu.memory_space<vmem>>[vector<16xi32>, vector<16xi32>], vector<16xf32>,
        %shift_right_arithmetic3A_1324 = arith.constant 3 : i32
        %shift_right_arithmetic3A_1325 = vector.broadcast %shift_right_arithmetic3A_1324 : i32 to vector<16xi32>
        %shift_right_arithmetic3A_1326 = arith.shrsi %and3A_95, %shift_right_arithmetic3A_1325 : vector<16xi32>
        %add3A_1327 = arith.constant 4 : i32
        %add3A_1328 = vector.broadcast %add3A_1327 : i32 to vector<16xi32>
        %add3A_1329 = arith.addi %add3A_1328, %shift_right_arithmetic3A_1326 : vector<16xi32>
        %and3A_1330 = arith.constant 7 : i32
        %and3A_1331 = vector.broadcast %and3A_1330 : i32 to vector<16xi32>
        %and3A_1332 = arith.andi %and3A_95, %and3A_1331 : vector<16xi32>
        %scatter3A_1333 = arith.constant 0 : i32
        %scatter3A_1334 = arith.constant 0 : i32
        %scatter3A_1335 = arith.constant 0 : i32
        %scatter3A_1336 = arith.constant 0 : i32
        %scatter3A_1337 = tpu.memref_slice %arg9[%scatter3A_1333, %scatter3A_1334, %scatter3A_1335, %scatter3A_1336] : memref<2x8x8x128xf32, #tpu.memory_space<vmem>> -> memref<1x8x8x128xf32, #tpu.memory_space<vmem>>
        %scatter3A_1338 = tpu.memref_squeeze %scatter3A_1337 : memref<1x8x8x128xf32, #tpu.memory_space<vmem>> -> memref<8x8x128xf32, #tpu.memory_space<vmem>>
        tpu.vector_store_idx %scatter3A_1338[%add3A_1329, %and3A_1332, %add3A_272], %gather3A_1323 : memref<8x8x128xf32, #tpu.memory_space<vmem>>[vector<16xi32>, vector<16xi32>, vector<16xi32>], vector<16xf32>,
        %add3A_1339 = arith.constant 48 : i32
        %add3A_1340 = vector.broadcast %add3A_1339 : i32 to vector<16xi32>
        %add3A_1341 = arith.addi %add3A_1340, %get3A_276 : vector<16xi32>
        %add3A_1342 = arith.addi %add3A_1341, %and3A_5 : vector<16xi32>
        %gather3A_1343 = arith.constant 0 : i32
        %gather3A_1344 = arith.constant 0 : i32
        %gather3A_1345 = arith.constant 0 : i32
        %gather3A_1346 = tpu.memref_slice %arg8[%gather3A_1343, %gather3A_1344, %gather3A_1345] : memref<2x128x128xf32, #tpu.memory_space<vmem>> -> memref<1x128x128xf32, #tpu.memory_space<vmem>>
        %gather3A_1347 = tpu.memref_squeeze %gather3A_1346 : memref<1x128x128xf32, #tpu.memory_space<vmem>> -> memref<128x128xf32, #tpu.memory_space<vmem>>
        %gather3A_1348 = tpu.vector_load_idx %gather3A_1347[%add3A_272, %add3A_1342] : memref<128x128xf32, #tpu.memory_space<vmem>>[vector<16xi32>, vector<16xi32>], vector<16xf32>,
        %shift_right_arithmetic3A_1349 = arith.constant 3 : i32
        %shift_right_arithmetic3A_1350 = vector.broadcast %shift_right_arithmetic3A_1349 : i32 to vector<16xi32>
        %shift_right_arithmetic3A_1351 = arith.shrsi %and3A_5, %shift_right_arithmetic3A_1350 : vector<16xi32>
        %add3A_1352 = arith.constant 6 : i32
        %add3A_1353 = vector.broadcast %add3A_1352 : i32 to vector<16xi32>
        %add3A_1354 = arith.addi %add3A_1353, %shift_right_arithmetic3A_1351 : vector<16xi32>
        %and3A_1355 = arith.constant 7 : i32
        %and3A_1356 = vector.broadcast %and3A_1355 : i32 to vector<16xi32>
        %and3A_1357 = arith.andi %and3A_5, %and3A_1356 : vector<16xi32>
        %scatter3A_1358 = arith.constant 0 : i32
        %scatter3A_1359 = arith.constant 0 : i32
        %scatter3A_1360 = arith.constant 0 : i32
        %scatter3A_1361 = arith.constant 0 : i32
        %scatter3A_1362 = tpu.memref_slice %arg9[%scatter3A_1358, %scatter3A_1359, %scatter3A_1360, %scatter3A_1361] : memref<2x8x8x128xf32, #tpu.memory_space<vmem>> -> memref<1x8x8x128xf32, #tpu.memory_space<vmem>>
        %scatter3A_1363 = tpu.memref_squeeze %scatter3A_1362 : memref<1x8x8x128xf32, #tpu.memory_space<vmem>> -> memref<8x8x128xf32, #tpu.memory_space<vmem>>
        tpu.vector_store_idx %scatter3A_1363[%add3A_1354, %and3A_1357, %add3A_272], %gather3A_1348 : memref<8x8x128xf32, #tpu.memory_space<vmem>>[vector<16xi32>, vector<16xi32>, vector<16xi32>], vector<16xf32>,
        %add3A_1364 = arith.addi %add3A_1341, %and3A_11 : vector<16xi32>
        %gather3A_1365 = arith.constant 0 : i32
        %gather3A_1366 = arith.constant 0 : i32
        %gather3A_1367 = arith.constant 0 : i32
        %gather3A_1368 = tpu.memref_slice %arg8[%gather3A_1365, %gather3A_1366, %gather3A_1367] : memref<2x128x128xf32, #tpu.memory_space<vmem>> -> memref<1x128x128xf32, #tpu.memory_space<vmem>>
        %gather3A_1369 = tpu.memref_squeeze %gather3A_1368 : memref<1x128x128xf32, #tpu.memory_space<vmem>> -> memref<128x128xf32, #tpu.memory_space<vmem>>
        %gather3A_1370 = tpu.vector_load_idx %gather3A_1369[%add3A_272, %add3A_1364] : memref<128x128xf32, #tpu.memory_space<vmem>>[vector<16xi32>, vector<16xi32>], vector<16xf32>,
        %shift_right_arithmetic3A_1371 = arith.constant 3 : i32
        %shift_right_arithmetic3A_1372 = vector.broadcast %shift_right_arithmetic3A_1371 : i32 to vector<16xi32>
        %shift_right_arithmetic3A_1373 = arith.shrsi %and3A_11, %shift_right_arithmetic3A_1372 : vector<16xi32>
        %add3A_1374 = arith.constant 6 : i32
        %add3A_1375 = vector.broadcast %add3A_1374 : i32 to vector<16xi32>
        %add3A_1376 = arith.addi %add3A_1375, %shift_right_arithmetic3A_1373 : vector<16xi32>
        %and3A_1377 = arith.constant 7 : i32
        %and3A_1378 = vector.broadcast %and3A_1377 : i32 to vector<16xi32>
        %and3A_1379 = arith.andi %and3A_11, %and3A_1378 : vector<16xi32>
        %scatter3A_1380 = arith.constant 0 : i32
        %scatter3A_1381 = arith.constant 0 : i32
        %scatter3A_1382 = arith.constant 0 : i32
        %scatter3A_1383 = arith.constant 0 : i32
        %scatter3A_1384 = tpu.memref_slice %arg9[%scatter3A_1380, %scatter3A_1381, %scatter3A_1382, %scatter3A_1383] : memref<2x8x8x128xf32, #tpu.memory_space<vmem>> -> memref<1x8x8x128xf32, #tpu.memory_space<vmem>>
        %scatter3A_1385 = tpu.memref_squeeze %scatter3A_1384 : memref<1x8x8x128xf32, #tpu.memory_space<vmem>> -> memref<8x8x128xf32, #tpu.memory_space<vmem>>
        tpu.vector_store_idx %scatter3A_1385[%add3A_1376, %and3A_1379, %add3A_272], %gather3A_1370 : memref<8x8x128xf32, #tpu.memory_space<vmem>>[vector<16xi32>, vector<16xi32>, vector<16xi32>], vector<16xf32>,
        %add3A_1386 = arith.addi %add3A_1341, %and3A_17 : vector<16xi32>
        %gather3A_1387 = arith.constant 0 : i32
        %gather3A_1388 = arith.constant 0 : i32
        %gather3A_1389 = arith.constant 0 : i32
        %gather3A_1390 = tpu.memref_slice %arg8[%gather3A_1387, %gather3A_1388, %gather3A_1389] : memref<2x128x128xf32, #tpu.memory_space<vmem>> -> memref<1x128x128xf32, #tpu.memory_space<vmem>>
        %gather3A_1391 = tpu.memref_squeeze %gather3A_1390 : memref<1x128x128xf32, #tpu.memory_space<vmem>> -> memref<128x128xf32, #tpu.memory_space<vmem>>
        %gather3A_1392 = tpu.vector_load_idx %gather3A_1391[%add3A_272, %add3A_1386] : memref<128x128xf32, #tpu.memory_space<vmem>>[vector<16xi32>, vector<16xi32>], vector<16xf32>,
        %shift_right_arithmetic3A_1393 = arith.constant 3 : i32
        %shift_right_arithmetic3A_1394 = vector.broadcast %shift_right_arithmetic3A_1393 : i32 to vector<16xi32>
        %shift_right_arithmetic3A_1395 = arith.shrsi %and3A_17, %shift_right_arithmetic3A_1394 : vector<16xi32>
        %add3A_1396 = arith.constant 6 : i32
        %add3A_1397 = vector.broadcast %add3A_1396 : i32 to vector<16xi32>
        %add3A_1398 = arith.addi %add3A_1397, %shift_right_arithmetic3A_1395 : vector<16xi32>
        %and3A_1399 = arith.constant 7 : i32
        %and3A_1400 = vector.broadcast %and3A_1399 : i32 to vector<16xi32>
        %and3A_1401 = arith.andi %and3A_17, %and3A_1400 : vector<16xi32>
        %scatter3A_1402 = arith.constant 0 : i32
        %scatter3A_1403 = arith.constant 0 : i32
        %scatter3A_1404 = arith.constant 0 : i32
        %scatter3A_1405 = arith.constant 0 : i32
        %scatter3A_1406 = tpu.memref_slice %arg9[%scatter3A_1402, %scatter3A_1403, %scatter3A_1404, %scatter3A_1405] : memref<2x8x8x128xf32, #tpu.memory_space<vmem>> -> memref<1x8x8x128xf32, #tpu.memory_space<vmem>>
        %scatter3A_1407 = tpu.memref_squeeze %scatter3A_1406 : memref<1x8x8x128xf32, #tpu.memory_space<vmem>> -> memref<8x8x128xf32, #tpu.memory_space<vmem>>
        tpu.vector_store_idx %scatter3A_1407[%add3A_1398, %and3A_1401, %add3A_272], %gather3A_1392 : memref<8x8x128xf32, #tpu.memory_space<vmem>>[vector<16xi32>, vector<16xi32>, vector<16xi32>], vector<16xf32>,
        %add3A_1408 = arith.addi %add3A_1341, %and3A_23 : vector<16xi32>
        %gather3A_1409 = arith.constant 0 : i32
        %gather3A_1410 = arith.constant 0 : i32
        %gather3A_1411 = arith.constant 0 : i32
        %gather3A_1412 = tpu.memref_slice %arg8[%gather3A_1409, %gather3A_1410, %gather3A_1411] : memref<2x128x128xf32, #tpu.memory_space<vmem>> -> memref<1x128x128xf32, #tpu.memory_space<vmem>>
        %gather3A_1413 = tpu.memref_squeeze %gather3A_1412 : memref<1x128x128xf32, #tpu.memory_space<vmem>> -> memref<128x128xf32, #tpu.memory_space<vmem>>
        %gather3A_1414 = tpu.vector_load_idx %gather3A_1413[%add3A_272, %add3A_1408] : memref<128x128xf32, #tpu.memory_space<vmem>>[vector<16xi32>, vector<16xi32>], vector<16xf32>,
        %shift_right_arithmetic3A_1415 = arith.constant 3 : i32
        %shift_right_arithmetic3A_1416 = vector.broadcast %shift_right_arithmetic3A_1415 : i32 to vector<16xi32>
        %shift_right_arithmetic3A_1417 = arith.shrsi %and3A_23, %shift_right_arithmetic3A_1416 : vector<16xi32>
        %add3A_1418 = arith.constant 6 : i32
        %add3A_1419 = vector.broadcast %add3A_1418 : i32 to vector<16xi32>
        %add3A_1420 = arith.addi %add3A_1419, %shift_right_arithmetic3A_1417 : vector<16xi32>
        %and3A_1421 = arith.constant 7 : i32
        %and3A_1422 = vector.broadcast %and3A_1421 : i32 to vector<16xi32>
        %and3A_1423 = arith.andi %and3A_23, %and3A_1422 : vector<16xi32>
        %scatter3A_1424 = arith.constant 0 : i32
        %scatter3A_1425 = arith.constant 0 : i32
        %scatter3A_1426 = arith.constant 0 : i32
        %scatter3A_1427 = arith.constant 0 : i32
        %scatter3A_1428 = tpu.memref_slice %arg9[%scatter3A_1424, %scatter3A_1425, %scatter3A_1426, %scatter3A_1427] : memref<2x8x8x128xf32, #tpu.memory_space<vmem>> -> memref<1x8x8x128xf32, #tpu.memory_space<vmem>>
        %scatter3A_1429 = tpu.memref_squeeze %scatter3A_1428 : memref<1x8x8x128xf32, #tpu.memory_space<vmem>> -> memref<8x8x128xf32, #tpu.memory_space<vmem>>
        tpu.vector_store_idx %scatter3A_1429[%add3A_1420, %and3A_1423, %add3A_272], %gather3A_1414 : memref<8x8x128xf32, #tpu.memory_space<vmem>>[vector<16xi32>, vector<16xi32>, vector<16xi32>], vector<16xf32>,
        %add3A_1430 = arith.addi %add3A_1341, %and3A_29 : vector<16xi32>
        %gather3A_1431 = arith.constant 0 : i32
        %gather3A_1432 = arith.constant 0 : i32
        %gather3A_1433 = arith.constant 0 : i32
        %gather3A_1434 = tpu.memref_slice %arg8[%gather3A_1431, %gather3A_1432, %gather3A_1433] : memref<2x128x128xf32, #tpu.memory_space<vmem>> -> memref<1x128x128xf32, #tpu.memory_space<vmem>>
        %gather3A_1435 = tpu.memref_squeeze %gather3A_1434 : memref<1x128x128xf32, #tpu.memory_space<vmem>> -> memref<128x128xf32, #tpu.memory_space<vmem>>
        %gather3A_1436 = tpu.vector_load_idx %gather3A_1435[%add3A_272, %add3A_1430] : memref<128x128xf32, #tpu.memory_space<vmem>>[vector<16xi32>, vector<16xi32>], vector<16xf32>,
        %shift_right_arithmetic3A_1437 = arith.constant 3 : i32
        %shift_right_arithmetic3A_1438 = vector.broadcast %shift_right_arithmetic3A_1437 : i32 to vector<16xi32>
        %shift_right_arithmetic3A_1439 = arith.shrsi %and3A_29, %shift_right_arithmetic3A_1438 : vector<16xi32>
        %add3A_1440 = arith.constant 6 : i32
        %add3A_1441 = vector.broadcast %add3A_1440 : i32 to vector<16xi32>
        %add3A_1442 = arith.addi %add3A_1441, %shift_right_arithmetic3A_1439 : vector<16xi32>
        %and3A_1443 = arith.constant 7 : i32
        %and3A_1444 = vector.broadcast %and3A_1443 : i32 to vector<16xi32>
        %and3A_1445 = arith.andi %and3A_29, %and3A_1444 : vector<16xi32>
        %scatter3A_1446 = arith.constant 0 : i32
        %scatter3A_1447 = arith.constant 0 : i32
        %scatter3A_1448 = arith.constant 0 : i32
        %scatter3A_1449 = arith.constant 0 : i32
        %scatter3A_1450 = tpu.memref_slice %arg9[%scatter3A_1446, %scatter3A_1447, %scatter3A_1448, %scatter3A_1449] : memref<2x8x8x128xf32, #tpu.memory_space<vmem>> -> memref<1x8x8x128xf32, #tpu.memory_space<vmem>>
        %scatter3A_1451 = tpu.memref_squeeze %scatter3A_1450 : memref<1x8x8x128xf32, #tpu.memory_space<vmem>> -> memref<8x8x128xf32, #tpu.memory_space<vmem>>
        tpu.vector_store_idx %scatter3A_1451[%add3A_1442, %and3A_1445, %add3A_272], %gather3A_1436 : memref<8x8x128xf32, #tpu.memory_space<vmem>>[vector<16xi32>, vector<16xi32>, vector<16xi32>], vector<16xf32>,
        %add3A_1452 = arith.addi %add3A_1341, %and3A_35 : vector<16xi32>
        %gather3A_1453 = arith.constant 0 : i32
        %gather3A_1454 = arith.constant 0 : i32
        %gather3A_1455 = arith.constant 0 : i32
        %gather3A_1456 = tpu.memref_slice %arg8[%gather3A_1453, %gather3A_1454, %gather3A_1455] : memref<2x128x128xf32, #tpu.memory_space<vmem>> -> memref<1x128x128xf32, #tpu.memory_space<vmem>>
        %gather3A_1457 = tpu.memref_squeeze %gather3A_1456 : memref<1x128x128xf32, #tpu.memory_space<vmem>> -> memref<128x128xf32, #tpu.memory_space<vmem>>
        %gather3A_1458 = tpu.vector_load_idx %gather3A_1457[%add3A_272, %add3A_1452] : memref<128x128xf32, #tpu.memory_space<vmem>>[vector<16xi32>, vector<16xi32>], vector<16xf32>,
        %shift_right_arithmetic3A_1459 = arith.constant 3 : i32
        %shift_right_arithmetic3A_1460 = vector.broadcast %shift_right_arithmetic3A_1459 : i32 to vector<16xi32>
        %shift_right_arithmetic3A_1461 = arith.shrsi %and3A_35, %shift_right_arithmetic3A_1460 : vector<16xi32>
        %add3A_1462 = arith.constant 6 : i32
        %add3A_1463 = vector.broadcast %add3A_1462 : i32 to vector<16xi32>
        %add3A_1464 = arith.addi %add3A_1463, %shift_right_arithmetic3A_1461 : vector<16xi32>
        %and3A_1465 = arith.constant 7 : i32
        %and3A_1466 = vector.broadcast %and3A_1465 : i32 to vector<16xi32>
        %and3A_1467 = arith.andi %and3A_35, %and3A_1466 : vector<16xi32>
        %scatter3A_1468 = arith.constant 0 : i32
        %scatter3A_1469 = arith.constant 0 : i32
        %scatter3A_1470 = arith.constant 0 : i32
        %scatter3A_1471 = arith.constant 0 : i32
        %scatter3A_1472 = tpu.memref_slice %arg9[%scatter3A_1468, %scatter3A_1469, %scatter3A_1470, %scatter3A_1471] : memref<2x8x8x128xf32, #tpu.memory_space<vmem>> -> memref<1x8x8x128xf32, #tpu.memory_space<vmem>>
        %scatter3A_1473 = tpu.memref_squeeze %scatter3A_1472 : memref<1x8x8x128xf32, #tpu.memory_space<vmem>> -> memref<8x8x128xf32, #tpu.memory_space<vmem>>
        tpu.vector_store_idx %scatter3A_1473[%add3A_1464, %and3A_1467, %add3A_272], %gather3A_1458 : memref<8x8x128xf32, #tpu.memory_space<vmem>>[vector<16xi32>, vector<16xi32>, vector<16xi32>], vector<16xf32>,
        %add3A_1474 = arith.addi %add3A_1341, %and3A_41 : vector<16xi32>
        %gather3A_1475 = arith.constant 0 : i32
        %gather3A_1476 = arith.constant 0 : i32
        %gather3A_1477 = arith.constant 0 : i32
        %gather3A_1478 = tpu.memref_slice %arg8[%gather3A_1475, %gather3A_1476, %gather3A_1477] : memref<2x128x128xf32, #tpu.memory_space<vmem>> -> memref<1x128x128xf32, #tpu.memory_space<vmem>>
        %gather3A_1479 = tpu.memref_squeeze %gather3A_1478 : memref<1x128x128xf32, #tpu.memory_space<vmem>> -> memref<128x128xf32, #tpu.memory_space<vmem>>
        %gather3A_1480 = tpu.vector_load_idx %gather3A_1479[%add3A_272, %add3A_1474] : memref<128x128xf32, #tpu.memory_space<vmem>>[vector<16xi32>, vector<16xi32>], vector<16xf32>,
        %shift_right_arithmetic3A_1481 = arith.constant 3 : i32
        %shift_right_arithmetic3A_1482 = vector.broadcast %shift_right_arithmetic3A_1481 : i32 to vector<16xi32>
        %shift_right_arithmetic3A_1483 = arith.shrsi %and3A_41, %shift_right_arithmetic3A_1482 : vector<16xi32>
        %add3A_1484 = arith.constant 6 : i32
        %add3A_1485 = vector.broadcast %add3A_1484 : i32 to vector<16xi32>
        %add3A_1486 = arith.addi %add3A_1485, %shift_right_arithmetic3A_1483 : vector<16xi32>
        %and3A_1487 = arith.constant 7 : i32
        %and3A_1488 = vector.broadcast %and3A_1487 : i32 to vector<16xi32>
        %and3A_1489 = arith.andi %and3A_41, %and3A_1488 : vector<16xi32>
        %scatter3A_1490 = arith.constant 0 : i32
        %scatter3A_1491 = arith.constant 0 : i32
        %scatter3A_1492 = arith.constant 0 : i32
        %scatter3A_1493 = arith.constant 0 : i32
        %scatter3A_1494 = tpu.memref_slice %arg9[%scatter3A_1490, %scatter3A_1491, %scatter3A_1492, %scatter3A_1493] : memref<2x8x8x128xf32, #tpu.memory_space<vmem>> -> memref<1x8x8x128xf32, #tpu.memory_space<vmem>>
        %scatter3A_1495 = tpu.memref_squeeze %scatter3A_1494 : memref<1x8x8x128xf32, #tpu.memory_space<vmem>> -> memref<8x8x128xf32, #tpu.memory_space<vmem>>
        tpu.vector_store_idx %scatter3A_1495[%add3A_1486, %and3A_1489, %add3A_272], %gather3A_1480 : memref<8x8x128xf32, #tpu.memory_space<vmem>>[vector<16xi32>, vector<16xi32>, vector<16xi32>], vector<16xf32>,
        %add3A_1496 = arith.addi %add3A_1341, %and3A_47 : vector<16xi32>
        %gather3A_1497 = arith.constant 0 : i32
        %gather3A_1498 = arith.constant 0 : i32
        %gather3A_1499 = arith.constant 0 : i32
        %gather3A_1500 = tpu.memref_slice %arg8[%gather3A_1497, %gather3A_1498, %gather3A_1499] : memref<2x128x128xf32, #tpu.memory_space<vmem>> -> memref<1x128x128xf32, #tpu.memory_space<vmem>>
        %gather3A_1501 = tpu.memref_squeeze %gather3A_1500 : memref<1x128x128xf32, #tpu.memory_space<vmem>> -> memref<128x128xf32, #tpu.memory_space<vmem>>
        %gather3A_1502 = tpu.vector_load_idx %gather3A_1501[%add3A_272, %add3A_1496] : memref<128x128xf32, #tpu.memory_space<vmem>>[vector<16xi32>, vector<16xi32>], vector<16xf32>,
        %shift_right_arithmetic3A_1503 = arith.constant 3 : i32
        %shift_right_arithmetic3A_1504 = vector.broadcast %shift_right_arithmetic3A_1503 : i32 to vector<16xi32>
        %shift_right_arithmetic3A_1505 = arith.shrsi %and3A_47, %shift_right_arithmetic3A_1504 : vector<16xi32>
        %add3A_1506 = arith.constant 6 : i32
        %add3A_1507 = vector.broadcast %add3A_1506 : i32 to vector<16xi32>
        %add3A_1508 = arith.addi %add3A_1507, %shift_right_arithmetic3A_1505 : vector<16xi32>
        %and3A_1509 = arith.constant 7 : i32
        %and3A_1510 = vector.broadcast %and3A_1509 : i32 to vector<16xi32>
        %and3A_1511 = arith.andi %and3A_47, %and3A_1510 : vector<16xi32>
        %scatter3A_1512 = arith.constant 0 : i32
        %scatter3A_1513 = arith.constant 0 : i32
        %scatter3A_1514 = arith.constant 0 : i32
        %scatter3A_1515 = arith.constant 0 : i32
        %scatter3A_1516 = tpu.memref_slice %arg9[%scatter3A_1512, %scatter3A_1513, %scatter3A_1514, %scatter3A_1515] : memref<2x8x8x128xf32, #tpu.memory_space<vmem>> -> memref<1x8x8x128xf32, #tpu.memory_space<vmem>>
        %scatter3A_1517 = tpu.memref_squeeze %scatter3A_1516 : memref<1x8x8x128xf32, #tpu.memory_space<vmem>> -> memref<8x8x128xf32, #tpu.memory_space<vmem>>
        tpu.vector_store_idx %scatter3A_1517[%add3A_1508, %and3A_1511, %add3A_272], %gather3A_1502 : memref<8x8x128xf32, #tpu.memory_space<vmem>>[vector<16xi32>, vector<16xi32>, vector<16xi32>], vector<16xf32>,
        %add3A_1518 = arith.addi %add3A_1341, %and3A_53 : vector<16xi32>
        %gather3A_1519 = arith.constant 0 : i32
        %gather3A_1520 = arith.constant 0 : i32
        %gather3A_1521 = arith.constant 0 : i32
        %gather3A_1522 = tpu.memref_slice %arg8[%gather3A_1519, %gather3A_1520, %gather3A_1521] : memref<2x128x128xf32, #tpu.memory_space<vmem>> -> memref<1x128x128xf32, #tpu.memory_space<vmem>>
        %gather3A_1523 = tpu.memref_squeeze %gather3A_1522 : memref<1x128x128xf32, #tpu.memory_space<vmem>> -> memref<128x128xf32, #tpu.memory_space<vmem>>
        %gather3A_1524 = tpu.vector_load_idx %gather3A_1523[%add3A_272, %add3A_1518] : memref<128x128xf32, #tpu.memory_space<vmem>>[vector<16xi32>, vector<16xi32>], vector<16xf32>,
        %shift_right_arithmetic3A_1525 = arith.constant 3 : i32
        %shift_right_arithmetic3A_1526 = vector.broadcast %shift_right_arithmetic3A_1525 : i32 to vector<16xi32>
        %shift_right_arithmetic3A_1527 = arith.shrsi %and3A_53, %shift_right_arithmetic3A_1526 : vector<16xi32>
        %add3A_1528 = arith.constant 6 : i32
        %add3A_1529 = vector.broadcast %add3A_1528 : i32 to vector<16xi32>
        %add3A_1530 = arith.addi %add3A_1529, %shift_right_arithmetic3A_1527 : vector<16xi32>
        %and3A_1531 = arith.constant 7 : i32
        %and3A_1532 = vector.broadcast %and3A_1531 : i32 to vector<16xi32>
        %and3A_1533 = arith.andi %and3A_53, %and3A_1532 : vector<16xi32>
        %scatter3A_1534 = arith.constant 0 : i32
        %scatter3A_1535 = arith.constant 0 : i32
        %scatter3A_1536 = arith.constant 0 : i32
        %scatter3A_1537 = arith.constant 0 : i32
        %scatter3A_1538 = tpu.memref_slice %arg9[%scatter3A_1534, %scatter3A_1535, %scatter3A_1536, %scatter3A_1537] : memref<2x8x8x128xf32, #tpu.memory_space<vmem>> -> memref<1x8x8x128xf32, #tpu.memory_space<vmem>>
        %scatter3A_1539 = tpu.memref_squeeze %scatter3A_1538 : memref<1x8x8x128xf32, #tpu.memory_space<vmem>> -> memref<8x8x128xf32, #tpu.memory_space<vmem>>
        tpu.vector_store_idx %scatter3A_1539[%add3A_1530, %and3A_1533, %add3A_272], %gather3A_1524 : memref<8x8x128xf32, #tpu.memory_space<vmem>>[vector<16xi32>, vector<16xi32>, vector<16xi32>], vector<16xf32>,
        %add3A_1540 = arith.addi %add3A_1341, %and3A_59 : vector<16xi32>
        %gather3A_1541 = arith.constant 0 : i32
        %gather3A_1542 = arith.constant 0 : i32
        %gather3A_1543 = arith.constant 0 : i32
        %gather3A_1544 = tpu.memref_slice %arg8[%gather3A_1541, %gather3A_1542, %gather3A_1543] : memref<2x128x128xf32, #tpu.memory_space<vmem>> -> memref<1x128x128xf32, #tpu.memory_space<vmem>>
        %gather3A_1545 = tpu.memref_squeeze %gather3A_1544 : memref<1x128x128xf32, #tpu.memory_space<vmem>> -> memref<128x128xf32, #tpu.memory_space<vmem>>
        %gather3A_1546 = tpu.vector_load_idx %gather3A_1545[%add3A_272, %add3A_1540] : memref<128x128xf32, #tpu.memory_space<vmem>>[vector<16xi32>, vector<16xi32>], vector<16xf32>,
        %shift_right_arithmetic3A_1547 = arith.constant 3 : i32
        %shift_right_arithmetic3A_1548 = vector.broadcast %shift_right_arithmetic3A_1547 : i32 to vector<16xi32>
        %shift_right_arithmetic3A_1549 = arith.shrsi %and3A_59, %shift_right_arithmetic3A_1548 : vector<16xi32>
        %add3A_1550 = arith.constant 6 : i32
        %add3A_1551 = vector.broadcast %add3A_1550 : i32 to vector<16xi32>
        %add3A_1552 = arith.addi %add3A_1551, %shift_right_arithmetic3A_1549 : vector<16xi32>
        %and3A_1553 = arith.constant 7 : i32
        %and3A_1554 = vector.broadcast %and3A_1553 : i32 to vector<16xi32>
        %and3A_1555 = arith.andi %and3A_59, %and3A_1554 : vector<16xi32>
        %scatter3A_1556 = arith.constant 0 : i32
        %scatter3A_1557 = arith.constant 0 : i32
        %scatter3A_1558 = arith.constant 0 : i32
        %scatter3A_1559 = arith.constant 0 : i32
        %scatter3A_1560 = tpu.memref_slice %arg9[%scatter3A_1556, %scatter3A_1557, %scatter3A_1558, %scatter3A_1559] : memref<2x8x8x128xf32, #tpu.memory_space<vmem>> -> memref<1x8x8x128xf32, #tpu.memory_space<vmem>>
        %scatter3A_1561 = tpu.memref_squeeze %scatter3A_1560 : memref<1x8x8x128xf32, #tpu.memory_space<vmem>> -> memref<8x8x128xf32, #tpu.memory_space<vmem>>
        tpu.vector_store_idx %scatter3A_1561[%add3A_1552, %and3A_1555, %add3A_272], %gather3A_1546 : memref<8x8x128xf32, #tpu.memory_space<vmem>>[vector<16xi32>, vector<16xi32>, vector<16xi32>], vector<16xf32>,
        %add3A_1562 = arith.addi %add3A_1341, %and3A_65 : vector<16xi32>
        %gather3A_1563 = arith.constant 0 : i32
        %gather3A_1564 = arith.constant 0 : i32
        %gather3A_1565 = arith.constant 0 : i32
        %gather3A_1566 = tpu.memref_slice %arg8[%gather3A_1563, %gather3A_1564, %gather3A_1565] : memref<2x128x128xf32, #tpu.memory_space<vmem>> -> memref<1x128x128xf32, #tpu.memory_space<vmem>>
        %gather3A_1567 = tpu.memref_squeeze %gather3A_1566 : memref<1x128x128xf32, #tpu.memory_space<vmem>> -> memref<128x128xf32, #tpu.memory_space<vmem>>
        %gather3A_1568 = tpu.vector_load_idx %gather3A_1567[%add3A_272, %add3A_1562] : memref<128x128xf32, #tpu.memory_space<vmem>>[vector<16xi32>, vector<16xi32>], vector<16xf32>,
        %shift_right_arithmetic3A_1569 = arith.constant 3 : i32
        %shift_right_arithmetic3A_1570 = vector.broadcast %shift_right_arithmetic3A_1569 : i32 to vector<16xi32>
        %shift_right_arithmetic3A_1571 = arith.shrsi %and3A_65, %shift_right_arithmetic3A_1570 : vector<16xi32>
        %add3A_1572 = arith.constant 6 : i32
        %add3A_1573 = vector.broadcast %add3A_1572 : i32 to vector<16xi32>
        %add3A_1574 = arith.addi %add3A_1573, %shift_right_arithmetic3A_1571 : vector<16xi32>
        %and3A_1575 = arith.constant 7 : i32
        %and3A_1576 = vector.broadcast %and3A_1575 : i32 to vector<16xi32>
        %and3A_1577 = arith.andi %and3A_65, %and3A_1576 : vector<16xi32>
        %scatter3A_1578 = arith.constant 0 : i32
        %scatter3A_1579 = arith.constant 0 : i32
        %scatter3A_1580 = arith.constant 0 : i32
        %scatter3A_1581 = arith.constant 0 : i32
        %scatter3A_1582 = tpu.memref_slice %arg9[%scatter3A_1578, %scatter3A_1579, %scatter3A_1580, %scatter3A_1581] : memref<2x8x8x128xf32, #tpu.memory_space<vmem>> -> memref<1x8x8x128xf32, #tpu.memory_space<vmem>>
        %scatter3A_1583 = tpu.memref_squeeze %scatter3A_1582 : memref<1x8x8x128xf32, #tpu.memory_space<vmem>> -> memref<8x8x128xf32, #tpu.memory_space<vmem>>
        tpu.vector_store_idx %scatter3A_1583[%add3A_1574, %and3A_1577, %add3A_272], %gather3A_1568 : memref<8x8x128xf32, #tpu.memory_space<vmem>>[vector<16xi32>, vector<16xi32>, vector<16xi32>], vector<16xf32>,
        %add3A_1584 = arith.addi %add3A_1341, %and3A_71 : vector<16xi32>
        %gather3A_1585 = arith.constant 0 : i32
        %gather3A_1586 = arith.constant 0 : i32
        %gather3A_1587 = arith.constant 0 : i32
        %gather3A_1588 = tpu.memref_slice %arg8[%gather3A_1585, %gather3A_1586, %gather3A_1587] : memref<2x128x128xf32, #tpu.memory_space<vmem>> -> memref<1x128x128xf32, #tpu.memory_space<vmem>>
        %gather3A_1589 = tpu.memref_squeeze %gather3A_1588 : memref<1x128x128xf32, #tpu.memory_space<vmem>> -> memref<128x128xf32, #tpu.memory_space<vmem>>
        %gather3A_1590 = tpu.vector_load_idx %gather3A_1589[%add3A_272, %add3A_1584] : memref<128x128xf32, #tpu.memory_space<vmem>>[vector<16xi32>, vector<16xi32>], vector<16xf32>,
        %shift_right_arithmetic3A_1591 = arith.constant 3 : i32
        %shift_right_arithmetic3A_1592 = vector.broadcast %shift_right_arithmetic3A_1591 : i32 to vector<16xi32>
        %shift_right_arithmetic3A_1593 = arith.shrsi %and3A_71, %shift_right_arithmetic3A_1592 : vector<16xi32>
        %add3A_1594 = arith.constant 6 : i32
        %add3A_1595 = vector.broadcast %add3A_1594 : i32 to vector<16xi32>
        %add3A_1596 = arith.addi %add3A_1595, %shift_right_arithmetic3A_1593 : vector<16xi32>
        %and3A_1597 = arith.constant 7 : i32
        %and3A_1598 = vector.broadcast %and3A_1597 : i32 to vector<16xi32>
        %and3A_1599 = arith.andi %and3A_71, %and3A_1598 : vector<16xi32>
        %scatter3A_1600 = arith.constant 0 : i32
        %scatter3A_1601 = arith.constant 0 : i32
        %scatter3A_1602 = arith.constant 0 : i32
        %scatter3A_1603 = arith.constant 0 : i32
        %scatter3A_1604 = tpu.memref_slice %arg9[%scatter3A_1600, %scatter3A_1601, %scatter3A_1602, %scatter3A_1603] : memref<2x8x8x128xf32, #tpu.memory_space<vmem>> -> memref<1x8x8x128xf32, #tpu.memory_space<vmem>>
        %scatter3A_1605 = tpu.memref_squeeze %scatter3A_1604 : memref<1x8x8x128xf32, #tpu.memory_space<vmem>> -> memref<8x8x128xf32, #tpu.memory_space<vmem>>
        tpu.vector_store_idx %scatter3A_1605[%add3A_1596, %and3A_1599, %add3A_272], %gather3A_1590 : memref<8x8x128xf32, #tpu.memory_space<vmem>>[vector<16xi32>, vector<16xi32>, vector<16xi32>], vector<16xf32>,
        %add3A_1606 = arith.addi %add3A_1341, %and3A_77 : vector<16xi32>
        %gather3A_1607 = arith.constant 0 : i32
        %gather3A_1608 = arith.constant 0 : i32
        %gather3A_1609 = arith.constant 0 : i32
        %gather3A_1610 = tpu.memref_slice %arg8[%gather3A_1607, %gather3A_1608, %gather3A_1609] : memref<2x128x128xf32, #tpu.memory_space<vmem>> -> memref<1x128x128xf32, #tpu.memory_space<vmem>>
        %gather3A_1611 = tpu.memref_squeeze %gather3A_1610 : memref<1x128x128xf32, #tpu.memory_space<vmem>> -> memref<128x128xf32, #tpu.memory_space<vmem>>
        %gather3A_1612 = tpu.vector_load_idx %gather3A_1611[%add3A_272, %add3A_1606] : memref<128x128xf32, #tpu.memory_space<vmem>>[vector<16xi32>, vector<16xi32>], vector<16xf32>,
        %shift_right_arithmetic3A_1613 = arith.constant 3 : i32
        %shift_right_arithmetic3A_1614 = vector.broadcast %shift_right_arithmetic3A_1613 : i32 to vector<16xi32>
        %shift_right_arithmetic3A_1615 = arith.shrsi %and3A_77, %shift_right_arithmetic3A_1614 : vector<16xi32>
        %add3A_1616 = arith.constant 6 : i32
        %add3A_1617 = vector.broadcast %add3A_1616 : i32 to vector<16xi32>
        %add3A_1618 = arith.addi %add3A_1617, %shift_right_arithmetic3A_1615 : vector<16xi32>
        %and3A_1619 = arith.constant 7 : i32
        %and3A_1620 = vector.broadcast %and3A_1619 : i32 to vector<16xi32>
        %and3A_1621 = arith.andi %and3A_77, %and3A_1620 : vector<16xi32>
        %scatter3A_1622 = arith.constant 0 : i32
        %scatter3A_1623 = arith.constant 0 : i32
        %scatter3A_1624 = arith.constant 0 : i32
        %scatter3A_1625 = arith.constant 0 : i32
        %scatter3A_1626 = tpu.memref_slice %arg9[%scatter3A_1622, %scatter3A_1623, %scatter3A_1624, %scatter3A_1625] : memref<2x8x8x128xf32, #tpu.memory_space<vmem>> -> memref<1x8x8x128xf32, #tpu.memory_space<vmem>>
        %scatter3A_1627 = tpu.memref_squeeze %scatter3A_1626 : memref<1x8x8x128xf32, #tpu.memory_space<vmem>> -> memref<8x8x128xf32, #tpu.memory_space<vmem>>
        tpu.vector_store_idx %scatter3A_1627[%add3A_1618, %and3A_1621, %add3A_272], %gather3A_1612 : memref<8x8x128xf32, #tpu.memory_space<vmem>>[vector<16xi32>, vector<16xi32>, vector<16xi32>], vector<16xf32>,
        %add3A_1628 = arith.addi %add3A_1341, %and3A_83 : vector<16xi32>
        %gather3A_1629 = arith.constant 0 : i32
        %gather3A_1630 = arith.constant 0 : i32
        %gather3A_1631 = arith.constant 0 : i32
        %gather3A_1632 = tpu.memref_slice %arg8[%gather3A_1629, %gather3A_1630, %gather3A_1631] : memref<2x128x128xf32, #tpu.memory_space<vmem>> -> memref<1x128x128xf32, #tpu.memory_space<vmem>>
        %gather3A_1633 = tpu.memref_squeeze %gather3A_1632 : memref<1x128x128xf32, #tpu.memory_space<vmem>> -> memref<128x128xf32, #tpu.memory_space<vmem>>
        %gather3A_1634 = tpu.vector_load_idx %gather3A_1633[%add3A_272, %add3A_1628] : memref<128x128xf32, #tpu.memory_space<vmem>>[vector<16xi32>, vector<16xi32>], vector<16xf32>,
        %shift_right_arithmetic3A_1635 = arith.constant 3 : i32
        %shift_right_arithmetic3A_1636 = vector.broadcast %shift_right_arithmetic3A_1635 : i32 to vector<16xi32>
        %shift_right_arithmetic3A_1637 = arith.shrsi %and3A_83, %shift_right_arithmetic3A_1636 : vector<16xi32>
        %add3A_1638 = arith.constant 6 : i32
        %add3A_1639 = vector.broadcast %add3A_1638 : i32 to vector<16xi32>
        %add3A_1640 = arith.addi %add3A_1639, %shift_right_arithmetic3A_1637 : vector<16xi32>
        %and3A_1641 = arith.constant 7 : i32
        %and3A_1642 = vector.broadcast %and3A_1641 : i32 to vector<16xi32>
        %and3A_1643 = arith.andi %and3A_83, %and3A_1642 : vector<16xi32>
        %scatter3A_1644 = arith.constant 0 : i32
        %scatter3A_1645 = arith.constant 0 : i32
        %scatter3A_1646 = arith.constant 0 : i32
        %scatter3A_1647 = arith.constant 0 : i32
        %scatter3A_1648 = tpu.memref_slice %arg9[%scatter3A_1644, %scatter3A_1645, %scatter3A_1646, %scatter3A_1647] : memref<2x8x8x128xf32, #tpu.memory_space<vmem>> -> memref<1x8x8x128xf32, #tpu.memory_space<vmem>>
        %scatter3A_1649 = tpu.memref_squeeze %scatter3A_1648 : memref<1x8x8x128xf32, #tpu.memory_space<vmem>> -> memref<8x8x128xf32, #tpu.memory_space<vmem>>
        tpu.vector_store_idx %scatter3A_1649[%add3A_1640, %and3A_1643, %add3A_272], %gather3A_1634 : memref<8x8x128xf32, #tpu.memory_space<vmem>>[vector<16xi32>, vector<16xi32>, vector<16xi32>], vector<16xf32>,
        %add3A_1650 = arith.addi %add3A_1341, %and3A_89 : vector<16xi32>
        %gather3A_1651 = arith.constant 0 : i32
        %gather3A_1652 = arith.constant 0 : i32
        %gather3A_1653 = arith.constant 0 : i32
        %gather3A_1654 = tpu.memref_slice %arg8[%gather3A_1651, %gather3A_1652, %gather3A_1653] : memref<2x128x128xf32, #tpu.memory_space<vmem>> -> memref<1x128x128xf32, #tpu.memory_space<vmem>>
        %gather3A_1655 = tpu.memref_squeeze %gather3A_1654 : memref<1x128x128xf32, #tpu.memory_space<vmem>> -> memref<128x128xf32, #tpu.memory_space<vmem>>
        %gather3A_1656 = tpu.vector_load_idx %gather3A_1655[%add3A_272, %add3A_1650] : memref<128x128xf32, #tpu.memory_space<vmem>>[vector<16xi32>, vector<16xi32>], vector<16xf32>,
        %shift_right_arithmetic3A_1657 = arith.constant 3 : i32
        %shift_right_arithmetic3A_1658 = vector.broadcast %shift_right_arithmetic3A_1657 : i32 to vector<16xi32>
        %shift_right_arithmetic3A_1659 = arith.shrsi %and3A_89, %shift_right_arithmetic3A_1658 : vector<16xi32>
        %add3A_1660 = arith.constant 6 : i32
        %add3A_1661 = vector.broadcast %add3A_1660 : i32 to vector<16xi32>
        %add3A_1662 = arith.addi %add3A_1661, %shift_right_arithmetic3A_1659 : vector<16xi32>
        %and3A_1663 = arith.constant 7 : i32
        %and3A_1664 = vector.broadcast %and3A_1663 : i32 to vector<16xi32>
        %and3A_1665 = arith.andi %and3A_89, %and3A_1664 : vector<16xi32>
        %scatter3A_1666 = arith.constant 0 : i32
        %scatter3A_1667 = arith.constant 0 : i32
        %scatter3A_1668 = arith.constant 0 : i32
        %scatter3A_1669 = arith.constant 0 : i32
        %scatter3A_1670 = tpu.memref_slice %arg9[%scatter3A_1666, %scatter3A_1667, %scatter3A_1668, %scatter3A_1669] : memref<2x8x8x128xf32, #tpu.memory_space<vmem>> -> memref<1x8x8x128xf32, #tpu.memory_space<vmem>>
        %scatter3A_1671 = tpu.memref_squeeze %scatter3A_1670 : memref<1x8x8x128xf32, #tpu.memory_space<vmem>> -> memref<8x8x128xf32, #tpu.memory_space<vmem>>
        tpu.vector_store_idx %scatter3A_1671[%add3A_1662, %and3A_1665, %add3A_272], %gather3A_1656 : memref<8x8x128xf32, #tpu.memory_space<vmem>>[vector<16xi32>, vector<16xi32>, vector<16xi32>], vector<16xf32>,
        %add3A_1672 = arith.addi %add3A_1341, %and3A_95 : vector<16xi32>
        %gather3A_1673 = arith.constant 0 : i32
        %gather3A_1674 = arith.constant 0 : i32
        %gather3A_1675 = arith.constant 0 : i32
        %gather3A_1676 = tpu.memref_slice %arg8[%gather3A_1673, %gather3A_1674, %gather3A_1675] : memref<2x128x128xf32, #tpu.memory_space<vmem>> -> memref<1x128x128xf32, #tpu.memory_space<vmem>>
        %gather3A_1677 = tpu.memref_squeeze %gather3A_1676 : memref<1x128x128xf32, #tpu.memory_space<vmem>> -> memref<128x128xf32, #tpu.memory_space<vmem>>
        %gather3A_1678 = tpu.vector_load_idx %gather3A_1677[%add3A_272, %add3A_1672] : memref<128x128xf32, #tpu.memory_space<vmem>>[vector<16xi32>, vector<16xi32>], vector<16xf32>,
        %shift_right_arithmetic3A_1679 = arith.constant 3 : i32
        %shift_right_arithmetic3A_1680 = vector.broadcast %shift_right_arithmetic3A_1679 : i32 to vector<16xi32>
        %shift_right_arithmetic3A_1681 = arith.shrsi %and3A_95, %shift_right_arithmetic3A_1680 : vector<16xi32>
        %add3A_1682 = arith.constant 6 : i32
        %add3A_1683 = vector.broadcast %add3A_1682 : i32 to vector<16xi32>
        %add3A_1684 = arith.addi %add3A_1683, %shift_right_arithmetic3A_1681 : vector<16xi32>
        %and3A_1685 = arith.constant 7 : i32
        %and3A_1686 = vector.broadcast %and3A_1685 : i32 to vector<16xi32>
        %and3A_1687 = arith.andi %and3A_95, %and3A_1686 : vector<16xi32>
        %scatter3A_1688 = arith.constant 0 : i32
        %scatter3A_1689 = arith.constant 0 : i32
        %scatter3A_1690 = arith.constant 0 : i32
        %scatter3A_1691 = arith.constant 0 : i32
        %scatter3A_1692 = tpu.memref_slice %arg9[%scatter3A_1688, %scatter3A_1689, %scatter3A_1690, %scatter3A_1691] : memref<2x8x8x128xf32, #tpu.memory_space<vmem>> -> memref<1x8x8x128xf32, #tpu.memory_space<vmem>>
        %scatter3A_1693 = tpu.memref_squeeze %scatter3A_1692 : memref<1x8x8x128xf32, #tpu.memory_space<vmem>> -> memref<8x8x128xf32, #tpu.memory_space<vmem>>
        tpu.vector_store_idx %scatter3A_1693[%add3A_1684, %and3A_1687, %add3A_272], %gather3A_1678 : memref<8x8x128xf32, #tpu.memory_space<vmem>>[vector<16xi32>, vector<16xi32>, vector<16xi32>], vector<16xf32>,
      }
      %scan3A_190 = arith.constant 8 : i32
      %lt3A = arith.constant 99 : i32
      %lt3A_191 = arith.cmpi slt, %scan3A_167, %lt3A : i32
      %convert_element_type3A_192 = arith.extui %lt3A_191 : i1 to i32
      %cond3A_193 = arith.constant 0 : i32
      %cond3A_194 = arith.cmpi ne, %convert_element_type3A_192, %cond3A_193 : i32
      scf.if %cond3A_194 {
        %add3A_268 = arith.constant 2 : i32
        %add3A_269 = arith.addi %add3A_171, %add3A_268 : i32
        %dma_start3A_270 = arith.constant 0 : i32
        %dma_start3A_271 = arith.constant 0 : i32
        %dma_start3A_272 = arith.constant 0 : i32
        %dma_start3A_273 = tpu.memref_slice %arg8[%dma_start3A_270, %dma_start3A_271, %dma_start3A_272] : memref<2x128x128xf32, #tpu.memory_space<vmem>> -> memref<1x128x128xf32, #tpu.memory_space<vmem>>
        %dma_start3A_274 = tpu.memref_squeeze %dma_start3A_273 : memref<1x128x128xf32, #tpu.memory_space<vmem>> -> memref<128x128xf32, #tpu.memory_space<vmem>>
        %dma_start3A_275 = arith.constant 0 : i32
        %dma_start3A_276 = tpu.memref_slice %arg6[%add3A_269, %dma_start3A_275] : memref<200x128xi32, #tpu.memory_space<vmem>> -> memref<1x128xi32, #tpu.memory_space<vmem>>
        %dma_start3A_277 = tpu.memref_squeeze %dma_start3A_276 : memref<1x128xi32, #tpu.memory_space<vmem>> -> memref<128xi32, #tpu.memory_space<vmem>>
        %dma_start3A_278 = arith.constant 0 : i32
        %dma_start3A_279 = arith.constant 0 : i32
        %dma_start3A_280 = tpu.memref_slice %arg4[%dma_start3A_278, %dma_start3A_279] : memref<524288x128xf32, #tpu.memory_space<hbm>> -> memref<524288x128xf32, #tpu.memory_space<hbm>>
        tpu.enqueue_indirect_dma source(%dma_start3A_280 : memref<524288x128xf32, #tpu.memory_space<hbm>>) target(%dma_start3A_274 : memref<128x128xf32, #tpu.memory_space<vmem>>) offsets(%dma_start3A_277 : memref<128xi32, #tpu.memory_space<vmem>>) semaphore(%arg10 : memref<!tpu.dma_semaphore, #tpu.memory_space<semaphore_mem>>)
      } else {
      }
      %dma_start3A_195 = arith.constant 0 : i32
      %dma_start3A_196 = arith.constant 0 : i32
      %dma_start3A_197 = arith.constant 0 : i32
      %dma_start3A_198 = arith.constant 0 : i32
      %dma_start3A_199 = tpu.memref_slice %arg9[%dma_start3A_195, %dma_start3A_196, %dma_start3A_197, %dma_start3A_198] : memref<2x8x8x128xf32, #tpu.memory_space<vmem>> -> memref<1x8x8x128xf32, #tpu.memory_space<vmem>>
      %dma_start3A_200 = tpu.memref_squeeze %dma_start3A_199 : memref<1x8x8x128xf32, #tpu.memory_space<vmem>> -> memref<8x8x128xf32, #tpu.memory_space<vmem>>
      %dma_start3A_201 = arith.constant 0 : i32
      %dma_start3A_202 = arith.constant 0 : i32
      %dma_start3A_203 = arith.constant 0 : i32
      %dma_start3A_204 = tpu.memref_slice %arg5[%add3A_171, %dma_start3A_201, %add3A, %dma_start3A_202, %dma_start3A_203] : memref<200x8x32x8x128xf32, #tpu.memory_space<hbm>> -> memref<1x8x1x8x128xf32, #tpu.memory_space<hbm>>
      %dma_start3A_205 = tpu.memref_squeeze %dma_start3A_204 : memref<1x8x1x8x128xf32, #tpu.memory_space<hbm>> -> memref<8x8x128xf32, #tpu.memory_space<hbm>>
      %dma_start3A_206 = arith.constant 0 : i32
      %dma_start3A_207 = arith.constant 0 : i32
      %dma_start3A_208 = arith.constant 0 : i32
      %dma_start3A_209 = tpu.memref_slice %arg5[%add3A_171, %dma_start3A_206, %add3A, %dma_start3A_207, %dma_start3A_208] : memref<200x8x32x8x128xf32, #tpu.memory_space<hbm>> -> memref<1x8x1x8x128xf32, #tpu.memory_space<hbm>>
      %dma_start3A_210 = tpu.memref_squeeze %dma_start3A_209 : memref<1x8x1x8x128xf32, #tpu.memory_space<hbm>> -> memref<8x8x128xf32, #tpu.memory_space<hbm>>
      %dma_start3A_211 = arith.constant 0 : i32
      %dma_start3A_212 = arith.constant 0 : i32
      %dma_start3A_213 = arith.constant 0 : i32
      %dma_start3A_214 = tpu.memref_slice %arg9[%dma_start3A_195, %dma_start3A_211, %dma_start3A_212, %dma_start3A_213] : memref<2x8x8x128xf32, #tpu.memory_space<vmem>> -> memref<1x8x8x128xf32, #tpu.memory_space<vmem>>
      %dma_start3A_215 = tpu.memref_squeeze %dma_start3A_214 : memref<1x8x8x128xf32, #tpu.memory_space<vmem>> -> memref<8x8x128xf32, #tpu.memory_space<vmem>>
      tpu.enqueue_dma source(%dma_start3A_215 : memref<8x8x128xf32, #tpu.memory_space<vmem>>) target(%dma_start3A_210 : memref<8x8x128xf32, #tpu.memory_space<hbm>>) target_semaphore(%arg12 : memref<!tpu.dma_semaphore, #tpu.memory_space<semaphore_mem>>)
      %mul3A_216 = arith.constant 2 : i32
      %mul3A_217 = arith.muli %mul3A_216, %scan3A_167 : i32
      %add3A_218 = arith.constant 1 : i32
      %add3A_219 = arith.addi %mul3A_217, %add3A_218 : i32
      %dma_wait3A_220 = arith.constant 1 : i32
      %dma_wait3A_221 = arith.constant 0 : i32
      %dma_wait3A_222 = arith.constant 0 : i32
      %dma_wait3A_223 = tpu.memref_slice %arg8[%dma_wait3A_220, %dma_wait3A_221, %dma_wait3A_222] : memref<2x128x128xf32, #tpu.memory_space<vmem>> -> memref<1x128x128xf32, #tpu.memory_space<vmem>>
      %dma_wait3A_224 = tpu.memref_squeeze %dma_wait3A_223 : memref<1x128x128xf32, #tpu.memory_space<vmem>> -> memref<128x128xf32, #tpu.memory_space<vmem>>
      %dma_wait3A_225 = arith.constant 0 : i32
      %dma_wait3A_226 = tpu.memref_slice %arg6[%add3A_219, %dma_wait3A_225] : memref<200x128xi32, #tpu.memory_space<vmem>> -> memref<1x128xi32, #tpu.memory_space<vmem>>
      %dma_wait3A_227 = tpu.memref_squeeze %dma_wait3A_226 : memref<1x128xi32, #tpu.memory_space<vmem>> -> memref<128xi32, #tpu.memory_space<vmem>>
      %dma_wait3A_228 = arith.constant 0 : i32
      %dma_wait3A_229 = arith.constant 0 : i32
      %dma_wait3A_230 = tpu.memref_slice %arg4[%dma_wait3A_228, %dma_wait3A_229] : memref<524288x128xf32, #tpu.memory_space<hbm>> -> memref<524288x128xf32, #tpu.memory_space<hbm>>
      tpu.wait_indirect_dma semaphore(%arg11 : memref<!tpu.dma_semaphore, #tpu.memory_space<semaphore_mem>>) src(%dma_wait3A_230 : memref<524288x128xf32, #tpu.memory_space<hbm>>) dst(%dma_wait3A_224 : memref<128x128xf32, #tpu.memory_space<vmem>>)
      %ge3A_231 = arith.constant 1 : i32
      %ge3A_232 = arith.cmpi sge, %scan3A_167, %ge3A_231 : i32
      %convert_element_type3A_233 = arith.extui %ge3A_232 : i1 to i32
      %cond3A_234 = arith.constant 0 : i32
      %cond3A_235 = arith.cmpi ne, %convert_element_type3A_233, %cond3A_234 : i32
      scf.if %cond3A_235 {
        %sub3A = arith.constant 2 : i32
        %sub3A_268 = arith.subi %add3A_219, %sub3A : i32
        %dma_wait3A_269 = arith.constant 1 : i32
        %dma_wait3A_270 = arith.constant 0 : i32
        %dma_wait3A_271 = arith.constant 0 : i32
        %dma_wait3A_272 = arith.constant 0 : i32
        %dma_wait3A_273 = tpu.memref_slice %arg9[%dma_wait3A_269, %dma_wait3A_270, %dma_wait3A_271, %dma_wait3A_272] : memref<2x8x8x128xf32, #tpu.memory_space<vmem>> -> memref<1x8x8x128xf32, #tpu.memory_space<vmem>>
        %dma_wait3A_274 = tpu.memref_squeeze %dma_wait3A_273 : memref<1x8x8x128xf32, #tpu.memory_space<vmem>> -> memref<8x8x128xf32, #tpu.memory_space<vmem>>
        %dma_wait3A_275 = arith.constant 0 : i32
        %dma_wait3A_276 = arith.constant 0 : i32
        %dma_wait3A_277 = arith.constant 0 : i32
        %dma_wait3A_278 = tpu.memref_slice %arg5[%sub3A_268, %dma_wait3A_275, %add3A, %dma_wait3A_276, %dma_wait3A_277] : memref<200x8x32x8x128xf32, #tpu.memory_space<hbm>> -> memref<1x8x1x8x128xf32, #tpu.memory_space<hbm>>
        %dma_wait3A_279 = tpu.memref_squeeze %dma_wait3A_278 : memref<1x8x1x8x128xf32, #tpu.memory_space<hbm>> -> memref<8x8x128xf32, #tpu.memory_space<hbm>>
        %dma_wait3A_280 = arith.constant 0 : i32
        %dma_wait3A_281 = arith.constant 0 : i32
        %dma_wait3A_282 = arith.constant 0 : i32
        %dma_wait3A_283 = tpu.memref_slice %arg5[%sub3A_268, %dma_wait3A_280, %add3A, %dma_wait3A_281, %dma_wait3A_282] : memref<200x8x32x8x128xf32, #tpu.memory_space<hbm>> -> memref<1x8x1x8x128xf32, #tpu.memory_space<hbm>>
        %dma_wait3A_284 = tpu.memref_squeeze %dma_wait3A_283 : memref<1x8x1x8x128xf32, #tpu.memory_space<hbm>> -> memref<8x8x128xf32, #tpu.memory_space<hbm>>
        %dma_wait3A_285 = arith.constant 0 : i32
        %dma_wait3A_286 = arith.constant 0 : i32
        %dma_wait3A_287 = arith.constant 0 : i32
        %dma_wait3A_288 = tpu.memref_slice %arg9[%dma_wait3A_269, %dma_wait3A_285, %dma_wait3A_286, %dma_wait3A_287] : memref<2x8x8x128xf32, #tpu.memory_space<vmem>> -> memref<1x8x8x128xf32, #tpu.memory_space<vmem>>
        %dma_wait3A_289 = tpu.memref_squeeze %dma_wait3A_288 : memref<1x8x8x128xf32, #tpu.memory_space<vmem>> -> memref<8x8x128xf32, #tpu.memory_space<vmem>>
        tpu.wait_dma2 semaphore(%arg13 : memref<!tpu.dma_semaphore, #tpu.memory_space<semaphore_mem>>) src(%dma_wait3A_289 : memref<8x8x128xf32, #tpu.memory_space<vmem>>) dst(%dma_wait3A_284 : memref<8x8x128xf32, #tpu.memory_space<hbm>>)
      } else {
      }
      %scan3A_236 = arith.constant 0 : i32
      %scan3A_237 = arith.constant 0 : i32
      %scan3A_238 = arith.constant 8 : i32
      %scan3A_239 = arith.addi %scan3A_237, %scan3A_238 : i32
      %scan3A_240 = arith.constant 1 : i32
      scf.for %scan3A_268 = %scan3A_237 to %scan3A_239 step %scan3A_240  : i32 {
        %mul3A_269 = arith.constant 16 : i32
        %mul3A_270 = arith.muli %scan3A_268, %mul3A_269 : i32
        %add3A_271 = vector.broadcast %mul3A_270 : i32 to vector<16xi32>
        %add3A_272 = arith.addi %add3A_271, %iota3A : vector<16xi32>
        %mul3A_273 = arith.constant 16 : i32
        %mul3A_274 = arith.muli %scan3A_268, %mul3A_273 : i32
        %get3A = arith.index_cast %add3A_219 : i32 to index
        %get3A_275 = arith.index_cast %mul3A_274 : i32 to index
        %get3A_276 = tpu.vector_load %arg7[%get3A, %get3A_275] {strides = array<i32>} : memref<200x128xi32, #tpu.memory_space<vmem>>, vector<16xi32>,
        %add3A_277 = arith.constant 0 : i32
        %add3A_278 = vector.broadcast %add3A_277 : i32 to vector<16xi32>
        %add3A_279 = arith.addi %add3A_278, %get3A_276 : vector<16xi32>
        %add3A_280 = arith.addi %add3A_279, %and3A_5 : vector<16xi32>
        %gather3A = arith.constant 1 : i32
        %gather3A_281 = arith.constant 0 : i32
        %gather3A_282 = arith.constant 0 : i32
        %gather3A_283 = tpu.memref_slice %arg8[%gather3A, %gather3A_281, %gather3A_282] : memref<2x128x128xf32, #tpu.memory_space<vmem>> -> memref<1x128x128xf32, #tpu.memory_space<vmem>>
        %gather3A_284 = tpu.memref_squeeze %gather3A_283 : memref<1x128x128xf32, #tpu.memory_space<vmem>> -> memref<128x128xf32, #tpu.memory_space<vmem>>
        %gather3A_285 = tpu.vector_load_idx %gather3A_284[%add3A_272, %add3A_280] : memref<128x128xf32, #tpu.memory_space<vmem>>[vector<16xi32>, vector<16xi32>], vector<16xf32>,
        %shift_right_arithmetic3A = arith.constant 3 : i32
        %shift_right_arithmetic3A_286 = vector.broadcast %shift_right_arithmetic3A : i32 to vector<16xi32>
        %shift_right_arithmetic3A_287 = arith.shrsi %and3A_5, %shift_right_arithmetic3A_286 : vector<16xi32>
        %add3A_288 = arith.constant 0 : i32
        %add3A_289 = vector.broadcast %add3A_288 : i32 to vector<16xi32>
        %add3A_290 = arith.addi %add3A_289, %shift_right_arithmetic3A_287 : vector<16xi32>
        %and3A_291 = arith.constant 7 : i32
        %and3A_292 = vector.broadcast %and3A_291 : i32 to vector<16xi32>
        %and3A_293 = arith.andi %and3A_5, %and3A_292 : vector<16xi32>
        %scatter3A = arith.constant 1 : i32
        %scatter3A_294 = arith.constant 0 : i32
        %scatter3A_295 = arith.constant 0 : i32
        %scatter3A_296 = arith.constant 0 : i32
        %scatter3A_297 = tpu.memref_slice %arg9[%scatter3A, %scatter3A_294, %scatter3A_295, %scatter3A_296] : memref<2x8x8x128xf32, #tpu.memory_space<vmem>> -> memref<1x8x8x128xf32, #tpu.memory_space<vmem>>
        %scatter3A_298 = tpu.memref_squeeze %scatter3A_297 : memref<1x8x8x128xf32, #tpu.memory_space<vmem>> -> memref<8x8x128xf32, #tpu.memory_space<vmem>>
        tpu.vector_store_idx %scatter3A_298[%add3A_290, %and3A_293, %add3A_272], %gather3A_285 : memref<8x8x128xf32, #tpu.memory_space<vmem>>[vector<16xi32>, vector<16xi32>, vector<16xi32>], vector<16xf32>,
        %add3A_299 = arith.addi %add3A_279, %and3A_11 : vector<16xi32>
        %gather3A_300 = arith.constant 1 : i32
        %gather3A_301 = arith.constant 0 : i32
        %gather3A_302 = arith.constant 0 : i32
        %gather3A_303 = tpu.memref_slice %arg8[%gather3A_300, %gather3A_301, %gather3A_302] : memref<2x128x128xf32, #tpu.memory_space<vmem>> -> memref<1x128x128xf32, #tpu.memory_space<vmem>>
        %gather3A_304 = tpu.memref_squeeze %gather3A_303 : memref<1x128x128xf32, #tpu.memory_space<vmem>> -> memref<128x128xf32, #tpu.memory_space<vmem>>
        %gather3A_305 = tpu.vector_load_idx %gather3A_304[%add3A_272, %add3A_299] : memref<128x128xf32, #tpu.memory_space<vmem>>[vector<16xi32>, vector<16xi32>], vector<16xf32>,
        %shift_right_arithmetic3A_306 = arith.constant 3 : i32
        %shift_right_arithmetic3A_307 = vector.broadcast %shift_right_arithmetic3A_306 : i32 to vector<16xi32>
        %shift_right_arithmetic3A_308 = arith.shrsi %and3A_11, %shift_right_arithmetic3A_307 : vector<16xi32>
        %add3A_309 = arith.constant 0 : i32
        %add3A_310 = vector.broadcast %add3A_309 : i32 to vector<16xi32>
        %add3A_311 = arith.addi %add3A_310, %shift_right_arithmetic3A_308 : vector<16xi32>
        %and3A_312 = arith.constant 7 : i32
        %and3A_313 = vector.broadcast %and3A_312 : i32 to vector<16xi32>
        %and3A_314 = arith.andi %and3A_11, %and3A_313 : vector<16xi32>
        %scatter3A_315 = arith.constant 1 : i32
        %scatter3A_316 = arith.constant 0 : i32
        %scatter3A_317 = arith.constant 0 : i32
        %scatter3A_318 = arith.constant 0 : i32
        %scatter3A_319 = tpu.memref_slice %arg9[%scatter3A_315, %scatter3A_316, %scatter3A_317, %scatter3A_318] : memref<2x8x8x128xf32, #tpu.memory_space<vmem>> -> memref<1x8x8x128xf32, #tpu.memory_space<vmem>>
        %scatter3A_320 = tpu.memref_squeeze %scatter3A_319 : memref<1x8x8x128xf32, #tpu.memory_space<vmem>> -> memref<8x8x128xf32, #tpu.memory_space<vmem>>
        tpu.vector_store_idx %scatter3A_320[%add3A_311, %and3A_314, %add3A_272], %gather3A_305 : memref<8x8x128xf32, #tpu.memory_space<vmem>>[vector<16xi32>, vector<16xi32>, vector<16xi32>], vector<16xf32>,
        %add3A_321 = arith.addi %add3A_279, %and3A_17 : vector<16xi32>
        %gather3A_322 = arith.constant 1 : i32
        %gather3A_323 = arith.constant 0 : i32
        %gather3A_324 = arith.constant 0 : i32
        %gather3A_325 = tpu.memref_slice %arg8[%gather3A_322, %gather3A_323, %gather3A_324] : memref<2x128x128xf32, #tpu.memory_space<vmem>> -> memref<1x128x128xf32, #tpu.memory_space<vmem>>
        %gather3A_326 = tpu.memref_squeeze %gather3A_325 : memref<1x128x128xf32, #tpu.memory_space<vmem>> -> memref<128x128xf32, #tpu.memory_space<vmem>>
        %gather3A_327 = tpu.vector_load_idx %gather3A_326[%add3A_272, %add3A_321] : memref<128x128xf32, #tpu.memory_space<vmem>>[vector<16xi32>, vector<16xi32>], vector<16xf32>,
        %shift_right_arithmetic3A_328 = arith.constant 3 : i32
        %shift_right_arithmetic3A_329 = vector.broadcast %shift_right_arithmetic3A_328 : i32 to vector<16xi32>
        %shift_right_arithmetic3A_330 = arith.shrsi %and3A_17, %shift_right_arithmetic3A_329 : vector<16xi32>
        %add3A_331 = arith.constant 0 : i32
        %add3A_332 = vector.broadcast %add3A_331 : i32 to vector<16xi32>
        %add3A_333 = arith.addi %add3A_332, %shift_right_arithmetic3A_330 : vector<16xi32>
        %and3A_334 = arith.constant 7 : i32
        %and3A_335 = vector.broadcast %and3A_334 : i32 to vector<16xi32>
        %and3A_336 = arith.andi %and3A_17, %and3A_335 : vector<16xi32>
        %scatter3A_337 = arith.constant 1 : i32
        %scatter3A_338 = arith.constant 0 : i32
        %scatter3A_339 = arith.constant 0 : i32
        %scatter3A_340 = arith.constant 0 : i32
        %scatter3A_341 = tpu.memref_slice %arg9[%scatter3A_337, %scatter3A_338, %scatter3A_339, %scatter3A_340] : memref<2x8x8x128xf32, #tpu.memory_space<vmem>> -> memref<1x8x8x128xf32, #tpu.memory_space<vmem>>
        %scatter3A_342 = tpu.memref_squeeze %scatter3A_341 : memref<1x8x8x128xf32, #tpu.memory_space<vmem>> -> memref<8x8x128xf32, #tpu.memory_space<vmem>>
        tpu.vector_store_idx %scatter3A_342[%add3A_333, %and3A_336, %add3A_272], %gather3A_327 : memref<8x8x128xf32, #tpu.memory_space<vmem>>[vector<16xi32>, vector<16xi32>, vector<16xi32>], vector<16xf32>,
        %add3A_343 = arith.addi %add3A_279, %and3A_23 : vector<16xi32>
        %gather3A_344 = arith.constant 1 : i32
        %gather3A_345 = arith.constant 0 : i32
        %gather3A_346 = arith.constant 0 : i32
        %gather3A_347 = tpu.memref_slice %arg8[%gather3A_344, %gather3A_345, %gather3A_346] : memref<2x128x128xf32, #tpu.memory_space<vmem>> -> memref<1x128x128xf32, #tpu.memory_space<vmem>>
        %gather3A_348 = tpu.memref_squeeze %gather3A_347 : memref<1x128x128xf32, #tpu.memory_space<vmem>> -> memref<128x128xf32, #tpu.memory_space<vmem>>
        %gather3A_349 = tpu.vector_load_idx %gather3A_348[%add3A_272, %add3A_343] : memref<128x128xf32, #tpu.memory_space<vmem>>[vector<16xi32>, vector<16xi32>], vector<16xf32>,
        %shift_right_arithmetic3A_350 = arith.constant 3 : i32
        %shift_right_arithmetic3A_351 = vector.broadcast %shift_right_arithmetic3A_350 : i32 to vector<16xi32>
        %shift_right_arithmetic3A_352 = arith.shrsi %and3A_23, %shift_right_arithmetic3A_351 : vector<16xi32>
        %add3A_353 = arith.constant 0 : i32
        %add3A_354 = vector.broadcast %add3A_353 : i32 to vector<16xi32>
        %add3A_355 = arith.addi %add3A_354, %shift_right_arithmetic3A_352 : vector<16xi32>
        %and3A_356 = arith.constant 7 : i32
        %and3A_357 = vector.broadcast %and3A_356 : i32 to vector<16xi32>
        %and3A_358 = arith.andi %and3A_23, %and3A_357 : vector<16xi32>
        %scatter3A_359 = arith.constant 1 : i32
        %scatter3A_360 = arith.constant 0 : i32
        %scatter3A_361 = arith.constant 0 : i32
        %scatter3A_362 = arith.constant 0 : i32
        %scatter3A_363 = tpu.memref_slice %arg9[%scatter3A_359, %scatter3A_360, %scatter3A_361, %scatter3A_362] : memref<2x8x8x128xf32, #tpu.memory_space<vmem>> -> memref<1x8x8x128xf32, #tpu.memory_space<vmem>>
        %scatter3A_364 = tpu.memref_squeeze %scatter3A_363 : memref<1x8x8x128xf32, #tpu.memory_space<vmem>> -> memref<8x8x128xf32, #tpu.memory_space<vmem>>
        tpu.vector_store_idx %scatter3A_364[%add3A_355, %and3A_358, %add3A_272], %gather3A_349 : memref<8x8x128xf32, #tpu.memory_space<vmem>>[vector<16xi32>, vector<16xi32>, vector<16xi32>], vector<16xf32>,
        %add3A_365 = arith.addi %add3A_279, %and3A_29 : vector<16xi32>
        %gather3A_366 = arith.constant 1 : i32
        %gather3A_367 = arith.constant 0 : i32
        %gather3A_368 = arith.constant 0 : i32
        %gather3A_369 = tpu.memref_slice %arg8[%gather3A_366, %gather3A_367, %gather3A_368] : memref<2x128x128xf32, #tpu.memory_space<vmem>> -> memref<1x128x128xf32, #tpu.memory_space<vmem>>
        %gather3A_370 = tpu.memref_squeeze %gather3A_369 : memref<1x128x128xf32, #tpu.memory_space<vmem>> -> memref<128x128xf32, #tpu.memory_space<vmem>>
        %gather3A_371 = tpu.vector_load_idx %gather3A_370[%add3A_272, %add3A_365] : memref<128x128xf32, #tpu.memory_space<vmem>>[vector<16xi32>, vector<16xi32>], vector<16xf32>,
        %shift_right_arithmetic3A_372 = arith.constant 3 : i32
        %shift_right_arithmetic3A_373 = vector.broadcast %shift_right_arithmetic3A_372 : i32 to vector<16xi32>
        %shift_right_arithmetic3A_374 = arith.shrsi %and3A_29, %shift_right_arithmetic3A_373 : vector<16xi32>
        %add3A_375 = arith.constant 0 : i32
        %add3A_376 = vector.broadcast %add3A_375 : i32 to vector<16xi32>
        %add3A_377 = arith.addi %add3A_376, %shift_right_arithmetic3A_374 : vector<16xi32>
        %and3A_378 = arith.constant 7 : i32
        %and3A_379 = vector.broadcast %and3A_378 : i32 to vector<16xi32>
        %and3A_380 = arith.andi %and3A_29, %and3A_379 : vector<16xi32>
        %scatter3A_381 = arith.constant 1 : i32
        %scatter3A_382 = arith.constant 0 : i32
        %scatter3A_383 = arith.constant 0 : i32
        %scatter3A_384 = arith.constant 0 : i32
        %scatter3A_385 = tpu.memref_slice %arg9[%scatter3A_381, %scatter3A_382, %scatter3A_383, %scatter3A_384] : memref<2x8x8x128xf32, #tpu.memory_space<vmem>> -> memref<1x8x8x128xf32, #tpu.memory_space<vmem>>
        %scatter3A_386 = tpu.memref_squeeze %scatter3A_385 : memref<1x8x8x128xf32, #tpu.memory_space<vmem>> -> memref<8x8x128xf32, #tpu.memory_space<vmem>>
        tpu.vector_store_idx %scatter3A_386[%add3A_377, %and3A_380, %add3A_272], %gather3A_371 : memref<8x8x128xf32, #tpu.memory_space<vmem>>[vector<16xi32>, vector<16xi32>, vector<16xi32>], vector<16xf32>,
        %add3A_387 = arith.addi %add3A_279, %and3A_35 : vector<16xi32>
        %gather3A_388 = arith.constant 1 : i32
        %gather3A_389 = arith.constant 0 : i32
        %gather3A_390 = arith.constant 0 : i32
        %gather3A_391 = tpu.memref_slice %arg8[%gather3A_388, %gather3A_389, %gather3A_390] : memref<2x128x128xf32, #tpu.memory_space<vmem>> -> memref<1x128x128xf32, #tpu.memory_space<vmem>>
        %gather3A_392 = tpu.memref_squeeze %gather3A_391 : memref<1x128x128xf32, #tpu.memory_space<vmem>> -> memref<128x128xf32, #tpu.memory_space<vmem>>
        %gather3A_393 = tpu.vector_load_idx %gather3A_392[%add3A_272, %add3A_387] : memref<128x128xf32, #tpu.memory_space<vmem>>[vector<16xi32>, vector<16xi32>], vector<16xf32>,
        %shift_right_arithmetic3A_394 = arith.constant 3 : i32
        %shift_right_arithmetic3A_395 = vector.broadcast %shift_right_arithmetic3A_394 : i32 to vector<16xi32>
        %shift_right_arithmetic3A_396 = arith.shrsi %and3A_35, %shift_right_arithmetic3A_395 : vector<16xi32>
        %add3A_397 = arith.constant 0 : i32
        %add3A_398 = vector.broadcast %add3A_397 : i32 to vector<16xi32>
        %add3A_399 = arith.addi %add3A_398, %shift_right_arithmetic3A_396 : vector<16xi32>
        %and3A_400 = arith.constant 7 : i32
        %and3A_401 = vector.broadcast %and3A_400 : i32 to vector<16xi32>
        %and3A_402 = arith.andi %and3A_35, %and3A_401 : vector<16xi32>
        %scatter3A_403 = arith.constant 1 : i32
        %scatter3A_404 = arith.constant 0 : i32
        %scatter3A_405 = arith.constant 0 : i32
        %scatter3A_406 = arith.constant 0 : i32
        %scatter3A_407 = tpu.memref_slice %arg9[%scatter3A_403, %scatter3A_404, %scatter3A_405, %scatter3A_406] : memref<2x8x8x128xf32, #tpu.memory_space<vmem>> -> memref<1x8x8x128xf32, #tpu.memory_space<vmem>>
        %scatter3A_408 = tpu.memref_squeeze %scatter3A_407 : memref<1x8x8x128xf32, #tpu.memory_space<vmem>> -> memref<8x8x128xf32, #tpu.memory_space<vmem>>
        tpu.vector_store_idx %scatter3A_408[%add3A_399, %and3A_402, %add3A_272], %gather3A_393 : memref<8x8x128xf32, #tpu.memory_space<vmem>>[vector<16xi32>, vector<16xi32>, vector<16xi32>], vector<16xf32>,
        %add3A_409 = arith.addi %add3A_279, %and3A_41 : vector<16xi32>
        %gather3A_410 = arith.constant 1 : i32
        %gather3A_411 = arith.constant 0 : i32
        %gather3A_412 = arith.constant 0 : i32
        %gather3A_413 = tpu.memref_slice %arg8[%gather3A_410, %gather3A_411, %gather3A_412] : memref<2x128x128xf32, #tpu.memory_space<vmem>> -> memref<1x128x128xf32, #tpu.memory_space<vmem>>
        %gather3A_414 = tpu.memref_squeeze %gather3A_413 : memref<1x128x128xf32, #tpu.memory_space<vmem>> -> memref<128x128xf32, #tpu.memory_space<vmem>>
        %gather3A_415 = tpu.vector_load_idx %gather3A_414[%add3A_272, %add3A_409] : memref<128x128xf32, #tpu.memory_space<vmem>>[vector<16xi32>, vector<16xi32>], vector<16xf32>,
        %shift_right_arithmetic3A_416 = arith.constant 3 : i32
        %shift_right_arithmetic3A_417 = vector.broadcast %shift_right_arithmetic3A_416 : i32 to vector<16xi32>
        %shift_right_arithmetic3A_418 = arith.shrsi %and3A_41, %shift_right_arithmetic3A_417 : vector<16xi32>
        %add3A_419 = arith.constant 0 : i32
        %add3A_420 = vector.broadcast %add3A_419 : i32 to vector<16xi32>
        %add3A_421 = arith.addi %add3A_420, %shift_right_arithmetic3A_418 : vector<16xi32>
        %and3A_422 = arith.constant 7 : i32
        %and3A_423 = vector.broadcast %and3A_422 : i32 to vector<16xi32>
        %and3A_424 = arith.andi %and3A_41, %and3A_423 : vector<16xi32>
        %scatter3A_425 = arith.constant 1 : i32
        %scatter3A_426 = arith.constant 0 : i32
        %scatter3A_427 = arith.constant 0 : i32
        %scatter3A_428 = arith.constant 0 : i32
        %scatter3A_429 = tpu.memref_slice %arg9[%scatter3A_425, %scatter3A_426, %scatter3A_427, %scatter3A_428] : memref<2x8x8x128xf32, #tpu.memory_space<vmem>> -> memref<1x8x8x128xf32, #tpu.memory_space<vmem>>
        %scatter3A_430 = tpu.memref_squeeze %scatter3A_429 : memref<1x8x8x128xf32, #tpu.memory_space<vmem>> -> memref<8x8x128xf32, #tpu.memory_space<vmem>>
        tpu.vector_store_idx %scatter3A_430[%add3A_421, %and3A_424, %add3A_272], %gather3A_415 : memref<8x8x128xf32, #tpu.memory_space<vmem>>[vector<16xi32>, vector<16xi32>, vector<16xi32>], vector<16xf32>,
        %add3A_431 = arith.addi %add3A_279, %and3A_47 : vector<16xi32>
        %gather3A_432 = arith.constant 1 : i32
        %gather3A_433 = arith.constant 0 : i32
        %gather3A_434 = arith.constant 0 : i32
        %gather3A_435 = tpu.memref_slice %arg8[%gather3A_432, %gather3A_433, %gather3A_434] : memref<2x128x128xf32, #tpu.memory_space<vmem>> -> memref<1x128x128xf32, #tpu.memory_space<vmem>>
        %gather3A_436 = tpu.memref_squeeze %gather3A_435 : memref<1x128x128xf32, #tpu.memory_space<vmem>> -> memref<128x128xf32, #tpu.memory_space<vmem>>
        %gather3A_437 = tpu.vector_load_idx %gather3A_436[%add3A_272, %add3A_431] : memref<128x128xf32, #tpu.memory_space<vmem>>[vector<16xi32>, vector<16xi32>], vector<16xf32>,
        %shift_right_arithmetic3A_438 = arith.constant 3 : i32
        %shift_right_arithmetic3A_439 = vector.broadcast %shift_right_arithmetic3A_438 : i32 to vector<16xi32>
        %shift_right_arithmetic3A_440 = arith.shrsi %and3A_47, %shift_right_arithmetic3A_439 : vector<16xi32>
        %add3A_441 = arith.constant 0 : i32
        %add3A_442 = vector.broadcast %add3A_441 : i32 to vector<16xi32>
        %add3A_443 = arith.addi %add3A_442, %shift_right_arithmetic3A_440 : vector<16xi32>
        %and3A_444 = arith.constant 7 : i32
        %and3A_445 = vector.broadcast %and3A_444 : i32 to vector<16xi32>
        %and3A_446 = arith.andi %and3A_47, %and3A_445 : vector<16xi32>
        %scatter3A_447 = arith.constant 1 : i32
        %scatter3A_448 = arith.constant 0 : i32
        %scatter3A_449 = arith.constant 0 : i32
        %scatter3A_450 = arith.constant 0 : i32
        %scatter3A_451 = tpu.memref_slice %arg9[%scatter3A_447, %scatter3A_448, %scatter3A_449, %scatter3A_450] : memref<2x8x8x128xf32, #tpu.memory_space<vmem>> -> memref<1x8x8x128xf32, #tpu.memory_space<vmem>>
        %scatter3A_452 = tpu.memref_squeeze %scatter3A_451 : memref<1x8x8x128xf32, #tpu.memory_space<vmem>> -> memref<8x8x128xf32, #tpu.memory_space<vmem>>
        tpu.vector_store_idx %scatter3A_452[%add3A_443, %and3A_446, %add3A_272], %gather3A_437 : memref<8x8x128xf32, #tpu.memory_space<vmem>>[vector<16xi32>, vector<16xi32>, vector<16xi32>], vector<16xf32>,
        %add3A_453 = arith.addi %add3A_279, %and3A_53 : vector<16xi32>
        %gather3A_454 = arith.constant 1 : i32
        %gather3A_455 = arith.constant 0 : i32
        %gather3A_456 = arith.constant 0 : i32
        %gather3A_457 = tpu.memref_slice %arg8[%gather3A_454, %gather3A_455, %gather3A_456] : memref<2x128x128xf32, #tpu.memory_space<vmem>> -> memref<1x128x128xf32, #tpu.memory_space<vmem>>
        %gather3A_458 = tpu.memref_squeeze %gather3A_457 : memref<1x128x128xf32, #tpu.memory_space<vmem>> -> memref<128x128xf32, #tpu.memory_space<vmem>>
        %gather3A_459 = tpu.vector_load_idx %gather3A_458[%add3A_272, %add3A_453] : memref<128x128xf32, #tpu.memory_space<vmem>>[vector<16xi32>, vector<16xi32>], vector<16xf32>,
        %shift_right_arithmetic3A_460 = arith.constant 3 : i32
        %shift_right_arithmetic3A_461 = vector.broadcast %shift_right_arithmetic3A_460 : i32 to vector<16xi32>
        %shift_right_arithmetic3A_462 = arith.shrsi %and3A_53, %shift_right_arithmetic3A_461 : vector<16xi32>
        %add3A_463 = arith.constant 0 : i32
        %add3A_464 = vector.broadcast %add3A_463 : i32 to vector<16xi32>
        %add3A_465 = arith.addi %add3A_464, %shift_right_arithmetic3A_462 : vector<16xi32>
        %and3A_466 = arith.constant 7 : i32
        %and3A_467 = vector.broadcast %and3A_466 : i32 to vector<16xi32>
        %and3A_468 = arith.andi %and3A_53, %and3A_467 : vector<16xi32>
        %scatter3A_469 = arith.constant 1 : i32
        %scatter3A_470 = arith.constant 0 : i32
        %scatter3A_471 = arith.constant 0 : i32
        %scatter3A_472 = arith.constant 0 : i32
        %scatter3A_473 = tpu.memref_slice %arg9[%scatter3A_469, %scatter3A_470, %scatter3A_471, %scatter3A_472] : memref<2x8x8x128xf32, #tpu.memory_space<vmem>> -> memref<1x8x8x128xf32, #tpu.memory_space<vmem>>
        %scatter3A_474 = tpu.memref_squeeze %scatter3A_473 : memref<1x8x8x128xf32, #tpu.memory_space<vmem>> -> memref<8x8x128xf32, #tpu.memory_space<vmem>>
        tpu.vector_store_idx %scatter3A_474[%add3A_465, %and3A_468, %add3A_272], %gather3A_459 : memref<8x8x128xf32, #tpu.memory_space<vmem>>[vector<16xi32>, vector<16xi32>, vector<16xi32>], vector<16xf32>,
        %add3A_475 = arith.addi %add3A_279, %and3A_59 : vector<16xi32>
        %gather3A_476 = arith.constant 1 : i32
        %gather3A_477 = arith.constant 0 : i32
        %gather3A_478 = arith.constant 0 : i32
        %gather3A_479 = tpu.memref_slice %arg8[%gather3A_476, %gather3A_477, %gather3A_478] : memref<2x128x128xf32, #tpu.memory_space<vmem>> -> memref<1x128x128xf32, #tpu.memory_space<vmem>>
        %gather3A_480 = tpu.memref_squeeze %gather3A_479 : memref<1x128x128xf32, #tpu.memory_space<vmem>> -> memref<128x128xf32, #tpu.memory_space<vmem>>
        %gather3A_481 = tpu.vector_load_idx %gather3A_480[%add3A_272, %add3A_475] : memref<128x128xf32, #tpu.memory_space<vmem>>[vector<16xi32>, vector<16xi32>], vector<16xf32>,
        %shift_right_arithmetic3A_482 = arith.constant 3 : i32
        %shift_right_arithmetic3A_483 = vector.broadcast %shift_right_arithmetic3A_482 : i32 to vector<16xi32>
        %shift_right_arithmetic3A_484 = arith.shrsi %and3A_59, %shift_right_arithmetic3A_483 : vector<16xi32>
        %add3A_485 = arith.constant 0 : i32
        %add3A_486 = vector.broadcast %add3A_485 : i32 to vector<16xi32>
        %add3A_487 = arith.addi %add3A_486, %shift_right_arithmetic3A_484 : vector<16xi32>
        %and3A_488 = arith.constant 7 : i32
        %and3A_489 = vector.broadcast %and3A_488 : i32 to vector<16xi32>
        %and3A_490 = arith.andi %and3A_59, %and3A_489 : vector<16xi32>
        %scatter3A_491 = arith.constant 1 : i32
        %scatter3A_492 = arith.constant 0 : i32
        %scatter3A_493 = arith.constant 0 : i32
        %scatter3A_494 = arith.constant 0 : i32
        %scatter3A_495 = tpu.memref_slice %arg9[%scatter3A_491, %scatter3A_492, %scatter3A_493, %scatter3A_494] : memref<2x8x8x128xf32, #tpu.memory_space<vmem>> -> memref<1x8x8x128xf32, #tpu.memory_space<vmem>>
        %scatter3A_496 = tpu.memref_squeeze %scatter3A_495 : memref<1x8x8x128xf32, #tpu.memory_space<vmem>> -> memref<8x8x128xf32, #tpu.memory_space<vmem>>
        tpu.vector_store_idx %scatter3A_496[%add3A_487, %and3A_490, %add3A_272], %gather3A_481 : memref<8x8x128xf32, #tpu.memory_space<vmem>>[vector<16xi32>, vector<16xi32>, vector<16xi32>], vector<16xf32>,
        %add3A_497 = arith.addi %add3A_279, %and3A_65 : vector<16xi32>
        %gather3A_498 = arith.constant 1 : i32
        %gather3A_499 = arith.constant 0 : i32
        %gather3A_500 = arith.constant 0 : i32
        %gather3A_501 = tpu.memref_slice %arg8[%gather3A_498, %gather3A_499, %gather3A_500] : memref<2x128x128xf32, #tpu.memory_space<vmem>> -> memref<1x128x128xf32, #tpu.memory_space<vmem>>
        %gather3A_502 = tpu.memref_squeeze %gather3A_501 : memref<1x128x128xf32, #tpu.memory_space<vmem>> -> memref<128x128xf32, #tpu.memory_space<vmem>>
        %gather3A_503 = tpu.vector_load_idx %gather3A_502[%add3A_272, %add3A_497] : memref<128x128xf32, #tpu.memory_space<vmem>>[vector<16xi32>, vector<16xi32>], vector<16xf32>,
        %shift_right_arithmetic3A_504 = arith.constant 3 : i32
        %shift_right_arithmetic3A_505 = vector.broadcast %shift_right_arithmetic3A_504 : i32 to vector<16xi32>
        %shift_right_arithmetic3A_506 = arith.shrsi %and3A_65, %shift_right_arithmetic3A_505 : vector<16xi32>
        %add3A_507 = arith.constant 0 : i32
        %add3A_508 = vector.broadcast %add3A_507 : i32 to vector<16xi32>
        %add3A_509 = arith.addi %add3A_508, %shift_right_arithmetic3A_506 : vector<16xi32>
        %and3A_510 = arith.constant 7 : i32
        %and3A_511 = vector.broadcast %and3A_510 : i32 to vector<16xi32>
        %and3A_512 = arith.andi %and3A_65, %and3A_511 : vector<16xi32>
        %scatter3A_513 = arith.constant 1 : i32
        %scatter3A_514 = arith.constant 0 : i32
        %scatter3A_515 = arith.constant 0 : i32
        %scatter3A_516 = arith.constant 0 : i32
        %scatter3A_517 = tpu.memref_slice %arg9[%scatter3A_513, %scatter3A_514, %scatter3A_515, %scatter3A_516] : memref<2x8x8x128xf32, #tpu.memory_space<vmem>> -> memref<1x8x8x128xf32, #tpu.memory_space<vmem>>
        %scatter3A_518 = tpu.memref_squeeze %scatter3A_517 : memref<1x8x8x128xf32, #tpu.memory_space<vmem>> -> memref<8x8x128xf32, #tpu.memory_space<vmem>>
        tpu.vector_store_idx %scatter3A_518[%add3A_509, %and3A_512, %add3A_272], %gather3A_503 : memref<8x8x128xf32, #tpu.memory_space<vmem>>[vector<16xi32>, vector<16xi32>, vector<16xi32>], vector<16xf32>,
        %add3A_519 = arith.addi %add3A_279, %and3A_71 : vector<16xi32>
        %gather3A_520 = arith.constant 1 : i32
        %gather3A_521 = arith.constant 0 : i32
        %gather3A_522 = arith.constant 0 : i32
        %gather3A_523 = tpu.memref_slice %arg8[%gather3A_520, %gather3A_521, %gather3A_522] : memref<2x128x128xf32, #tpu.memory_space<vmem>> -> memref<1x128x128xf32, #tpu.memory_space<vmem>>
        %gather3A_524 = tpu.memref_squeeze %gather3A_523 : memref<1x128x128xf32, #tpu.memory_space<vmem>> -> memref<128x128xf32, #tpu.memory_space<vmem>>
        %gather3A_525 = tpu.vector_load_idx %gather3A_524[%add3A_272, %add3A_519] : memref<128x128xf32, #tpu.memory_space<vmem>>[vector<16xi32>, vector<16xi32>], vector<16xf32>,
        %shift_right_arithmetic3A_526 = arith.constant 3 : i32
        %shift_right_arithmetic3A_527 = vector.broadcast %shift_right_arithmetic3A_526 : i32 to vector<16xi32>
        %shift_right_arithmetic3A_528 = arith.shrsi %and3A_71, %shift_right_arithmetic3A_527 : vector<16xi32>
        %add3A_529 = arith.constant 0 : i32
        %add3A_530 = vector.broadcast %add3A_529 : i32 to vector<16xi32>
        %add3A_531 = arith.addi %add3A_530, %shift_right_arithmetic3A_528 : vector<16xi32>
        %and3A_532 = arith.constant 7 : i32
        %and3A_533 = vector.broadcast %and3A_532 : i32 to vector<16xi32>
        %and3A_534 = arith.andi %and3A_71, %and3A_533 : vector<16xi32>
        %scatter3A_535 = arith.constant 1 : i32
        %scatter3A_536 = arith.constant 0 : i32
        %scatter3A_537 = arith.constant 0 : i32
        %scatter3A_538 = arith.constant 0 : i32
        %scatter3A_539 = tpu.memref_slice %arg9[%scatter3A_535, %scatter3A_536, %scatter3A_537, %scatter3A_538] : memref<2x8x8x128xf32, #tpu.memory_space<vmem>> -> memref<1x8x8x128xf32, #tpu.memory_space<vmem>>
        %scatter3A_540 = tpu.memref_squeeze %scatter3A_539 : memref<1x8x8x128xf32, #tpu.memory_space<vmem>> -> memref<8x8x128xf32, #tpu.memory_space<vmem>>
        tpu.vector_store_idx %scatter3A_540[%add3A_531, %and3A_534, %add3A_272], %gather3A_525 : memref<8x8x128xf32, #tpu.memory_space<vmem>>[vector<16xi32>, vector<16xi32>, vector<16xi32>], vector<16xf32>,
        %add3A_541 = arith.addi %add3A_279, %and3A_77 : vector<16xi32>
        %gather3A_542 = arith.constant 1 : i32
        %gather3A_543 = arith.constant 0 : i32
        %gather3A_544 = arith.constant 0 : i32
        %gather3A_545 = tpu.memref_slice %arg8[%gather3A_542, %gather3A_543, %gather3A_544] : memref<2x128x128xf32, #tpu.memory_space<vmem>> -> memref<1x128x128xf32, #tpu.memory_space<vmem>>
        %gather3A_546 = tpu.memref_squeeze %gather3A_545 : memref<1x128x128xf32, #tpu.memory_space<vmem>> -> memref<128x128xf32, #tpu.memory_space<vmem>>
        %gather3A_547 = tpu.vector_load_idx %gather3A_546[%add3A_272, %add3A_541] : memref<128x128xf32, #tpu.memory_space<vmem>>[vector<16xi32>, vector<16xi32>], vector<16xf32>,
        %shift_right_arithmetic3A_548 = arith.constant 3 : i32
        %shift_right_arithmetic3A_549 = vector.broadcast %shift_right_arithmetic3A_548 : i32 to vector<16xi32>
        %shift_right_arithmetic3A_550 = arith.shrsi %and3A_77, %shift_right_arithmetic3A_549 : vector<16xi32>
        %add3A_551 = arith.constant 0 : i32
        %add3A_552 = vector.broadcast %add3A_551 : i32 to vector<16xi32>
        %add3A_553 = arith.addi %add3A_552, %shift_right_arithmetic3A_550 : vector<16xi32>
        %and3A_554 = arith.constant 7 : i32
        %and3A_555 = vector.broadcast %and3A_554 : i32 to vector<16xi32>
        %and3A_556 = arith.andi %and3A_77, %and3A_555 : vector<16xi32>
        %scatter3A_557 = arith.constant 1 : i32
        %scatter3A_558 = arith.constant 0 : i32
        %scatter3A_559 = arith.constant 0 : i32
        %scatter3A_560 = arith.constant 0 : i32
        %scatter3A_561 = tpu.memref_slice %arg9[%scatter3A_557, %scatter3A_558, %scatter3A_559, %scatter3A_560] : memref<2x8x8x128xf32, #tpu.memory_space<vmem>> -> memref<1x8x8x128xf32, #tpu.memory_space<vmem>>
        %scatter3A_562 = tpu.memref_squeeze %scatter3A_561 : memref<1x8x8x128xf32, #tpu.memory_space<vmem>> -> memref<8x8x128xf32, #tpu.memory_space<vmem>>
        tpu.vector_store_idx %scatter3A_562[%add3A_553, %and3A_556, %add3A_272], %gather3A_547 : memref<8x8x128xf32, #tpu.memory_space<vmem>>[vector<16xi32>, vector<16xi32>, vector<16xi32>], vector<16xf32>,
        %add3A_563 = arith.addi %add3A_279, %and3A_83 : vector<16xi32>
        %gather3A_564 = arith.constant 1 : i32
        %gather3A_565 = arith.constant 0 : i32
        %gather3A_566 = arith.constant 0 : i32
        %gather3A_567 = tpu.memref_slice %arg8[%gather3A_564, %gather3A_565, %gather3A_566] : memref<2x128x128xf32, #tpu.memory_space<vmem>> -> memref<1x128x128xf32, #tpu.memory_space<vmem>>
        %gather3A_568 = tpu.memref_squeeze %gather3A_567 : memref<1x128x128xf32, #tpu.memory_space<vmem>> -> memref<128x128xf32, #tpu.memory_space<vmem>>
        %gather3A_569 = tpu.vector_load_idx %gather3A_568[%add3A_272, %add3A_563] : memref<128x128xf32, #tpu.memory_space<vmem>>[vector<16xi32>, vector<16xi32>], vector<16xf32>,
        %shift_right_arithmetic3A_570 = arith.constant 3 : i32
        %shift_right_arithmetic3A_571 = vector.broadcast %shift_right_arithmetic3A_570 : i32 to vector<16xi32>
        %shift_right_arithmetic3A_572 = arith.shrsi %and3A_83, %shift_right_arithmetic3A_571 : vector<16xi32>
        %add3A_573 = arith.constant 0 : i32
        %add3A_574 = vector.broadcast %add3A_573 : i32 to vector<16xi32>
        %add3A_575 = arith.addi %add3A_574, %shift_right_arithmetic3A_572 : vector<16xi32>
        %and3A_576 = arith.constant 7 : i32
        %and3A_577 = vector.broadcast %and3A_576 : i32 to vector<16xi32>
        %and3A_578 = arith.andi %and3A_83, %and3A_577 : vector<16xi32>
        %scatter3A_579 = arith.constant 1 : i32
        %scatter3A_580 = arith.constant 0 : i32
        %scatter3A_581 = arith.constant 0 : i32
        %scatter3A_582 = arith.constant 0 : i32
        %scatter3A_583 = tpu.memref_slice %arg9[%scatter3A_579, %scatter3A_580, %scatter3A_581, %scatter3A_582] : memref<2x8x8x128xf32, #tpu.memory_space<vmem>> -> memref<1x8x8x128xf32, #tpu.memory_space<vmem>>
        %scatter3A_584 = tpu.memref_squeeze %scatter3A_583 : memref<1x8x8x128xf32, #tpu.memory_space<vmem>> -> memref<8x8x128xf32, #tpu.memory_space<vmem>>
        tpu.vector_store_idx %scatter3A_584[%add3A_575, %and3A_578, %add3A_272], %gather3A_569 : memref<8x8x128xf32, #tpu.memory_space<vmem>>[vector<16xi32>, vector<16xi32>, vector<16xi32>], vector<16xf32>,
        %add3A_585 = arith.addi %add3A_279, %and3A_89 : vector<16xi32>
        %gather3A_586 = arith.constant 1 : i32
        %gather3A_587 = arith.constant 0 : i32
        %gather3A_588 = arith.constant 0 : i32
        %gather3A_589 = tpu.memref_slice %arg8[%gather3A_586, %gather3A_587, %gather3A_588] : memref<2x128x128xf32, #tpu.memory_space<vmem>> -> memref<1x128x128xf32, #tpu.memory_space<vmem>>
        %gather3A_590 = tpu.memref_squeeze %gather3A_589 : memref<1x128x128xf32, #tpu.memory_space<vmem>> -> memref<128x128xf32, #tpu.memory_space<vmem>>
        %gather3A_591 = tpu.vector_load_idx %gather3A_590[%add3A_272, %add3A_585] : memref<128x128xf32, #tpu.memory_space<vmem>>[vector<16xi32>, vector<16xi32>], vector<16xf32>,
        %shift_right_arithmetic3A_592 = arith.constant 3 : i32
        %shift_right_arithmetic3A_593 = vector.broadcast %shift_right_arithmetic3A_592 : i32 to vector<16xi32>
        %shift_right_arithmetic3A_594 = arith.shrsi %and3A_89, %shift_right_arithmetic3A_593 : vector<16xi32>
        %add3A_595 = arith.constant 0 : i32
        %add3A_596 = vector.broadcast %add3A_595 : i32 to vector<16xi32>
        %add3A_597 = arith.addi %add3A_596, %shift_right_arithmetic3A_594 : vector<16xi32>
        %and3A_598 = arith.constant 7 : i32
        %and3A_599 = vector.broadcast %and3A_598 : i32 to vector<16xi32>
        %and3A_600 = arith.andi %and3A_89, %and3A_599 : vector<16xi32>
        %scatter3A_601 = arith.constant 1 : i32
        %scatter3A_602 = arith.constant 0 : i32
        %scatter3A_603 = arith.constant 0 : i32
        %scatter3A_604 = arith.constant 0 : i32
        %scatter3A_605 = tpu.memref_slice %arg9[%scatter3A_601, %scatter3A_602, %scatter3A_603, %scatter3A_604] : memref<2x8x8x128xf32, #tpu.memory_space<vmem>> -> memref<1x8x8x128xf32, #tpu.memory_space<vmem>>
        %scatter3A_606 = tpu.memref_squeeze %scatter3A_605 : memref<1x8x8x128xf32, #tpu.memory_space<vmem>> -> memref<8x8x128xf32, #tpu.memory_space<vmem>>
        tpu.vector_store_idx %scatter3A_606[%add3A_597, %and3A_600, %add3A_272], %gather3A_591 : memref<8x8x128xf32, #tpu.memory_space<vmem>>[vector<16xi32>, vector<16xi32>, vector<16xi32>], vector<16xf32>,
        %add3A_607 = arith.addi %add3A_279, %and3A_95 : vector<16xi32>
        %gather3A_608 = arith.constant 1 : i32
        %gather3A_609 = arith.constant 0 : i32
        %gather3A_610 = arith.constant 0 : i32
        %gather3A_611 = tpu.memref_slice %arg8[%gather3A_608, %gather3A_609, %gather3A_610] : memref<2x128x128xf32, #tpu.memory_space<vmem>> -> memref<1x128x128xf32, #tpu.memory_space<vmem>>
        %gather3A_612 = tpu.memref_squeeze %gather3A_611 : memref<1x128x128xf32, #tpu.memory_space<vmem>> -> memref<128x128xf32, #tpu.memory_space<vmem>>
        %gather3A_613 = tpu.vector_load_idx %gather3A_612[%add3A_272, %add3A_607] : memref<128x128xf32, #tpu.memory_space<vmem>>[vector<16xi32>, vector<16xi32>], vector<16xf32>,
        %shift_right_arithmetic3A_614 = arith.constant 3 : i32
        %shift_right_arithmetic3A_615 = vector.broadcast %shift_right_arithmetic3A_614 : i32 to vector<16xi32>
        %shift_right_arithmetic3A_616 = arith.shrsi %and3A_95, %shift_right_arithmetic3A_615 : vector<16xi32>
        %add3A_617 = arith.constant 0 : i32
        %add3A_618 = vector.broadcast %add3A_617 : i32 to vector<16xi32>
        %add3A_619 = arith.addi %add3A_618, %shift_right_arithmetic3A_616 : vector<16xi32>
        %and3A_620 = arith.constant 7 : i32
        %and3A_621 = vector.broadcast %and3A_620 : i32 to vector<16xi32>
        %and3A_622 = arith.andi %and3A_95, %and3A_621 : vector<16xi32>
        %scatter3A_623 = arith.constant 1 : i32
        %scatter3A_624 = arith.constant 0 : i32
        %scatter3A_625 = arith.constant 0 : i32
        %scatter3A_626 = arith.constant 0 : i32
        %scatter3A_627 = tpu.memref_slice %arg9[%scatter3A_623, %scatter3A_624, %scatter3A_625, %scatter3A_626] : memref<2x8x8x128xf32, #tpu.memory_space<vmem>> -> memref<1x8x8x128xf32, #tpu.memory_space<vmem>>
        %scatter3A_628 = tpu.memref_squeeze %scatter3A_627 : memref<1x8x8x128xf32, #tpu.memory_space<vmem>> -> memref<8x8x128xf32, #tpu.memory_space<vmem>>
        tpu.vector_store_idx %scatter3A_628[%add3A_619, %and3A_622, %add3A_272], %gather3A_613 : memref<8x8x128xf32, #tpu.memory_space<vmem>>[vector<16xi32>, vector<16xi32>, vector<16xi32>], vector<16xf32>,
        %add3A_629 = arith.constant 16 : i32
        %add3A_630 = vector.broadcast %add3A_629 : i32 to vector<16xi32>
        %add3A_631 = arith.addi %add3A_630, %get3A_276 : vector<16xi32>
        %add3A_632 = arith.addi %add3A_631, %and3A_5 : vector<16xi32>
        %gather3A_633 = arith.constant 1 : i32
        %gather3A_634 = arith.constant 0 : i32
        %gather3A_635 = arith.constant 0 : i32
        %gather3A_636 = tpu.memref_slice %arg8[%gather3A_633, %gather3A_634, %gather3A_635] : memref<2x128x128xf32, #tpu.memory_space<vmem>> -> memref<1x128x128xf32, #tpu.memory_space<vmem>>
        %gather3A_637 = tpu.memref_squeeze %gather3A_636 : memref<1x128x128xf32, #tpu.memory_space<vmem>> -> memref<128x128xf32, #tpu.memory_space<vmem>>
        %gather3A_638 = tpu.vector_load_idx %gather3A_637[%add3A_272, %add3A_632] : memref<128x128xf32, #tpu.memory_space<vmem>>[vector<16xi32>, vector<16xi32>], vector<16xf32>,
        %shift_right_arithmetic3A_639 = arith.constant 3 : i32
        %shift_right_arithmetic3A_640 = vector.broadcast %shift_right_arithmetic3A_639 : i32 to vector<16xi32>
        %shift_right_arithmetic3A_641 = arith.shrsi %and3A_5, %shift_right_arithmetic3A_640 : vector<16xi32>
        %add3A_642 = arith.constant 2 : i32
        %add3A_643 = vector.broadcast %add3A_642 : i32 to vector<16xi32>
        %add3A_644 = arith.addi %add3A_643, %shift_right_arithmetic3A_641 : vector<16xi32>
        %and3A_645 = arith.constant 7 : i32
        %and3A_646 = vector.broadcast %and3A_645 : i32 to vector<16xi32>
        %and3A_647 = arith.andi %and3A_5, %and3A_646 : vector<16xi32>
        %scatter3A_648 = arith.constant 1 : i32
        %scatter3A_649 = arith.constant 0 : i32
        %scatter3A_650 = arith.constant 0 : i32
        %scatter3A_651 = arith.constant 0 : i32
        %scatter3A_652 = tpu.memref_slice %arg9[%scatter3A_648, %scatter3A_649, %scatter3A_650, %scatter3A_651] : memref<2x8x8x128xf32, #tpu.memory_space<vmem>> -> memref<1x8x8x128xf32, #tpu.memory_space<vmem>>
        %scatter3A_653 = tpu.memref_squeeze %scatter3A_652 : memref<1x8x8x128xf32, #tpu.memory_space<vmem>> -> memref<8x8x128xf32, #tpu.memory_space<vmem>>
        tpu.vector_store_idx %scatter3A_653[%add3A_644, %and3A_647, %add3A_272], %gather3A_638 : memref<8x8x128xf32, #tpu.memory_space<vmem>>[vector<16xi32>, vector<16xi32>, vector<16xi32>], vector<16xf32>,
        %add3A_654 = arith.addi %add3A_631, %and3A_11 : vector<16xi32>
        %gather3A_655 = arith.constant 1 : i32
        %gather3A_656 = arith.constant 0 : i32
        %gather3A_657 = arith.constant 0 : i32
        %gather3A_658 = tpu.memref_slice %arg8[%gather3A_655, %gather3A_656, %gather3A_657] : memref<2x128x128xf32, #tpu.memory_space<vmem>> -> memref<1x128x128xf32, #tpu.memory_space<vmem>>
        %gather3A_659 = tpu.memref_squeeze %gather3A_658 : memref<1x128x128xf32, #tpu.memory_space<vmem>> -> memref<128x128xf32, #tpu.memory_space<vmem>>
        %gather3A_660 = tpu.vector_load_idx %gather3A_659[%add3A_272, %add3A_654] : memref<128x128xf32, #tpu.memory_space<vmem>>[vector<16xi32>, vector<16xi32>], vector<16xf32>,
        %shift_right_arithmetic3A_661 = arith.constant 3 : i32
        %shift_right_arithmetic3A_662 = vector.broadcast %shift_right_arithmetic3A_661 : i32 to vector<16xi32>
        %shift_right_arithmetic3A_663 = arith.shrsi %and3A_11, %shift_right_arithmetic3A_662 : vector<16xi32>
        %add3A_664 = arith.constant 2 : i32
        %add3A_665 = vector.broadcast %add3A_664 : i32 to vector<16xi32>
        %add3A_666 = arith.addi %add3A_665, %shift_right_arithmetic3A_663 : vector<16xi32>
        %and3A_667 = arith.constant 7 : i32
        %and3A_668 = vector.broadcast %and3A_667 : i32 to vector<16xi32>
        %and3A_669 = arith.andi %and3A_11, %and3A_668 : vector<16xi32>
        %scatter3A_670 = arith.constant 1 : i32
        %scatter3A_671 = arith.constant 0 : i32
        %scatter3A_672 = arith.constant 0 : i32
        %scatter3A_673 = arith.constant 0 : i32
        %scatter3A_674 = tpu.memref_slice %arg9[%scatter3A_670, %scatter3A_671, %scatter3A_672, %scatter3A_673] : memref<2x8x8x128xf32, #tpu.memory_space<vmem>> -> memref<1x8x8x128xf32, #tpu.memory_space<vmem>>
        %scatter3A_675 = tpu.memref_squeeze %scatter3A_674 : memref<1x8x8x128xf32, #tpu.memory_space<vmem>> -> memref<8x8x128xf32, #tpu.memory_space<vmem>>
        tpu.vector_store_idx %scatter3A_675[%add3A_666, %and3A_669, %add3A_272], %gather3A_660 : memref<8x8x128xf32, #tpu.memory_space<vmem>>[vector<16xi32>, vector<16xi32>, vector<16xi32>], vector<16xf32>,
        %add3A_676 = arith.addi %add3A_631, %and3A_17 : vector<16xi32>
        %gather3A_677 = arith.constant 1 : i32
        %gather3A_678 = arith.constant 0 : i32
        %gather3A_679 = arith.constant 0 : i32
        %gather3A_680 = tpu.memref_slice %arg8[%gather3A_677, %gather3A_678, %gather3A_679] : memref<2x128x128xf32, #tpu.memory_space<vmem>> -> memref<1x128x128xf32, #tpu.memory_space<vmem>>
        %gather3A_681 = tpu.memref_squeeze %gather3A_680 : memref<1x128x128xf32, #tpu.memory_space<vmem>> -> memref<128x128xf32, #tpu.memory_space<vmem>>
        %gather3A_682 = tpu.vector_load_idx %gather3A_681[%add3A_272, %add3A_676] : memref<128x128xf32, #tpu.memory_space<vmem>>[vector<16xi32>, vector<16xi32>], vector<16xf32>,
        %shift_right_arithmetic3A_683 = arith.constant 3 : i32
        %shift_right_arithmetic3A_684 = vector.broadcast %shift_right_arithmetic3A_683 : i32 to vector<16xi32>
        %shift_right_arithmetic3A_685 = arith.shrsi %and3A_17, %shift_right_arithmetic3A_684 : vector<16xi32>
        %add3A_686 = arith.constant 2 : i32
        %add3A_687 = vector.broadcast %add3A_686 : i32 to vector<16xi32>
        %add3A_688 = arith.addi %add3A_687, %shift_right_arithmetic3A_685 : vector<16xi32>
        %and3A_689 = arith.constant 7 : i32
        %and3A_690 = vector.broadcast %and3A_689 : i32 to vector<16xi32>
        %and3A_691 = arith.andi %and3A_17, %and3A_690 : vector<16xi32>
        %scatter3A_692 = arith.constant 1 : i32
        %scatter3A_693 = arith.constant 0 : i32
        %scatter3A_694 = arith.constant 0 : i32
        %scatter3A_695 = arith.constant 0 : i32
        %scatter3A_696 = tpu.memref_slice %arg9[%scatter3A_692, %scatter3A_693, %scatter3A_694, %scatter3A_695] : memref<2x8x8x128xf32, #tpu.memory_space<vmem>> -> memref<1x8x8x128xf32, #tpu.memory_space<vmem>>
        %scatter3A_697 = tpu.memref_squeeze %scatter3A_696 : memref<1x8x8x128xf32, #tpu.memory_space<vmem>> -> memref<8x8x128xf32, #tpu.memory_space<vmem>>
        tpu.vector_store_idx %scatter3A_697[%add3A_688, %and3A_691, %add3A_272], %gather3A_682 : memref<8x8x128xf32, #tpu.memory_space<vmem>>[vector<16xi32>, vector<16xi32>, vector<16xi32>], vector<16xf32>,
        %add3A_698 = arith.addi %add3A_631, %and3A_23 : vector<16xi32>
        %gather3A_699 = arith.constant 1 : i32
        %gather3A_700 = arith.constant 0 : i32
        %gather3A_701 = arith.constant 0 : i32
        %gather3A_702 = tpu.memref_slice %arg8[%gather3A_699, %gather3A_700, %gather3A_701] : memref<2x128x128xf32, #tpu.memory_space<vmem>> -> memref<1x128x128xf32, #tpu.memory_space<vmem>>
        %gather3A_703 = tpu.memref_squeeze %gather3A_702 : memref<1x128x128xf32, #tpu.memory_space<vmem>> -> memref<128x128xf32, #tpu.memory_space<vmem>>
        %gather3A_704 = tpu.vector_load_idx %gather3A_703[%add3A_272, %add3A_698] : memref<128x128xf32, #tpu.memory_space<vmem>>[vector<16xi32>, vector<16xi32>], vector<16xf32>,
        %shift_right_arithmetic3A_705 = arith.constant 3 : i32
        %shift_right_arithmetic3A_706 = vector.broadcast %shift_right_arithmetic3A_705 : i32 to vector<16xi32>
        %shift_right_arithmetic3A_707 = arith.shrsi %and3A_23, %shift_right_arithmetic3A_706 : vector<16xi32>
        %add3A_708 = arith.constant 2 : i32
        %add3A_709 = vector.broadcast %add3A_708 : i32 to vector<16xi32>
        %add3A_710 = arith.addi %add3A_709, %shift_right_arithmetic3A_707 : vector<16xi32>
        %and3A_711 = arith.constant 7 : i32
        %and3A_712 = vector.broadcast %and3A_711 : i32 to vector<16xi32>
        %and3A_713 = arith.andi %and3A_23, %and3A_712 : vector<16xi32>
        %scatter3A_714 = arith.constant 1 : i32
        %scatter3A_715 = arith.constant 0 : i32
        %scatter3A_716 = arith.constant 0 : i32
        %scatter3A_717 = arith.constant 0 : i32
        %scatter3A_718 = tpu.memref_slice %arg9[%scatter3A_714, %scatter3A_715, %scatter3A_716, %scatter3A_717] : memref<2x8x8x128xf32, #tpu.memory_space<vmem>> -> memref<1x8x8x128xf32, #tpu.memory_space<vmem>>
        %scatter3A_719 = tpu.memref_squeeze %scatter3A_718 : memref<1x8x8x128xf32, #tpu.memory_space<vmem>> -> memref<8x8x128xf32, #tpu.memory_space<vmem>>
        tpu.vector_store_idx %scatter3A_719[%add3A_710, %and3A_713, %add3A_272], %gather3A_704 : memref<8x8x128xf32, #tpu.memory_space<vmem>>[vector<16xi32>, vector<16xi32>, vector<16xi32>], vector<16xf32>,
        %add3A_720 = arith.addi %add3A_631, %and3A_29 : vector<16xi32>
        %gather3A_721 = arith.constant 1 : i32
        %gather3A_722 = arith.constant 0 : i32
        %gather3A_723 = arith.constant 0 : i32
        %gather3A_724 = tpu.memref_slice %arg8[%gather3A_721, %gather3A_722, %gather3A_723] : memref<2x128x128xf32, #tpu.memory_space<vmem>> -> memref<1x128x128xf32, #tpu.memory_space<vmem>>
        %gather3A_725 = tpu.memref_squeeze %gather3A_724 : memref<1x128x128xf32, #tpu.memory_space<vmem>> -> memref<128x128xf32, #tpu.memory_space<vmem>>
        %gather3A_726 = tpu.vector_load_idx %gather3A_725[%add3A_272, %add3A_720] : memref<128x128xf32, #tpu.memory_space<vmem>>[vector<16xi32>, vector<16xi32>], vector<16xf32>,
        %shift_right_arithmetic3A_727 = arith.constant 3 : i32
        %shift_right_arithmetic3A_728 = vector.broadcast %shift_right_arithmetic3A_727 : i32 to vector<16xi32>
        %shift_right_arithmetic3A_729 = arith.shrsi %and3A_29, %shift_right_arithmetic3A_728 : vector<16xi32>
        %add3A_730 = arith.constant 2 : i32
        %add3A_731 = vector.broadcast %add3A_730 : i32 to vector<16xi32>
        %add3A_732 = arith.addi %add3A_731, %shift_right_arithmetic3A_729 : vector<16xi32>
        %and3A_733 = arith.constant 7 : i32
        %and3A_734 = vector.broadcast %and3A_733 : i32 to vector<16xi32>
        %and3A_735 = arith.andi %and3A_29, %and3A_734 : vector<16xi32>
        %scatter3A_736 = arith.constant 1 : i32
        %scatter3A_737 = arith.constant 0 : i32
        %scatter3A_738 = arith.constant 0 : i32
        %scatter3A_739 = arith.constant 0 : i32
        %scatter3A_740 = tpu.memref_slice %arg9[%scatter3A_736, %scatter3A_737, %scatter3A_738, %scatter3A_739] : memref<2x8x8x128xf32, #tpu.memory_space<vmem>> -> memref<1x8x8x128xf32, #tpu.memory_space<vmem>>
        %scatter3A_741 = tpu.memref_squeeze %scatter3A_740 : memref<1x8x8x128xf32, #tpu.memory_space<vmem>> -> memref<8x8x128xf32, #tpu.memory_space<vmem>>
        tpu.vector_store_idx %scatter3A_741[%add3A_732, %and3A_735, %add3A_272], %gather3A_726 : memref<8x8x128xf32, #tpu.memory_space<vmem>>[vector<16xi32>, vector<16xi32>, vector<16xi32>], vector<16xf32>,
        %add3A_742 = arith.addi %add3A_631, %and3A_35 : vector<16xi32>
        %gather3A_743 = arith.constant 1 : i32
        %gather3A_744 = arith.constant 0 : i32
        %gather3A_745 = arith.constant 0 : i32
        %gather3A_746 = tpu.memref_slice %arg8[%gather3A_743, %gather3A_744, %gather3A_745] : memref<2x128x128xf32, #tpu.memory_space<vmem>> -> memref<1x128x128xf32, #tpu.memory_space<vmem>>
        %gather3A_747 = tpu.memref_squeeze %gather3A_746 : memref<1x128x128xf32, #tpu.memory_space<vmem>> -> memref<128x128xf32, #tpu.memory_space<vmem>>
        %gather3A_748 = tpu.vector_load_idx %gather3A_747[%add3A_272, %add3A_742] : memref<128x128xf32, #tpu.memory_space<vmem>>[vector<16xi32>, vector<16xi32>], vector<16xf32>,
        %shift_right_arithmetic3A_749 = arith.constant 3 : i32
        %shift_right_arithmetic3A_750 = vector.broadcast %shift_right_arithmetic3A_749 : i32 to vector<16xi32>
        %shift_right_arithmetic3A_751 = arith.shrsi %and3A_35, %shift_right_arithmetic3A_750 : vector<16xi32>
        %add3A_752 = arith.constant 2 : i32
        %add3A_753 = vector.broadcast %add3A_752 : i32 to vector<16xi32>
        %add3A_754 = arith.addi %add3A_753, %shift_right_arithmetic3A_751 : vector<16xi32>
        %and3A_755 = arith.constant 7 : i32
        %and3A_756 = vector.broadcast %and3A_755 : i32 to vector<16xi32>
        %and3A_757 = arith.andi %and3A_35, %and3A_756 : vector<16xi32>
        %scatter3A_758 = arith.constant 1 : i32
        %scatter3A_759 = arith.constant 0 : i32
        %scatter3A_760 = arith.constant 0 : i32
        %scatter3A_761 = arith.constant 0 : i32
        %scatter3A_762 = tpu.memref_slice %arg9[%scatter3A_758, %scatter3A_759, %scatter3A_760, %scatter3A_761] : memref<2x8x8x128xf32, #tpu.memory_space<vmem>> -> memref<1x8x8x128xf32, #tpu.memory_space<vmem>>
        %scatter3A_763 = tpu.memref_squeeze %scatter3A_762 : memref<1x8x8x128xf32, #tpu.memory_space<vmem>> -> memref<8x8x128xf32, #tpu.memory_space<vmem>>
        tpu.vector_store_idx %scatter3A_763[%add3A_754, %and3A_757, %add3A_272], %gather3A_748 : memref<8x8x128xf32, #tpu.memory_space<vmem>>[vector<16xi32>, vector<16xi32>, vector<16xi32>], vector<16xf32>,
        %add3A_764 = arith.addi %add3A_631, %and3A_41 : vector<16xi32>
        %gather3A_765 = arith.constant 1 : i32
        %gather3A_766 = arith.constant 0 : i32
        %gather3A_767 = arith.constant 0 : i32
        %gather3A_768 = tpu.memref_slice %arg8[%gather3A_765, %gather3A_766, %gather3A_767] : memref<2x128x128xf32, #tpu.memory_space<vmem>> -> memref<1x128x128xf32, #tpu.memory_space<vmem>>
        %gather3A_769 = tpu.memref_squeeze %gather3A_768 : memref<1x128x128xf32, #tpu.memory_space<vmem>> -> memref<128x128xf32, #tpu.memory_space<vmem>>
        %gather3A_770 = tpu.vector_load_idx %gather3A_769[%add3A_272, %add3A_764] : memref<128x128xf32, #tpu.memory_space<vmem>>[vector<16xi32>, vector<16xi32>], vector<16xf32>,
        %shift_right_arithmetic3A_771 = arith.constant 3 : i32
        %shift_right_arithmetic3A_772 = vector.broadcast %shift_right_arithmetic3A_771 : i32 to vector<16xi32>
        %shift_right_arithmetic3A_773 = arith.shrsi %and3A_41, %shift_right_arithmetic3A_772 : vector<16xi32>
        %add3A_774 = arith.constant 2 : i32
        %add3A_775 = vector.broadcast %add3A_774 : i32 to vector<16xi32>
        %add3A_776 = arith.addi %add3A_775, %shift_right_arithmetic3A_773 : vector<16xi32>
        %and3A_777 = arith.constant 7 : i32
        %and3A_778 = vector.broadcast %and3A_777 : i32 to vector<16xi32>
        %and3A_779 = arith.andi %and3A_41, %and3A_778 : vector<16xi32>
        %scatter3A_780 = arith.constant 1 : i32
        %scatter3A_781 = arith.constant 0 : i32
        %scatter3A_782 = arith.constant 0 : i32
        %scatter3A_783 = arith.constant 0 : i32
        %scatter3A_784 = tpu.memref_slice %arg9[%scatter3A_780, %scatter3A_781, %scatter3A_782, %scatter3A_783] : memref<2x8x8x128xf32, #tpu.memory_space<vmem>> -> memref<1x8x8x128xf32, #tpu.memory_space<vmem>>
        %scatter3A_785 = tpu.memref_squeeze %scatter3A_784 : memref<1x8x8x128xf32, #tpu.memory_space<vmem>> -> memref<8x8x128xf32, #tpu.memory_space<vmem>>
        tpu.vector_store_idx %scatter3A_785[%add3A_776, %and3A_779, %add3A_272], %gather3A_770 : memref<8x8x128xf32, #tpu.memory_space<vmem>>[vector<16xi32>, vector<16xi32>, vector<16xi32>], vector<16xf32>,
        %add3A_786 = arith.addi %add3A_631, %and3A_47 : vector<16xi32>
        %gather3A_787 = arith.constant 1 : i32
        %gather3A_788 = arith.constant 0 : i32
        %gather3A_789 = arith.constant 0 : i32
        %gather3A_790 = tpu.memref_slice %arg8[%gather3A_787, %gather3A_788, %gather3A_789] : memref<2x128x128xf32, #tpu.memory_space<vmem>> -> memref<1x128x128xf32, #tpu.memory_space<vmem>>
        %gather3A_791 = tpu.memref_squeeze %gather3A_790 : memref<1x128x128xf32, #tpu.memory_space<vmem>> -> memref<128x128xf32, #tpu.memory_space<vmem>>
        %gather3A_792 = tpu.vector_load_idx %gather3A_791[%add3A_272, %add3A_786] : memref<128x128xf32, #tpu.memory_space<vmem>>[vector<16xi32>, vector<16xi32>], vector<16xf32>,
        %shift_right_arithmetic3A_793 = arith.constant 3 : i32
        %shift_right_arithmetic3A_794 = vector.broadcast %shift_right_arithmetic3A_793 : i32 to vector<16xi32>
        %shift_right_arithmetic3A_795 = arith.shrsi %and3A_47, %shift_right_arithmetic3A_794 : vector<16xi32>
        %add3A_796 = arith.constant 2 : i32
        %add3A_797 = vector.broadcast %add3A_796 : i32 to vector<16xi32>
        %add3A_798 = arith.addi %add3A_797, %shift_right_arithmetic3A_795 : vector<16xi32>
        %and3A_799 = arith.constant 7 : i32
        %and3A_800 = vector.broadcast %and3A_799 : i32 to vector<16xi32>
        %and3A_801 = arith.andi %and3A_47, %and3A_800 : vector<16xi32>
        %scatter3A_802 = arith.constant 1 : i32
        %scatter3A_803 = arith.constant 0 : i32
        %scatter3A_804 = arith.constant 0 : i32
        %scatter3A_805 = arith.constant 0 : i32
        %scatter3A_806 = tpu.memref_slice %arg9[%scatter3A_802, %scatter3A_803, %scatter3A_804, %scatter3A_805] : memref<2x8x8x128xf32, #tpu.memory_space<vmem>> -> memref<1x8x8x128xf32, #tpu.memory_space<vmem>>
        %scatter3A_807 = tpu.memref_squeeze %scatter3A_806 : memref<1x8x8x128xf32, #tpu.memory_space<vmem>> -> memref<8x8x128xf32, #tpu.memory_space<vmem>>
        tpu.vector_store_idx %scatter3A_807[%add3A_798, %and3A_801, %add3A_272], %gather3A_792 : memref<8x8x128xf32, #tpu.memory_space<vmem>>[vector<16xi32>, vector<16xi32>, vector<16xi32>], vector<16xf32>,
        %add3A_808 = arith.addi %add3A_631, %and3A_53 : vector<16xi32>
        %gather3A_809 = arith.constant 1 : i32
        %gather3A_810 = arith.constant 0 : i32
        %gather3A_811 = arith.constant 0 : i32
        %gather3A_812 = tpu.memref_slice %arg8[%gather3A_809, %gather3A_810, %gather3A_811] : memref<2x128x128xf32, #tpu.memory_space<vmem>> -> memref<1x128x128xf32, #tpu.memory_space<vmem>>
        %gather3A_813 = tpu.memref_squeeze %gather3A_812 : memref<1x128x128xf32, #tpu.memory_space<vmem>> -> memref<128x128xf32, #tpu.memory_space<vmem>>
        %gather3A_814 = tpu.vector_load_idx %gather3A_813[%add3A_272, %add3A_808] : memref<128x128xf32, #tpu.memory_space<vmem>>[vector<16xi32>, vector<16xi32>], vector<16xf32>,
        %shift_right_arithmetic3A_815 = arith.constant 3 : i32
        %shift_right_arithmetic3A_816 = vector.broadcast %shift_right_arithmetic3A_815 : i32 to vector<16xi32>
        %shift_right_arithmetic3A_817 = arith.shrsi %and3A_53, %shift_right_arithmetic3A_816 : vector<16xi32>
        %add3A_818 = arith.constant 2 : i32
        %add3A_819 = vector.broadcast %add3A_818 : i32 to vector<16xi32>
        %add3A_820 = arith.addi %add3A_819, %shift_right_arithmetic3A_817 : vector<16xi32>
        %and3A_821 = arith.constant 7 : i32
        %and3A_822 = vector.broadcast %and3A_821 : i32 to vector<16xi32>
        %and3A_823 = arith.andi %and3A_53, %and3A_822 : vector<16xi32>
        %scatter3A_824 = arith.constant 1 : i32
        %scatter3A_825 = arith.constant 0 : i32
        %scatter3A_826 = arith.constant 0 : i32
        %scatter3A_827 = arith.constant 0 : i32
        %scatter3A_828 = tpu.memref_slice %arg9[%scatter3A_824, %scatter3A_825, %scatter3A_826, %scatter3A_827] : memref<2x8x8x128xf32, #tpu.memory_space<vmem>> -> memref<1x8x8x128xf32, #tpu.memory_space<vmem>>
        %scatter3A_829 = tpu.memref_squeeze %scatter3A_828 : memref<1x8x8x128xf32, #tpu.memory_space<vmem>> -> memref<8x8x128xf32, #tpu.memory_space<vmem>>
        tpu.vector_store_idx %scatter3A_829[%add3A_820, %and3A_823, %add3A_272], %gather3A_814 : memref<8x8x128xf32, #tpu.memory_space<vmem>>[vector<16xi32>, vector<16xi32>, vector<16xi32>], vector<16xf32>,
        %add3A_830 = arith.addi %add3A_631, %and3A_59 : vector<16xi32>
        %gather3A_831 = arith.constant 1 : i32
        %gather3A_832 = arith.constant 0 : i32
        %gather3A_833 = arith.constant 0 : i32
        %gather3A_834 = tpu.memref_slice %arg8[%gather3A_831, %gather3A_832, %gather3A_833] : memref<2x128x128xf32, #tpu.memory_space<vmem>> -> memref<1x128x128xf32, #tpu.memory_space<vmem>>
        %gather3A_835 = tpu.memref_squeeze %gather3A_834 : memref<1x128x128xf32, #tpu.memory_space<vmem>> -> memref<128x128xf32, #tpu.memory_space<vmem>>
        %gather3A_836 = tpu.vector_load_idx %gather3A_835[%add3A_272, %add3A_830] : memref<128x128xf32, #tpu.memory_space<vmem>>[vector<16xi32>, vector<16xi32>], vector<16xf32>,
        %shift_right_arithmetic3A_837 = arith.constant 3 : i32
        %shift_right_arithmetic3A_838 = vector.broadcast %shift_right_arithmetic3A_837 : i32 to vector<16xi32>
        %shift_right_arithmetic3A_839 = arith.shrsi %and3A_59, %shift_right_arithmetic3A_838 : vector<16xi32>
        %add3A_840 = arith.constant 2 : i32
        %add3A_841 = vector.broadcast %add3A_840 : i32 to vector<16xi32>
        %add3A_842 = arith.addi %add3A_841, %shift_right_arithmetic3A_839 : vector<16xi32>
        %and3A_843 = arith.constant 7 : i32
        %and3A_844 = vector.broadcast %and3A_843 : i32 to vector<16xi32>
        %and3A_845 = arith.andi %and3A_59, %and3A_844 : vector<16xi32>
        %scatter3A_846 = arith.constant 1 : i32
        %scatter3A_847 = arith.constant 0 : i32
        %scatter3A_848 = arith.constant 0 : i32
        %scatter3A_849 = arith.constant 0 : i32
        %scatter3A_850 = tpu.memref_slice %arg9[%scatter3A_846, %scatter3A_847, %scatter3A_848, %scatter3A_849] : memref<2x8x8x128xf32, #tpu.memory_space<vmem>> -> memref<1x8x8x128xf32, #tpu.memory_space<vmem>>
        %scatter3A_851 = tpu.memref_squeeze %scatter3A_850 : memref<1x8x8x128xf32, #tpu.memory_space<vmem>> -> memref<8x8x128xf32, #tpu.memory_space<vmem>>
        tpu.vector_store_idx %scatter3A_851[%add3A_842, %and3A_845, %add3A_272], %gather3A_836 : memref<8x8x128xf32, #tpu.memory_space<vmem>>[vector<16xi32>, vector<16xi32>, vector<16xi32>], vector<16xf32>,
        %add3A_852 = arith.addi %add3A_631, %and3A_65 : vector<16xi32>
        %gather3A_853 = arith.constant 1 : i32
        %gather3A_854 = arith.constant 0 : i32
        %gather3A_855 = arith.constant 0 : i32
        %gather3A_856 = tpu.memref_slice %arg8[%gather3A_853, %gather3A_854, %gather3A_855] : memref<2x128x128xf32, #tpu.memory_space<vmem>> -> memref<1x128x128xf32, #tpu.memory_space<vmem>>
        %gather3A_857 = tpu.memref_squeeze %gather3A_856 : memref<1x128x128xf32, #tpu.memory_space<vmem>> -> memref<128x128xf32, #tpu.memory_space<vmem>>
        %gather3A_858 = tpu.vector_load_idx %gather3A_857[%add3A_272, %add3A_852] : memref<128x128xf32, #tpu.memory_space<vmem>>[vector<16xi32>, vector<16xi32>], vector<16xf32>,
        %shift_right_arithmetic3A_859 = arith.constant 3 : i32
        %shift_right_arithmetic3A_860 = vector.broadcast %shift_right_arithmetic3A_859 : i32 to vector<16xi32>
        %shift_right_arithmetic3A_861 = arith.shrsi %and3A_65, %shift_right_arithmetic3A_860 : vector<16xi32>
        %add3A_862 = arith.constant 2 : i32
        %add3A_863 = vector.broadcast %add3A_862 : i32 to vector<16xi32>
        %add3A_864 = arith.addi %add3A_863, %shift_right_arithmetic3A_861 : vector<16xi32>
        %and3A_865 = arith.constant 7 : i32
        %and3A_866 = vector.broadcast %and3A_865 : i32 to vector<16xi32>
        %and3A_867 = arith.andi %and3A_65, %and3A_866 : vector<16xi32>
        %scatter3A_868 = arith.constant 1 : i32
        %scatter3A_869 = arith.constant 0 : i32
        %scatter3A_870 = arith.constant 0 : i32
        %scatter3A_871 = arith.constant 0 : i32
        %scatter3A_872 = tpu.memref_slice %arg9[%scatter3A_868, %scatter3A_869, %scatter3A_870, %scatter3A_871] : memref<2x8x8x128xf32, #tpu.memory_space<vmem>> -> memref<1x8x8x128xf32, #tpu.memory_space<vmem>>
        %scatter3A_873 = tpu.memref_squeeze %scatter3A_872 : memref<1x8x8x128xf32, #tpu.memory_space<vmem>> -> memref<8x8x128xf32, #tpu.memory_space<vmem>>
        tpu.vector_store_idx %scatter3A_873[%add3A_864, %and3A_867, %add3A_272], %gather3A_858 : memref<8x8x128xf32, #tpu.memory_space<vmem>>[vector<16xi32>, vector<16xi32>, vector<16xi32>], vector<16xf32>,
        %add3A_874 = arith.addi %add3A_631, %and3A_71 : vector<16xi32>
        %gather3A_875 = arith.constant 1 : i32
        %gather3A_876 = arith.constant 0 : i32
        %gather3A_877 = arith.constant 0 : i32
        %gather3A_878 = tpu.memref_slice %arg8[%gather3A_875, %gather3A_876, %gather3A_877] : memref<2x128x128xf32, #tpu.memory_space<vmem>> -> memref<1x128x128xf32, #tpu.memory_space<vmem>>
        %gather3A_879 = tpu.memref_squeeze %gather3A_878 : memref<1x128x128xf32, #tpu.memory_space<vmem>> -> memref<128x128xf32, #tpu.memory_space<vmem>>
        %gather3A_880 = tpu.vector_load_idx %gather3A_879[%add3A_272, %add3A_874] : memref<128x128xf32, #tpu.memory_space<vmem>>[vector<16xi32>, vector<16xi32>], vector<16xf32>,
        %shift_right_arithmetic3A_881 = arith.constant 3 : i32
        %shift_right_arithmetic3A_882 = vector.broadcast %shift_right_arithmetic3A_881 : i32 to vector<16xi32>
        %shift_right_arithmetic3A_883 = arith.shrsi %and3A_71, %shift_right_arithmetic3A_882 : vector<16xi32>
        %add3A_884 = arith.constant 2 : i32
        %add3A_885 = vector.broadcast %add3A_884 : i32 to vector<16xi32>
        %add3A_886 = arith.addi %add3A_885, %shift_right_arithmetic3A_883 : vector<16xi32>
        %and3A_887 = arith.constant 7 : i32
        %and3A_888 = vector.broadcast %and3A_887 : i32 to vector<16xi32>
        %and3A_889 = arith.andi %and3A_71, %and3A_888 : vector<16xi32>
        %scatter3A_890 = arith.constant 1 : i32
        %scatter3A_891 = arith.constant 0 : i32
        %scatter3A_892 = arith.constant 0 : i32
        %scatter3A_893 = arith.constant 0 : i32
        %scatter3A_894 = tpu.memref_slice %arg9[%scatter3A_890, %scatter3A_891, %scatter3A_892, %scatter3A_893] : memref<2x8x8x128xf32, #tpu.memory_space<vmem>> -> memref<1x8x8x128xf32, #tpu.memory_space<vmem>>
        %scatter3A_895 = tpu.memref_squeeze %scatter3A_894 : memref<1x8x8x128xf32, #tpu.memory_space<vmem>> -> memref<8x8x128xf32, #tpu.memory_space<vmem>>
        tpu.vector_store_idx %scatter3A_895[%add3A_886, %and3A_889, %add3A_272], %gather3A_880 : memref<8x8x128xf32, #tpu.memory_space<vmem>>[vector<16xi32>, vector<16xi32>, vector<16xi32>], vector<16xf32>,
        %add3A_896 = arith.addi %add3A_631, %and3A_77 : vector<16xi32>
        %gather3A_897 = arith.constant 1 : i32
        %gather3A_898 = arith.constant 0 : i32
        %gather3A_899 = arith.constant 0 : i32
        %gather3A_900 = tpu.memref_slice %arg8[%gather3A_897, %gather3A_898, %gather3A_899] : memref<2x128x128xf32, #tpu.memory_space<vmem>> -> memref<1x128x128xf32, #tpu.memory_space<vmem>>
        %gather3A_901 = tpu.memref_squeeze %gather3A_900 : memref<1x128x128xf32, #tpu.memory_space<vmem>> -> memref<128x128xf32, #tpu.memory_space<vmem>>
        %gather3A_902 = tpu.vector_load_idx %gather3A_901[%add3A_272, %add3A_896] : memref<128x128xf32, #tpu.memory_space<vmem>>[vector<16xi32>, vector<16xi32>], vector<16xf32>,
        %shift_right_arithmetic3A_903 = arith.constant 3 : i32
        %shift_right_arithmetic3A_904 = vector.broadcast %shift_right_arithmetic3A_903 : i32 to vector<16xi32>
        %shift_right_arithmetic3A_905 = arith.shrsi %and3A_77, %shift_right_arithmetic3A_904 : vector<16xi32>
        %add3A_906 = arith.constant 2 : i32
        %add3A_907 = vector.broadcast %add3A_906 : i32 to vector<16xi32>
        %add3A_908 = arith.addi %add3A_907, %shift_right_arithmetic3A_905 : vector<16xi32>
        %and3A_909 = arith.constant 7 : i32
        %and3A_910 = vector.broadcast %and3A_909 : i32 to vector<16xi32>
        %and3A_911 = arith.andi %and3A_77, %and3A_910 : vector<16xi32>
        %scatter3A_912 = arith.constant 1 : i32
        %scatter3A_913 = arith.constant 0 : i32
        %scatter3A_914 = arith.constant 0 : i32
        %scatter3A_915 = arith.constant 0 : i32
        %scatter3A_916 = tpu.memref_slice %arg9[%scatter3A_912, %scatter3A_913, %scatter3A_914, %scatter3A_915] : memref<2x8x8x128xf32, #tpu.memory_space<vmem>> -> memref<1x8x8x128xf32, #tpu.memory_space<vmem>>
        %scatter3A_917 = tpu.memref_squeeze %scatter3A_916 : memref<1x8x8x128xf32, #tpu.memory_space<vmem>> -> memref<8x8x128xf32, #tpu.memory_space<vmem>>
        tpu.vector_store_idx %scatter3A_917[%add3A_908, %and3A_911, %add3A_272], %gather3A_902 : memref<8x8x128xf32, #tpu.memory_space<vmem>>[vector<16xi32>, vector<16xi32>, vector<16xi32>], vector<16xf32>,
        %add3A_918 = arith.addi %add3A_631, %and3A_83 : vector<16xi32>
        %gather3A_919 = arith.constant 1 : i32
        %gather3A_920 = arith.constant 0 : i32
        %gather3A_921 = arith.constant 0 : i32
        %gather3A_922 = tpu.memref_slice %arg8[%gather3A_919, %gather3A_920, %gather3A_921] : memref<2x128x128xf32, #tpu.memory_space<vmem>> -> memref<1x128x128xf32, #tpu.memory_space<vmem>>
        %gather3A_923 = tpu.memref_squeeze %gather3A_922 : memref<1x128x128xf32, #tpu.memory_space<vmem>> -> memref<128x128xf32, #tpu.memory_space<vmem>>
        %gather3A_924 = tpu.vector_load_idx %gather3A_923[%add3A_272, %add3A_918] : memref<128x128xf32, #tpu.memory_space<vmem>>[vector<16xi32>, vector<16xi32>], vector<16xf32>,
        %shift_right_arithmetic3A_925 = arith.constant 3 : i32
        %shift_right_arithmetic3A_926 = vector.broadcast %shift_right_arithmetic3A_925 : i32 to vector<16xi32>
        %shift_right_arithmetic3A_927 = arith.shrsi %and3A_83, %shift_right_arithmetic3A_926 : vector<16xi32>
        %add3A_928 = arith.constant 2 : i32
        %add3A_929 = vector.broadcast %add3A_928 : i32 to vector<16xi32>
        %add3A_930 = arith.addi %add3A_929, %shift_right_arithmetic3A_927 : vector<16xi32>
        %and3A_931 = arith.constant 7 : i32
        %and3A_932 = vector.broadcast %and3A_931 : i32 to vector<16xi32>
        %and3A_933 = arith.andi %and3A_83, %and3A_932 : vector<16xi32>
        %scatter3A_934 = arith.constant 1 : i32
        %scatter3A_935 = arith.constant 0 : i32
        %scatter3A_936 = arith.constant 0 : i32
        %scatter3A_937 = arith.constant 0 : i32
        %scatter3A_938 = tpu.memref_slice %arg9[%scatter3A_934, %scatter3A_935, %scatter3A_936, %scatter3A_937] : memref<2x8x8x128xf32, #tpu.memory_space<vmem>> -> memref<1x8x8x128xf32, #tpu.memory_space<vmem>>
        %scatter3A_939 = tpu.memref_squeeze %scatter3A_938 : memref<1x8x8x128xf32, #tpu.memory_space<vmem>> -> memref<8x8x128xf32, #tpu.memory_space<vmem>>
        tpu.vector_store_idx %scatter3A_939[%add3A_930, %and3A_933, %add3A_272], %gather3A_924 : memref<8x8x128xf32, #tpu.memory_space<vmem>>[vector<16xi32>, vector<16xi32>, vector<16xi32>], vector<16xf32>,
        %add3A_940 = arith.addi %add3A_631, %and3A_89 : vector<16xi32>
        %gather3A_941 = arith.constant 1 : i32
        %gather3A_942 = arith.constant 0 : i32
        %gather3A_943 = arith.constant 0 : i32
        %gather3A_944 = tpu.memref_slice %arg8[%gather3A_941, %gather3A_942, %gather3A_943] : memref<2x128x128xf32, #tpu.memory_space<vmem>> -> memref<1x128x128xf32, #tpu.memory_space<vmem>>
        %gather3A_945 = tpu.memref_squeeze %gather3A_944 : memref<1x128x128xf32, #tpu.memory_space<vmem>> -> memref<128x128xf32, #tpu.memory_space<vmem>>
        %gather3A_946 = tpu.vector_load_idx %gather3A_945[%add3A_272, %add3A_940] : memref<128x128xf32, #tpu.memory_space<vmem>>[vector<16xi32>, vector<16xi32>], vector<16xf32>,
        %shift_right_arithmetic3A_947 = arith.constant 3 : i32
        %shift_right_arithmetic3A_948 = vector.broadcast %shift_right_arithmetic3A_947 : i32 to vector<16xi32>
        %shift_right_arithmetic3A_949 = arith.shrsi %and3A_89, %shift_right_arithmetic3A_948 : vector<16xi32>
        %add3A_950 = arith.constant 2 : i32
        %add3A_951 = vector.broadcast %add3A_950 : i32 to vector<16xi32>
        %add3A_952 = arith.addi %add3A_951, %shift_right_arithmetic3A_949 : vector<16xi32>
        %and3A_953 = arith.constant 7 : i32
        %and3A_954 = vector.broadcast %and3A_953 : i32 to vector<16xi32>
        %and3A_955 = arith.andi %and3A_89, %and3A_954 : vector<16xi32>
        %scatter3A_956 = arith.constant 1 : i32
        %scatter3A_957 = arith.constant 0 : i32
        %scatter3A_958 = arith.constant 0 : i32
        %scatter3A_959 = arith.constant 0 : i32
        %scatter3A_960 = tpu.memref_slice %arg9[%scatter3A_956, %scatter3A_957, %scatter3A_958, %scatter3A_959] : memref<2x8x8x128xf32, #tpu.memory_space<vmem>> -> memref<1x8x8x128xf32, #tpu.memory_space<vmem>>
        %scatter3A_961 = tpu.memref_squeeze %scatter3A_960 : memref<1x8x8x128xf32, #tpu.memory_space<vmem>> -> memref<8x8x128xf32, #tpu.memory_space<vmem>>
        tpu.vector_store_idx %scatter3A_961[%add3A_952, %and3A_955, %add3A_272], %gather3A_946 : memref<8x8x128xf32, #tpu.memory_space<vmem>>[vector<16xi32>, vector<16xi32>, vector<16xi32>], vector<16xf32>,
        %add3A_962 = arith.addi %add3A_631, %and3A_95 : vector<16xi32>
        %gather3A_963 = arith.constant 1 : i32
        %gather3A_964 = arith.constant 0 : i32
        %gather3A_965 = arith.constant 0 : i32
        %gather3A_966 = tpu.memref_slice %arg8[%gather3A_963, %gather3A_964, %gather3A_965] : memref<2x128x128xf32, #tpu.memory_space<vmem>> -> memref<1x128x128xf32, #tpu.memory_space<vmem>>
        %gather3A_967 = tpu.memref_squeeze %gather3A_966 : memref<1x128x128xf32, #tpu.memory_space<vmem>> -> memref<128x128xf32, #tpu.memory_space<vmem>>
        %gather3A_968 = tpu.vector_load_idx %gather3A_967[%add3A_272, %add3A_962] : memref<128x128xf32, #tpu.memory_space<vmem>>[vector<16xi32>, vector<16xi32>], vector<16xf32>,
        %shift_right_arithmetic3A_969 = arith.constant 3 : i32
        %shift_right_arithmetic3A_970 = vector.broadcast %shift_right_arithmetic3A_969 : i32 to vector<16xi32>
        %shift_right_arithmetic3A_971 = arith.shrsi %and3A_95, %shift_right_arithmetic3A_970 : vector<16xi32>
        %add3A_972 = arith.constant 2 : i32
        %add3A_973 = vector.broadcast %add3A_972 : i32 to vector<16xi32>
        %add3A_974 = arith.addi %add3A_973, %shift_right_arithmetic3A_971 : vector<16xi32>
        %and3A_975 = arith.constant 7 : i32
        %and3A_976 = vector.broadcast %and3A_975 : i32 to vector<16xi32>
        %and3A_977 = arith.andi %and3A_95, %and3A_976 : vector<16xi32>
        %scatter3A_978 = arith.constant 1 : i32
        %scatter3A_979 = arith.constant 0 : i32
        %scatter3A_980 = arith.constant 0 : i32
        %scatter3A_981 = arith.constant 0 : i32
        %scatter3A_982 = tpu.memref_slice %arg9[%scatter3A_978, %scatter3A_979, %scatter3A_980, %scatter3A_981] : memref<2x8x8x128xf32, #tpu.memory_space<vmem>> -> memref<1x8x8x128xf32, #tpu.memory_space<vmem>>
        %scatter3A_983 = tpu.memref_squeeze %scatter3A_982 : memref<1x8x8x128xf32, #tpu.memory_space<vmem>> -> memref<8x8x128xf32, #tpu.memory_space<vmem>>
        tpu.vector_store_idx %scatter3A_983[%add3A_974, %and3A_977, %add3A_272], %gather3A_968 : memref<8x8x128xf32, #tpu.memory_space<vmem>>[vector<16xi32>, vector<16xi32>, vector<16xi32>], vector<16xf32>,
        %add3A_984 = arith.constant 32 : i32
        %add3A_985 = vector.broadcast %add3A_984 : i32 to vector<16xi32>
        %add3A_986 = arith.addi %add3A_985, %get3A_276 : vector<16xi32>
        %add3A_987 = arith.addi %add3A_986, %and3A_5 : vector<16xi32>
        %gather3A_988 = arith.constant 1 : i32
        %gather3A_989 = arith.constant 0 : i32
        %gather3A_990 = arith.constant 0 : i32
        %gather3A_991 = tpu.memref_slice %arg8[%gather3A_988, %gather3A_989, %gather3A_990] : memref<2x128x128xf32, #tpu.memory_space<vmem>> -> memref<1x128x128xf32, #tpu.memory_space<vmem>>
        %gather3A_992 = tpu.memref_squeeze %gather3A_991 : memref<1x128x128xf32, #tpu.memory_space<vmem>> -> memref<128x128xf32, #tpu.memory_space<vmem>>
        %gather3A_993 = tpu.vector_load_idx %gather3A_992[%add3A_272, %add3A_987] : memref<128x128xf32, #tpu.memory_space<vmem>>[vector<16xi32>, vector<16xi32>], vector<16xf32>,
        %shift_right_arithmetic3A_994 = arith.constant 3 : i32
        %shift_right_arithmetic3A_995 = vector.broadcast %shift_right_arithmetic3A_994 : i32 to vector<16xi32>
        %shift_right_arithmetic3A_996 = arith.shrsi %and3A_5, %shift_right_arithmetic3A_995 : vector<16xi32>
        %add3A_997 = arith.constant 4 : i32
        %add3A_998 = vector.broadcast %add3A_997 : i32 to vector<16xi32>
        %add3A_999 = arith.addi %add3A_998, %shift_right_arithmetic3A_996 : vector<16xi32>
        %and3A_1000 = arith.constant 7 : i32
        %and3A_1001 = vector.broadcast %and3A_1000 : i32 to vector<16xi32>
        %and3A_1002 = arith.andi %and3A_5, %and3A_1001 : vector<16xi32>
        %scatter3A_1003 = arith.constant 1 : i32
        %scatter3A_1004 = arith.constant 0 : i32
        %scatter3A_1005 = arith.constant 0 : i32
        %scatter3A_1006 = arith.constant 0 : i32
        %scatter3A_1007 = tpu.memref_slice %arg9[%scatter3A_1003, %scatter3A_1004, %scatter3A_1005, %scatter3A_1006] : memref<2x8x8x128xf32, #tpu.memory_space<vmem>> -> memref<1x8x8x128xf32, #tpu.memory_space<vmem>>
        %scatter3A_1008 = tpu.memref_squeeze %scatter3A_1007 : memref<1x8x8x128xf32, #tpu.memory_space<vmem>> -> memref<8x8x128xf32, #tpu.memory_space<vmem>>
        tpu.vector_store_idx %scatter3A_1008[%add3A_999, %and3A_1002, %add3A_272], %gather3A_993 : memref<8x8x128xf32, #tpu.memory_space<vmem>>[vector<16xi32>, vector<16xi32>, vector<16xi32>], vector<16xf32>,
        %add3A_1009 = arith.addi %add3A_986, %and3A_11 : vector<16xi32>
        %gather3A_1010 = arith.constant 1 : i32
        %gather3A_1011 = arith.constant 0 : i32
        %gather3A_1012 = arith.constant 0 : i32
        %gather3A_1013 = tpu.memref_slice %arg8[%gather3A_1010, %gather3A_1011, %gather3A_1012] : memref<2x128x128xf32, #tpu.memory_space<vmem>> -> memref<1x128x128xf32, #tpu.memory_space<vmem>>
        %gather3A_1014 = tpu.memref_squeeze %gather3A_1013 : memref<1x128x128xf32, #tpu.memory_space<vmem>> -> memref<128x128xf32, #tpu.memory_space<vmem>>
        %gather3A_1015 = tpu.vector_load_idx %gather3A_1014[%add3A_272, %add3A_1009] : memref<128x128xf32, #tpu.memory_space<vmem>>[vector<16xi32>, vector<16xi32>], vector<16xf32>,
        %shift_right_arithmetic3A_1016 = arith.constant 3 : i32
        %shift_right_arithmetic3A_1017 = vector.broadcast %shift_right_arithmetic3A_1016 : i32 to vector<16xi32>
        %shift_right_arithmetic3A_1018 = arith.shrsi %and3A_11, %shift_right_arithmetic3A_1017 : vector<16xi32>
        %add3A_1019 = arith.constant 4 : i32
        %add3A_1020 = vector.broadcast %add3A_1019 : i32 to vector<16xi32>
        %add3A_1021 = arith.addi %add3A_1020, %shift_right_arithmetic3A_1018 : vector<16xi32>
        %and3A_1022 = arith.constant 7 : i32
        %and3A_1023 = vector.broadcast %and3A_1022 : i32 to vector<16xi32>
        %and3A_1024 = arith.andi %and3A_11, %and3A_1023 : vector<16xi32>
        %scatter3A_1025 = arith.constant 1 : i32
        %scatter3A_1026 = arith.constant 0 : i32
        %scatter3A_1027 = arith.constant 0 : i32
        %scatter3A_1028 = arith.constant 0 : i32
        %scatter3A_1029 = tpu.memref_slice %arg9[%scatter3A_1025, %scatter3A_1026, %scatter3A_1027, %scatter3A_1028] : memref<2x8x8x128xf32, #tpu.memory_space<vmem>> -> memref<1x8x8x128xf32, #tpu.memory_space<vmem>>
        %scatter3A_1030 = tpu.memref_squeeze %scatter3A_1029 : memref<1x8x8x128xf32, #tpu.memory_space<vmem>> -> memref<8x8x128xf32, #tpu.memory_space<vmem>>
        tpu.vector_store_idx %scatter3A_1030[%add3A_1021, %and3A_1024, %add3A_272], %gather3A_1015 : memref<8x8x128xf32, #tpu.memory_space<vmem>>[vector<16xi32>, vector<16xi32>, vector<16xi32>], vector<16xf32>,
        %add3A_1031 = arith.addi %add3A_986, %and3A_17 : vector<16xi32>
        %gather3A_1032 = arith.constant 1 : i32
        %gather3A_1033 = arith.constant 0 : i32
        %gather3A_1034 = arith.constant 0 : i32
        %gather3A_1035 = tpu.memref_slice %arg8[%gather3A_1032, %gather3A_1033, %gather3A_1034] : memref<2x128x128xf32, #tpu.memory_space<vmem>> -> memref<1x128x128xf32, #tpu.memory_space<vmem>>
        %gather3A_1036 = tpu.memref_squeeze %gather3A_1035 : memref<1x128x128xf32, #tpu.memory_space<vmem>> -> memref<128x128xf32, #tpu.memory_space<vmem>>
        %gather3A_1037 = tpu.vector_load_idx %gather3A_1036[%add3A_272, %add3A_1031] : memref<128x128xf32, #tpu.memory_space<vmem>>[vector<16xi32>, vector<16xi32>], vector<16xf32>,
        %shift_right_arithmetic3A_1038 = arith.constant 3 : i32
        %shift_right_arithmetic3A_1039 = vector.broadcast %shift_right_arithmetic3A_1038 : i32 to vector<16xi32>
        %shift_right_arithmetic3A_1040 = arith.shrsi %and3A_17, %shift_right_arithmetic3A_1039 : vector<16xi32>
        %add3A_1041 = arith.constant 4 : i32
        %add3A_1042 = vector.broadcast %add3A_1041 : i32 to vector<16xi32>
        %add3A_1043 = arith.addi %add3A_1042, %shift_right_arithmetic3A_1040 : vector<16xi32>
        %and3A_1044 = arith.constant 7 : i32
        %and3A_1045 = vector.broadcast %and3A_1044 : i32 to vector<16xi32>
        %and3A_1046 = arith.andi %and3A_17, %and3A_1045 : vector<16xi32>
        %scatter3A_1047 = arith.constant 1 : i32
        %scatter3A_1048 = arith.constant 0 : i32
        %scatter3A_1049 = arith.constant 0 : i32
        %scatter3A_1050 = arith.constant 0 : i32
        %scatter3A_1051 = tpu.memref_slice %arg9[%scatter3A_1047, %scatter3A_1048, %scatter3A_1049, %scatter3A_1050] : memref<2x8x8x128xf32, #tpu.memory_space<vmem>> -> memref<1x8x8x128xf32, #tpu.memory_space<vmem>>
        %scatter3A_1052 = tpu.memref_squeeze %scatter3A_1051 : memref<1x8x8x128xf32, #tpu.memory_space<vmem>> -> memref<8x8x128xf32, #tpu.memory_space<vmem>>
        tpu.vector_store_idx %scatter3A_1052[%add3A_1043, %and3A_1046, %add3A_272], %gather3A_1037 : memref<8x8x128xf32, #tpu.memory_space<vmem>>[vector<16xi32>, vector<16xi32>, vector<16xi32>], vector<16xf32>,
        %add3A_1053 = arith.addi %add3A_986, %and3A_23 : vector<16xi32>
        %gather3A_1054 = arith.constant 1 : i32
        %gather3A_1055 = arith.constant 0 : i32
        %gather3A_1056 = arith.constant 0 : i32
        %gather3A_1057 = tpu.memref_slice %arg8[%gather3A_1054, %gather3A_1055, %gather3A_1056] : memref<2x128x128xf32, #tpu.memory_space<vmem>> -> memref<1x128x128xf32, #tpu.memory_space<vmem>>
        %gather3A_1058 = tpu.memref_squeeze %gather3A_1057 : memref<1x128x128xf32, #tpu.memory_space<vmem>> -> memref<128x128xf32, #tpu.memory_space<vmem>>
        %gather3A_1059 = tpu.vector_load_idx %gather3A_1058[%add3A_272, %add3A_1053] : memref<128x128xf32, #tpu.memory_space<vmem>>[vector<16xi32>, vector<16xi32>], vector<16xf32>,
        %shift_right_arithmetic3A_1060 = arith.constant 3 : i32
        %shift_right_arithmetic3A_1061 = vector.broadcast %shift_right_arithmetic3A_1060 : i32 to vector<16xi32>
        %shift_right_arithmetic3A_1062 = arith.shrsi %and3A_23, %shift_right_arithmetic3A_1061 : vector<16xi32>
        %add3A_1063 = arith.constant 4 : i32
        %add3A_1064 = vector.broadcast %add3A_1063 : i32 to vector<16xi32>
        %add3A_1065 = arith.addi %add3A_1064, %shift_right_arithmetic3A_1062 : vector<16xi32>
        %and3A_1066 = arith.constant 7 : i32
        %and3A_1067 = vector.broadcast %and3A_1066 : i32 to vector<16xi32>
        %and3A_1068 = arith.andi %and3A_23, %and3A_1067 : vector<16xi32>
        %scatter3A_1069 = arith.constant 1 : i32
        %scatter3A_1070 = arith.constant 0 : i32
        %scatter3A_1071 = arith.constant 0 : i32
        %scatter3A_1072 = arith.constant 0 : i32
        %scatter3A_1073 = tpu.memref_slice %arg9[%scatter3A_1069, %scatter3A_1070, %scatter3A_1071, %scatter3A_1072] : memref<2x8x8x128xf32, #tpu.memory_space<vmem>> -> memref<1x8x8x128xf32, #tpu.memory_space<vmem>>
        %scatter3A_1074 = tpu.memref_squeeze %scatter3A_1073 : memref<1x8x8x128xf32, #tpu.memory_space<vmem>> -> memref<8x8x128xf32, #tpu.memory_space<vmem>>
        tpu.vector_store_idx %scatter3A_1074[%add3A_1065, %and3A_1068, %add3A_272], %gather3A_1059 : memref<8x8x128xf32, #tpu.memory_space<vmem>>[vector<16xi32>, vector<16xi32>, vector<16xi32>], vector<16xf32>,
        %add3A_1075 = arith.addi %add3A_986, %and3A_29 : vector<16xi32>
        %gather3A_1076 = arith.constant 1 : i32
        %gather3A_1077 = arith.constant 0 : i32
        %gather3A_1078 = arith.constant 0 : i32
        %gather3A_1079 = tpu.memref_slice %arg8[%gather3A_1076, %gather3A_1077, %gather3A_1078] : memref<2x128x128xf32, #tpu.memory_space<vmem>> -> memref<1x128x128xf32, #tpu.memory_space<vmem>>
        %gather3A_1080 = tpu.memref_squeeze %gather3A_1079 : memref<1x128x128xf32, #tpu.memory_space<vmem>> -> memref<128x128xf32, #tpu.memory_space<vmem>>
        %gather3A_1081 = tpu.vector_load_idx %gather3A_1080[%add3A_272, %add3A_1075] : memref<128x128xf32, #tpu.memory_space<vmem>>[vector<16xi32>, vector<16xi32>], vector<16xf32>,
        %shift_right_arithmetic3A_1082 = arith.constant 3 : i32
        %shift_right_arithmetic3A_1083 = vector.broadcast %shift_right_arithmetic3A_1082 : i32 to vector<16xi32>
        %shift_right_arithmetic3A_1084 = arith.shrsi %and3A_29, %shift_right_arithmetic3A_1083 : vector<16xi32>
        %add3A_1085 = arith.constant 4 : i32
        %add3A_1086 = vector.broadcast %add3A_1085 : i32 to vector<16xi32>
        %add3A_1087 = arith.addi %add3A_1086, %shift_right_arithmetic3A_1084 : vector<16xi32>
        %and3A_1088 = arith.constant 7 : i32
        %and3A_1089 = vector.broadcast %and3A_1088 : i32 to vector<16xi32>
        %and3A_1090 = arith.andi %and3A_29, %and3A_1089 : vector<16xi32>
        %scatter3A_1091 = arith.constant 1 : i32
        %scatter3A_1092 = arith.constant 0 : i32
        %scatter3A_1093 = arith.constant 0 : i32
        %scatter3A_1094 = arith.constant 0 : i32
        %scatter3A_1095 = tpu.memref_slice %arg9[%scatter3A_1091, %scatter3A_1092, %scatter3A_1093, %scatter3A_1094] : memref<2x8x8x128xf32, #tpu.memory_space<vmem>> -> memref<1x8x8x128xf32, #tpu.memory_space<vmem>>
        %scatter3A_1096 = tpu.memref_squeeze %scatter3A_1095 : memref<1x8x8x128xf32, #tpu.memory_space<vmem>> -> memref<8x8x128xf32, #tpu.memory_space<vmem>>
        tpu.vector_store_idx %scatter3A_1096[%add3A_1087, %and3A_1090, %add3A_272], %gather3A_1081 : memref<8x8x128xf32, #tpu.memory_space<vmem>>[vector<16xi32>, vector<16xi32>, vector<16xi32>], vector<16xf32>,
        %add3A_1097 = arith.addi %add3A_986, %and3A_35 : vector<16xi32>
        %gather3A_1098 = arith.constant 1 : i32
        %gather3A_1099 = arith.constant 0 : i32
        %gather3A_1100 = arith.constant 0 : i32
        %gather3A_1101 = tpu.memref_slice %arg8[%gather3A_1098, %gather3A_1099, %gather3A_1100] : memref<2x128x128xf32, #tpu.memory_space<vmem>> -> memref<1x128x128xf32, #tpu.memory_space<vmem>>
        %gather3A_1102 = tpu.memref_squeeze %gather3A_1101 : memref<1x128x128xf32, #tpu.memory_space<vmem>> -> memref<128x128xf32, #tpu.memory_space<vmem>>
        %gather3A_1103 = tpu.vector_load_idx %gather3A_1102[%add3A_272, %add3A_1097] : memref<128x128xf32, #tpu.memory_space<vmem>>[vector<16xi32>, vector<16xi32>], vector<16xf32>,
        %shift_right_arithmetic3A_1104 = arith.constant 3 : i32
        %shift_right_arithmetic3A_1105 = vector.broadcast %shift_right_arithmetic3A_1104 : i32 to vector<16xi32>
        %shift_right_arithmetic3A_1106 = arith.shrsi %and3A_35, %shift_right_arithmetic3A_1105 : vector<16xi32>
        %add3A_1107 = arith.constant 4 : i32
        %add3A_1108 = vector.broadcast %add3A_1107 : i32 to vector<16xi32>
        %add3A_1109 = arith.addi %add3A_1108, %shift_right_arithmetic3A_1106 : vector<16xi32>
        %and3A_1110 = arith.constant 7 : i32
        %and3A_1111 = vector.broadcast %and3A_1110 : i32 to vector<16xi32>
        %and3A_1112 = arith.andi %and3A_35, %and3A_1111 : vector<16xi32>
        %scatter3A_1113 = arith.constant 1 : i32
        %scatter3A_1114 = arith.constant 0 : i32
        %scatter3A_1115 = arith.constant 0 : i32
        %scatter3A_1116 = arith.constant 0 : i32
        %scatter3A_1117 = tpu.memref_slice %arg9[%scatter3A_1113, %scatter3A_1114, %scatter3A_1115, %scatter3A_1116] : memref<2x8x8x128xf32, #tpu.memory_space<vmem>> -> memref<1x8x8x128xf32, #tpu.memory_space<vmem>>
        %scatter3A_1118 = tpu.memref_squeeze %scatter3A_1117 : memref<1x8x8x128xf32, #tpu.memory_space<vmem>> -> memref<8x8x128xf32, #tpu.memory_space<vmem>>
        tpu.vector_store_idx %scatter3A_1118[%add3A_1109, %and3A_1112, %add3A_272], %gather3A_1103 : memref<8x8x128xf32, #tpu.memory_space<vmem>>[vector<16xi32>, vector<16xi32>, vector<16xi32>], vector<16xf32>,
        %add3A_1119 = arith.addi %add3A_986, %and3A_41 : vector<16xi32>
        %gather3A_1120 = arith.constant 1 : i32
        %gather3A_1121 = arith.constant 0 : i32
        %gather3A_1122 = arith.constant 0 : i32
        %gather3A_1123 = tpu.memref_slice %arg8[%gather3A_1120, %gather3A_1121, %gather3A_1122] : memref<2x128x128xf32, #tpu.memory_space<vmem>> -> memref<1x128x128xf32, #tpu.memory_space<vmem>>
        %gather3A_1124 = tpu.memref_squeeze %gather3A_1123 : memref<1x128x128xf32, #tpu.memory_space<vmem>> -> memref<128x128xf32, #tpu.memory_space<vmem>>
        %gather3A_1125 = tpu.vector_load_idx %gather3A_1124[%add3A_272, %add3A_1119] : memref<128x128xf32, #tpu.memory_space<vmem>>[vector<16xi32>, vector<16xi32>], vector<16xf32>,
        %shift_right_arithmetic3A_1126 = arith.constant 3 : i32
        %shift_right_arithmetic3A_1127 = vector.broadcast %shift_right_arithmetic3A_1126 : i32 to vector<16xi32>
        %shift_right_arithmetic3A_1128 = arith.shrsi %and3A_41, %shift_right_arithmetic3A_1127 : vector<16xi32>
        %add3A_1129 = arith.constant 4 : i32
        %add3A_1130 = vector.broadcast %add3A_1129 : i32 to vector<16xi32>
        %add3A_1131 = arith.addi %add3A_1130, %shift_right_arithmetic3A_1128 : vector<16xi32>
        %and3A_1132 = arith.constant 7 : i32
        %and3A_1133 = vector.broadcast %and3A_1132 : i32 to vector<16xi32>
        %and3A_1134 = arith.andi %and3A_41, %and3A_1133 : vector<16xi32>
        %scatter3A_1135 = arith.constant 1 : i32
        %scatter3A_1136 = arith.constant 0 : i32
        %scatter3A_1137 = arith.constant 0 : i32
        %scatter3A_1138 = arith.constant 0 : i32
        %scatter3A_1139 = tpu.memref_slice %arg9[%scatter3A_1135, %scatter3A_1136, %scatter3A_1137, %scatter3A_1138] : memref<2x8x8x128xf32, #tpu.memory_space<vmem>> -> memref<1x8x8x128xf32, #tpu.memory_space<vmem>>
        %scatter3A_1140 = tpu.memref_squeeze %scatter3A_1139 : memref<1x8x8x128xf32, #tpu.memory_space<vmem>> -> memref<8x8x128xf32, #tpu.memory_space<vmem>>
        tpu.vector_store_idx %scatter3A_1140[%add3A_1131, %and3A_1134, %add3A_272], %gather3A_1125 : memref<8x8x128xf32, #tpu.memory_space<vmem>>[vector<16xi32>, vector<16xi32>, vector<16xi32>], vector<16xf32>,
        %add3A_1141 = arith.addi %add3A_986, %and3A_47 : vector<16xi32>
        %gather3A_1142 = arith.constant 1 : i32
        %gather3A_1143 = arith.constant 0 : i32
        %gather3A_1144 = arith.constant 0 : i32
        %gather3A_1145 = tpu.memref_slice %arg8[%gather3A_1142, %gather3A_1143, %gather3A_1144] : memref<2x128x128xf32, #tpu.memory_space<vmem>> -> memref<1x128x128xf32, #tpu.memory_space<vmem>>
        %gather3A_1146 = tpu.memref_squeeze %gather3A_1145 : memref<1x128x128xf32, #tpu.memory_space<vmem>> -> memref<128x128xf32, #tpu.memory_space<vmem>>
        %gather3A_1147 = tpu.vector_load_idx %gather3A_1146[%add3A_272, %add3A_1141] : memref<128x128xf32, #tpu.memory_space<vmem>>[vector<16xi32>, vector<16xi32>], vector<16xf32>,
        %shift_right_arithmetic3A_1148 = arith.constant 3 : i32
        %shift_right_arithmetic3A_1149 = vector.broadcast %shift_right_arithmetic3A_1148 : i32 to vector<16xi32>
        %shift_right_arithmetic3A_1150 = arith.shrsi %and3A_47, %shift_right_arithmetic3A_1149 : vector<16xi32>
        %add3A_1151 = arith.constant 4 : i32
        %add3A_1152 = vector.broadcast %add3A_1151 : i32 to vector<16xi32>
        %add3A_1153 = arith.addi %add3A_1152, %shift_right_arithmetic3A_1150 : vector<16xi32>
        %and3A_1154 = arith.constant 7 : i32
        %and3A_1155 = vector.broadcast %and3A_1154 : i32 to vector<16xi32>
        %and3A_1156 = arith.andi %and3A_47, %and3A_1155 : vector<16xi32>
        %scatter3A_1157 = arith.constant 1 : i32
        %scatter3A_1158 = arith.constant 0 : i32
        %scatter3A_1159 = arith.constant 0 : i32
        %scatter3A_1160 = arith.constant 0 : i32
        %scatter3A_1161 = tpu.memref_slice %arg9[%scatter3A_1157, %scatter3A_1158, %scatter3A_1159, %scatter3A_1160] : memref<2x8x8x128xf32, #tpu.memory_space<vmem>> -> memref<1x8x8x128xf32, #tpu.memory_space<vmem>>
        %scatter3A_1162 = tpu.memref_squeeze %scatter3A_1161 : memref<1x8x8x128xf32, #tpu.memory_space<vmem>> -> memref<8x8x128xf32, #tpu.memory_space<vmem>>
        tpu.vector_store_idx %scatter3A_1162[%add3A_1153, %and3A_1156, %add3A_272], %gather3A_1147 : memref<8x8x128xf32, #tpu.memory_space<vmem>>[vector<16xi32>, vector<16xi32>, vector<16xi32>], vector<16xf32>,
        %add3A_1163 = arith.addi %add3A_986, %and3A_53 : vector<16xi32>
        %gather3A_1164 = arith.constant 1 : i32
        %gather3A_1165 = arith.constant 0 : i32
        %gather3A_1166 = arith.constant 0 : i32
        %gather3A_1167 = tpu.memref_slice %arg8[%gather3A_1164, %gather3A_1165, %gather3A_1166] : memref<2x128x128xf32, #tpu.memory_space<vmem>> -> memref<1x128x128xf32, #tpu.memory_space<vmem>>
        %gather3A_1168 = tpu.memref_squeeze %gather3A_1167 : memref<1x128x128xf32, #tpu.memory_space<vmem>> -> memref<128x128xf32, #tpu.memory_space<vmem>>
        %gather3A_1169 = tpu.vector_load_idx %gather3A_1168[%add3A_272, %add3A_1163] : memref<128x128xf32, #tpu.memory_space<vmem>>[vector<16xi32>, vector<16xi32>], vector<16xf32>,
        %shift_right_arithmetic3A_1170 = arith.constant 3 : i32
        %shift_right_arithmetic3A_1171 = vector.broadcast %shift_right_arithmetic3A_1170 : i32 to vector<16xi32>
        %shift_right_arithmetic3A_1172 = arith.shrsi %and3A_53, %shift_right_arithmetic3A_1171 : vector<16xi32>
        %add3A_1173 = arith.constant 4 : i32
        %add3A_1174 = vector.broadcast %add3A_1173 : i32 to vector<16xi32>
        %add3A_1175 = arith.addi %add3A_1174, %shift_right_arithmetic3A_1172 : vector<16xi32>
        %and3A_1176 = arith.constant 7 : i32
        %and3A_1177 = vector.broadcast %and3A_1176 : i32 to vector<16xi32>
        %and3A_1178 = arith.andi %and3A_53, %and3A_1177 : vector<16xi32>
        %scatter3A_1179 = arith.constant 1 : i32
        %scatter3A_1180 = arith.constant 0 : i32
        %scatter3A_1181 = arith.constant 0 : i32
        %scatter3A_1182 = arith.constant 0 : i32
        %scatter3A_1183 = tpu.memref_slice %arg9[%scatter3A_1179, %scatter3A_1180, %scatter3A_1181, %scatter3A_1182] : memref<2x8x8x128xf32, #tpu.memory_space<vmem>> -> memref<1x8x8x128xf32, #tpu.memory_space<vmem>>
        %scatter3A_1184 = tpu.memref_squeeze %scatter3A_1183 : memref<1x8x8x128xf32, #tpu.memory_space<vmem>> -> memref<8x8x128xf32, #tpu.memory_space<vmem>>
        tpu.vector_store_idx %scatter3A_1184[%add3A_1175, %and3A_1178, %add3A_272], %gather3A_1169 : memref<8x8x128xf32, #tpu.memory_space<vmem>>[vector<16xi32>, vector<16xi32>, vector<16xi32>], vector<16xf32>,
        %add3A_1185 = arith.addi %add3A_986, %and3A_59 : vector<16xi32>
        %gather3A_1186 = arith.constant 1 : i32
        %gather3A_1187 = arith.constant 0 : i32
        %gather3A_1188 = arith.constant 0 : i32
        %gather3A_1189 = tpu.memref_slice %arg8[%gather3A_1186, %gather3A_1187, %gather3A_1188] : memref<2x128x128xf32, #tpu.memory_space<vmem>> -> memref<1x128x128xf32, #tpu.memory_space<vmem>>
        %gather3A_1190 = tpu.memref_squeeze %gather3A_1189 : memref<1x128x128xf32, #tpu.memory_space<vmem>> -> memref<128x128xf32, #tpu.memory_space<vmem>>
        %gather3A_1191 = tpu.vector_load_idx %gather3A_1190[%add3A_272, %add3A_1185] : memref<128x128xf32, #tpu.memory_space<vmem>>[vector<16xi32>, vector<16xi32>], vector<16xf32>,
        %shift_right_arithmetic3A_1192 = arith.constant 3 : i32
        %shift_right_arithmetic3A_1193 = vector.broadcast %shift_right_arithmetic3A_1192 : i32 to vector<16xi32>
        %shift_right_arithmetic3A_1194 = arith.shrsi %and3A_59, %shift_right_arithmetic3A_1193 : vector<16xi32>
        %add3A_1195 = arith.constant 4 : i32
        %add3A_1196 = vector.broadcast %add3A_1195 : i32 to vector<16xi32>
        %add3A_1197 = arith.addi %add3A_1196, %shift_right_arithmetic3A_1194 : vector<16xi32>
        %and3A_1198 = arith.constant 7 : i32
        %and3A_1199 = vector.broadcast %and3A_1198 : i32 to vector<16xi32>
        %and3A_1200 = arith.andi %and3A_59, %and3A_1199 : vector<16xi32>
        %scatter3A_1201 = arith.constant 1 : i32
        %scatter3A_1202 = arith.constant 0 : i32
        %scatter3A_1203 = arith.constant 0 : i32
        %scatter3A_1204 = arith.constant 0 : i32
        %scatter3A_1205 = tpu.memref_slice %arg9[%scatter3A_1201, %scatter3A_1202, %scatter3A_1203, %scatter3A_1204] : memref<2x8x8x128xf32, #tpu.memory_space<vmem>> -> memref<1x8x8x128xf32, #tpu.memory_space<vmem>>
        %scatter3A_1206 = tpu.memref_squeeze %scatter3A_1205 : memref<1x8x8x128xf32, #tpu.memory_space<vmem>> -> memref<8x8x128xf32, #tpu.memory_space<vmem>>
        tpu.vector_store_idx %scatter3A_1206[%add3A_1197, %and3A_1200, %add3A_272], %gather3A_1191 : memref<8x8x128xf32, #tpu.memory_space<vmem>>[vector<16xi32>, vector<16xi32>, vector<16xi32>], vector<16xf32>,
        %add3A_1207 = arith.addi %add3A_986, %and3A_65 : vector<16xi32>
        %gather3A_1208 = arith.constant 1 : i32
        %gather3A_1209 = arith.constant 0 : i32
        %gather3A_1210 = arith.constant 0 : i32
        %gather3A_1211 = tpu.memref_slice %arg8[%gather3A_1208, %gather3A_1209, %gather3A_1210] : memref<2x128x128xf32, #tpu.memory_space<vmem>> -> memref<1x128x128xf32, #tpu.memory_space<vmem>>
        %gather3A_1212 = tpu.memref_squeeze %gather3A_1211 : memref<1x128x128xf32, #tpu.memory_space<vmem>> -> memref<128x128xf32, #tpu.memory_space<vmem>>
        %gather3A_1213 = tpu.vector_load_idx %gather3A_1212[%add3A_272, %add3A_1207] : memref<128x128xf32, #tpu.memory_space<vmem>>[vector<16xi32>, vector<16xi32>], vector<16xf32>,
        %shift_right_arithmetic3A_1214 = arith.constant 3 : i32
        %shift_right_arithmetic3A_1215 = vector.broadcast %shift_right_arithmetic3A_1214 : i32 to vector<16xi32>
        %shift_right_arithmetic3A_1216 = arith.shrsi %and3A_65, %shift_right_arithmetic3A_1215 : vector<16xi32>
        %add3A_1217 = arith.constant 4 : i32
        %add3A_1218 = vector.broadcast %add3A_1217 : i32 to vector<16xi32>
        %add3A_1219 = arith.addi %add3A_1218, %shift_right_arithmetic3A_1216 : vector<16xi32>
        %and3A_1220 = arith.constant 7 : i32
        %and3A_1221 = vector.broadcast %and3A_1220 : i32 to vector<16xi32>
        %and3A_1222 = arith.andi %and3A_65, %and3A_1221 : vector<16xi32>
        %scatter3A_1223 = arith.constant 1 : i32
        %scatter3A_1224 = arith.constant 0 : i32
        %scatter3A_1225 = arith.constant 0 : i32
        %scatter3A_1226 = arith.constant 0 : i32
        %scatter3A_1227 = tpu.memref_slice %arg9[%scatter3A_1223, %scatter3A_1224, %scatter3A_1225, %scatter3A_1226] : memref<2x8x8x128xf32, #tpu.memory_space<vmem>> -> memref<1x8x8x128xf32, #tpu.memory_space<vmem>>
        %scatter3A_1228 = tpu.memref_squeeze %scatter3A_1227 : memref<1x8x8x128xf32, #tpu.memory_space<vmem>> -> memref<8x8x128xf32, #tpu.memory_space<vmem>>
        tpu.vector_store_idx %scatter3A_1228[%add3A_1219, %and3A_1222, %add3A_272], %gather3A_1213 : memref<8x8x128xf32, #tpu.memory_space<vmem>>[vector<16xi32>, vector<16xi32>, vector<16xi32>], vector<16xf32>,
        %add3A_1229 = arith.addi %add3A_986, %and3A_71 : vector<16xi32>
        %gather3A_1230 = arith.constant 1 : i32
        %gather3A_1231 = arith.constant 0 : i32
        %gather3A_1232 = arith.constant 0 : i32
        %gather3A_1233 = tpu.memref_slice %arg8[%gather3A_1230, %gather3A_1231, %gather3A_1232] : memref<2x128x128xf32, #tpu.memory_space<vmem>> -> memref<1x128x128xf32, #tpu.memory_space<vmem>>
        %gather3A_1234 = tpu.memref_squeeze %gather3A_1233 : memref<1x128x128xf32, #tpu.memory_space<vmem>> -> memref<128x128xf32, #tpu.memory_space<vmem>>
        %gather3A_1235 = tpu.vector_load_idx %gather3A_1234[%add3A_272, %add3A_1229] : memref<128x128xf32, #tpu.memory_space<vmem>>[vector<16xi32>, vector<16xi32>], vector<16xf32>,
        %shift_right_arithmetic3A_1236 = arith.constant 3 : i32
        %shift_right_arithmetic3A_1237 = vector.broadcast %shift_right_arithmetic3A_1236 : i32 to vector<16xi32>
        %shift_right_arithmetic3A_1238 = arith.shrsi %and3A_71, %shift_right_arithmetic3A_1237 : vector<16xi32>
        %add3A_1239 = arith.constant 4 : i32
        %add3A_1240 = vector.broadcast %add3A_1239 : i32 to vector<16xi32>
        %add3A_1241 = arith.addi %add3A_1240, %shift_right_arithmetic3A_1238 : vector<16xi32>
        %and3A_1242 = arith.constant 7 : i32
        %and3A_1243 = vector.broadcast %and3A_1242 : i32 to vector<16xi32>
        %and3A_1244 = arith.andi %and3A_71, %and3A_1243 : vector<16xi32>
        %scatter3A_1245 = arith.constant 1 : i32
        %scatter3A_1246 = arith.constant 0 : i32
        %scatter3A_1247 = arith.constant 0 : i32
        %scatter3A_1248 = arith.constant 0 : i32
        %scatter3A_1249 = tpu.memref_slice %arg9[%scatter3A_1245, %scatter3A_1246, %scatter3A_1247, %scatter3A_1248] : memref<2x8x8x128xf32, #tpu.memory_space<vmem>> -> memref<1x8x8x128xf32, #tpu.memory_space<vmem>>
        %scatter3A_1250 = tpu.memref_squeeze %scatter3A_1249 : memref<1x8x8x128xf32, #tpu.memory_space<vmem>> -> memref<8x8x128xf32, #tpu.memory_space<vmem>>
        tpu.vector_store_idx %scatter3A_1250[%add3A_1241, %and3A_1244, %add3A_272], %gather3A_1235 : memref<8x8x128xf32, #tpu.memory_space<vmem>>[vector<16xi32>, vector<16xi32>, vector<16xi32>], vector<16xf32>,
        %add3A_1251 = arith.addi %add3A_986, %and3A_77 : vector<16xi32>
        %gather3A_1252 = arith.constant 1 : i32
        %gather3A_1253 = arith.constant 0 : i32
        %gather3A_1254 = arith.constant 0 : i32
        %gather3A_1255 = tpu.memref_slice %arg8[%gather3A_1252, %gather3A_1253, %gather3A_1254] : memref<2x128x128xf32, #tpu.memory_space<vmem>> -> memref<1x128x128xf32, #tpu.memory_space<vmem>>
        %gather3A_1256 = tpu.memref_squeeze %gather3A_1255 : memref<1x128x128xf32, #tpu.memory_space<vmem>> -> memref<128x128xf32, #tpu.memory_space<vmem>>
        %gather3A_1257 = tpu.vector_load_idx %gather3A_1256[%add3A_272, %add3A_1251] : memref<128x128xf32, #tpu.memory_space<vmem>>[vector<16xi32>, vector<16xi32>], vector<16xf32>,
        %shift_right_arithmetic3A_1258 = arith.constant 3 : i32
        %shift_right_arithmetic3A_1259 = vector.broadcast %shift_right_arithmetic3A_1258 : i32 to vector<16xi32>
        %shift_right_arithmetic3A_1260 = arith.shrsi %and3A_77, %shift_right_arithmetic3A_1259 : vector<16xi32>
        %add3A_1261 = arith.constant 4 : i32
        %add3A_1262 = vector.broadcast %add3A_1261 : i32 to vector<16xi32>
        %add3A_1263 = arith.addi %add3A_1262, %shift_right_arithmetic3A_1260 : vector<16xi32>
        %and3A_1264 = arith.constant 7 : i32
        %and3A_1265 = vector.broadcast %and3A_1264 : i32 to vector<16xi32>
        %and3A_1266 = arith.andi %and3A_77, %and3A_1265 : vector<16xi32>
        %scatter3A_1267 = arith.constant 1 : i32
        %scatter3A_1268 = arith.constant 0 : i32
        %scatter3A_1269 = arith.constant 0 : i32
        %scatter3A_1270 = arith.constant 0 : i32
        %scatter3A_1271 = tpu.memref_slice %arg9[%scatter3A_1267, %scatter3A_1268, %scatter3A_1269, %scatter3A_1270] : memref<2x8x8x128xf32, #tpu.memory_space<vmem>> -> memref<1x8x8x128xf32, #tpu.memory_space<vmem>>
        %scatter3A_1272 = tpu.memref_squeeze %scatter3A_1271 : memref<1x8x8x128xf32, #tpu.memory_space<vmem>> -> memref<8x8x128xf32, #tpu.memory_space<vmem>>
        tpu.vector_store_idx %scatter3A_1272[%add3A_1263, %and3A_1266, %add3A_272], %gather3A_1257 : memref<8x8x128xf32, #tpu.memory_space<vmem>>[vector<16xi32>, vector<16xi32>, vector<16xi32>], vector<16xf32>,
        %add3A_1273 = arith.addi %add3A_986, %and3A_83 : vector<16xi32>
        %gather3A_1274 = arith.constant 1 : i32
        %gather3A_1275 = arith.constant 0 : i32
        %gather3A_1276 = arith.constant 0 : i32
        %gather3A_1277 = tpu.memref_slice %arg8[%gather3A_1274, %gather3A_1275, %gather3A_1276] : memref<2x128x128xf32, #tpu.memory_space<vmem>> -> memref<1x128x128xf32, #tpu.memory_space<vmem>>
        %gather3A_1278 = tpu.memref_squeeze %gather3A_1277 : memref<1x128x128xf32, #tpu.memory_space<vmem>> -> memref<128x128xf32, #tpu.memory_space<vmem>>
        %gather3A_1279 = tpu.vector_load_idx %gather3A_1278[%add3A_272, %add3A_1273] : memref<128x128xf32, #tpu.memory_space<vmem>>[vector<16xi32>, vector<16xi32>], vector<16xf32>,
        %shift_right_arithmetic3A_1280 = arith.constant 3 : i32
        %shift_right_arithmetic3A_1281 = vector.broadcast %shift_right_arithmetic3A_1280 : i32 to vector<16xi32>
        %shift_right_arithmetic3A_1282 = arith.shrsi %and3A_83, %shift_right_arithmetic3A_1281 : vector<16xi32>
        %add3A_1283 = arith.constant 4 : i32
        %add3A_1284 = vector.broadcast %add3A_1283 : i32 to vector<16xi32>
        %add3A_1285 = arith.addi %add3A_1284, %shift_right_arithmetic3A_1282 : vector<16xi32>
        %and3A_1286 = arith.constant 7 : i32
        %and3A_1287 = vector.broadcast %and3A_1286 : i32 to vector<16xi32>
        %and3A_1288 = arith.andi %and3A_83, %and3A_1287 : vector<16xi32>
        %scatter3A_1289 = arith.constant 1 : i32
        %scatter3A_1290 = arith.constant 0 : i32
        %scatter3A_1291 = arith.constant 0 : i32
        %scatter3A_1292 = arith.constant 0 : i32
        %scatter3A_1293 = tpu.memref_slice %arg9[%scatter3A_1289, %scatter3A_1290, %scatter3A_1291, %scatter3A_1292] : memref<2x8x8x128xf32, #tpu.memory_space<vmem>> -> memref<1x8x8x128xf32, #tpu.memory_space<vmem>>
        %scatter3A_1294 = tpu.memref_squeeze %scatter3A_1293 : memref<1x8x8x128xf32, #tpu.memory_space<vmem>> -> memref<8x8x128xf32, #tpu.memory_space<vmem>>
        tpu.vector_store_idx %scatter3A_1294[%add3A_1285, %and3A_1288, %add3A_272], %gather3A_1279 : memref<8x8x128xf32, #tpu.memory_space<vmem>>[vector<16xi32>, vector<16xi32>, vector<16xi32>], vector<16xf32>,
        %add3A_1295 = arith.addi %add3A_986, %and3A_89 : vector<16xi32>
        %gather3A_1296 = arith.constant 1 : i32
        %gather3A_1297 = arith.constant 0 : i32
        %gather3A_1298 = arith.constant 0 : i32
        %gather3A_1299 = tpu.memref_slice %arg8[%gather3A_1296, %gather3A_1297, %gather3A_1298] : memref<2x128x128xf32, #tpu.memory_space<vmem>> -> memref<1x128x128xf32, #tpu.memory_space<vmem>>
        %gather3A_1300 = tpu.memref_squeeze %gather3A_1299 : memref<1x128x128xf32, #tpu.memory_space<vmem>> -> memref<128x128xf32, #tpu.memory_space<vmem>>
        %gather3A_1301 = tpu.vector_load_idx %gather3A_1300[%add3A_272, %add3A_1295] : memref<128x128xf32, #tpu.memory_space<vmem>>[vector<16xi32>, vector<16xi32>], vector<16xf32>,
        %shift_right_arithmetic3A_1302 = arith.constant 3 : i32
        %shift_right_arithmetic3A_1303 = vector.broadcast %shift_right_arithmetic3A_1302 : i32 to vector<16xi32>
        %shift_right_arithmetic3A_1304 = arith.shrsi %and3A_89, %shift_right_arithmetic3A_1303 : vector<16xi32>
        %add3A_1305 = arith.constant 4 : i32
        %add3A_1306 = vector.broadcast %add3A_1305 : i32 to vector<16xi32>
        %add3A_1307 = arith.addi %add3A_1306, %shift_right_arithmetic3A_1304 : vector<16xi32>
        %and3A_1308 = arith.constant 7 : i32
        %and3A_1309 = vector.broadcast %and3A_1308 : i32 to vector<16xi32>
        %and3A_1310 = arith.andi %and3A_89, %and3A_1309 : vector<16xi32>
        %scatter3A_1311 = arith.constant 1 : i32
        %scatter3A_1312 = arith.constant 0 : i32
        %scatter3A_1313 = arith.constant 0 : i32
        %scatter3A_1314 = arith.constant 0 : i32
        %scatter3A_1315 = tpu.memref_slice %arg9[%scatter3A_1311, %scatter3A_1312, %scatter3A_1313, %scatter3A_1314] : memref<2x8x8x128xf32, #tpu.memory_space<vmem>> -> memref<1x8x8x128xf32, #tpu.memory_space<vmem>>
        %scatter3A_1316 = tpu.memref_squeeze %scatter3A_1315 : memref<1x8x8x128xf32, #tpu.memory_space<vmem>> -> memref<8x8x128xf32, #tpu.memory_space<vmem>>
        tpu.vector_store_idx %scatter3A_1316[%add3A_1307, %and3A_1310, %add3A_272], %gather3A_1301 : memref<8x8x128xf32, #tpu.memory_space<vmem>>[vector<16xi32>, vector<16xi32>, vector<16xi32>], vector<16xf32>,
        %add3A_1317 = arith.addi %add3A_986, %and3A_95 : vector<16xi32>
        %gather3A_1318 = arith.constant 1 : i32
        %gather3A_1319 = arith.constant 0 : i32
        %gather3A_1320 = arith.constant 0 : i32
        %gather3A_1321 = tpu.memref_slice %arg8[%gather3A_1318, %gather3A_1319, %gather3A_1320] : memref<2x128x128xf32, #tpu.memory_space<vmem>> -> memref<1x128x128xf32, #tpu.memory_space<vmem>>
        %gather3A_1322 = tpu.memref_squeeze %gather3A_1321 : memref<1x128x128xf32, #tpu.memory_space<vmem>> -> memref<128x128xf32, #tpu.memory_space<vmem>>
        %gather3A_1323 = tpu.vector_load_idx %gather3A_1322[%add3A_272, %add3A_1317] : memref<128x128xf32, #tpu.memory_space<vmem>>[vector<16xi32>, vector<16xi32>], vector<16xf32>,
        %shift_right_arithmetic3A_1324 = arith.constant 3 : i32
        %shift_right_arithmetic3A_1325 = vector.broadcast %shift_right_arithmetic3A_1324 : i32 to vector<16xi32>
        %shift_right_arithmetic3A_1326 = arith.shrsi %and3A_95, %shift_right_arithmetic3A_1325 : vector<16xi32>
        %add3A_1327 = arith.constant 4 : i32
        %add3A_1328 = vector.broadcast %add3A_1327 : i32 to vector<16xi32>
        %add3A_1329 = arith.addi %add3A_1328, %shift_right_arithmetic3A_1326 : vector<16xi32>
        %and3A_1330 = arith.constant 7 : i32
        %and3A_1331 = vector.broadcast %and3A_1330 : i32 to vector<16xi32>
        %and3A_1332 = arith.andi %and3A_95, %and3A_1331 : vector<16xi32>
        %scatter3A_1333 = arith.constant 1 : i32
        %scatter3A_1334 = arith.constant 0 : i32
        %scatter3A_1335 = arith.constant 0 : i32
        %scatter3A_1336 = arith.constant 0 : i32
        %scatter3A_1337 = tpu.memref_slice %arg9[%scatter3A_1333, %scatter3A_1334, %scatter3A_1335, %scatter3A_1336] : memref<2x8x8x128xf32, #tpu.memory_space<vmem>> -> memref<1x8x8x128xf32, #tpu.memory_space<vmem>>
        %scatter3A_1338 = tpu.memref_squeeze %scatter3A_1337 : memref<1x8x8x128xf32, #tpu.memory_space<vmem>> -> memref<8x8x128xf32, #tpu.memory_space<vmem>>
        tpu.vector_store_idx %scatter3A_1338[%add3A_1329, %and3A_1332, %add3A_272], %gather3A_1323 : memref<8x8x128xf32, #tpu.memory_space<vmem>>[vector<16xi32>, vector<16xi32>, vector<16xi32>], vector<16xf32>,
        %add3A_1339 = arith.constant 48 : i32
        %add3A_1340 = vector.broadcast %add3A_1339 : i32 to vector<16xi32>
        %add3A_1341 = arith.addi %add3A_1340, %get3A_276 : vector<16xi32>
        %add3A_1342 = arith.addi %add3A_1341, %and3A_5 : vector<16xi32>
        %gather3A_1343 = arith.constant 1 : i32
        %gather3A_1344 = arith.constant 0 : i32
        %gather3A_1345 = arith.constant 0 : i32
        %gather3A_1346 = tpu.memref_slice %arg8[%gather3A_1343, %gather3A_1344, %gather3A_1345] : memref<2x128x128xf32, #tpu.memory_space<vmem>> -> memref<1x128x128xf32, #tpu.memory_space<vmem>>
        %gather3A_1347 = tpu.memref_squeeze %gather3A_1346 : memref<1x128x128xf32, #tpu.memory_space<vmem>> -> memref<128x128xf32, #tpu.memory_space<vmem>>
        %gather3A_1348 = tpu.vector_load_idx %gather3A_1347[%add3A_272, %add3A_1342] : memref<128x128xf32, #tpu.memory_space<vmem>>[vector<16xi32>, vector<16xi32>], vector<16xf32>,
        %shift_right_arithmetic3A_1349 = arith.constant 3 : i32
        %shift_right_arithmetic3A_1350 = vector.broadcast %shift_right_arithmetic3A_1349 : i32 to vector<16xi32>
        %shift_right_arithmetic3A_1351 = arith.shrsi %and3A_5, %shift_right_arithmetic3A_1350 : vector<16xi32>
        %add3A_1352 = arith.constant 6 : i32
        %add3A_1353 = vector.broadcast %add3A_1352 : i32 to vector<16xi32>
        %add3A_1354 = arith.addi %add3A_1353, %shift_right_arithmetic3A_1351 : vector<16xi32>
        %and3A_1355 = arith.constant 7 : i32
        %and3A_1356 = vector.broadcast %and3A_1355 : i32 to vector<16xi32>
        %and3A_1357 = arith.andi %and3A_5, %and3A_1356 : vector<16xi32>
        %scatter3A_1358 = arith.constant 1 : i32
        %scatter3A_1359 = arith.constant 0 : i32
        %scatter3A_1360 = arith.constant 0 : i32
        %scatter3A_1361 = arith.constant 0 : i32
        %scatter3A_1362 = tpu.memref_slice %arg9[%scatter3A_1358, %scatter3A_1359, %scatter3A_1360, %scatter3A_1361] : memref<2x8x8x128xf32, #tpu.memory_space<vmem>> -> memref<1x8x8x128xf32, #tpu.memory_space<vmem>>
        %scatter3A_1363 = tpu.memref_squeeze %scatter3A_1362 : memref<1x8x8x128xf32, #tpu.memory_space<vmem>> -> memref<8x8x128xf32, #tpu.memory_space<vmem>>
        tpu.vector_store_idx %scatter3A_1363[%add3A_1354, %and3A_1357, %add3A_272], %gather3A_1348 : memref<8x8x128xf32, #tpu.memory_space<vmem>>[vector<16xi32>, vector<16xi32>, vector<16xi32>], vector<16xf32>,
        %add3A_1364 = arith.addi %add3A_1341, %and3A_11 : vector<16xi32>
        %gather3A_1365 = arith.constant 1 : i32
        %gather3A_1366 = arith.constant 0 : i32
        %gather3A_1367 = arith.constant 0 : i32
        %gather3A_1368 = tpu.memref_slice %arg8[%gather3A_1365, %gather3A_1366, %gather3A_1367] : memref<2x128x128xf32, #tpu.memory_space<vmem>> -> memref<1x128x128xf32, #tpu.memory_space<vmem>>
        %gather3A_1369 = tpu.memref_squeeze %gather3A_1368 : memref<1x128x128xf32, #tpu.memory_space<vmem>> -> memref<128x128xf32, #tpu.memory_space<vmem>>
        %gather3A_1370 = tpu.vector_load_idx %gather3A_1369[%add3A_272, %add3A_1364] : memref<128x128xf32, #tpu.memory_space<vmem>>[vector<16xi32>, vector<16xi32>], vector<16xf32>,
        %shift_right_arithmetic3A_1371 = arith.constant 3 : i32
        %shift_right_arithmetic3A_1372 = vector.broadcast %shift_right_arithmetic3A_1371 : i32 to vector<16xi32>
        %shift_right_arithmetic3A_1373 = arith.shrsi %and3A_11, %shift_right_arithmetic3A_1372 : vector<16xi32>
        %add3A_1374 = arith.constant 6 : i32
        %add3A_1375 = vector.broadcast %add3A_1374 : i32 to vector<16xi32>
        %add3A_1376 = arith.addi %add3A_1375, %shift_right_arithmetic3A_1373 : vector<16xi32>
        %and3A_1377 = arith.constant 7 : i32
        %and3A_1378 = vector.broadcast %and3A_1377 : i32 to vector<16xi32>
        %and3A_1379 = arith.andi %and3A_11, %and3A_1378 : vector<16xi32>
        %scatter3A_1380 = arith.constant 1 : i32
        %scatter3A_1381 = arith.constant 0 : i32
        %scatter3A_1382 = arith.constant 0 : i32
        %scatter3A_1383 = arith.constant 0 : i32
        %scatter3A_1384 = tpu.memref_slice %arg9[%scatter3A_1380, %scatter3A_1381, %scatter3A_1382, %scatter3A_1383] : memref<2x8x8x128xf32, #tpu.memory_space<vmem>> -> memref<1x8x8x128xf32, #tpu.memory_space<vmem>>
        %scatter3A_1385 = tpu.memref_squeeze %scatter3A_1384 : memref<1x8x8x128xf32, #tpu.memory_space<vmem>> -> memref<8x8x128xf32, #tpu.memory_space<vmem>>
        tpu.vector_store_idx %scatter3A_1385[%add3A_1376, %and3A_1379, %add3A_272], %gather3A_1370 : memref<8x8x128xf32, #tpu.memory_space<vmem>>[vector<16xi32>, vector<16xi32>, vector<16xi32>], vector<16xf32>,
        %add3A_1386 = arith.addi %add3A_1341, %and3A_17 : vector<16xi32>
        %gather3A_1387 = arith.constant 1 : i32
        %gather3A_1388 = arith.constant 0 : i32
        %gather3A_1389 = arith.constant 0 : i32
        %gather3A_1390 = tpu.memref_slice %arg8[%gather3A_1387, %gather3A_1388, %gather3A_1389] : memref<2x128x128xf32, #tpu.memory_space<vmem>> -> memref<1x128x128xf32, #tpu.memory_space<vmem>>
        %gather3A_1391 = tpu.memref_squeeze %gather3A_1390 : memref<1x128x128xf32, #tpu.memory_space<vmem>> -> memref<128x128xf32, #tpu.memory_space<vmem>>
        %gather3A_1392 = tpu.vector_load_idx %gather3A_1391[%add3A_272, %add3A_1386] : memref<128x128xf32, #tpu.memory_space<vmem>>[vector<16xi32>, vector<16xi32>], vector<16xf32>,
        %shift_right_arithmetic3A_1393 = arith.constant 3 : i32
        %shift_right_arithmetic3A_1394 = vector.broadcast %shift_right_arithmetic3A_1393 : i32 to vector<16xi32>
        %shift_right_arithmetic3A_1395 = arith.shrsi %and3A_17, %shift_right_arithmetic3A_1394 : vector<16xi32>
        %add3A_1396 = arith.constant 6 : i32
        %add3A_1397 = vector.broadcast %add3A_1396 : i32 to vector<16xi32>
        %add3A_1398 = arith.addi %add3A_1397, %shift_right_arithmetic3A_1395 : vector<16xi32>
        %and3A_1399 = arith.constant 7 : i32
        %and3A_1400 = vector.broadcast %and3A_1399 : i32 to vector<16xi32>
        %and3A_1401 = arith.andi %and3A_17, %and3A_1400 : vector<16xi32>
        %scatter3A_1402 = arith.constant 1 : i32
        %scatter3A_1403 = arith.constant 0 : i32
        %scatter3A_1404 = arith.constant 0 : i32
        %scatter3A_1405 = arith.constant 0 : i32
        %scatter3A_1406 = tpu.memref_slice %arg9[%scatter3A_1402, %scatter3A_1403, %scatter3A_1404, %scatter3A_1405] : memref<2x8x8x128xf32, #tpu.memory_space<vmem>> -> memref<1x8x8x128xf32, #tpu.memory_space<vmem>>
        %scatter3A_1407 = tpu.memref_squeeze %scatter3A_1406 : memref<1x8x8x128xf32, #tpu.memory_space<vmem>> -> memref<8x8x128xf32, #tpu.memory_space<vmem>>
        tpu.vector_store_idx %scatter3A_1407[%add3A_1398, %and3A_1401, %add3A_272], %gather3A_1392 : memref<8x8x128xf32, #tpu.memory_space<vmem>>[vector<16xi32>, vector<16xi32>, vector<16xi32>], vector<16xf32>,
        %add3A_1408 = arith.addi %add3A_1341, %and3A_23 : vector<16xi32>
        %gather3A_1409 = arith.constant 1 : i32
        %gather3A_1410 = arith.constant 0 : i32
        %gather3A_1411 = arith.constant 0 : i32
        %gather3A_1412 = tpu.memref_slice %arg8[%gather3A_1409, %gather3A_1410, %gather3A_1411] : memref<2x128x128xf32, #tpu.memory_space<vmem>> -> memref<1x128x128xf32, #tpu.memory_space<vmem>>
        %gather3A_1413 = tpu.memref_squeeze %gather3A_1412 : memref<1x128x128xf32, #tpu.memory_space<vmem>> -> memref<128x128xf32, #tpu.memory_space<vmem>>
        %gather3A_1414 = tpu.vector_load_idx %gather3A_1413[%add3A_272, %add3A_1408] : memref<128x128xf32, #tpu.memory_space<vmem>>[vector<16xi32>, vector<16xi32>], vector<16xf32>,
        %shift_right_arithmetic3A_1415 = arith.constant 3 : i32
        %shift_right_arithmetic3A_1416 = vector.broadcast %shift_right_arithmetic3A_1415 : i32 to vector<16xi32>
        %shift_right_arithmetic3A_1417 = arith.shrsi %and3A_23, %shift_right_arithmetic3A_1416 : vector<16xi32>
        %add3A_1418 = arith.constant 6 : i32
        %add3A_1419 = vector.broadcast %add3A_1418 : i32 to vector<16xi32>
        %add3A_1420 = arith.addi %add3A_1419, %shift_right_arithmetic3A_1417 : vector<16xi32>
        %and3A_1421 = arith.constant 7 : i32
        %and3A_1422 = vector.broadcast %and3A_1421 : i32 to vector<16xi32>
        %and3A_1423 = arith.andi %and3A_23, %and3A_1422 : vector<16xi32>
        %scatter3A_1424 = arith.constant 1 : i32
        %scatter3A_1425 = arith.constant 0 : i32
        %scatter3A_1426 = arith.constant 0 : i32
        %scatter3A_1427 = arith.constant 0 : i32
        %scatter3A_1428 = tpu.memref_slice %arg9[%scatter3A_1424, %scatter3A_1425, %scatter3A_1426, %scatter3A_1427] : memref<2x8x8x128xf32, #tpu.memory_space<vmem>> -> memref<1x8x8x128xf32, #tpu.memory_space<vmem>>
        %scatter3A_1429 = tpu.memref_squeeze %scatter3A_1428 : memref<1x8x8x128xf32, #tpu.memory_space<vmem>> -> memref<8x8x128xf32, #tpu.memory_space<vmem>>
        tpu.vector_store_idx %scatter3A_1429[%add3A_1420, %and3A_1423, %add3A_272], %gather3A_1414 : memref<8x8x128xf32, #tpu.memory_space<vmem>>[vector<16xi32>, vector<16xi32>, vector<16xi32>], vector<16xf32>,
        %add3A_1430 = arith.addi %add3A_1341, %and3A_29 : vector<16xi32>
        %gather3A_1431 = arith.constant 1 : i32
        %gather3A_1432 = arith.constant 0 : i32
        %gather3A_1433 = arith.constant 0 : i32
        %gather3A_1434 = tpu.memref_slice %arg8[%gather3A_1431, %gather3A_1432, %gather3A_1433] : memref<2x128x128xf32, #tpu.memory_space<vmem>> -> memref<1x128x128xf32, #tpu.memory_space<vmem>>
        %gather3A_1435 = tpu.memref_squeeze %gather3A_1434 : memref<1x128x128xf32, #tpu.memory_space<vmem>> -> memref<128x128xf32, #tpu.memory_space<vmem>>
        %gather3A_1436 = tpu.vector_load_idx %gather3A_1435[%add3A_272, %add3A_1430] : memref<128x128xf32, #tpu.memory_space<vmem>>[vector<16xi32>, vector<16xi32>], vector<16xf32>,
        %shift_right_arithmetic3A_1437 = arith.constant 3 : i32
        %shift_right_arithmetic3A_1438 = vector.broadcast %shift_right_arithmetic3A_1437 : i32 to vector<16xi32>
        %shift_right_arithmetic3A_1439 = arith.shrsi %and3A_29, %shift_right_arithmetic3A_1438 : vector<16xi32>
        %add3A_1440 = arith.constant 6 : i32
        %add3A_1441 = vector.broadcast %add3A_1440 : i32 to vector<16xi32>
        %add3A_1442 = arith.addi %add3A_1441, %shift_right_arithmetic3A_1439 : vector<16xi32>
        %and3A_1443 = arith.constant 7 : i32
        %and3A_1444 = vector.broadcast %and3A_1443 : i32 to vector<16xi32>
        %and3A_1445 = arith.andi %and3A_29, %and3A_1444 : vector<16xi32>
        %scatter3A_1446 = arith.constant 1 : i32
        %scatter3A_1447 = arith.constant 0 : i32
        %scatter3A_1448 = arith.constant 0 : i32
        %scatter3A_1449 = arith.constant 0 : i32
        %scatter3A_1450 = tpu.memref_slice %arg9[%scatter3A_1446, %scatter3A_1447, %scatter3A_1448, %scatter3A_1449] : memref<2x8x8x128xf32, #tpu.memory_space<vmem>> -> memref<1x8x8x128xf32, #tpu.memory_space<vmem>>
        %scatter3A_1451 = tpu.memref_squeeze %scatter3A_1450 : memref<1x8x8x128xf32, #tpu.memory_space<vmem>> -> memref<8x8x128xf32, #tpu.memory_space<vmem>>
        tpu.vector_store_idx %scatter3A_1451[%add3A_1442, %and3A_1445, %add3A_272], %gather3A_1436 : memref<8x8x128xf32, #tpu.memory_space<vmem>>[vector<16xi32>, vector<16xi32>, vector<16xi32>], vector<16xf32>,
        %add3A_1452 = arith.addi %add3A_1341, %and3A_35 : vector<16xi32>
        %gather3A_1453 = arith.constant 1 : i32
        %gather3A_1454 = arith.constant 0 : i32
        %gather3A_1455 = arith.constant 0 : i32
        %gather3A_1456 = tpu.memref_slice %arg8[%gather3A_1453, %gather3A_1454, %gather3A_1455] : memref<2x128x128xf32, #tpu.memory_space<vmem>> -> memref<1x128x128xf32, #tpu.memory_space<vmem>>
        %gather3A_1457 = tpu.memref_squeeze %gather3A_1456 : memref<1x128x128xf32, #tpu.memory_space<vmem>> -> memref<128x128xf32, #tpu.memory_space<vmem>>
        %gather3A_1458 = tpu.vector_load_idx %gather3A_1457[%add3A_272, %add3A_1452] : memref<128x128xf32, #tpu.memory_space<vmem>>[vector<16xi32>, vector<16xi32>], vector<16xf32>,
        %shift_right_arithmetic3A_1459 = arith.constant 3 : i32
        %shift_right_arithmetic3A_1460 = vector.broadcast %shift_right_arithmetic3A_1459 : i32 to vector<16xi32>
        %shift_right_arithmetic3A_1461 = arith.shrsi %and3A_35, %shift_right_arithmetic3A_1460 : vector<16xi32>
        %add3A_1462 = arith.constant 6 : i32
        %add3A_1463 = vector.broadcast %add3A_1462 : i32 to vector<16xi32>
        %add3A_1464 = arith.addi %add3A_1463, %shift_right_arithmetic3A_1461 : vector<16xi32>
        %and3A_1465 = arith.constant 7 : i32
        %and3A_1466 = vector.broadcast %and3A_1465 : i32 to vector<16xi32>
        %and3A_1467 = arith.andi %and3A_35, %and3A_1466 : vector<16xi32>
        %scatter3A_1468 = arith.constant 1 : i32
        %scatter3A_1469 = arith.constant 0 : i32
        %scatter3A_1470 = arith.constant 0 : i32
        %scatter3A_1471 = arith.constant 0 : i32
        %scatter3A_1472 = tpu.memref_slice %arg9[%scatter3A_1468, %scatter3A_1469, %scatter3A_1470, %scatter3A_1471] : memref<2x8x8x128xf32, #tpu.memory_space<vmem>> -> memref<1x8x8x128xf32, #tpu.memory_space<vmem>>
        %scatter3A_1473 = tpu.memref_squeeze %scatter3A_1472 : memref<1x8x8x128xf32, #tpu.memory_space<vmem>> -> memref<8x8x128xf32, #tpu.memory_space<vmem>>
        tpu.vector_store_idx %scatter3A_1473[%add3A_1464, %and3A_1467, %add3A_272], %gather3A_1458 : memref<8x8x128xf32, #tpu.memory_space<vmem>>[vector<16xi32>, vector<16xi32>, vector<16xi32>], vector<16xf32>,
        %add3A_1474 = arith.addi %add3A_1341, %and3A_41 : vector<16xi32>
        %gather3A_1475 = arith.constant 1 : i32
        %gather3A_1476 = arith.constant 0 : i32
        %gather3A_1477 = arith.constant 0 : i32
        %gather3A_1478 = tpu.memref_slice %arg8[%gather3A_1475, %gather3A_1476, %gather3A_1477] : memref<2x128x128xf32, #tpu.memory_space<vmem>> -> memref<1x128x128xf32, #tpu.memory_space<vmem>>
        %gather3A_1479 = tpu.memref_squeeze %gather3A_1478 : memref<1x128x128xf32, #tpu.memory_space<vmem>> -> memref<128x128xf32, #tpu.memory_space<vmem>>
        %gather3A_1480 = tpu.vector_load_idx %gather3A_1479[%add3A_272, %add3A_1474] : memref<128x128xf32, #tpu.memory_space<vmem>>[vector<16xi32>, vector<16xi32>], vector<16xf32>,
        %shift_right_arithmetic3A_1481 = arith.constant 3 : i32
        %shift_right_arithmetic3A_1482 = vector.broadcast %shift_right_arithmetic3A_1481 : i32 to vector<16xi32>
        %shift_right_arithmetic3A_1483 = arith.shrsi %and3A_41, %shift_right_arithmetic3A_1482 : vector<16xi32>
        %add3A_1484 = arith.constant 6 : i32
        %add3A_1485 = vector.broadcast %add3A_1484 : i32 to vector<16xi32>
        %add3A_1486 = arith.addi %add3A_1485, %shift_right_arithmetic3A_1483 : vector<16xi32>
        %and3A_1487 = arith.constant 7 : i32
        %and3A_1488 = vector.broadcast %and3A_1487 : i32 to vector<16xi32>
        %and3A_1489 = arith.andi %and3A_41, %and3A_1488 : vector<16xi32>
        %scatter3A_1490 = arith.constant 1 : i32
        %scatter3A_1491 = arith.constant 0 : i32
        %scatter3A_1492 = arith.constant 0 : i32
        %scatter3A_1493 = arith.constant 0 : i32
        %scatter3A_1494 = tpu.memref_slice %arg9[%scatter3A_1490, %scatter3A_1491, %scatter3A_1492, %scatter3A_1493] : memref<2x8x8x128xf32, #tpu.memory_space<vmem>> -> memref<1x8x8x128xf32, #tpu.memory_space<vmem>>
        %scatter3A_1495 = tpu.memref_squeeze %scatter3A_1494 : memref<1x8x8x128xf32, #tpu.memory_space<vmem>> -> memref<8x8x128xf32, #tpu.memory_space<vmem>>
        tpu.vector_store_idx %scatter3A_1495[%add3A_1486, %and3A_1489, %add3A_272], %gather3A_1480 : memref<8x8x128xf32, #tpu.memory_space<vmem>>[vector<16xi32>, vector<16xi32>, vector<16xi32>], vector<16xf32>,
        %add3A_1496 = arith.addi %add3A_1341, %and3A_47 : vector<16xi32>
        %gather3A_1497 = arith.constant 1 : i32
        %gather3A_1498 = arith.constant 0 : i32
        %gather3A_1499 = arith.constant 0 : i32
        %gather3A_1500 = tpu.memref_slice %arg8[%gather3A_1497, %gather3A_1498, %gather3A_1499] : memref<2x128x128xf32, #tpu.memory_space<vmem>> -> memref<1x128x128xf32, #tpu.memory_space<vmem>>
        %gather3A_1501 = tpu.memref_squeeze %gather3A_1500 : memref<1x128x128xf32, #tpu.memory_space<vmem>> -> memref<128x128xf32, #tpu.memory_space<vmem>>
        %gather3A_1502 = tpu.vector_load_idx %gather3A_1501[%add3A_272, %add3A_1496] : memref<128x128xf32, #tpu.memory_space<vmem>>[vector<16xi32>, vector<16xi32>], vector<16xf32>,
        %shift_right_arithmetic3A_1503 = arith.constant 3 : i32
        %shift_right_arithmetic3A_1504 = vector.broadcast %shift_right_arithmetic3A_1503 : i32 to vector<16xi32>
        %shift_right_arithmetic3A_1505 = arith.shrsi %and3A_47, %shift_right_arithmetic3A_1504 : vector<16xi32>
        %add3A_1506 = arith.constant 6 : i32
        %add3A_1507 = vector.broadcast %add3A_1506 : i32 to vector<16xi32>
        %add3A_1508 = arith.addi %add3A_1507, %shift_right_arithmetic3A_1505 : vector<16xi32>
        %and3A_1509 = arith.constant 7 : i32
        %and3A_1510 = vector.broadcast %and3A_1509 : i32 to vector<16xi32>
        %and3A_1511 = arith.andi %and3A_47, %and3A_1510 : vector<16xi32>
        %scatter3A_1512 = arith.constant 1 : i32
        %scatter3A_1513 = arith.constant 0 : i32
        %scatter3A_1514 = arith.constant 0 : i32
        %scatter3A_1515 = arith.constant 0 : i32
        %scatter3A_1516 = tpu.memref_slice %arg9[%scatter3A_1512, %scatter3A_1513, %scatter3A_1514, %scatter3A_1515] : memref<2x8x8x128xf32, #tpu.memory_space<vmem>> -> memref<1x8x8x128xf32, #tpu.memory_space<vmem>>
        %scatter3A_1517 = tpu.memref_squeeze %scatter3A_1516 : memref<1x8x8x128xf32, #tpu.memory_space<vmem>> -> memref<8x8x128xf32, #tpu.memory_space<vmem>>
        tpu.vector_store_idx %scatter3A_1517[%add3A_1508, %and3A_1511, %add3A_272], %gather3A_1502 : memref<8x8x128xf32, #tpu.memory_space<vmem>>[vector<16xi32>, vector<16xi32>, vector<16xi32>], vector<16xf32>,
        %add3A_1518 = arith.addi %add3A_1341, %and3A_53 : vector<16xi32>
        %gather3A_1519 = arith.constant 1 : i32
        %gather3A_1520 = arith.constant 0 : i32
        %gather3A_1521 = arith.constant 0 : i32
        %gather3A_1522 = tpu.memref_slice %arg8[%gather3A_1519, %gather3A_1520, %gather3A_1521] : memref<2x128x128xf32, #tpu.memory_space<vmem>> -> memref<1x128x128xf32, #tpu.memory_space<vmem>>
        %gather3A_1523 = tpu.memref_squeeze %gather3A_1522 : memref<1x128x128xf32, #tpu.memory_space<vmem>> -> memref<128x128xf32, #tpu.memory_space<vmem>>
        %gather3A_1524 = tpu.vector_load_idx %gather3A_1523[%add3A_272, %add3A_1518] : memref<128x128xf32, #tpu.memory_space<vmem>>[vector<16xi32>, vector<16xi32>], vector<16xf32>,
        %shift_right_arithmetic3A_1525 = arith.constant 3 : i32
        %shift_right_arithmetic3A_1526 = vector.broadcast %shift_right_arithmetic3A_1525 : i32 to vector<16xi32>
        %shift_right_arithmetic3A_1527 = arith.shrsi %and3A_53, %shift_right_arithmetic3A_1526 : vector<16xi32>
        %add3A_1528 = arith.constant 6 : i32
        %add3A_1529 = vector.broadcast %add3A_1528 : i32 to vector<16xi32>
        %add3A_1530 = arith.addi %add3A_1529, %shift_right_arithmetic3A_1527 : vector<16xi32>
        %and3A_1531 = arith.constant 7 : i32
        %and3A_1532 = vector.broadcast %and3A_1531 : i32 to vector<16xi32>
        %and3A_1533 = arith.andi %and3A_53, %and3A_1532 : vector<16xi32>
        %scatter3A_1534 = arith.constant 1 : i32
        %scatter3A_1535 = arith.constant 0 : i32
        %scatter3A_1536 = arith.constant 0 : i32
        %scatter3A_1537 = arith.constant 0 : i32
        %scatter3A_1538 = tpu.memref_slice %arg9[%scatter3A_1534, %scatter3A_1535, %scatter3A_1536, %scatter3A_1537] : memref<2x8x8x128xf32, #tpu.memory_space<vmem>> -> memref<1x8x8x128xf32, #tpu.memory_space<vmem>>
        %scatter3A_1539 = tpu.memref_squeeze %scatter3A_1538 : memref<1x8x8x128xf32, #tpu.memory_space<vmem>> -> memref<8x8x128xf32, #tpu.memory_space<vmem>>
        tpu.vector_store_idx %scatter3A_1539[%add3A_1530, %and3A_1533, %add3A_272], %gather3A_1524 : memref<8x8x128xf32, #tpu.memory_space<vmem>>[vector<16xi32>, vector<16xi32>, vector<16xi32>], vector<16xf32>,
        %add3A_1540 = arith.addi %add3A_1341, %and3A_59 : vector<16xi32>
        %gather3A_1541 = arith.constant 1 : i32
        %gather3A_1542 = arith.constant 0 : i32
        %gather3A_1543 = arith.constant 0 : i32
        %gather3A_1544 = tpu.memref_slice %arg8[%gather3A_1541, %gather3A_1542, %gather3A_1543] : memref<2x128x128xf32, #tpu.memory_space<vmem>> -> memref<1x128x128xf32, #tpu.memory_space<vmem>>
        %gather3A_1545 = tpu.memref_squeeze %gather3A_1544 : memref<1x128x128xf32, #tpu.memory_space<vmem>> -> memref<128x128xf32, #tpu.memory_space<vmem>>
        %gather3A_1546 = tpu.vector_load_idx %gather3A_1545[%add3A_272, %add3A_1540] : memref<128x128xf32, #tpu.memory_space<vmem>>[vector<16xi32>, vector<16xi32>], vector<16xf32>,
        %shift_right_arithmetic3A_1547 = arith.constant 3 : i32
        %shift_right_arithmetic3A_1548 = vector.broadcast %shift_right_arithmetic3A_1547 : i32 to vector<16xi32>
        %shift_right_arithmetic3A_1549 = arith.shrsi %and3A_59, %shift_right_arithmetic3A_1548 : vector<16xi32>
        %add3A_1550 = arith.constant 6 : i32
        %add3A_1551 = vector.broadcast %add3A_1550 : i32 to vector<16xi32>
        %add3A_1552 = arith.addi %add3A_1551, %shift_right_arithmetic3A_1549 : vector<16xi32>
        %and3A_1553 = arith.constant 7 : i32
        %and3A_1554 = vector.broadcast %and3A_1553 : i32 to vector<16xi32>
        %and3A_1555 = arith.andi %and3A_59, %and3A_1554 : vector<16xi32>
        %scatter3A_1556 = arith.constant 1 : i32
        %scatter3A_1557 = arith.constant 0 : i32
        %scatter3A_1558 = arith.constant 0 : i32
        %scatter3A_1559 = arith.constant 0 : i32
        %scatter3A_1560 = tpu.memref_slice %arg9[%scatter3A_1556, %scatter3A_1557, %scatter3A_1558, %scatter3A_1559] : memref<2x8x8x128xf32, #tpu.memory_space<vmem>> -> memref<1x8x8x128xf32, #tpu.memory_space<vmem>>
        %scatter3A_1561 = tpu.memref_squeeze %scatter3A_1560 : memref<1x8x8x128xf32, #tpu.memory_space<vmem>> -> memref<8x8x128xf32, #tpu.memory_space<vmem>>
        tpu.vector_store_idx %scatter3A_1561[%add3A_1552, %and3A_1555, %add3A_272], %gather3A_1546 : memref<8x8x128xf32, #tpu.memory_space<vmem>>[vector<16xi32>, vector<16xi32>, vector<16xi32>], vector<16xf32>,
        %add3A_1562 = arith.addi %add3A_1341, %and3A_65 : vector<16xi32>
        %gather3A_1563 = arith.constant 1 : i32
        %gather3A_1564 = arith.constant 0 : i32
        %gather3A_1565 = arith.constant 0 : i32
        %gather3A_1566 = tpu.memref_slice %arg8[%gather3A_1563, %gather3A_1564, %gather3A_1565] : memref<2x128x128xf32, #tpu.memory_space<vmem>> -> memref<1x128x128xf32, #tpu.memory_space<vmem>>
        %gather3A_1567 = tpu.memref_squeeze %gather3A_1566 : memref<1x128x128xf32, #tpu.memory_space<vmem>> -> memref<128x128xf32, #tpu.memory_space<vmem>>
        %gather3A_1568 = tpu.vector_load_idx %gather3A_1567[%add3A_272, %add3A_1562] : memref<128x128xf32, #tpu.memory_space<vmem>>[vector<16xi32>, vector<16xi32>], vector<16xf32>,
        %shift_right_arithmetic3A_1569 = arith.constant 3 : i32
        %shift_right_arithmetic3A_1570 = vector.broadcast %shift_right_arithmetic3A_1569 : i32 to vector<16xi32>
        %shift_right_arithmetic3A_1571 = arith.shrsi %and3A_65, %shift_right_arithmetic3A_1570 : vector<16xi32>
        %add3A_1572 = arith.constant 6 : i32
        %add3A_1573 = vector.broadcast %add3A_1572 : i32 to vector<16xi32>
        %add3A_1574 = arith.addi %add3A_1573, %shift_right_arithmetic3A_1571 : vector<16xi32>
        %and3A_1575 = arith.constant 7 : i32
        %and3A_1576 = vector.broadcast %and3A_1575 : i32 to vector<16xi32>
        %and3A_1577 = arith.andi %and3A_65, %and3A_1576 : vector<16xi32>
        %scatter3A_1578 = arith.constant 1 : i32
        %scatter3A_1579 = arith.constant 0 : i32
        %scatter3A_1580 = arith.constant 0 : i32
        %scatter3A_1581 = arith.constant 0 : i32
        %scatter3A_1582 = tpu.memref_slice %arg9[%scatter3A_1578, %scatter3A_1579, %scatter3A_1580, %scatter3A_1581] : memref<2x8x8x128xf32, #tpu.memory_space<vmem>> -> memref<1x8x8x128xf32, #tpu.memory_space<vmem>>
        %scatter3A_1583 = tpu.memref_squeeze %scatter3A_1582 : memref<1x8x8x128xf32, #tpu.memory_space<vmem>> -> memref<8x8x128xf32, #tpu.memory_space<vmem>>
        tpu.vector_store_idx %scatter3A_1583[%add3A_1574, %and3A_1577, %add3A_272], %gather3A_1568 : memref<8x8x128xf32, #tpu.memory_space<vmem>>[vector<16xi32>, vector<16xi32>, vector<16xi32>], vector<16xf32>,
        %add3A_1584 = arith.addi %add3A_1341, %and3A_71 : vector<16xi32>
        %gather3A_1585 = arith.constant 1 : i32
        %gather3A_1586 = arith.constant 0 : i32
        %gather3A_1587 = arith.constant 0 : i32
        %gather3A_1588 = tpu.memref_slice %arg8[%gather3A_1585, %gather3A_1586, %gather3A_1587] : memref<2x128x128xf32, #tpu.memory_space<vmem>> -> memref<1x128x128xf32, #tpu.memory_space<vmem>>
        %gather3A_1589 = tpu.memref_squeeze %gather3A_1588 : memref<1x128x128xf32, #tpu.memory_space<vmem>> -> memref<128x128xf32, #tpu.memory_space<vmem>>
        %gather3A_1590 = tpu.vector_load_idx %gather3A_1589[%add3A_272, %add3A_1584] : memref<128x128xf32, #tpu.memory_space<vmem>>[vector<16xi32>, vector<16xi32>], vector<16xf32>,
        %shift_right_arithmetic3A_1591 = arith.constant 3 : i32
        %shift_right_arithmetic3A_1592 = vector.broadcast %shift_right_arithmetic3A_1591 : i32 to vector<16xi32>
        %shift_right_arithmetic3A_1593 = arith.shrsi %and3A_71, %shift_right_arithmetic3A_1592 : vector<16xi32>
        %add3A_1594 = arith.constant 6 : i32
        %add3A_1595 = vector.broadcast %add3A_1594 : i32 to vector<16xi32>
        %add3A_1596 = arith.addi %add3A_1595, %shift_right_arithmetic3A_1593 : vector<16xi32>
        %and3A_1597 = arith.constant 7 : i32
        %and3A_1598 = vector.broadcast %and3A_1597 : i32 to vector<16xi32>
        %and3A_1599 = arith.andi %and3A_71, %and3A_1598 : vector<16xi32>
        %scatter3A_1600 = arith.constant 1 : i32
        %scatter3A_1601 = arith.constant 0 : i32
        %scatter3A_1602 = arith.constant 0 : i32
        %scatter3A_1603 = arith.constant 0 : i32
        %scatter3A_1604 = tpu.memref_slice %arg9[%scatter3A_1600, %scatter3A_1601, %scatter3A_1602, %scatter3A_1603] : memref<2x8x8x128xf32, #tpu.memory_space<vmem>> -> memref<1x8x8x128xf32, #tpu.memory_space<vmem>>
        %scatter3A_1605 = tpu.memref_squeeze %scatter3A_1604 : memref<1x8x8x128xf32, #tpu.memory_space<vmem>> -> memref<8x8x128xf32, #tpu.memory_space<vmem>>
        tpu.vector_store_idx %scatter3A_1605[%add3A_1596, %and3A_1599, %add3A_272], %gather3A_1590 : memref<8x8x128xf32, #tpu.memory_space<vmem>>[vector<16xi32>, vector<16xi32>, vector<16xi32>], vector<16xf32>,
        %add3A_1606 = arith.addi %add3A_1341, %and3A_77 : vector<16xi32>
        %gather3A_1607 = arith.constant 1 : i32
        %gather3A_1608 = arith.constant 0 : i32
        %gather3A_1609 = arith.constant 0 : i32
        %gather3A_1610 = tpu.memref_slice %arg8[%gather3A_1607, %gather3A_1608, %gather3A_1609] : memref<2x128x128xf32, #tpu.memory_space<vmem>> -> memref<1x128x128xf32, #tpu.memory_space<vmem>>
        %gather3A_1611 = tpu.memref_squeeze %gather3A_1610 : memref<1x128x128xf32, #tpu.memory_space<vmem>> -> memref<128x128xf32, #tpu.memory_space<vmem>>
        %gather3A_1612 = tpu.vector_load_idx %gather3A_1611[%add3A_272, %add3A_1606] : memref<128x128xf32, #tpu.memory_space<vmem>>[vector<16xi32>, vector<16xi32>], vector<16xf32>,
        %shift_right_arithmetic3A_1613 = arith.constant 3 : i32
        %shift_right_arithmetic3A_1614 = vector.broadcast %shift_right_arithmetic3A_1613 : i32 to vector<16xi32>
        %shift_right_arithmetic3A_1615 = arith.shrsi %and3A_77, %shift_right_arithmetic3A_1614 : vector<16xi32>
        %add3A_1616 = arith.constant 6 : i32
        %add3A_1617 = vector.broadcast %add3A_1616 : i32 to vector<16xi32>
        %add3A_1618 = arith.addi %add3A_1617, %shift_right_arithmetic3A_1615 : vector<16xi32>
        %and3A_1619 = arith.constant 7 : i32
        %and3A_1620 = vector.broadcast %and3A_1619 : i32 to vector<16xi32>
        %and3A_1621 = arith.andi %and3A_77, %and3A_1620 : vector<16xi32>
        %scatter3A_1622 = arith.constant 1 : i32
        %scatter3A_1623 = arith.constant 0 : i32
        %scatter3A_1624 = arith.constant 0 : i32
        %scatter3A_1625 = arith.constant 0 : i32
        %scatter3A_1626 = tpu.memref_slice %arg9[%scatter3A_1622, %scatter3A_1623, %scatter3A_1624, %scatter3A_1625] : memref<2x8x8x128xf32, #tpu.memory_space<vmem>> -> memref<1x8x8x128xf32, #tpu.memory_space<vmem>>
        %scatter3A_1627 = tpu.memref_squeeze %scatter3A_1626 : memref<1x8x8x128xf32, #tpu.memory_space<vmem>> -> memref<8x8x128xf32, #tpu.memory_space<vmem>>
        tpu.vector_store_idx %scatter3A_1627[%add3A_1618, %and3A_1621, %add3A_272], %gather3A_1612 : memref<8x8x128xf32, #tpu.memory_space<vmem>>[vector<16xi32>, vector<16xi32>, vector<16xi32>], vector<16xf32>,
        %add3A_1628 = arith.addi %add3A_1341, %and3A_83 : vector<16xi32>
        %gather3A_1629 = arith.constant 1 : i32
        %gather3A_1630 = arith.constant 0 : i32
        %gather3A_1631 = arith.constant 0 : i32
        %gather3A_1632 = tpu.memref_slice %arg8[%gather3A_1629, %gather3A_1630, %gather3A_1631] : memref<2x128x128xf32, #tpu.memory_space<vmem>> -> memref<1x128x128xf32, #tpu.memory_space<vmem>>
        %gather3A_1633 = tpu.memref_squeeze %gather3A_1632 : memref<1x128x128xf32, #tpu.memory_space<vmem>> -> memref<128x128xf32, #tpu.memory_space<vmem>>
        %gather3A_1634 = tpu.vector_load_idx %gather3A_1633[%add3A_272, %add3A_1628] : memref<128x128xf32, #tpu.memory_space<vmem>>[vector<16xi32>, vector<16xi32>], vector<16xf32>,
        %shift_right_arithmetic3A_1635 = arith.constant 3 : i32
        %shift_right_arithmetic3A_1636 = vector.broadcast %shift_right_arithmetic3A_1635 : i32 to vector<16xi32>
        %shift_right_arithmetic3A_1637 = arith.shrsi %and3A_83, %shift_right_arithmetic3A_1636 : vector<16xi32>
        %add3A_1638 = arith.constant 6 : i32
        %add3A_1639 = vector.broadcast %add3A_1638 : i32 to vector<16xi32>
        %add3A_1640 = arith.addi %add3A_1639, %shift_right_arithmetic3A_1637 : vector<16xi32>
        %and3A_1641 = arith.constant 7 : i32
        %and3A_1642 = vector.broadcast %and3A_1641 : i32 to vector<16xi32>
        %and3A_1643 = arith.andi %and3A_83, %and3A_1642 : vector<16xi32>
        %scatter3A_1644 = arith.constant 1 : i32
        %scatter3A_1645 = arith.constant 0 : i32
        %scatter3A_1646 = arith.constant 0 : i32
        %scatter3A_1647 = arith.constant 0 : i32
        %scatter3A_1648 = tpu.memref_slice %arg9[%scatter3A_1644, %scatter3A_1645, %scatter3A_1646, %scatter3A_1647] : memref<2x8x8x128xf32, #tpu.memory_space<vmem>> -> memref<1x8x8x128xf32, #tpu.memory_space<vmem>>
        %scatter3A_1649 = tpu.memref_squeeze %scatter3A_1648 : memref<1x8x8x128xf32, #tpu.memory_space<vmem>> -> memref<8x8x128xf32, #tpu.memory_space<vmem>>
        tpu.vector_store_idx %scatter3A_1649[%add3A_1640, %and3A_1643, %add3A_272], %gather3A_1634 : memref<8x8x128xf32, #tpu.memory_space<vmem>>[vector<16xi32>, vector<16xi32>, vector<16xi32>], vector<16xf32>,
        %add3A_1650 = arith.addi %add3A_1341, %and3A_89 : vector<16xi32>
        %gather3A_1651 = arith.constant 1 : i32
        %gather3A_1652 = arith.constant 0 : i32
        %gather3A_1653 = arith.constant 0 : i32
        %gather3A_1654 = tpu.memref_slice %arg8[%gather3A_1651, %gather3A_1652, %gather3A_1653] : memref<2x128x128xf32, #tpu.memory_space<vmem>> -> memref<1x128x128xf32, #tpu.memory_space<vmem>>
        %gather3A_1655 = tpu.memref_squeeze %gather3A_1654 : memref<1x128x128xf32, #tpu.memory_space<vmem>> -> memref<128x128xf32, #tpu.memory_space<vmem>>
        %gather3A_1656 = tpu.vector_load_idx %gather3A_1655[%add3A_272, %add3A_1650] : memref<128x128xf32, #tpu.memory_space<vmem>>[vector<16xi32>, vector<16xi32>], vector<16xf32>,
        %shift_right_arithmetic3A_1657 = arith.constant 3 : i32
        %shift_right_arithmetic3A_1658 = vector.broadcast %shift_right_arithmetic3A_1657 : i32 to vector<16xi32>
        %shift_right_arithmetic3A_1659 = arith.shrsi %and3A_89, %shift_right_arithmetic3A_1658 : vector<16xi32>
        %add3A_1660 = arith.constant 6 : i32
        %add3A_1661 = vector.broadcast %add3A_1660 : i32 to vector<16xi32>
        %add3A_1662 = arith.addi %add3A_1661, %shift_right_arithmetic3A_1659 : vector<16xi32>
        %and3A_1663 = arith.constant 7 : i32
        %and3A_1664 = vector.broadcast %and3A_1663 : i32 to vector<16xi32>
        %and3A_1665 = arith.andi %and3A_89, %and3A_1664 : vector<16xi32>
        %scatter3A_1666 = arith.constant 1 : i32
        %scatter3A_1667 = arith.constant 0 : i32
        %scatter3A_1668 = arith.constant 0 : i32
        %scatter3A_1669 = arith.constant 0 : i32
        %scatter3A_1670 = tpu.memref_slice %arg9[%scatter3A_1666, %scatter3A_1667, %scatter3A_1668, %scatter3A_1669] : memref<2x8x8x128xf32, #tpu.memory_space<vmem>> -> memref<1x8x8x128xf32, #tpu.memory_space<vmem>>
        %scatter3A_1671 = tpu.memref_squeeze %scatter3A_1670 : memref<1x8x8x128xf32, #tpu.memory_space<vmem>> -> memref<8x8x128xf32, #tpu.memory_space<vmem>>
        tpu.vector_store_idx %scatter3A_1671[%add3A_1662, %and3A_1665, %add3A_272], %gather3A_1656 : memref<8x8x128xf32, #tpu.memory_space<vmem>>[vector<16xi32>, vector<16xi32>, vector<16xi32>], vector<16xf32>,
        %add3A_1672 = arith.addi %add3A_1341, %and3A_95 : vector<16xi32>
        %gather3A_1673 = arith.constant 1 : i32
        %gather3A_1674 = arith.constant 0 : i32
        %gather3A_1675 = arith.constant 0 : i32
        %gather3A_1676 = tpu.memref_slice %arg8[%gather3A_1673, %gather3A_1674, %gather3A_1675] : memref<2x128x128xf32, #tpu.memory_space<vmem>> -> memref<1x128x128xf32, #tpu.memory_space<vmem>>
        %gather3A_1677 = tpu.memref_squeeze %gather3A_1676 : memref<1x128x128xf32, #tpu.memory_space<vmem>> -> memref<128x128xf32, #tpu.memory_space<vmem>>
        %gather3A_1678 = tpu.vector_load_idx %gather3A_1677[%add3A_272, %add3A_1672] : memref<128x128xf32, #tpu.memory_space<vmem>>[vector<16xi32>, vector<16xi32>], vector<16xf32>,
        %shift_right_arithmetic3A_1679 = arith.constant 3 : i32
        %shift_right_arithmetic3A_1680 = vector.broadcast %shift_right_arithmetic3A_1679 : i32 to vector<16xi32>
        %shift_right_arithmetic3A_1681 = arith.shrsi %and3A_95, %shift_right_arithmetic3A_1680 : vector<16xi32>
        %add3A_1682 = arith.constant 6 : i32
        %add3A_1683 = vector.broadcast %add3A_1682 : i32 to vector<16xi32>
        %add3A_1684 = arith.addi %add3A_1683, %shift_right_arithmetic3A_1681 : vector<16xi32>
        %and3A_1685 = arith.constant 7 : i32
        %and3A_1686 = vector.broadcast %and3A_1685 : i32 to vector<16xi32>
        %and3A_1687 = arith.andi %and3A_95, %and3A_1686 : vector<16xi32>
        %scatter3A_1688 = arith.constant 1 : i32
        %scatter3A_1689 = arith.constant 0 : i32
        %scatter3A_1690 = arith.constant 0 : i32
        %scatter3A_1691 = arith.constant 0 : i32
        %scatter3A_1692 = tpu.memref_slice %arg9[%scatter3A_1688, %scatter3A_1689, %scatter3A_1690, %scatter3A_1691] : memref<2x8x8x128xf32, #tpu.memory_space<vmem>> -> memref<1x8x8x128xf32, #tpu.memory_space<vmem>>
        %scatter3A_1693 = tpu.memref_squeeze %scatter3A_1692 : memref<1x8x8x128xf32, #tpu.memory_space<vmem>> -> memref<8x8x128xf32, #tpu.memory_space<vmem>>
        tpu.vector_store_idx %scatter3A_1693[%add3A_1684, %and3A_1687, %add3A_272], %gather3A_1678 : memref<8x8x128xf32, #tpu.memory_space<vmem>>[vector<16xi32>, vector<16xi32>, vector<16xi32>], vector<16xf32>,
      }
      %scan3A_241 = arith.constant 8 : i32
      %lt3A_242 = arith.constant 99 : i32
      %lt3A_243 = arith.cmpi slt, %scan3A_167, %lt3A_242 : i32
      %convert_element_type3A_244 = arith.extui %lt3A_243 : i1 to i32
      %cond3A_245 = arith.constant 0 : i32
      %cond3A_246 = arith.cmpi ne, %convert_element_type3A_244, %cond3A_245 : i32
      scf.if %cond3A_246 {
        %add3A_268 = arith.constant 2 : i32
        %add3A_269 = arith.addi %add3A_219, %add3A_268 : i32
        %dma_start3A_270 = arith.constant 1 : i32
        %dma_start3A_271 = arith.constant 0 : i32
        %dma_start3A_272 = arith.constant 0 : i32
        %dma_start3A_273 = tpu.memref_slice %arg8[%dma_start3A_270, %dma_start3A_271, %dma_start3A_272] : memref<2x128x128xf32, #tpu.memory_space<vmem>> -> memref<1x128x128xf32, #tpu.memory_space<vmem>>
        %dma_start3A_274 = tpu.memref_squeeze %dma_start3A_273 : memref<1x128x128xf32, #tpu.memory_space<vmem>> -> memref<128x128xf32, #tpu.memory_space<vmem>>
        %dma_start3A_275 = arith.constant 0 : i32
        %dma_start3A_276 = tpu.memref_slice %arg6[%add3A_269, %dma_start3A_275] : memref<200x128xi32, #tpu.memory_space<vmem>> -> memref<1x128xi32, #tpu.memory_space<vmem>>
        %dma_start3A_277 = tpu.memref_squeeze %dma_start3A_276 : memref<1x128xi32, #tpu.memory_space<vmem>> -> memref<128xi32, #tpu.memory_space<vmem>>
        %dma_start3A_278 = arith.constant 0 : i32
        %dma_start3A_279 = arith.constant 0 : i32
        %dma_start3A_280 = tpu.memref_slice %arg4[%dma_start3A_278, %dma_start3A_279] : memref<524288x128xf32, #tpu.memory_space<hbm>> -> memref<524288x128xf32, #tpu.memory_space<hbm>>
        tpu.enqueue_indirect_dma source(%dma_start3A_280 : memref<524288x128xf32, #tpu.memory_space<hbm>>) target(%dma_start3A_274 : memref<128x128xf32, #tpu.memory_space<vmem>>) offsets(%dma_start3A_277 : memref<128xi32, #tpu.memory_space<vmem>>) semaphore(%arg11 : memref<!tpu.dma_semaphore, #tpu.memory_space<semaphore_mem>>)
      } else {
      }
      %dma_start3A_247 = arith.constant 1 : i32
      %dma_start3A_248 = arith.constant 0 : i32
      %dma_start3A_249 = arith.constant 0 : i32
      %dma_start3A_250 = arith.constant 0 : i32
      %dma_start3A_251 = tpu.memref_slice %arg9[%dma_start3A_247, %dma_start3A_248, %dma_start3A_249, %dma_start3A_250] : memref<2x8x8x128xf32, #tpu.memory_space<vmem>> -> memref<1x8x8x128xf32, #tpu.memory_space<vmem>>
      %dma_start3A_252 = tpu.memref_squeeze %dma_start3A_251 : memref<1x8x8x128xf32, #tpu.memory_space<vmem>> -> memref<8x8x128xf32, #tpu.memory_space<vmem>>
      %dma_start3A_253 = arith.constant 0 : i32
      %dma_start3A_254 = arith.constant 0 : i32
      %dma_start3A_255 = arith.constant 0 : i32
      %dma_start3A_256 = tpu.memref_slice %arg5[%add3A_219, %dma_start3A_253, %add3A, %dma_start3A_254, %dma_start3A_255] : memref<200x8x32x8x128xf32, #tpu.memory_space<hbm>> -> memref<1x8x1x8x128xf32, #tpu.memory_space<hbm>>
      %dma_start3A_257 = tpu.memref_squeeze %dma_start3A_256 : memref<1x8x1x8x128xf32, #tpu.memory_space<hbm>> -> memref<8x8x128xf32, #tpu.memory_space<hbm>>
      %dma_start3A_258 = arith.constant 0 : i32
      %dma_start3A_259 = arith.constant 0 : i32
      %dma_start3A_260 = arith.constant 0 : i32
      %dma_start3A_261 = tpu.memref_slice %arg5[%add3A_219, %dma_start3A_258, %add3A, %dma_start3A_259, %dma_start3A_260] : memref<200x8x32x8x128xf32, #tpu.memory_space<hbm>> -> memref<1x8x1x8x128xf32, #tpu.memory_space<hbm>>
      %dma_start3A_262 = tpu.memref_squeeze %dma_start3A_261 : memref<1x8x1x8x128xf32, #tpu.memory_space<hbm>> -> memref<8x8x128xf32, #tpu.memory_space<hbm>>
      %dma_start3A_263 = arith.constant 0 : i32
      %dma_start3A_264 = arith.constant 0 : i32
      %dma_start3A_265 = arith.constant 0 : i32
      %dma_start3A_266 = tpu.memref_slice %arg9[%dma_start3A_247, %dma_start3A_263, %dma_start3A_264, %dma_start3A_265] : memref<2x8x8x128xf32, #tpu.memory_space<vmem>> -> memref<1x8x8x128xf32, #tpu.memory_space<vmem>>
      %dma_start3A_267 = tpu.memref_squeeze %dma_start3A_266 : memref<1x8x8x128xf32, #tpu.memory_space<vmem>> -> memref<8x8x128xf32, #tpu.memory_space<vmem>>
      tpu.enqueue_dma source(%dma_start3A_267 : memref<8x8x128xf32, #tpu.memory_space<vmem>>) target(%dma_start3A_262 : memref<8x8x128xf32, #tpu.memory_space<hbm>>) target_semaphore(%arg13 : memref<!tpu.dma_semaphore, #tpu.memory_space<semaphore_mem>>)
    }
    %scan3A_123 = arith.constant 100 : i32
    %dma_wait3A = arith.constant 0 : i32
    %dma_wait3A_124 = arith.constant 198 : i32
    %dma_wait3A_125 = arith.constant 0 : i32
    %dma_wait3A_126 = arith.constant 0 : i32
    %dma_wait3A_127 = arith.constant 0 : i32
    %dma_wait3A_128 = tpu.memref_slice %arg9[%dma_wait3A, %dma_wait3A_125, %dma_wait3A_126, %dma_wait3A_127] : memref<2x8x8x128xf32, #tpu.memory_space<vmem>> -> memref<1x8x8x128xf32, #tpu.memory_space<vmem>>
    %dma_wait3A_129 = tpu.memref_squeeze %dma_wait3A_128 : memref<1x8x8x128xf32, #tpu.memory_space<vmem>> -> memref<8x8x128xf32, #tpu.memory_space<vmem>>
    %dma_wait3A_130 = arith.constant 0 : i32
    %dma_wait3A_131 = arith.constant 0 : i32
    %dma_wait3A_132 = arith.constant 0 : i32
    %dma_wait3A_133 = tpu.memref_slice %arg5[%dma_wait3A_124, %dma_wait3A_130, %add3A, %dma_wait3A_131, %dma_wait3A_132] : memref<200x8x32x8x128xf32, #tpu.memory_space<hbm>> -> memref<1x8x1x8x128xf32, #tpu.memory_space<hbm>>
    %dma_wait3A_134 = tpu.memref_squeeze %dma_wait3A_133 : memref<1x8x1x8x128xf32, #tpu.memory_space<hbm>> -> memref<8x8x128xf32, #tpu.memory_space<hbm>>
    %dma_wait3A_135 = arith.constant 0 : i32
    %dma_wait3A_136 = arith.constant 0 : i32
    %dma_wait3A_137 = arith.constant 0 : i32
    %dma_wait3A_138 = tpu.memref_slice %arg5[%dma_wait3A_124, %dma_wait3A_135, %add3A, %dma_wait3A_136, %dma_wait3A_137] : memref<200x8x32x8x128xf32, #tpu.memory_space<hbm>> -> memref<1x8x1x8x128xf32, #tpu.memory_space<hbm>>
    %dma_wait3A_139 = tpu.memref_squeeze %dma_wait3A_138 : memref<1x8x1x8x128xf32, #tpu.memory_space<hbm>> -> memref<8x8x128xf32, #tpu.memory_space<hbm>>
    %dma_wait3A_140 = arith.constant 0 : i32
    %dma_wait3A_141 = arith.constant 0 : i32
    %dma_wait3A_142 = arith.constant 0 : i32
    %dma_wait3A_143 = tpu.memref_slice %arg9[%dma_wait3A, %dma_wait3A_140, %dma_wait3A_141, %dma_wait3A_142] : memref<2x8x8x128xf32, #tpu.memory_space<vmem>> -> memref<1x8x8x128xf32, #tpu.memory_space<vmem>>
    %dma_wait3A_144 = tpu.memref_squeeze %dma_wait3A_143 : memref<1x8x8x128xf32, #tpu.memory_space<vmem>> -> memref<8x8x128xf32, #tpu.memory_space<vmem>>
    tpu.wait_dma2 semaphore(%arg12 : memref<!tpu.dma_semaphore, #tpu.memory_space<semaphore_mem>>) src(%dma_wait3A_144 : memref<8x8x128xf32, #tpu.memory_space<vmem>>) dst(%dma_wait3A_139 : memref<8x8x128xf32, #tpu.memory_space<hbm>>)
    %dma_wait3A_145 = arith.constant 1 : i32
    %dma_wait3A_146 = arith.constant 199 : i32
    %dma_wait3A_147 = arith.constant 0 : i32
    %dma_wait3A_148 = arith.constant 0 : i32
    %dma_wait3A_149 = arith.constant 0 : i32
    %dma_wait3A_150 = tpu.memref_slice %arg9[%dma_wait3A_145, %dma_wait3A_147, %dma_wait3A_148, %dma_wait3A_149] : memref<2x8x8x128xf32, #tpu.memory_space<vmem>> -> memref<1x8x8x128xf32, #tpu.memory_space<vmem>>
    %dma_wait3A_151 = tpu.memref_squeeze %dma_wait3A_150 : memref<1x8x8x128xf32, #tpu.memory_space<vmem>> -> memref<8x8x128xf32, #tpu.memory_space<vmem>>
    %dma_wait3A_152 = arith.constant 0 : i32
    %dma_wait3A_153 = arith.constant 0 : i32
    %dma_wait3A_154 = arith.constant 0 : i32
    %dma_wait3A_155 = tpu.memref_slice %arg5[%dma_wait3A_146, %dma_wait3A_152, %add3A, %dma_wait3A_153, %dma_wait3A_154] : memref<200x8x32x8x128xf32, #tpu.memory_space<hbm>> -> memref<1x8x1x8x128xf32, #tpu.memory_space<hbm>>
    %dma_wait3A_156 = tpu.memref_squeeze %dma_wait3A_155 : memref<1x8x1x8x128xf32, #tpu.memory_space<hbm>> -> memref<8x8x128xf32, #tpu.memory_space<hbm>>
    %dma_wait3A_157 = arith.constant 0 : i32
    %dma_wait3A_158 = arith.constant 0 : i32
    %dma_wait3A_159 = arith.constant 0 : i32
    %dma_wait3A_160 = tpu.memref_slice %arg5[%dma_wait3A_146, %dma_wait3A_157, %add3A, %dma_wait3A_158, %dma_wait3A_159] : memref<200x8x32x8x128xf32, #tpu.memory_space<hbm>> -> memref<1x8x1x8x128xf32, #tpu.memory_space<hbm>>
    %dma_wait3A_161 = tpu.memref_squeeze %dma_wait3A_160 : memref<1x8x1x8x128xf32, #tpu.memory_space<hbm>> -> memref<8x8x128xf32, #tpu.memory_space<hbm>>
    %dma_wait3A_162 = arith.constant 0 : i32
    %dma_wait3A_163 = arith.constant 0 : i32
    %dma_wait3A_164 = arith.constant 0 : i32
    %dma_wait3A_165 = tpu.memref_slice %arg9[%dma_wait3A_145, %dma_wait3A_162, %dma_wait3A_163, %dma_wait3A_164] : memref<2x8x8x128xf32, #tpu.memory_space<vmem>> -> memref<1x8x8x128xf32, #tpu.memory_space<vmem>>
    %dma_wait3A_166 = tpu.memref_squeeze %dma_wait3A_165 : memref<1x8x8x128xf32, #tpu.memory_space<vmem>> -> memref<8x8x128xf32, #tpu.memory_space<vmem>>
    tpu.wait_dma2 semaphore(%arg13 : memref<!tpu.dma_semaphore, #tpu.memory_space<semaphore_mem>>) src(%dma_wait3A_166 : memref<8x8x128xf32, #tpu.memory_space<vmem>>) dst(%dma_wait3A_161 : memref<8x8x128xf32, #tpu.memory_space<hbm>>)
    return
  }
}

module attributes {stable_mosaic.version = 14 : i64} {
  func.func @body(%arg0: i32, %arg1: memref<64x8192xf32, #tpu.memory_space<vmem>>, %arg2: memref<64x8192xf32, #tpu.memory_space<vmem>>, %arg3: memref<64x64xf32, #tpu.memory_space<vmem>>, %arg4: memref<8192x128xf32, #tpu.memory_space<vmem>>) attributes {dimension_semantics = [#tpu.dimension_semantics<arbitrary>], iteration_bounds = array<i64: 64>, scalar_prefetch = 0 : i64, scratch_operands = 0 : i64, tpu.core_type = #tpu.core_type<tc>, window_params = [{transform_indices = @transform_0, window_bounds = array<i64: 64, 8192>}, {transform_indices = @transform_1, window_bounds = array<i64: 64, 8192>}, {pipeline_mode = #tpu.pipeline_mode<synchronous>, transform_indices = @transform_2, window_bounds = array<i64: 64, 64>}, {transform_indices = @transform_3, window_bounds = array<i64: 8192, 128>}]} {
    %get3A = arith.constant 0 : index
    %get3A_0 = arith.constant 0 : index
    %get3A_1 = vector.load %arg3[%get3A, %get3A_0] : memref<64x64xf32, #tpu.memory_space<vmem>>, vector<64x64xf32>
    %get3A_2 = arith.constant 0 : index
    %get3A_3 = arith.constant 0 : index
    %get3A_4 = vector.load %arg1[%get3A_2, %get3A_3] : memref<64x8192xf32, #tpu.memory_space<vmem>>, vector<64x8192xf32>
    %dot_general3A = arith.constant dense<0.000000e+00> : vector<8192x64xf32>
    %dot_general3A_5 = tpu.matmul %get3A_4, %get3A_1, %dot_general3A {dimension_numbers = #tpu.dot_dimension_numbers<[0], [0], [1], [1], [0, 1, 1, 1], [], []>, transpose_lhs_hint = false} : vector<64x8192xf32>, vector<64x64xf32>, vector<8192x64xf32> -> vector<8192x64xf32>
    %swap3A = arith.constant 0 : index
    %swap3A_6 = arith.constant 0 : index
    %swap3A_7 = vector.load %arg4[%swap3A, %swap3A_6] : memref<8192x128xf32, #tpu.memory_space<vmem>>, vector<8192x64xf32>
    tpu.vector_store %arg4[%swap3A, %swap3A_6], %dot_general3A_5 {strides = array<i32>} : memref<8192x128xf32, #tpu.memory_space<vmem>>, vector<8192x64xf32>,
    %get3A_8 = arith.constant 0 : index
    %get3A_9 = arith.constant 0 : index
    %get3A_10 = vector.load %arg2[%get3A_8, %get3A_9] : memref<64x8192xf32, #tpu.memory_space<vmem>>, vector<64x8192xf32>
    %dot_general3A_11 = arith.constant dense<0.000000e+00> : vector<8192x64xf32>
    %dot_general3A_12 = tpu.matmul %get3A_10, %get3A_1, %dot_general3A_11 {dimension_numbers = #tpu.dot_dimension_numbers<[0], [0], [1], [1], [0, 1, 1, 1], [], []>, transpose_lhs_hint = false} : vector<64x8192xf32>, vector<64x64xf32>, vector<8192x64xf32> -> vector<8192x64xf32>
    %swap3A_13 = arith.constant 0 : index
    %swap3A_14 = arith.constant 64 : index
    %swap3A_15 = vector.load %arg4[%swap3A_13, %swap3A_14] : memref<8192x128xf32, #tpu.memory_space<vmem>>, vector<8192x64xf32>
    tpu.vector_store %arg4[%swap3A_13, %swap3A_14], %dot_general3A_12 {strides = array<i32>} : memref<8192x128xf32, #tpu.memory_space<vmem>>, vector<8192x64xf32>,
    return
  }
  func.func @transform_0(%arg0: i32) -> (i32, i32) {
    %c0_i32 = arith.constant 0 : i32
    %c0_i32_0 = arith.constant 0 : i32
    return %c0_i32, %arg0 : i32, i32
  }
  func.func @transform_1(%arg0: i32) -> (i32, i32) {
    %add3A = arith.constant 64 : i32
    %add3A_0 = arith.addi %arg0, %add3A : i32
    %min3A = arith.constant 122 : i32
    %min3A_1 = arith.minsi %add3A_0, %min3A : i32
    %c0_i32 = arith.constant 0 : i32
    %c0_i32_2 = arith.constant 0 : i32
    return %c0_i32, %min3A_1 : i32, i32
  }
  func.func @transform_2(%arg0: i32) -> (i32, i32) {
    %c0_i32 = arith.constant 0 : i32
    %c0_i32_0 = arith.constant 0 : i32
    %c0_i32_1 = arith.constant 0 : i32
    return %c0_i32, %c0_i32_0 : i32, i32
  }
  func.func @transform_3(%arg0: i32) -> (i32, i32) {
    %c0_i32 = arith.constant 0 : i32
    %c0_i32_0 = arith.constant 0 : i32
    return %arg0, %c0_i32 : i32, i32
  }
}

module attributes {stable_mosaic.version = 14 : i64} {
  func.func @body(%arg0: i32, %arg1: memref<64x8192xf32, #tpu.memory_space<vmem>>, %arg2: memref<24x64xf32, #tpu.memory_space<vmem>>, %arg3: memref<24x24xf32, #tpu.memory_space<vmem>>, %arg4: memref<64x8192xf32, #tpu.memory_space<vmem>>, %arg5: memref<24x64xf32, #tpu.memory_space<vmem>>, %arg6: memref<24x64xf32, #tpu.memory_space<vmem>>) attributes {dimension_semantics = [#tpu.dimension_semantics<arbitrary>], iteration_bounds = array<i64: 13>, scalar_prefetch = 0 : i64, scratch_operands = 0 : i64, tpu.core_type = #tpu.core_type<tc>, window_params = [{transform_indices = @transform_0, window_bounds = array<i64: 64, 8192>}, {pipeline_mode = #tpu.pipeline_mode<synchronous>, transform_indices = @transform_1, window_bounds = array<i64: 24, 64>}, {pipeline_mode = #tpu.pipeline_mode<synchronous>, transform_indices = @transform_2, window_bounds = array<i64: 24, 24>}, {transform_indices = @transform_3, window_bounds = array<i64: 64, 8192>}, {pipeline_mode = #tpu.pipeline_mode<synchronous>, transform_indices = @transform_4, window_bounds = array<i64: 24, 64>}, {pipeline_mode = #tpu.pipeline_mode<synchronous>, transform_indices = @transform_5, window_bounds = array<i64: 24, 64>}]} {
    %get3A = arith.constant 0 : index
    %get3A_0 = arith.constant 0 : index
    %get3A_1 = vector.load %arg1[%get3A, %get3A_0] : memref<64x8192xf32, #tpu.memory_space<vmem>>, vector<64x8192xf32>
    %swap3A = arith.constant 0 : index
    %swap3A_2 = arith.constant 0 : index
    %swap3A_3 = vector.load %arg4[%swap3A, %swap3A_2] : memref<64x8192xf32, #tpu.memory_space<vmem>>, vector<64x8192xf32>
    tpu.vector_store %arg4[%swap3A, %swap3A_2], %get3A_1 {strides = array<i32>} : memref<64x8192xf32, #tpu.memory_space<vmem>>, vector<64x8192xf32>,
    %eq3A = arith.constant 0 : i32
    %eq3A_4 = arith.cmpi eq, %arg0, %eq3A : i32
    %convert_element_type3A = arith.extui %eq3A_4 : i1 to i32
    %cond3A = arith.constant 0 : i32
    %cond3A_5 = arith.cmpi ne, %convert_element_type3A, %cond3A : i32
    scf.if %cond3A_5 {
      %get3A_6 = arith.constant 0 : index
      %get3A_7 = arith.constant 0 : index
      %get3A_8 = vector.load %arg2[%get3A_6, %get3A_7] : memref<24x64xf32, #tpu.memory_space<vmem>>, vector<24x64xf32>
      %swap3A_9 = arith.constant 0 : index
      %swap3A_10 = arith.constant 0 : index
      %swap3A_11 = vector.load %arg5[%swap3A_9, %swap3A_10] : memref<24x64xf32, #tpu.memory_space<vmem>>, vector<24x64xf32>
      tpu.vector_store %arg5[%swap3A_9, %swap3A_10], %get3A_8 {strides = array<i32>} : memref<24x64xf32, #tpu.memory_space<vmem>>, vector<24x64xf32>,
      %get3A_12 = arith.constant 0 : index
      %get3A_13 = arith.constant 0 : index
      %get3A_14 = vector.load %arg3[%get3A_12, %get3A_13] : memref<24x24xf32, #tpu.memory_space<vmem>>, vector<24x24xf32>
      %get3A_15 = arith.constant 0 : index
      %get3A_16 = arith.constant 0 : index
      %get3A_17 = vector.load %arg2[%get3A_15, %get3A_16] : memref<24x64xf32, #tpu.memory_space<vmem>>, vector<24x64xf32>
      %dot_general3A = arith.constant dense<0.000000e+00> : vector<24x64xf32>
      %dot_general3A_18 = tpu.matmul %get3A_14, %get3A_17, %dot_general3A {dimension_numbers = #tpu.dot_dimension_numbers<[1], [0], [0], [1], [0, 0, 1, 1], [], []>, transpose_lhs_hint = false} : vector<24x24xf32>, vector<24x64xf32>, vector<24x64xf32> -> vector<24x64xf32>
      %swap3A_19 = arith.constant 0 : index
      %swap3A_20 = arith.constant 0 : index
      %swap3A_21 = vector.load %arg6[%swap3A_19, %swap3A_20] : memref<24x64xf32, #tpu.memory_space<vmem>>, vector<24x64xf32>
      tpu.vector_store %arg6[%swap3A_19, %swap3A_20], %dot_general3A_18 {strides = array<i32>} : memref<24x64xf32, #tpu.memory_space<vmem>>, vector<24x64xf32>,
    } else {
    }
    return
  }
  func.func @transform_0(%arg0: i32) -> (i32, i32) {
    %c0_i32 = arith.constant 0 : i32
    %c0_i32_0 = arith.constant 0 : i32
    return %c0_i32, %arg0 : i32, i32
  }
  func.func @transform_1(%arg0: i32) -> (i32, i32) {
    %c0_i32 = arith.constant 0 : i32
    %c0_i32_0 = arith.constant 0 : i32
    %c0_i32_1 = arith.constant 0 : i32
    return %c0_i32, %c0_i32_0 : i32, i32
  }
  func.func @transform_2(%arg0: i32) -> (i32, i32) {
    %c0_i32 = arith.constant 0 : i32
    %c0_i32_0 = arith.constant 0 : i32
    %c0_i32_1 = arith.constant 0 : i32
    return %c0_i32, %c0_i32_0 : i32, i32
  }
  func.func @transform_3(%arg0: i32) -> (i32, i32) {
    %c0_i32 = arith.constant 0 : i32
    %c0_i32_0 = arith.constant 0 : i32
    return %c0_i32, %arg0 : i32, i32
  }
  func.func @transform_4(%arg0: i32) -> (i32, i32) {
    %c0_i32 = arith.constant 0 : i32
    %c0_i32_0 = arith.constant 0 : i32
    %c0_i32_1 = arith.constant 0 : i32
    return %c0_i32, %c0_i32_0 : i32, i32
  }
  func.func @transform_5(%arg0: i32) -> (i32, i32) {
    %c0_i32 = arith.constant 0 : i32
    %c0_i32_0 = arith.constant 0 : i32
    %c0_i32_1 = arith.constant 0 : i32
    return %c0_i32, %c0_i32_0 : i32, i32
  }
}

</mosaic_0001>

<sc_bundles>
// kernel: kernel.5.cloned.1.call-start
scs
__scs_entry_jumppad:
0x0: {  	(pc) =	sbr.rel $0x88, $3  }
0x1: {  	(tag) =	ssettag $0x0;
	lr =	simm.s32 $0x1  }
0x2: {  	[smem:$0x3F9D] =	sst lr;
	_ =	strace $0xD0000000  }
0x3: {  	_ = 	snop  }
0x4: {  	_ = 	snop  }
0x5: {  	_ = 	snop  }
0x6: {  	_ = 	snop  }
0x7: {  	_ = 	snop  }
__scs_overlays_trampoline_lowered:
0x8: {  	[smem:$0x3FAC] =	sst s0  }
0x9: {  	[smem:$0x3FAD] =	sst s1  }
0xa: {  	[smem:$0x3FAE] =	sst s2  }
0xb: {  	[smem:$0x3FAF] =	sst s3  }
0xc: {  	[smem:$0x3FB0] =	sst s4  }
0xd: {  	[smem:$0x3FB1] =	sst s5  }
0xe: {  	[smem:$0x3FB2] =	sst s6  }
0xf: {  	[smem:$0x3FB3] =	sst s7  }
0x10: {  	[smem:$0x3FB4] =	sst s8  }
0x11: {  	[smem:$0x3FB5] =	sst s9;
	s0 =	simm.s32 @!p0 $0x0  }
0x12: {  	s1 =	sld [smem:$0x3F9B];
	s0 =	simm.s32 @p0 $0x1  }
0x13: {  	[smem:$0x3FB6] =	sst s0;
	s0 =	simm.s32 @!p1 $0x0  }
0x14: {  	s2 =	sld [smem:$0x3F9A];
	s0 =	simm.s32 @p1 $0x1  }
0x15: {  	[smem:$0x3FB7] =	sst s0;
	s0 =	simm.s32 @!p2 $0x0  }
0x16: {  	s3 =	sld [smem:$0x3FDB];
	s0 =	simm.s32 @p2 $0x1  }
0x17: {  	s4 =	simm.s32 $0x1BF5;
	[smem:$0x3FB9] =	sst s0  }
0x18: {  	s0 =	sld [smem:$0x3F9C];
	_ =	swait.ge [sflag:s4], $0x0  }
0x19: {  	s7 =	sld [smem:$0x3F9D]  }
0x1a: {  	s8 =	sadd.s32 $0xFFFFE003, lr  }
0x1b: {  	s9 =	sadd.s32 $0xFFFFFEF7, lr;
	s5 =	simm.s32 $0xFFFFFFFF;
	p2 =	slt.u32 s8, $0xFFFFF086  }
0x1c: {  	p1 =	slt.u32 s9, $0xF7A;
	s5 =	simm.s32 @!p2 $0x0  }
0x1d: {  	s5 =	simm.s32 @p1 $0x1;
	p0 =	seq.s32 s7, s2  }
0x1e: {  	s7 =	smul.u32 @!p0 $0xF7A, s2;
	p2 =	seq.s32 @!p0 s5, $0x0  }
0x1f: {  	s9 =	smul.u32 $0xF7A, s1;
	s8 =	simm.s32 @!p0 $0x1BF5;
	p2 =	por !p2, p0  }
0x20: {  	[sflag:s8] =	ssyncset.s32 @!p0 $0xFFFFF086;
	s6 =	sadd.s32 @!p0 s3, s7;
	s7 =	simm.s32 @!p0 $0x108  }
0x21: {  	s3 =	sadd.s32 s3, s9;
	s6 =	sadd.s32 @!p0 $0x88, s6;
	s7 =	simm.s32 @p2 $0x1082  }
0x22: {  	[simem:s7], [sflag:s8] =	dma.local @!p0 [hbm:s6], $0xF7A  }
0x23: {  	s9 =	sor.u32 $0xD0000000, s2;
	s6 =	simm.s32 $0x108;
	_ =	swait.ge @!p0 [sflag:s8], $0x0  }
0x24: {  	s3 =	sadd.s32 $0x88, s3;
	s6 =	simm.s32 @!p1 $0x1082;
	[sflag:s4] =	ssyncset.s32 $0xFFFFF086  }
0x25: {  	[simem:s6], [sflag:s4] =	dma.local [hbm:s3], $0xF7A  }
0x26: {  	[smem:$0x3F9D] =	sst s1;
	(tag) =	ssettag s2;
	_ =	strace s9  }
0x27: {  	s1 =	sld [smem:$0x3FAD]  }
0x28: {  	s2 =	sld [smem:$0x3FAE]  }
0x29: {  	s4 =	sld [smem:$0x3FB0]  }
0x2a: {  	p0 =	seq.s32 s5, $0x0;
	s5 =	sld [smem:$0x3FB1]  }
0x2b: {  	s6 =	sld [smem:$0x3FB2]  }
0x2c: {  	s7 =	sld [smem:$0x3FB3]  }
0x2d: {  	s3 =	simm.s32 $0x108;
	s8 =	sld [smem:$0x3FB4]  }
0x2e: {  	s3 =	simm.s32 @!p0 $0x1082;
	s9 =	sld [smem:$0x3FB5]  }
0x2f: {  	lr =	sadd.s32 s0, s3;
	s0 =	sld [smem:$0x3FAC]  }
0x30: {  	s3 =	sld [smem:$0x3FAF]  }
0x31: {  	[smem:$0x3FB8] =	sst s10  }
0x32: {  	s10 =	sld [smem:$0x3FB6];
	_ =	sdelay $0x3  }
0x33: {  	p0 =	seq.s32 s10, $0x1;
	s10 =	sld [smem:$0x3FB8];
	_ =	sdelay $0x3  }
0x34: {  	[smem:$0x3FB8] =	sst s10  }
0x35: {  	s10 =	sld [smem:$0x3FB7];
	_ =	sdelay $0x3  }
0x36: {  	p1 =	seq.s32 s10, $0x1;
	s10 =	sld [smem:$0x3FB8];
	_ =	sdelay $0x3  }
0x37: {  	[smem:$0x3FB8] =	sst s10  }
0x38: {  	s10 =	sld [smem:$0x3FB9]  }
0x39: {  	_ = 	snop;
	(pc) =	sbr.ind lr, $3  }
0x3a: {  	_ = 	snop  }
0x3b: {  	_ = 	snop  }
0x3c: {  	p2 =	seq.s32 s10, $0x1;
	s10 =	sld [smem:$0x3FB8]  }
0x3d: {  	_ =	shalt  }
0x3e: {  	_ =	shalt  }
0x3f: {  	_ =	shalt  }
0x40: {  	_ =	shalt  }
0x41: {  	_ =	shalt  }
0x42: {  	_ =	shalt  }
0x43: {  	_ =	shalt  }
0x44: {  	_ =	shalt  }
0x45: {  	_ =	shalt  }
0x46: {  	_ =	shalt  }
0x47: {  	_ =	shalt  }
0x48: {  	_ =	shalt  }
0x49: {  	_ =	shalt  }
0x4a: {  	_ =	shalt  }
0x4b: {  	_ =	shalt  }
0x4c: {  	_ =	shalt  }
0x4d: {  	_ =	shalt  }
0x4e: {  	_ =	shalt  }
0x4f: {  	_ =	shalt  }
0x50: {  	_ =	shalt  }
0x51: {  	_ =	shalt  }
0x52: {  	_ =	shalt  }
0x53: {  	_ =	shalt  }
0x54: {  	_ =	shalt  }
0x55: {  	_ =	shalt  }
0x56: {  	_ =	shalt  }
0x57: {  	_ =	shalt  }
0x58: {  	_ =	shalt  }
0x59: {  	_ =	shalt  }
0x5a: {  	_ =	shalt  }
0x5b: {  	_ =	shalt  }
0x5c: {  	_ =	shalt  }
0x5d: {  	_ =	shalt  }
0x5e: {  	_ =	shalt  }
0x5f: {  	_ =	shalt  }
0x60: {  	_ =	shalt  }
0x61: {  	_ =	shalt  }
0x62: {  	_ =	shalt  }
0x63: {  	_ =	shalt  }
0x64: {  	_ =	shalt  }
0x65: {  	_ =	shalt  }
0x66: {  	_ =	shalt  }
0x67: {  	_ =	shalt  }
0x68: {  	_ =	shalt  }
0x69: {  	_ =	shalt  }
0x6a: {  	_ =	shalt  }
0x6b: {  	_ =	shalt  }
0x6c: {  	_ =	shalt  }
0x6d: {  	_ =	shalt  }
0x6e: {  	_ =	shalt  }
0x6f: {  	_ =	shalt  }
0x70: {  	_ =	shalt  }
0x71: {  	_ =	shalt  }
0x72: {  	_ =	shalt  }
0x73: {  	_ =	shalt  }
0x74: {  	_ =	shalt  }
0x75: {  	_ =	shalt  }
0x76: {  	_ =	shalt  }
0x77: {  	_ =	shalt  }
0x78: {  	_ =	shalt  }
0x79: {  	_ =	shalt  }
0x7a: {  	_ =	shalt  }
0x7b: {  	_ =	shalt  }
0x7c: {  	_ =	shalt  }
0x7d: {  	_ =	shalt  }
0x7e: {  	_ =	shalt  }
0x7f: {  	_ =	shalt  }
0x80: {  	_ =	shalt  }
0x81: {  	_ =	shalt  }
0x82: {  	_ =	shalt  }
0x83: {  	_ =	shalt  }
0x84: {  	_ =	shalt  }
0x85: {  	_ =	shalt  }
0x86: {  	_ =	shalt  }
0x87: {  	_ =	shalt  }
.Lfunc_end0:
.L_simem_size_0:
called_computation_lowered:
.L_overlay_start_0:
0x88: {  	s2 =	sld [smem:$0x3FD9]  }
0x89: {  	s3 =	sld [smem:$0x3FFE];
	_ =	sdelay $0x1  }
0x8a: {  	s1 =	srdreg.scid  }
0x8b: {  	s0 =	sand.u32 $0x1, s1  }
0x8c: {  	s14 =	sshll.u32 s0, $0xA;
	s2 =	sadd.s32 s3, s2  }
0x8d: {  	s2 =	sadd.s32 s2, s14  }
0x8e: {  	[smem:$0x3FC4] =	sst s2  }
0x8f: {  	_ = 	snop  }
0x90: {  	s2 =	sld [smem:$0x3FD0];
	_ =	sdelay $0x2  }
0x91: {  	s15 =	simm.s32 $0xA;
	s4 =	simm.s32 $0x10  }
0x92: {  	[smem:s4], [sflag:s15] =	dma.local [hbm:s2], $0x1  }
0x93: {  	_ =	swait.eq [sflag:s15], $0x1  }
0x94: {  	[sflag:s15] =	ssyncset.done $0x0  }
0x95: {  	[sflag:s15] =	ssyncadd.s32 $0xFFFFFFFF  }
0x96: {  	s16 =	sld [smem:$0x10];
	(tm) =	ssettm $0x1  }
0x97: {  	s17 =	sld [smem:$0x3FFB];
	_ =	sdelay $0x3  }
0x98: {  	_ =	strace s17  }
0x99: {  	s3 =	sld [smem:$0x3FFC];
	_ =	sdelay $0x3  }
0x9a: {  	_ =	strace s3  }
0x9b: {  	s3 =	sld [smem:$0x3FFD];
	_ =	sdelay $0x3  }
0x9c: {  	_ =	strace s3  }
0x9d: {  	_ =	strace $0x8FFFFFFF  }
0x9e: {  	s18 =	sld [smem:$0x3FDB];
	_ =	sdelay $0x1  }
0x9f: {  	s19 =	simm.s32 $_scs_section_size  }
0xa0: {  	s5 =	simm.s32 $_size__tile_overlayer_lowered;
	s6 =	simm.s32 $_tile_overlayer_lowered  }
0xa1: {  	s22 =	simm.s32 $0x1BFF;
	s21 =	sshll.u32 s6, $0x1;
	s3 =	sadd.s32 s19, s18  }
0xa2: {  	s7 =	simm.s32 $0x0;
	s20 =	sshll.u32 s5, $0x1;
	s5 =	sadd.s32 s21, s3  }
0xa3: {  	[timem:s7], [sflag:s22] =	dma.local [hbm:s5], s20  }
0xa4: {  	_ =	swait.ge [sflag:s22], s20  }
0xa5: {  	s4 =	ssub.s32 $0x0, s20;
	[sflag:s22] =	ssyncset.done $0x0  }
0xa6: {  	[sflag:s22] =	ssyncadd.s32 s4;
	_ =	sdelay $0x1  }
0xa7: {  	s23 =	simm.s32 $0x1B8B  }
0xa8: {  	_ =	swait.ge [sflag:s23], $0x1  }
0xa9: {  	[sflag:s23] =	ssyncset.done $0x0  }
0xaa: {  	s25 =	simm.s32 $0x1B8E;
	s24 =	sld [smem:$0x3FFE];
	[sflag:s23] =	ssyncadd.s32 $0xFFFFFFFF  }
0xab: {  	s26 =	simm.s32 $execute0_lowered;
	[smem:$0x3FD2] =	sst s25  }
0xac: {  	s5 =	sshll.u32 s26, $0x1;
	_ =	strace $0x80000046;
	[dreg:$0x1] =	wrdreg $0xFFFFFFFF  }
0xad: {  	s28 =	simm.s32 $_size_execute0_lowered;
	s3 =	sadd.s32 s3, s5;
	[dreg:$0x0] =	wrdreg $0x0  }
0xae: {  	s5 =	sshll.u32 s28, $0x1;
	[dreg:$0x2] =	wrdreg s3  }
0xaf: {  	[dreg:$0x3] =	wrdreg s5  }
0xb0: {  	[dreg:$0x4] =	wrdreg $0xC0  }
0xb1: {  	_ =	task [dreg:s7], $0x5FFFF  }
0xb2: {  	[dreg:$0x1] =	wrdreg $0xFFFFFFFF  }
0xb3: {  	[dreg:$0x0] =	wrdreg $0x60  }
0xb4: {  	[dreg:$0x2] =	wrdreg s24  }
0xb5: {  	[dreg:$0x3] =	wrdreg s16  }
0xb6: {  	[dreg:$0x4] =	wrdreg $0x9  }
0xb7: {  	_ =	task.clear_ibuf [dreg:s7], $0x5FFFF;
	_ =	strace $0x90000046  }
0xb8: {  	s29 =	simm.s32 $0x9;
	_ =	strace $0x80000048  }
0xb9: {  	_ =	swait.ge [sflag:s29], $0x1  }
0xba: {  	[sflag:s29] =	ssyncadd.s32 $0xFFFFFFFF  }
0xbb: {  	_ =	strace $0x90000048  }
0xbc: {  	_ =	sfence  }
0xbd: {  	s30 =	sld [smem:$0x0];
	_ =	sdelay $0x2  }
0xbe: {  	s31 =	sshll.u32 s1, $0xD;
	s1 =	sshrl.u32 s1, $0x2  }
0xbf: {  	s3 =	sand.u32 $0x4000, s31;
	s1 =	sadd.s32 s1, s30  }
0xc0: {  	s0 =	sor.u32 s3, s0;
	s1 =	sshll.u32 s1, $0x11  }
0xc1: {  	s0 =	sor.u32 s1, s0  }
0xc2: {  	s0 =	sadd.s32 $0x8F2B, s0  }
0xc3: {  	[sflag:s0] =	ssyncadd.remote.s32 $0x1  }
0xc4: {  	_ =	sfence.sel $0xFFFF  }
0xc5: {  	[dreg:$0x0] =	wrdreg $0xFFFFFFFF;
	(pc) =	sbr.abs _section_cstart, $3  }
0xc6: {  	[dreg:$0x1] =	wrdreg $0xFFFFFFFF  }
0xc7: {  	_ =	task.clear_ibuf [dreg:s7], $0x2FFFF;
	_ =	strace $0x9FFFFFFF  }
0xc8: {  	(tm) =	ssettm $0x7FFFFFFF  }
0xc9: {  	_ =	shalt  }
tec
execute0_lowered:
.L_overlay_start_1:
0x0: {  	(tag) =	ssettag $0x1  }
0x1: {  	vm14 =	vcmask $0x300;
	v0 =	vimm.s32 $0x787;
	vm13 =	vcmask $0x704  }
0x2: {  	vm12 =	vcmask $0xB08;
	vm11 =	vcmask $0xF0C;
	vm10 =	vcmask $0x1310  }
0x3: {  	vm9 =	vcmask $0x1714;
	vm8 =	vcmask $0x1B18;
	vm7 =	vcmask $0x1F1C  }
0x4: {  	vm5 =	vcmask $0x2320;
	v1 =	vimm.s32 $0x7;
	vm6 =	vcmask $0x2724  }
0x5: {  	vm4 =	vcmask $0x2B28;
	vm1 =	vcmask $0x2F2C;
	vm2 =	vcmask $0x3330  }
0x6: {  	vm3 =	vcmask $0x3734;
	v35 =	vimm.s32 $0xFEDCBA9;
	v3 =	vimm.s32 $0x87654321  }
0x7: {  	v4 =	vimm.s32 $0x87;
	vm0 =	vcmask $0x3B38;
	v38 =	vimm.s32 $0x10FEDCBA  }
0x8: {  	v7 =	vimm.s32 $0xA9876543;
	v10 =	vimm.s32 $0x207;
	v13 =	vimm.s32 $0x287  }
0x9: {  	v41 =	vimm.s32 $0x307;
	v42 =	vimm.s32 $0xDCBA9876;
	v44 =	vimm.s32 $0x6543210F  }
0xa: {  	v15 =	vimm.s32 $0xEDCBA987;
	v49 =	vimm.s32 $0x387;
	v50 =	vimm.s32 $0xFEDCBA98  }
0xb: {  	v51 =	vimm.s32 $0x76543210;
	v53 =	vimm.s32 $0x407;
	v58 =	vimm.s32 $0x487  }
0xc: {  	v20 =	vimm.s32 $0x587;
	v24 =	vimm.s32 $0x607;
	v0 =	vsel vm14, $0x0, v0  }
0xd: {  	v28 =	vimm.s32 $0x687;
	v34 =	vimm.s32 $0x707;
	v0 =	vsel vm13, $0x81, v0  }
0xe: {  	v1 =	vsel vm14, $0x80, v1;
	v3 =	vunpack.c.l.s4.s8 v3;
	v0 =	vsel vm12, $0x102, v0  }
0xf: {  	v4 =	vsel vm14, $0x100, v4;
	v7 =	vunpack.c.l.s4.s8 v7;
	v0 =	vsel vm11, $0x183, v0  }
0x10: {  	v10 =	vsel vm14, $0x280, v10;
	v1 =	vsel vm13, $0x101, v1;
	v0 =	vsel vm10, $0x204, v0  }
0x11: {  	v15 =	vunpack.c.l.s4.s8 v15;
	v1 =	vsel vm12, $0x182, v1;
	v0 =	vsel vm9, $0x285, v0  }
0x12: {  	v52 =	vunpack.c.l.s4.s8 v51;
	v1 =	vsel vm11, $0x203, v1;
	v0 =	vsel vm8, $0x306, v0  }
0x13: {  	v51 =	vimm.s32 $0x1007;
	v1 =	vsel vm10, $0x284, v1;
	v0 =	vsel vm7, $0x387, v0  }
0x14: {  	v4 =	vsel vm13, $0x181, v4;
	v1 =	vsel vm9, $0x305, v1;
	v0 =	vsel vm5, $0x400, v0  }
0x15: {  	v10 =	vsel vm13, $0x301, v10;
	v1 =	vsel vm8, $0x386, v1;
	v0 =	vsel vm6, $0x481, v0  }
0x16: {  	v36 =	vunpack.c.0.s8.s32 v3;
	v1 =	vsel vm7, $0x407, v1;
	v0 =	vsel vm4, $0x502, v0  }
0x17: {  	v4 =	vsel vm12, $0x202, v4;
	v5 =	vsel vm5, $0x480, v1;
	v0 =	vsel vm1, $0x583, v0  }
0x18: {  	v7 =	vunpack.c.0.s8.s32 v7;
	v3 =	vsel vm6, $0x501, v5;
	v0 =	vsel vm2, $0x604, v0  }
0x19: {  	v3 =	vsel vm4, $0x582, v3;
	v2 =	vsel vm3, $0x685, v0;
	v0 =	vunpack.c.l.s4.s8 v35  }
0x1a: {  	v10 =	vsel vm12, $0x382, v10;
	v4 =	vsel vm11, $0x283, v4;
	v3 =	vsel vm1, $0x603, v3  }
0x1b: {  	v37 =	vsel vm2, $0x684, v3;
	v3 =	vsel vm10, $0x304, v4;
	v0 =	vunpack.c.0.s8.s32 v0  }
0x1c: {  	v10 =	vsel vm11, $0x403, v10;
	v3 =	vsel vm9, $0x385, v3;
	v55 =	vsel vm0, $0x706, v2  }
0x1d: {  	v2 =	vsel vm3, $0x705, v37;
	v3 =	vsel vm8, $0x406, v3;
	v5 =	vcombine.low v36, v0  }
0x1e: {  	v35 =	vimm.s32 $0xF87;
	v2 =	vsel vm0, $0x786, v2;
	v3 =	vsel vm7, $0x487, v3  }
0x1f: {  	[tilespmem:$0x1F7D0] =	vst v2;
	v2 =	vunpack.c.l.s4.s8 v38;
	v3 =	vsel vm5, $0x500, v3;
	v4 =	vand.u32 $0xF, v5  }
0x20: {  	v3 =	vsel vm6, $0x581, v3;
	v0 =	vcombine.low v0, v36;
	[tilespmem:$0x1F7C0] =	vst v4;
	v4 =	vimm.s32 $0x107  }
0x21: {  	v3 =	vsel vm4, $0x602, v3;
	v5 =	vimm.s32 $0x98765432;
	v4 =	vsel vm14, $0x180, v4  }
0x22: {  	v3 =	vsel vm1, $0x683, v3;
	v5 =	vunpack.c.l.s4.s8 v5;
	v4 =	vsel vm13, $0x201, v4  }
0x23: {  	v2 =	vunpack.c.0.s8.s32 v2;
	v3 =	vsel vm2, $0x704, v3;
	v6 =	vsel vm12, $0x282, v4  }
0x24: {  	v4 =	vunpack.c.0.s8.s32 v5;
	v5 =	vsel vm11, $0x303, v6;
	v6 =	vimm.s32 $0x210FEDCB  }
0x25: {  	v3 =	vsel vm3, $0x785, v3;
	v5 =	vsel vm10, $0x384, v5;
	v6 =	vunpack.c.l.s4.s8 v6  }
0x26: {  	v8 =	vcombine.low v4, v2;
	v2 =	vcombine.low v2, v4;
	v5 =	vsel vm9, $0x405, v5  }
0x27: {  	v0 =	vand.u32 $0xF, v0;
	v59 =	vsel vm0, $0x6, v3;
	v9 =	vsel vm8, $0x486, v5  }
0x28: {  	v5 =	vunpack.c.0.s8.s32 v6;
	v8 =	vand.u32 $0xF, v8;
	v2 =	vand.u32 $0xF, v2  }
0x29: {  	v6 =	vsel vm7, $0x507, v9;
	v9 =	vimm.s32 $0x187;
	[tilespmem:$0x1FA10] =	vst v2;
	v2 =	vsel vm14, $0x600, v20  }
0x2a: {  	[tilespmem:$0x1F7E0] =	vst v8;
	v20 =	vimm.s32 $0x1207;
	v6 =	vsel vm5, $0x580, v6;
	v8 =	vcombine.low v7, v5  }
0x2b: {  	v22 =	vsel vm13, $0x681, v2;
	v2 =	vsel vm14, $0x680, v24;
	v20 =	vsel vm14, $0x1280, v20  }
0x2c: {  	v24 =	vimm.s32 $0x1407;
	v6 =	vsel vm6, $0x601, v6;
	v2 =	vsel vm13, $0x701, v2  }
0x2d: {  	v24 =	vsel vm14, $0x1480, v24;
	v20 =	vsel vm13, $0x1301, v20;
	v3 =	vsel vm4, $0x682, v6  }
0x2e: {  	v6 =	vsel vm14, $0x200, v9;
	v8 =	vand.u32 $0xF, v8;
	v9 =	vimm.s32 $0xBA987654  }
0x2f: {  	v2 =	vsel vm12, $0x782, v2;
	v24 =	vsel vm13, $0x1501, v24;
	v3 =	vsel vm1, $0x703, v3  }
0x30: {  	v6 =	vsel vm13, $0x281, v6;
	v9 =	vunpack.c.l.s4.s8 v9;
	v2 =	vsel vm11, $0x3, v2  }
0x31: {  	[tilespmem:$0x1F7F0] =	vst v8;
	v8 =	vsel vm2, $0x784, v3;
	v3 =	vimm.s32 $0x3210FEDC;
	v6 =	vsel vm12, $0x302, v6  }
0x32: {  	v2 =	vsel vm10, $0x84, v2;
	v3 =	vunpack.c.l.s4.s8 v3;
	v6 =	vsel vm11, $0x383, v6  }
0x33: {  	v8 =	vsel vm3, $0x5, v8;
	v2 =	vsel vm9, $0x105, v2;
	v6 =	vsel vm10, $0x404, v6  }
0x34: {  	v8 =	vsel vm0, $0x86, v8;
	v26 =	vsel vm8, $0x186, v2;
	v2 =	vsel vm14, $0x700, v28  }
0x35: {  	v3 =	vunpack.c.0.s8.s32 v3;
	v11 =	vsel vm9, $0x485, v6;
	v6 =	vunpack.c.0.s8.s32 v9  }
0x36: {  	v28 =	vimm.s32 $0x1607;
	v30 =	vsel vm13, $0x781, v2;
	v9 =	vsel vm8, $0x506, v11  }
0x37: {  	v28 =	vsel vm14, $0x1680, v28;
	v9 =	vsel vm7, $0x587, v9;
	v11 =	vcombine.low v6, v3  }
0x38: {  	v3 =	vcombine.low v3, v6;
	v6 =	vimm.s32 $0xB07;
	v9 =	vsel vm5, $0x600, v9  }
0x39: {  	[tilespmem:$0x1F800] =	vst v8;
	v28 =	vsel vm13, $0x1701, v28;
	v6 =	vsel vm14, $0xB80, v6;
	v8 =	vsel vm6, $0x681, v9  }
0x3a: {  	v9 =	vsel vm10, $0x484, v10;
	v62 =	vand.u32 $0xF, v11;
	v10 =	vimm.s32 $0x43210FED  }
0x3b: {  	v11 =	vimm.s32 $0xCBA98765;
	v27 =	vand.u32 $0xF, v3;
	v6 =	vsel vm13, $0xC01, v6  }
0x3c: {  	v8 =	vsel vm4, $0x702, v8;
	v9 =	vsel vm9, $0x505, v9;
	v10 =	vunpack.c.l.s4.s8 v10  }
0x3d: {  	v11 =	vunpack.c.l.s4.s8 v11;
	[tilespmem:$0x1F840] =	vst v27;
	v27 =	vimm.s32 $0x1587;
	v9 =	vsel vm8, $0x586, v9  }
0x3e: {  	v8 =	vsel vm1, $0x783, v8;
	v27 =	vsel vm14, $0x1600, v27;
	v9 =	vsel vm7, $0x607, v9  }
0x3f: {  	v12 =	vsel vm2, $0x4, v8;
	v8 =	vunpack.c.0.s8.s32 v10;
	v9 =	vsel vm5, $0x680, v9  }
0x40: {  	v27 =	vsel vm13, $0x1681, v27;
	v12 =	vsel vm3, $0x85, v12;
	v10 =	vsel vm6, $0x701, v9  }
0x41: {  	v9 =	vunpack.c.0.s8.s32 v11;
	v11 =	vsel vm14, $0x300, v13;
	v56 =	vsel vm0, $0x106, v12  }
0x42: {  	v12 =	vsel vm14, $0x380, v41;
	v13 =	vunpack.c.l.s4.s8 v42;
	v42 =	vimm.s32 $0x1C1B1A19  }
0x43: {  	v10 =	vsel vm4, $0x782, v10;
	v11 =	vsel vm13, $0x381, v11;
	v12 =	vsel vm13, $0x401, v12  }
0x44: {  	v10 =	vsel vm1, $0x3, v10;
	v39 =	vcombine.low v9, v8;
	v11 =	vsel vm12, $0x402, v11  }
0x45: {  	v14 =	vsel vm12, $0x482, v12;
	v13 =	vunpack.c.0.s8.s32 v13;
	v31 =	vcombine.low v8, v9  }
0x46: {  	v8 =	vimm.s32 $0xC07;
	v9 =	vimm.s32 $0xC87;
	v10 =	vsel vm2, $0x84, v10  }
0x47: {  	v11 =	vsel vm11, $0x483, v11;
	v8 =	vsel vm14, $0xC80, v8;
	v9 =	vsel vm14, $0xD00, v9  }
0x48: {  	v10 =	vsel vm3, $0x105, v10;
	v40 =	vand.u32 $0xF, v39;
	v2 =	vand.u32 $0xF, v31  }
0x49: {  	v39 =	vimm.s32 $0x807;
	v31 =	vimm.s32 $0x1F87;
	v8 =	vsel vm13, $0xD01, v8  }
0x4a: {  	v9 =	vsel vm13, $0xD81, v9;
	v10 =	vsel vm0, $0x186, v10;
	[tilespmem:$0x1F860] =	vst v2;
	v2 =	vsel vm14, $0x800, v35  }
0x4b: {  	v31 =	vsel vm14, $0x1800, v31;
	v35 =	vimm.s32 $0x1987;
	[tilespmem:$0x1FBE0] =	vst v10;
	v10 =	vsel vm10, $0x504, v11  }
0x4c: {  	v11 =	vimm.s32 $0x543210FE;
	v2 =	vsel vm13, $0x881, v2;
	v35 =	vsel vm14, $0x1A00, v35  }
0x4d: {  	v31 =	vsel vm13, $0x1881, v31;
	v10 =	vsel vm9, $0x585, v10;
	v11 =	vunpack.c.l.s4.s8 v11  }
0x4e: {  	v2 =	vsel vm12, $0x902, v2;
	v35 =	vsel vm13, $0x1A81, v35;
	v10 =	vsel vm8, $0x606, v10  }
0x4f: {  	v2 =	vsel vm11, $0x983, v2;
	v10 =	vsel vm7, $0x687, v10;
	v43 =	vunpack.c.0.s8.s32 v11  }
0x50: {  	v11 =	vsel vm11, $0x503, v14;
	v14 =	vunpack.c.l.s4.s8 v44;
	v2 =	vsel vm10, $0xA04, v2  }
0x51: {  	v10 =	vsel vm5, $0x700, v10;
	v11 =	vsel vm10, $0x584, v11;
	v2 =	vsel vm9, $0xA85, v2  }
0x52: {  	v10 =	vsel vm6, $0x781, v10;
	v11 =	vsel vm9, $0x605, v11;
	v16 =	vcombine.low v13, v43  }
0x53: {  	v3 =	vcombine.low v43, v13;
	v2 =	vsel vm8, $0xB06, v2;
	v43 =	vimm.s32 $0x887  }
0x54: {  	v10 =	vsel vm4, $0x2, v10;
	v11 =	vsel vm8, $0x686, v11;
	v2 =	vsel vm7, $0xB87, v2  }
0x55: {  	v44 =	vsel vm14, $0x900, v43;
	v43 =	vimm.s32 $0x1D87;
	v17 =	vsel vm1, $0x83, v10  }
0x56: {  	v18 =	vsel vm7, $0x707, v11;
	v10 =	vunpack.c.0.s8.s32 v14;
	v11 =	vunpack.c.0.s8.s32 v15  }
0x57: {  	v46 =	vand.u32 $0xF, v16;
	v32 =	vand.u32 $0xF, v3;
	v37 =	vsel vm5, $0xC00, v2  }
0x58: {  	v2 =	vsel vm14, $0x880, v39;
	v39 =	vimm.s32 $0x1B87;
	v43 =	vsel vm14, $0x1E00, v43  }
0x59: {  	v45 =	vsel vm5, $0x780, v18;
	[tilespmem:$0x1FC00] =	vst v46;
	v47 =	vsel vm2, $0x104, v17;
	v17 =	vsel vm14, $0x480, v53  }
0x5a: {  	[tilespmem:$0x1F880] =	vst v32;
	v2 =	vsel vm13, $0x901, v2;
	v46 =	vimm.s32 $0x907;
	v32 =	vimm.s32 $0x1807  }
0x5b: {  	v39 =	vsel vm14, $0x1C00, v39;
	v43 =	vsel vm13, $0x1E81, v43;
	v14 =	vsel vm6, $0x1, v45  }
0x5c: {  	v15 =	vsel vm3, $0x185, v47;
	v48 =	vcombine.low v11, v10;
	v17 =	vsel vm13, $0x501, v17  }
0x5d: {  	v3 =	vcombine.low v10, v11;
	v2 =	vsel vm12, $0x982, v2;
	v45 =	vimm.s32 $0x101F1E1D  }
0x5e: {  	v10 =	vimm.s32 $0xD07;
	v11 =	vimm.s32 $0xD87;
	v47 =	vimm.s32 $0xE07  }
0x5f: {  	v32 =	vsel vm14, $0x1880, v32;
	v39 =	vsel vm13, $0x1C81, v39;
	v14 =	vsel vm4, $0x82, v14  }
0x60: {  	v15 =	vsel vm0, $0x206, v15;
	v57 =	vsel vm12, $0x582, v17;
	v17 =	vimm.s32 $0x507  }
0x61: {  	v41 =	vsel vm11, $0xA03, v2;
	v53 =	vunpack.c.0.s8.s32 v45;
	v2 =	vsel vm14, $0x980, v46  }
0x62: {  	v10 =	vsel vm14, $0xD80, v10;
	v11 =	vsel vm14, $0xE00, v11;
	v12 =	vsel vm14, $0xE80, v47  }
0x63: {  	v45 =	vimm.s32 $0x1E87;
	v46 =	vimm.s32 $0x1F07;
	v47 =	vimm.s32 $0x14131211  }
0x64: {  	v32 =	vsel vm13, $0x1901, v32;
	v14 =	vsel vm1, $0x103, v14;
	v16 =	vand.u32 $0xF, v48  }
0x65: {  	[tilespmem:$0x1FC20] =	vst v15;
	v15 =	vsel vm14, $0x400, v49;
	v38 =	vand.u32 $0xF, v3;
	v3 =	vimm.s32 $0x987  }
0x66: {  	v48 =	vimm.s32 $0xE87;
	v49 =	vimm.s32 $0xF07;
	v45 =	vsel vm14, $0x1F00, v45  }
0x67: {  	v46 =	vsel vm14, $0x1F80, v46;
	v2 =	vsel vm13, $0xA01, v2;
	v10 =	vsel vm13, $0xE01, v10  }
0x68: {  	v11 =	vsel vm13, $0xE81, v11;
	v12 =	vsel vm13, $0xF01, v12;
	v14 =	vsel vm2, $0x184, v14  }
0x69: {  	[tilespmem:$0x1FC50] =	vst v16;
	v15 =	vsel vm13, $0x481, v15;
	v16 =	vunpack.c.l.s4.s8 v50;
	v3 =	vsel vm14, $0xA00, v3  }
0x6a: {  	[tilespmem:$0x1F8A0] =	vst v38;
	v13 =	vsel vm14, $0xF00, v48;
	v50 =	vimm.s32 $0x1787;
	v38 =	vimm.s32 $0x1B07  }
0x6b: {  	v45 =	vsel vm13, $0x1F81, v45;
	v46 =	vsel vm13, $0x1801, v46;
	v2 =	vsel vm12, $0xA82, v2  }
0x6c: {  	v14 =	vsel vm3, $0x205, v14;
	v15 =	vsel vm12, $0x502, v15;
	v38 =	vsel vm14, $0x1B80, v38  }
0x6d: {  	v3 =	vsel vm13, $0xA81, v3;
	v13 =	vsel vm13, $0xF81, v13;
	v2 =	vsel vm11, $0xB03, v2  }
0x6e: {  	v14 =	vsel vm0, $0x286, v14;
	v15 =	vsel vm11, $0x583, v15;
	v16 =	vunpack.c.0.s8.s32 v16  }
0x6f: {  	v38 =	vsel vm13, $0x1C01, v38;
	[tilespmem:$0x1FC70] =	vst v14;
	v15 =	vsel vm10, $0x604, v15;
	v14 =	vunpack.c.0.s8.s32 v52  }
0x70: {  	v52 =	vimm.s32 $0x1087;
	v15 =	vsel vm9, $0x685, v15;
	v16 =	vand.u32 $0xF, v16  }
0x71: {  	v15 =	vsel vm8, $0x706, v15;
	v14 =	vcombine.low v16, v14;
	v16 =	vsel vm14, $0x500, v58  }
0x72: {  	v58 =	vimm.s32 $0x18171615;
	v54 =	vsel vm7, $0x787, v15;
	v15 =	vsel vm11, $0x603, v57  }
0x73: {  	v16 =	vsel vm13, $0x581, v16;
	v57 =	vimm.s32 $0x1107;
	[tilespmem:$0x1F9D0] =	vst v14;
	v14 =	vsel vm5, $0x0, v54  }
0x74: {  	v15 =	vsel vm10, $0x684, v15;
	v16 =	vsel vm12, $0x602, v16;
	v54 =	vunpack.c.0.s8.s32 v42  }
0x75: {  	v42 =	vimm.s32 $0x1D07;
	v14 =	vsel vm6, $0x81, v14;
	v15 =	vsel vm9, $0x705, v15  }
0x76: {  	v16 =	vsel vm11, $0x683, v16;
	v42 =	vsel vm14, $0x1D80, v42;
	v14 =	vsel vm4, $0x102, v14  }
0x77: {  	v15 =	vsel vm8, $0x786, v15;
	v16 =	vsel vm10, $0x704, v16;
	v42 =	vsel vm13, $0x1E01, v42  }
0x78: {  	v14 =	vsel vm1, $0x183, v14;
	v15 =	vsel vm7, $0x7, v15;
	v61 =	vsel vm9, $0x785, v16  }
0x79: {  	v14 =	vsel vm2, $0x204, v14;
	v15 =	vsel vm5, $0x80, v15;
	v63 =	vsel vm8, $0x6, v61  }
0x7a: {  	v14 =	vsel vm3, $0x285, v14;
	v60 =	vsel vm6, $0x101, v15;
	v16 =	vsel vm7, $0x87, v63  }
0x7b: {  	v63 =	vsel vm12, $0x1802, v45;
	v14 =	vsel vm0, $0x306, v14;
	v1 =	vsel vm4, $0x182, v60  }
0x7c: {  	v60 =	vsel vm12, $0x1F02, v43;
	v15 =	vsel vm1, $0x203, v1;
	v1 =	vsel vm5, $0x100, v16  }
0x7d: {  	[tilespmem:$0x1FC90] =	vst v14;
	v14 =	vsel vm14, $0x580, v17;
	v16 =	vsel vm14, $0x1080, v51;
	v17 =	vsel vm14, $0x1100, v52  }
0x7e: {  	v52 =	vunpack.c.0.s8.s32 v47;
	v51 =	vunpack.c.0.s8.s32 v58;
	v58 =	vimm.s32 $0x1D1C1B1A  }
0x7f: {  	[tilespmem:$0x1F9F0] =	vst v0;
	v0 =	vsel vm2, $0x284, v15;
	v1 =	vsel vm6, $0x181, v1;
	v4 =	vsel vm13, $0x601, v14  }
0x80: {  	v14 =	vsel vm14, $0xF80, v49;
	v15 =	vsel vm14, $0x1000, v50;
	v16 =	vsel vm13, $0x1101, v16  }
0x81: {  	v17 =	vsel vm13, $0x1181, v17;
	v50 =	vunpack.c.0.s8.s32 v58;
	v0 =	vsel vm3, $0x305, v0  }
0x82: {  	v1 =	vsel vm4, $0x202, v1;
	v19 =	vsel vm12, $0x682, v4;
	v4 =	vcombine.low v5, v7  }
0x83: {  	v5 =	vimm.s32 $0xA87;
	v7 =	vimm.s32 $0xB87;
	v14 =	vsel vm13, $0x801, v14  }
0x84: {  	v15 =	vsel vm13, $0x1081, v15;
	v0 =	vsel vm0, $0x386, v0;
	v18 =	vsel vm1, $0x283, v1  }
0x85: {  	v1 =	vsel vm11, $0x703, v19;
	v5 =	vsel vm14, $0xB00, v5;
	v7 =	vsel vm14, $0xC00, v7  }
0x86: {  	v19 =	vimm.s32 $0x1187;
	[tilespmem:$0x1FCB0] =	vst v0;
	v0 =	vsel vm2, $0x304, v18;
	v1 =	vsel vm10, $0x784, v1  }
0x87: {  	v23 =	vand.u32 $0xF, v4;
	v4 =	vimm.s32 $0xA07;
	v18 =	vsel vm14, $0x1180, v57  }
0x88: {  	v19 =	vsel vm14, $0x1200, v19;
	v5 =	vsel vm13, $0xB81, v5;
	v7 =	vsel vm13, $0xC81, v7  }
0x89: {  	v57 =	vsel vm12, $0x1882, v46;
	v0 =	vsel vm3, $0x385, v0;
	v1 =	vsel vm9, $0x5, v1  }
0x8a: {  	[tilespmem:$0x1F820] =	vst v23;
	v4 =	vsel vm14, $0xA80, v4;
	v23 =	vimm.s32 $0x1387;
	v18 =	vsel vm13, $0x1201, v18  }
0x8b: {  	v19 =	vsel vm13, $0x1281, v19;
	v45 =	vsel vm11, $0x1903, v57;
	v57 =	vimm.s32 $0x1E1D1C1B  }
0x8c: {  	v0 =	vsel vm0, $0x406, v0;
	v21 =	vsel vm8, $0x86, v1;
	v1 =	vsel vm12, $0x702, v22  }
0x8d: {  	v22 =	vimm.s32 $0x1307;
	v23 =	vsel vm14, $0x1400, v23;
	v4 =	vsel vm13, $0xB01, v4  }
0x8e: {  	v45 =	vsel vm10, $0x1984, v45;
	v58 =	vunpack.c.0.s8.s32 v57;
	[tilespmem:$0x1F810] =	vst v0;
	v0 =	vsel vm7, $0x107, v21  }
0x8f: {  	v1 =	vsel vm11, $0x783, v1;
	v21 =	vimm.s32 $0x1287;
	v22 =	vsel vm14, $0x1380, v22  }
0x90: {  	v23 =	vsel vm13, $0x1481, v23;
	v45 =	vsel vm9, $0x1A05, v45;
	v0 =	vsel vm5, $0x180, v0  }
0x91: {  	v1 =	vsel vm10, $0x4, v1;
	v21 =	vsel vm14, $0x1300, v21;
	v22 =	vsel vm13, $0x1401, v22  }
0x92: {  	v45 =	vsel vm8, $0x1A86, v45;
	v0 =	vsel vm6, $0x201, v0;
	v1 =	vsel vm9, $0x85, v1  }
0x93: {  	[tilespmem:$0x1F8F0] =	vst v58;
	v58 =	vimm.s32 $0x1211101F;
	v0 =	vsel vm4, $0x282, v0;
	v1 =	vsel vm8, $0x106, v1  }
0x94: {  	v21 =	vsel vm13, $0x1381, v21;
	v0 =	vsel vm1, $0x303, v0;
	v1 =	vsel vm7, $0x187, v1  }
0x95: {  	v57 =	vsel vm7, $0x1B07, v45;
	v0 =	vsel vm2, $0x384, v0;
	v1 =	vsel vm5, $0x200, v1  }
0x96: {  	v45 =	vunpack.c.0.s8.s32 v58;
	v0 =	vsel vm3, $0x405, v0;
	v1 =	vsel vm6, $0x281, v1  }
0x97: {  	v0 =	vsel vm0, $0x486, v0;
	v25 =	vsel vm4, $0x302, v1;
	v1 =	vsel vm7, $0x207, v26  }
0x98: {  	v26 =	vimm.s32 $0x1507;
	[tilespmem:$0x1F830] =	vst v0;
	v0 =	vsel vm1, $0x383, v25;
	v1 =	vsel vm5, $0x280, v1  }
0x99: {  	v25 =	vimm.s32 $0x1487;
	v26 =	vsel vm14, $0x1580, v26;
	v0 =	vsel vm2, $0x404, v0  }
0x9a: {  	v1 =	vsel vm6, $0x301, v1;
	v25 =	vsel vm14, $0x1500, v25;
	v26 =	vsel vm13, $0x1601, v26  }
0x9b: {  	v0 =	vsel vm3, $0x485, v0;
	v29 =	vsel vm4, $0x382, v1;
	v1 =	vsel vm12, $0x2, v30  }
0x9c: {  	v30 =	vimm.s32 $0x1707;
	v25 =	vsel vm13, $0x1581, v25;
	v0 =	vsel vm0, $0x506, v0  }
0x9d: {  	v1 =	vsel vm11, $0x83, v1;
	v30 =	vsel vm14, $0x1780, v30;
	[tilespmem:$0x1F850] =	vst v0;
	v0 =	vsel vm1, $0x403, v29  }
0x9e: {  	v1 =	vsel vm10, $0x104, v1;
	v29 =	vimm.s32 $0x1687;
	v30 =	vsel vm13, $0x1001, v30  }
0x9f: {  	v0 =	vsel vm2, $0x484, v0;
	v33 =	vsel vm9, $0x185, v1;
	v1 =	vsel vm14, $0x780, v34  }
0xa0: {  	v29 =	vsel vm14, $0x1700, v29;
	v0 =	vsel vm3, $0x505, v0;
	v1 =	vsel vm13, $0x1, v1  }
0xa1: {  	v34 =	vimm.s32 $0x1907;
	v0 =	vsel vm0, $0x586, v0;
	v1 =	vsel vm12, $0x82, v1  }
0xa2: {  	v34 =	vsel vm14, $0x1980, v34;
	[tilespmem:$0x1F870] =	vst v0;
	v0 =	vsel vm8, $0x206, v33;
	v1 =	vsel vm11, $0x103, v1  }
0xa3: {  	v29 =	vsel vm13, $0x1781, v29;
	v0 =	vsel vm7, $0x287, v0;
	v1 =	vsel vm10, $0x184, v1  }
0xa4: {  	v34 =	vsel vm13, $0x1A01, v34;
	v0 =	vsel vm5, $0x300, v0;
	v1 =	vsel vm9, $0x205, v1  }
0xa5: {  	v33 =	vimm.s32 $0x1887;
	v0 =	vsel vm6, $0x381, v0;
	v1 =	vsel vm8, $0x286, v1  }
0xa6: {  	v33 =	vsel vm14, $0x1900, v33;
	v0 =	vsel vm4, $0x402, v0;
	v1 =	vsel vm7, $0x307, v1  }
0xa7: {  	v0 =	vsel vm1, $0x483, v0;
	v36 =	vsel vm5, $0x380, v1;
	v1 =	vsel vm6, $0xC81, v37  }
0xa8: {  	v33 =	vsel vm13, $0x1981, v33;
	v0 =	vsel vm2, $0x504, v0;
	v1 =	vsel vm4, $0xD02, v1  }
0xa9: {  	v37 =	vimm.s32 $0x1A87;
	v0 =	vsel vm3, $0x585, v0;
	v1 =	vsel vm1, $0xD83, v1  }
0xaa: {  	v37 =	vsel vm14, $0x1B00, v37;
	v0 =	vsel vm0, $0x606, v0;
	v1 =	vsel vm2, $0xE04, v1  }
0xab: {  	v37 =	vsel vm13, $0x1B81, v37;
	[tilespmem:$0x1F890] =	vst v0;
	v0 =	vsel vm6, $0x401, v36;
	v1 =	vsel vm3, $0xE85, v1  }
0xac: {  	[tilespmem:$0x1FBC0] =	vst v40;
	v36 =	vimm.s32 $0x1A07;
	v0 =	vsel vm4, $0x482, v0;
	v40 =	vsel vm0, $0xF06, v1  }
0xad: {  	v1 =	vsel vm13, $0x981, v44;
	v36 =	vsel vm14, $0x1A80, v36;
	v44 =	vimm.s32 $0x1E07  }
0xae: {  	v0 =	vsel vm1, $0x503, v0;
	[tilespmem:$0x1F8C0] =	vst v40;
	v1 =	vsel vm12, $0xA02, v1;
	v40 =	vimm.s32 $0x1C07  }
0xaf: {  	v44 =	vsel vm14, $0x1E80, v44;
	v36 =	vsel vm13, $0x1B01, v36;
	v0 =	vsel vm2, $0x584, v0  }
0xb0: {  	v1 =	vsel vm11, $0xA83, v1;
	v40 =	vsel vm14, $0x1C80, v40;
	v44 =	vsel vm13, $0x1F01, v44  }
0xb1: {  	v0 =	vsel vm3, $0x605, v0;
	v1 =	vsel vm10, $0xB04, v1;
	v40 =	vsel vm13, $0x1D01, v40  }
0xb2: {  	v61 =	vsel vm12, $0x1F82, v44;
	v44 =	vsel vm11, $0x1883, v63;
	v0 =	vsel vm0, $0x686, v0  }
0xb3: {  	v63 =	vimm.s32 $0x19181716;
	v1 =	vsel vm9, $0xB85, v1;
	[tilespmem:$0x1F8B0] =	vst v0;
	v0 =	vsel vm10, $0xA84, v41  }
0xb4: {  	v43 =	vsel vm11, $0x1803, v61;
	v44 =	vsel vm10, $0x1904, v44;
	v0 =	vsel vm9, $0xB05, v0  }
0xb5: {  	v61 =	vimm.s32 $0x15141312;
	v47 =	vunpack.c.0.s8.s32 v63;
	v0 =	vsel vm8, $0xB86, v0  }
0xb6: {  	v41 =	vimm.s32 $0x1C87;
	v1 =	vsel vm8, $0xC06, v1;
	v0 =	vsel vm7, $0xC07, v0  }
0xb7: {  	v43 =	vsel vm10, $0x1884, v43;
	v48 =	vunpack.c.0.s8.s32 v61;
	v0 =	vsel vm5, $0xC80, v0  }
0xb8: {  	v44 =	vsel vm9, $0x1985, v44;
	v41 =	vsel vm14, $0x1D00, v41;
	v0 =	vsel vm6, $0xD01, v0  }
0xb9: {  	v1 =	vsel vm7, $0xC87, v1;
	v43 =	vsel vm9, $0x1905, v43;
	v0 =	vsel vm4, $0xD82, v0  }
0xba: {  	v44 =	vsel vm8, $0x1A06, v44;
	v41 =	vsel vm13, $0x1D81, v41;
	v0 =	vsel vm1, $0xE03, v0  }
0xbb: {  	v1 =	vsel vm5, $0xD00, v1;
	v43 =	vsel vm8, $0x1986, v43;
	v0 =	vsel vm2, $0xE84, v0  }
0xbc: {  	v63 =	vsel vm7, $0x1A87, v44;
	v44 =	vsel vm5, $0x1B80, v57;
	v0 =	vsel vm3, $0xF05, v0  }
0xbd: {  	v61 =	vsel vm7, $0x1A07, v43;
	v43 =	vsel vm5, $0x1B00, v63;
	v0 =	vsel vm0, $0xF86, v0  }
0xbe: {  	v44 =	vsel vm6, $0x1C01, v44;
	v43 =	vsel vm6, $0x1B81, v43;
	[tilespmem:$0x1F8D0] =	vst v0;
	v0 =	vsel vm6, $0xD81, v1  }
0xbf: {  	v1 =	vsel vm10, $0xB84, v2;
	v2 =	vsel vm12, $0xB02, v3;
	v3 =	vsel vm12, $0xB82, v4  }
0xc0: {  	v4 =	vsel vm12, $0xC02, v5;
	v5 =	vsel vm12, $0xC82, v6;
	v6 =	vsel vm12, $0xD02, v7  }
0xc1: {  	v7 =	vsel vm12, $0xD82, v8;
	v8 =	vsel vm12, $0xE02, v9;
	v9 =	vsel vm12, $0xE82, v10  }
0xc2: {  	v10 =	vsel vm12, $0xF02, v11;
	v11 =	vsel vm12, $0xF82, v12;
	v12 =	vsel vm12, $0x802, v13  }
0xc3: {  	v13 =	vsel vm12, $0x882, v14;
	v14 =	vsel vm12, $0x1102, v15;
	v15 =	vsel vm12, $0x1182, v16  }
0xc4: {  	v16 =	vsel vm12, $0x1202, v17;
	v17 =	vsel vm12, $0x1282, v18;
	v18 =	vsel vm12, $0x1302, v19  }
0xc5: {  	v19 =	vsel vm12, $0x1382, v20;
	v20 =	vsel vm12, $0x1402, v21;
	v21 =	vsel vm12, $0x1482, v22  }
0xc6: {  	v22 =	vsel vm12, $0x1502, v23;
	v23 =	vsel vm12, $0x1582, v24;
	v24 =	vsel vm12, $0x1602, v25  }
0xc7: {  	v25 =	vsel vm12, $0x1682, v26;
	v26 =	vsel vm12, $0x1702, v27;
	v27 =	vsel vm12, $0x1782, v28  }
0xc8: {  	v28 =	vsel vm12, $0x1002, v29;
	v29 =	vsel vm12, $0x1082, v30;
	v30 =	vsel vm12, $0x1902, v31  }
0xc9: {  	v31 =	vsel vm12, $0x1982, v32;
	v32 =	vsel vm12, $0x1A02, v33;
	v33 =	vsel vm12, $0x1A82, v34  }
0xca: {  	v34 =	vsel vm12, $0x1B02, v35;
	v35 =	vsel vm12, $0x1B82, v36;
	v36 =	vsel vm12, $0x1C02, v37  }
0xcb: {  	v37 =	vsel vm12, $0x1C82, v38;
	v38 =	vsel vm12, $0x1D02, v39;
	v39 =	vsel vm12, $0x1D82, v40  }
0xcc: {  	v40 =	vsel vm12, $0x1E02, v41;
	v41 =	vsel vm12, $0x1E82, v42;
	v42 =	vsel vm11, $0x1F83, v60  }
0xcd: {  	v60 =	vimm.s32 $0x11101F1E;
	v0 =	vsel vm4, $0xE02, v0;
	v1 =	vsel vm9, $0xC05, v1  }
0xce: {  	v2 =	vsel vm11, $0xB83, v2;
	v3 =	vsel vm11, $0xC03, v3;
	v4 =	vsel vm11, $0xC83, v4  }
0xcf: {  	v5 =	vsel vm11, $0xD03, v5;
	v6 =	vsel vm11, $0xD83, v6;
	v7 =	vsel vm11, $0xE03, v7  }
0xd0: {  	v8 =	vsel vm11, $0xE83, v8;
	v9 =	vsel vm11, $0xF03, v9;
	v10 =	vsel vm11, $0xF83, v10  }
0xd1: {  	v11 =	vsel vm11, $0x803, v11;
	v12 =	vsel vm11, $0x883, v12;
	v13 =	vsel vm11, $0x903, v13  }
0xd2: {  	v14 =	vsel vm11, $0x1183, v14;
	v15 =	vsel vm11, $0x1203, v15;
	v16 =	vsel vm11, $0x1283, v16  }
0xd3: {  	v17 =	vsel vm11, $0x1303, v17;
	v18 =	vsel vm11, $0x1383, v18;
	v19 =	vsel vm11, $0x1403, v19  }
0xd4: {  	v20 =	vsel vm11, $0x1483, v20;
	v21 =	vsel vm11, $0x1503, v21;
	v22 =	vsel vm11, $0x1583, v22  }
0xd5: {  	v23 =	vsel vm11, $0x1603, v23;
	v24 =	vsel vm11, $0x1683, v24;
	v25 =	vsel vm11, $0x1703, v25  }
0xd6: {  	v26 =	vsel vm11, $0x1783, v26;
	v27 =	vsel vm11, $0x1003, v27;
	v28 =	vsel vm11, $0x1083, v28  }
0xd7: {  	v29 =	vsel vm11, $0x1103, v29;
	v30 =	vsel vm11, $0x1983, v30;
	v31 =	vsel vm11, $0x1A03, v31  }
0xd8: {  	v32 =	vsel vm11, $0x1A83, v32;
	v33 =	vsel vm11, $0x1B03, v33;
	v34 =	vsel vm11, $0x1B83, v34  }
0xd9: {  	v35 =	vsel vm11, $0x1C03, v35;
	v36 =	vsel vm11, $0x1C83, v36;
	v37 =	vsel vm11, $0x1D03, v37  }
0xda: {  	v38 =	vsel vm11, $0x1D83, v38;
	v39 =	vsel vm11, $0x1E03, v39;
	v40 =	vsel vm11, $0x1E83, v40  }
0xdb: {  	v41 =	vsel vm11, $0x1F03, v41;
	v49 =	vunpack.c.0.s8.s32 v60;
	v42 =	vsel vm10, $0x1804, v42  }
0xdc: {  	v0 =	vsel vm1, $0xE83, v0;
	v1 =	vsel vm8, $0xC86, v1;
	v2 =	vsel vm10, $0xC04, v2  }
0xdd: {  	v3 =	vsel vm10, $0xC84, v3;
	v4 =	vsel vm10, $0xD04, v4;
	v5 =	vsel vm10, $0xD84, v5  }
0xde: {  	v6 =	vsel vm10, $0xE04, v6;
	v7 =	vsel vm10, $0xE84, v7;
	v8 =	vsel vm10, $0xF04, v8  }
0xdf: {  	v9 =	vsel vm10, $0xF84, v9;
	v10 =	vsel vm10, $0x804, v10;
	v11 =	vsel vm10, $0x884, v11  }
0xe0: {  	v12 =	vsel vm10, $0x904, v12;
	v13 =	vsel vm10, $0x984, v13;
	v14 =	vsel vm10, $0x1204, v14  }
0xe1: {  	v15 =	vsel vm10, $0x1284, v15;
	v16 =	vsel vm10, $0x1304, v16;
	v17 =	vsel vm10, $0x1384, v17  }
0xe2: {  	v18 =	vsel vm10, $0x1404, v18;
	v19 =	vsel vm10, $0x1484, v19;
	v20 =	vsel vm10, $0x1504, v20  }
0xe3: {  	v21 =	vsel vm10, $0x1584, v21;
	v22 =	vsel vm10, $0x1604, v22;
	v23 =	vsel vm10, $0x1684, v23  }
0xe4: {  	v24 =	vsel vm10, $0x1704, v24;
	v25 =	vsel vm10, $0x1784, v25;
	v26 =	vsel vm10, $0x1004, v26  }
0xe5: {  	v27 =	vsel vm10, $0x1084, v27;
	v28 =	vsel vm10, $0x1104, v28;
	v29 =	vsel vm10, $0x1184, v29  }
0xe6: {  	v30 =	vsel vm10, $0x1A04, v30;
	v31 =	vsel vm10, $0x1A84, v31;
	v32 =	vsel vm10, $0x1B04, v32  }
0xe7: {  	v33 =	vsel vm10, $0x1B84, v33;
	v34 =	vsel vm10, $0x1C04, v34;
	v35 =	vsel vm10, $0x1C84, v35  }
0xe8: {  	v36 =	vsel vm10, $0x1D04, v36;
	v37 =	vsel vm10, $0x1D84, v37;
	v38 =	vsel vm10, $0x1E04, v38  }
0xe9: {  	v39 =	vsel vm10, $0x1E84, v39;
	v40 =	vsel vm10, $0x1F04, v40;
	v41 =	vsel vm10, $0x1F84, v41  }
0xea: {  	v42 =	vsel vm9, $0x1885, v42;
	v0 =	vsel vm2, $0xF04, v0;
	v1 =	vsel vm7, $0xD07, v1  }
0xeb: {  	v2 =	vsel vm9, $0xC85, v2;
	v3 =	vsel vm9, $0xD05, v3;
	v4 =	vsel vm9, $0xD85, v4  }
0xec: {  	v5 =	vsel vm9, $0xE05, v5;
	v6 =	vsel vm9, $0xE85, v6;
	v7 =	vsel vm9, $0xF05, v7  }
0xed: {  	v8 =	vsel vm9, $0xF85, v8;
	v9 =	vsel vm9, $0x805, v9;
	v10 =	vsel vm9, $0x885, v10  }
0xee: {  	v11 =	vsel vm9, $0x905, v11;
	v12 =	vsel vm9, $0x985, v12;
	v13 =	vsel vm9, $0xA05, v13  }
0xef: {  	v14 =	vsel vm9, $0x1285, v14;
	v15 =	vsel vm9, $0x1305, v15;
	v16 =	vsel vm9, $0x1385, v16  }
0xf0: {  	v17 =	vsel vm9, $0x1405, v17;
	v18 =	vsel vm9, $0x1485, v18;
	v19 =	vsel vm9, $0x1505, v19  }
0xf1: {  	v20 =	vsel vm9, $0x1585, v20;
	v21 =	vsel vm9, $0x1605, v21;
	v22 =	vsel vm9, $0x1685, v22  }
0xf2: {  	v23 =	vsel vm9, $0x1705, v23;
	v24 =	vsel vm9, $0x1785, v24;
	v25 =	vsel vm9, $0x1005, v25  }
0xf3: {  	v26 =	vsel vm9, $0x1085, v26;
	v27 =	vsel vm9, $0x1105, v27;
	v28 =	vsel vm9, $0x1185, v28  }
0xf4: {  	v29 =	vsel vm9, $0x1205, v29;
	v30 =	vsel vm9, $0x1A85, v30;
	v31 =	vsel vm9, $0x1B05, v31  }
0xf5: {  	v32 =	vsel vm9, $0x1B85, v32;
	v33 =	vsel vm9, $0x1C05, v33;
	v34 =	vsel vm9, $0x1C85, v34  }
0xf6: {  	v35 =	vsel vm9, $0x1D05, v35;
	v36 =	vsel vm9, $0x1D85, v36;
	v37 =	vsel vm9, $0x1E05, v37  }
0xf7: {  	v38 =	vsel vm9, $0x1E85, v38;
	v39 =	vsel vm9, $0x1F05, v39;
	v40 =	vsel vm9, $0x1F85, v40  }
0xf8: {  	v41 =	vsel vm9, $0x1805, v41;
	v42 =	vsel vm8, $0x1906, v42;
	v0 =	vsel vm3, $0xF85, v0  }
0xf9: {  	v1 =	vsel vm5, $0xD80, v1;
	v2 =	vsel vm8, $0xD06, v2;
	v3 =	vsel vm8, $0xD86, v3  }
0xfa: {  	v4 =	vsel vm8, $0xE06, v4;
	v5 =	vsel vm8, $0xE86, v5;
	v6 =	vsel vm8, $0xF06, v6  }
0xfb: {  	v7 =	vsel vm8, $0xF86, v7;
	v8 =	vsel vm8, $0x806, v8;
	v9 =	vsel vm8, $0x886, v9  }
0xfc: {  	v10 =	vsel vm8, $0x906, v10;
	v11 =	vsel vm8, $0x986, v11;
	v12 =	vsel vm8, $0xA06, v12  }
0xfd: {  	v13 =	vsel vm8, $0xA86, v13;
	v14 =	vsel vm8, $0x1306, v14;
	v15 =	vsel vm8, $0x1386, v15  }
0xfe: {  	v16 =	vsel vm8, $0x1406, v16;
	v17 =	vsel vm8, $0x1486, v17;
	v18 =	vsel vm8, $0x1506, v18  }
0xff: {  	v19 =	vsel vm8, $0x1586, v19;
	v20 =	vsel vm8, $0x1606, v20;
	v21 =	vsel vm8, $0x1686, v21  }
0x100: {  	v22 =	vsel vm8, $0x1706, v22;
	v23 =	vsel vm8, $0x1786, v23;
	v24 =	vsel vm8, $0x1006, v24  }
0x101: {  	v25 =	vsel vm8, $0x1086, v25;
	v26 =	vsel vm8, $0x1106, v26;
	v27 =	vsel vm8, $0x1186, v27  }
0x102: {  	v28 =	vsel vm8, $0x1206, v28;
	v29 =	vsel vm8, $0x1286, v29;
	v30 =	vsel vm8, $0x1B06, v30  }
0x103: {  	v31 =	vsel vm8, $0x1B86, v31;
	v32 =	vsel vm8, $0x1C06, v32;
	v33 =	vsel vm8, $0x1C86, v33  }
0x104: {  	v34 =	vsel vm8, $0x1D06, v34;
	v35 =	vsel vm8, $0x1D86, v35;
	v36 =	vsel vm8, $0x1E06, v36  }
0x105: {  	v37 =	vsel vm8, $0x1E86, v37;
	v38 =	vsel vm8, $0x1F06, v38;
	v39 =	vsel vm8, $0x1F86, v39  }
0x106: {  	v40 =	vsel vm8, $0x1806, v40;
	v41 =	vsel vm8, $0x1886, v41;
	v60 =	vsel vm7, $0x1987, v42  }
0x107: {  	v42 =	vsel vm5, $0x1A80, v61;
	v61 =	vimm.s32 $0x1A191817;
	v0 =	vsel vm0, $0x806, v0  }
0x108: {  	v42 =	vsel vm6, $0x1B01, v42;
	v63 =	vunpack.c.0.s8.s32 v61;
	[tilespmem:$0x1F8E0] =	vst v0;
	v0 =	vsel vm6, $0xE01, v1  }
0x109: {  	v1 =	vsel vm7, $0xD87, v2;
	v2 =	vsel vm7, $0xE07, v3;
	v3 =	vsel vm7, $0xE87, v4  }
0x10a: {  	v4 =	vsel vm7, $0xF07, v5;
	v5 =	vsel vm7, $0xF87, v6;
	v6 =	vsel vm7, $0x807, v7  }
0x10b: {  	v7 =	vsel vm7, $0x887, v8;
	v8 =	vsel vm7, $0x907, v9;
	v9 =	vsel vm7, $0x987, v10  }
0x10c: {  	v10 =	vsel vm7, $0xA07, v11;
	v11 =	vsel vm7, $0xA87, v12;
	v12 =	vsel vm7, $0xB07, v13  }
0x10d: {  	v13 =	vsel vm7, $0x1387, v14;
	v14 =	vsel vm7, $0x1407, v15;
	v15 =	vsel vm7, $0x1487, v16  }
0x10e: {  	v16 =	vsel vm7, $0x1507, v17;
	v17 =	vsel vm7, $0x1587, v18;
	v18 =	vsel vm7, $0x1607, v19  }
0x10f: {  	v19 =	vsel vm7, $0x1687, v20;
	v20 =	vsel vm7, $0x1707, v21;
	v21 =	vsel vm7, $0x1787, v22  }
0x110: {  	v22 =	vsel vm7, $0x1007, v23;
	v23 =	vsel vm7, $0x1087, v24;
	v24 =	vsel vm7, $0x1107, v25  }
0x111: {  	v25 =	vsel vm7, $0x1187, v26;
	v26 =	vsel vm7, $0x1207, v27;
	v27 =	vsel vm7, $0x1287, v28  }
0x112: {  	v28 =	vsel vm7, $0x1307, v29;
	v29 =	vsel vm7, $0x1B87, v30;
	v30 =	vsel vm7, $0x1C07, v31  }
0x113: {  	v31 =	vsel vm7, $0x1C87, v32;
	v32 =	vsel vm7, $0x1D07, v33;
	v33 =	vsel vm7, $0x1D87, v34  }
0x114: {  	v34 =	vsel vm7, $0x1E07, v35;
	v35 =	vsel vm7, $0x1E87, v36;
	v36 =	vsel vm7, $0x1F07, v37  }
0x115: {  	v37 =	vsel vm7, $0x1F87, v38;
	v38 =	vsel vm7, $0x1807, v39;
	v39 =	vsel vm7, $0x1887, v40  }
0x116: {  	v40 =	vsel vm7, $0x1907, v41;
	v41 =	vsel vm5, $0x1A00, v60;
	v60 =	vimm.s32 $0x16151413  }
0x117: {  	v0 =	vsel vm4, $0xE82, v0;
	v1 =	vsel vm5, $0xE00, v1;
	v2 =	vsel vm5, $0xE80, v2  }
0x118: {  	v3 =	vsel vm5, $0xF00, v3;
	v4 =	vsel vm5, $0xF80, v4;
	v5 =	vsel vm5, $0x800, v5  }
0x119: {  	v6 =	vsel vm5, $0x880, v6;
	v7 =	vsel vm5, $0x900, v7;
	v8 =	vsel vm5, $0x980, v8  }
0x11a: {  	v9 =	vsel vm5, $0xA00, v9;
	v10 =	vsel vm5, $0xA80, v10;
	v11 =	vsel vm5, $0xB00, v11  }
0x11b: {  	v12 =	vsel vm5, $0xB80, v12;
	v13 =	vsel vm5, $0x1400, v13;
	v14 =	vsel vm5, $0x1480, v14  }
0x11c: {  	v15 =	vsel vm5, $0x1500, v15;
	v16 =	vsel vm5, $0x1580, v16;
	v17 =	vsel vm5, $0x1600, v17  }
0x11d: {  	v18 =	vsel vm5, $0x1680, v18;
	v19 =	vsel vm5, $0x1700, v19;
	v20 =	vsel vm5, $0x1780, v20  }
0x11e: {  	v21 =	vsel vm5, $0x1000, v21;
	v22 =	vsel vm5, $0x1080, v22;
	v23 =	vsel vm5, $0x1100, v23  }
0x11f: {  	v24 =	vsel vm5, $0x1180, v24;
	v25 =	vsel vm5, $0x1200, v25;
	v26 =	vsel vm5, $0x1280, v26  }
0x120: {  	v27 =	vsel vm5, $0x1300, v27;
	v28 =	vsel vm5, $0x1380, v28;
	v29 =	vsel vm5, $0x1C00, v29  }
0x121: {  	v30 =	vsel vm5, $0x1C80, v30;
	v31 =	vsel vm5, $0x1D00, v31;
	v32 =	vsel vm5, $0x1D80, v32  }
0x122: {  	v33 =	vsel vm5, $0x1E00, v33;
	v34 =	vsel vm5, $0x1E80, v34;
	v35 =	vsel vm5, $0x1F00, v35  }
0x123: {  	v36 =	vsel vm5, $0x1F80, v36;
	v37 =	vsel vm5, $0x1800, v37;
	v38 =	vsel vm5, $0x1880, v38  }
0x124: {  	v39 =	vsel vm5, $0x1900, v39;
	v40 =	vsel vm5, $0x1980, v40;
	v41 =	vsel vm6, $0x1A81, v41  }
0x125: {  	[tilespmem:$0x1F900] =	vst v45;
	v45 =	vunpack.c.0.s8.s32 v60;
	v0 =	vsel vm1, $0xF03, v0;
	v1 =	vsel vm6, $0xE81, v1  }
0x126: {  	v2 =	vsel vm6, $0xF01, v2;
	v3 =	vsel vm6, $0xF81, v3;
	v4 =	vsel vm6, $0x801, v4  }
0x127: {  	v5 =	vsel vm6, $0x881, v5;
	v6 =	vsel vm6, $0x901, v6;
	v7 =	vsel vm6, $0x981, v7  }
0x128: {  	v8 =	vsel vm6, $0xA01, v8;
	v9 =	vsel vm6, $0xA81, v9;
	v10 =	vsel vm6, $0xB01, v10  }
0x129: {  	v11 =	vsel vm6, $0xB81, v11;
	v12 =	vsel vm6, $0xC01, v12;
	v13 =	vsel vm6, $0x1481, v13  }
0x12a: {  	v14 =	vsel vm6, $0x1501, v14;
	v15 =	vsel vm6, $0x1581, v15;
	v16 =	vsel vm6, $0x1601, v16  }
0x12b: {  	v17 =	vsel vm6, $0x1681, v17;
	v18 =	vsel vm6, $0x1701, v18;
	v19 =	vsel vm6, $0x1781, v19  }
0x12c: {  	v20 =	vsel vm6, $0x1001, v20;
	v21 =	vsel vm6, $0x1081, v21;
	v22 =	vsel vm6, $0x1101, v22  }
0x12d: {  	v23 =	vsel vm6, $0x1181, v23;
	v24 =	vsel vm6, $0x1201, v24;
	v25 =	vsel vm6, $0x1281, v25  }
0x12e: {  	v26 =	vsel vm6, $0x1301, v26;
	v27 =	vsel vm6, $0x1381, v27;
	v28 =	vsel vm6, $0x1401, v28  }
0x12f: {  	v29 =	vsel vm6, $0x1C81, v29;
	v30 =	vsel vm6, $0x1D01, v30;
	v31 =	vsel vm6, $0x1D81, v31  }
0x130: {  	v32 =	vsel vm6, $0x1E01, v32;
	v33 =	vsel vm6, $0x1E81, v33;
	v34 =	vsel vm6, $0x1F01, v34  }
0x131: {  	v35 =	vsel vm6, $0x1F81, v35;
	v36 =	vsel vm6, $0x1801, v36;
	v37 =	vsel vm6, $0x1881, v37  }
0x132: {  	v38 =	vsel vm6, $0x1901, v38;
	v39 =	vsel vm6, $0x1981, v39;
	v40 =	vsel vm6, $0x1A01, v40  }
0x133: {  	v0 =	vsel vm2, $0xF84, v0;
	v1 =	vsel vm4, $0xF02, v1;
	v2 =	vsel vm4, $0xF82, v2  }
0x134: {  	[tilespmem:$0x1F920] =	vst v63;
	v60 =	vsel vm4, $0x1882, v36;
	v61 =	vsel vm4, $0x1902, v37;
	v63 =	vsel vm4, $0x1982, v38  }
0x135: {  	v38 =	vsel vm4, $0x1A02, v39;
	v39 =	vsel vm4, $0x1A82, v40;
	v40 =	vsel vm4, $0x1B02, v41  }
0x136: {  	v41 =	vsel vm4, $0x1B82, v42;
	v42 =	vsel vm4, $0x1C02, v43;
	v0 =	vsel vm3, $0x805, v0  }
0x137: {  	v57 =	vsel vm1, $0xF83, v1;
	v58 =	vsel vm1, $0x803, v2;
	v2 =	vsel vm4, $0x802, v3  }
0x138: {  	v3 =	vsel vm4, $0x882, v4;
	v4 =	vsel vm4, $0x902, v5;
	v5 =	vsel vm4, $0x982, v6  }
0x139: {  	v6 =	vsel vm4, $0xA02, v7;
	v7 =	vsel vm4, $0xA82, v8;
	v8 =	vsel vm4, $0xB02, v9  }
0x13a: {  	v9 =	vsel vm4, $0xB82, v10;
	v10 =	vsel vm4, $0xC02, v11;
	v11 =	vsel vm4, $0xC82, v12  }
0x13b: {  	v12 =	vsel vm4, $0x1502, v13;
	v13 =	vsel vm4, $0x1582, v14;
	v14 =	vsel vm4, $0x1602, v15  }
0x13c: {  	v15 =	vsel vm4, $0x1682, v16;
	v16 =	vsel vm4, $0x1702, v17;
	v17 =	vsel vm4, $0x1782, v18  }
0x13d: {  	v18 =	vsel vm4, $0x1002, v19;
	v19 =	vsel vm4, $0x1082, v20;
	v20 =	vsel vm4, $0x1102, v21  }
0x13e: {  	v21 =	vsel vm4, $0x1182, v22;
	v22 =	vsel vm4, $0x1202, v23;
	v23 =	vsel vm4, $0x1282, v24  }
0x13f: {  	v24 =	vsel vm4, $0x1302, v25;
	v25 =	vsel vm4, $0x1382, v26;
	v26 =	vsel vm4, $0x1402, v27  }
0x140: {  	v27 =	vsel vm4, $0x1482, v28;
	v28 =	vsel vm4, $0x1D02, v29;
	v29 =	vsel vm4, $0x1D82, v30  }
0x141: {  	v30 =	vsel vm4, $0x1E02, v31;
	v31 =	vsel vm4, $0x1E82, v32;
	v32 =	vsel vm4, $0x1F02, v33  }
0x142: {  	v33 =	vsel vm4, $0x1F82, v34;
	v34 =	vsel vm4, $0x1802, v35;
	v35 =	vsel vm1, $0x1903, v60  }
0x143: {  	v36 =	vsel vm1, $0x1983, v61;
	v37 =	vsel vm1, $0x1A03, v63;
	v38 =	vsel vm1, $0x1A83, v38  }
0x144: {  	v39 =	vsel vm1, $0x1B03, v39;
	v40 =	vsel vm1, $0x1B83, v40;
	v42 =	vsel vm1, $0x1C83, v42  }
0x145: {  	v60 =	vimm.s32 $0x17161514;
	v63 =	vimm.s32 $0x1B1A1918;
	v0 =	vsel vm0, $0x886, v0  }
0x146: {  	v1 =	vsel vm2, $0x884, v58;
	v58 =	vsel vm4, $0x1C82, v44;
	v2 =	vsel vm1, $0x883, v2  }
0x147: {  	v3 =	vsel vm1, $0x903, v3;
	v4 =	vsel vm1, $0x983, v4;
	v5 =	vsel vm1, $0xA03, v5  }
0x148: {  	v6 =	vsel vm1, $0xA83, v6;
	v7 =	vsel vm1, $0xB03, v7;
	v8 =	vsel vm1, $0xB83, v8  }
0x149: {  	v9 =	vsel vm1, $0xC03, v9;
	v10 =	vsel vm1, $0xC83, v10;
	v11 =	vsel vm1, $0xD03, v11  }
0x14a: {  	v12 =	vsel vm1, $0x1583, v12;
	v13 =	vsel vm1, $0x1603, v13;
	v14 =	vsel vm1, $0x1683, v14  }
0x14b: {  	v15 =	vsel vm1, $0x1703, v15;
	v16 =	vsel vm1, $0x1783, v16;
	v17 =	vsel vm1, $0x1003, v17  }
0x14c: {  	v18 =	vsel vm1, $0x1083, v18;
	v19 =	vsel vm1, $0x1103, v19;
	v20 =	vsel vm1, $0x1183, v20  }
0x14d: {  	v24 =	vsel vm1, $0x1383, v24;
	v25 =	vsel vm1, $0x1403, v25;
	v26 =	vsel vm1, $0x1483, v26  }
0x14e: {  	v27 =	vsel vm1, $0x1503, v27;
	v37 =	vsel vm2, $0x1A84, v37;
	[tilespmem:$0x1F930] =	vst v0;
	v0 =	vsel vm2, $0x804, v57  }
0x14f: {  	v57 =	vimm.s32 $0x1F1E1D1C;
	v61 =	vsel vm3, $0x1B05, v37;
	v37 =	vunpack.c.0.s8.s32 v60  }
0x150: {  	[tilespmem:$0x1F910] =	vst v45;
	v28 =	vsel vm1, $0x1D83, v28;
	v30 =	vsel vm1, $0x1E83, v30;
	v44 =	vunpack.c.0.s8.s32 v57  }
0x151: {  	v31 =	vsel vm1, $0x1F03, v31;
	v1 =	vsel vm3, $0x905, v1;
	v57 =	vunpack.c.0.s8.s32 v63;
	[tilespmem:$0x1F960] =	vst v37  }
0x152: {  	v2 =	vsel vm2, $0x904, v2;
	v3 =	vsel vm2, $0x984, v3;
	v0 =	vsel vm3, $0x885, v0;
	[tilespmem:$0x1F940] =	vst v44  }
0x153: {  	v4 =	vsel vm2, $0xA04, v4;
	v2 =	vsel vm3, $0x985, v2;
	v0 =	vsel vm0, $0x906, v0;
	[tilespmem:$0x1F970] =	vst v57  }
0x154: {  	v6 =	vsel vm2, $0xB04, v6;
	v3 =	vsel vm3, $0xA05, v3;
	v60 =	vsel vm0, $0xA06, v2;
	[tilespmem:$0x1F980] =	vst v0  }
0x155: {  	v7 =	vsel vm2, $0xB84, v7;
	v4 =	vsel vm3, $0xA85, v4;
	v63 =	vsel vm0, $0xA86, v3;
	[tilespmem:$0x1F9A0] =	vst v60  }
0x156: {  	v8 =	vsel vm2, $0xC04, v8;
	v6 =	vsel vm3, $0xB85, v6;
	v37 =	vsel vm0, $0xB06, v4;
	[tilespmem:$0x1F9B0] =	vst v63  }
0x157: {  	v12 =	vsel vm2, $0x1604, v12;
	v7 =	vsel vm3, $0xC05, v7;
	v45 =	vsel vm0, $0xC06, v6;
	[tilespmem:$0x1F9C0] =	vst v37  }
0x158: {  	v13 =	vsel vm2, $0x1684, v13;
	v12 =	vsel vm3, $0x1685, v12;
	v46 =	vsel vm0, $0xC86, v7;
	[tilespmem:$0x1FA00] =	vst v45  }
0x159: {  	v14 =	vsel vm2, $0x1704, v14;
	v13 =	vsel vm3, $0x1705, v13;
	v12 =	vsel vm0, $0x1706, v12;
	[tilespmem:$0x1FA20] =	vst v46  }
0x15a: {  	v15 =	vsel vm2, $0x1784, v15;
	v14 =	vsel vm3, $0x1785, v14;
	v13 =	vsel vm0, $0x1786, v13;
	[tilespmem:$0x1FA70] =	vst v12  }
0x15b: {  	v10 =	vsel vm2, $0xD04, v10;
	v15 =	vsel vm3, $0x1005, v15;
	v14 =	vsel vm0, $0x1006, v14;
	[tilespmem:$0x1FA80] =	vst v13  }
0x15c: {  	v43 =	vsel vm1, $0x1D03, v58;
	v58 =	vimm.s32 $0x13121110;
	v15 =	vsel vm0, $0x1086, v15;
	[tilespmem:$0x1FA90] =	vst v14  }
0x15d: {  	v8 =	vsel vm3, $0xC85, v8;
	v44 =	vunpack.c.0.s8.s32 v58;
	v58 =	vsel vm0, $0x986, v1;
	[tilespmem:$0x1FAA0] =	vst v15  }
0x15e: {  	v11 =	vsel vm2, $0xD84, v11;
	v10 =	vsel vm3, $0xD85, v10;
	v57 =	vsel vm0, $0xD06, v8;
	[tilespmem:$0x1F990] =	vst v58  }
0x15f: {  	v16 =	vsel vm2, $0x1004, v16;
	v11 =	vsel vm3, $0xE05, v11;
	v60 =	vsel vm0, $0xE06, v10;
	[tilespmem:$0x1FA30] =	vst v57  }
0x160: {  	v18 =	vsel vm2, $0x1104, v18;
	v16 =	vsel vm3, $0x1085, v16;
	v63 =	vsel vm0, $0xE86, v11;
	[tilespmem:$0x1FA50] =	vst v60  }
0x161: {  	v19 =	vsel vm2, $0x1184, v19;
	v18 =	vsel vm3, $0x1185, v18;
	v37 =	vsel vm0, $0x1106, v16;
	[tilespmem:$0x1FA60] =	vst v63  }
0x162: {  	v24 =	vsel vm2, $0x1404, v24;
	v19 =	vsel vm3, $0x1205, v19;
	v45 =	vsel vm0, $0x1206, v18;
	[tilespmem:$0x1FAB0] =	vst v37  }
0x163: {  	v25 =	vsel vm2, $0x1484, v25;
	v24 =	vsel vm3, $0x1485, v24;
	v46 =	vsel vm0, $0x1286, v19;
	[tilespmem:$0x1FAD0] =	vst v45  }
0x164: {  	v26 =	vsel vm2, $0x1504, v26;
	v25 =	vsel vm3, $0x1505, v25;
	v12 =	vsel vm0, $0x1506, v24;
	[tilespmem:$0x1FAE0] =	vst v46  }
0x165: {  	v27 =	vsel vm2, $0x1584, v27;
	v26 =	vsel vm3, $0x1585, v26;
	v13 =	vsel vm0, $0x1586, v25;
	[tilespmem:$0x1FB30] =	vst v12  }
0x166: {  	v28 =	vsel vm2, $0x1E04, v28;
	v27 =	vsel vm3, $0x1605, v27;
	v14 =	vsel vm0, $0x1606, v26;
	[tilespmem:$0x1FB40] =	vst v13  }
0x167: {  	v30 =	vsel vm2, $0x1F04, v30;
	v28 =	vsel vm3, $0x1E85, v28;
	v15 =	vsel vm0, $0x1686, v27;
	[tilespmem:$0x1FB50] =	vst v14  }
0x168: {  	v31 =	vsel vm2, $0x1F84, v31;
	v30 =	vsel vm3, $0x1F85, v30;
	v16 =	vsel vm0, $0x1F06, v28;
	[tilespmem:$0x1FB60] =	vst v15  }
0x169: {  	v36 =	vsel vm2, $0x1A04, v36;
	v31 =	vsel vm3, $0x1805, v31;
	v18 =	vsel vm0, $0x1806, v30;
	[tilespmem:$0x1FB70] =	vst v16  }
0x16a: {  	v21 =	vsel vm1, $0x1203, v21;
	v36 =	vsel vm3, $0x1A85, v36;
	v19 =	vsel vm0, $0x1886, v31;
	[tilespmem:$0x1FB90] =	vst v18  }
0x16b: {  	v22 =	vsel vm1, $0x1283, v22;
	v38 =	vsel vm2, $0x1B04, v38;
	v24 =	vsel vm0, $0x1B06, v36;
	[tilespmem:$0x1FBA0] =	vst v19  }
0x16c: {  	v39 =	vsel vm2, $0x1B84, v39;
	v38 =	vsel vm3, $0x1B85, v38;
	v25 =	vsel vm0, $0x1B86, v61;
	[tilespmem:$0x1FC30] =	vst v24  }
0x16d: {  	v40 =	vsel vm2, $0x1C04, v40;
	v39 =	vsel vm3, $0x1C05, v39;
	v26 =	vsel vm0, $0x1C06, v38;
	[tilespmem:$0x1FC40] =	vst v25  }
0x16e: {  	v42 =	vsel vm2, $0x1D04, v42;
	v40 =	vsel vm3, $0x1C85, v40;
	v27 =	vsel vm0, $0x1C86, v39;
	[tilespmem:$0x1FC60] =	vst v26  }
0x16f: {  	v23 =	vsel vm1, $0x1303, v23;
	v42 =	vsel vm3, $0x1D85, v42;
	v28 =	vsel vm0, $0x1D06, v40;
	[tilespmem:$0x1FC80] =	vst v27  }
0x170: {  	v32 =	vsel vm1, $0x1F83, v32;
	v9 =	vsel vm2, $0xC84, v9;
	v30 =	vsel vm0, $0x1E06, v42;
	[tilespmem:$0x1FCA0] =	vst v28  }
0x171: {  	v34 =	vsel vm1, $0x1883, v34;
	v20 =	vsel vm2, $0x1204, v20;
	v9 =	vsel vm3, $0xD05, v9;
	[tilespmem:$0x1FCD0] =	vst v30  }
0x172: {  	v22 =	vsel vm2, $0x1304, v22;
	v20 =	vsel vm3, $0x1285, v20;
	v58 =	vsel vm0, $0xD86, v9;
	[tilespmem:$0x1F950] =	vst v44  }
0x173: {  	v23 =	vsel vm2, $0x1384, v23;
	v22 =	vsel vm3, $0x1385, v22;
	v57 =	vsel vm0, $0x1306, v20;
	[tilespmem:$0x1FA40] =	vst v58  }
0x174: {  	v32 =	vsel vm2, $0x1804, v32;
	v23 =	vsel vm3, $0x1405, v23;
	v60 =	vsel vm0, $0x1406, v22;
	[tilespmem:$0x1FAF0] =	vst v57  }
0x175: {  	v34 =	vsel vm2, $0x1904, v34;
	v32 =	vsel vm3, $0x1885, v32;
	v63 =	vsel vm0, $0x1486, v23;
	[tilespmem:$0x1FB10] =	vst v60  }
0x176: {  	v34 =	vsel vm3, $0x1985, v34;
	v31 =	vimm.s32 $0x2C2B2A29;
	v20 =	vsel vm0, $0x1906, v32;
	[tilespmem:$0x1FB20] =	vst v63  }
0x177: {  	v35 =	vsel vm2, $0x1984, v35;
	v22 =	vsel vm0, $0x1A06, v34;
	v0 =	vunpack.c.0.s8.s32 v31;
	[tilespmem:$0x1FBB0] =	vst v20  }
0x178: {  	v33 =	vsel vm1, $0x1803, v33;
	v35 =	vsel vm3, $0x1A05, v35;
	v32 =	vimm.s32 $0x202F2E2D;
	[tilespmem:$0x1FBF0] =	vst v22  }
0x179: {  	v5 =	vsel vm2, $0xA84, v5;
	v23 =	vsel vm0, $0x1A86, v35;
	[tilespmem:$0x1FCE0] =	vst v0;
	v0 =	vunpack.c.0.s8.s32 v32  }
0x17a: {  	v17 =	vsel vm2, $0x1084, v17;
	v5 =	vsel vm3, $0xB05, v5;
	v35 =	vimm.s32 $0x28272625;
	[tilespmem:$0x1FC10] =	vst v23  }
0x17b: {  	v21 =	vsel vm2, $0x1284, v21;
	v44 =	vsel vm0, $0xB86, v5;
	[tilespmem:$0x1FCF0] =	vst v0;
	v0 =	vunpack.c.0.s8.s32 v35  }
0x17c: {  	v21 =	vsel vm3, $0x1305, v21;
	v43 =	vsel vm2, $0x1D84, v43;
	v36 =	vimm.s32 $0x2D2C2B2A;
	[tilespmem:$0x1F9E0] =	vst v44  }
0x17d: {  	v43 =	vsel vm3, $0x1E05, v43;
	v58 =	vsel vm0, $0x1386, v21;
	[tilespmem:$0x1FD10] =	vst v0;
	v0 =	vunpack.c.0.s8.s32 v36  }
0x17e: {  	v17 =	vsel vm3, $0x1105, v17;
	v46 =	vsel vm0, $0x1E86, v43;
	v43 =	vimm.s32 $0x25242322;
	[tilespmem:$0x1FB00] =	vst v58  }
0x17f: {  	v33 =	vsel vm2, $0x1884, v33;
	v44 =	vsel vm0, $0x1186, v17;
	[tilespmem:$0x1FD20] =	vst v0;
	v0 =	vunpack.c.0.s8.s32 v43  }
0x180: {  	v29 =	vsel vm1, $0x1E03, v29;
	v33 =	vsel vm3, $0x1905, v33;
	[tilespmem:$0x1FAC0] =	vst v44;
	v44 =	vimm.s32 $0x29282726  }
0x181: {  	v29 =	vsel vm2, $0x1E84, v29;
	v21 =	vsel vm0, $0x1986, v33;
	[tilespmem:$0x1FD40] =	vst v0;
	v0 =	vunpack.c.0.s8.s32 v44  }
0x182: {  	v41 =	vsel vm1, $0x1C03, v41;
	v29 =	vsel vm3, $0x1F05, v29;
	v63 =	vimm.s32 $0x2221202F;
	[tilespmem:$0x1FBD0] =	vst v21  }
0x183: {  	v41 =	vsel vm2, $0x1C84, v41;
	v17 =	vsel vm0, $0x1F86, v29;
	[tilespmem:$0x1FD50] =	vst v0;
	v0 =	vunpack.c.0.s8.s32 v63  }
0x184: {  	v41 =	vsel vm3, $0x1D05, v41;
	v12 =	vimm.s32 $0x26252423;
	[tilespmem:$0x1FB80] =	vst v17  }
0x185: {  	v45 =	vimm.s32 $0x2E2D2C2B;
	v29 =	vsel vm0, $0x1D86, v41;
	[tilespmem:$0x1FD70] =	vst v0;
	v0 =	vunpack.c.0.s8.s32 v12  }
0x186: {  	v15 =	vimm.s32 $0x2F2E2D2C;
	v61 =	vunpack.c.0.s8.s32 v45;
	[tilespmem:$0x1FCC0] =	vst v29  }
0x187: {  	v13 =	vimm.s32 $0x2A292827;
	[tilespmem:$0x1FD80] =	vst v0;
	v0 =	vunpack.c.0.s8.s32 v15  }
0x188: {  	v16 =	vimm.s32 $0x23222120;
	v14 =	vunpack.c.0.s8.s32 v13;
	[tilespmem:$0x1FD60] =	vst v61  }
0x189: {  	v25 =	vimm.s32 $0x3D3C3B3A;
	[tilespmem:$0x1FDA0] =	vst v0;
	v0 =	vunpack.c.0.s8.s32 v16  }
0x18a: {  	v19 =	vimm.s32 $0x2B2A2928;
	v26 =	vunpack.c.0.s8.s32 v25;
	[tilespmem:$0x1FD90] =	vst v14  }
0x18b: {  	v33 =	vimm.s32 $0x24232221;
	[tilespmem:$0x1FDB0] =	vst v0;
	v0 =	vunpack.c.0.s8.s32 v19  }
0x18c: {  	v20 =	vimm.s32 $0x3C3B3A39;
	v34 =	vunpack.c.0.s8.s32 v33;
	[tilespmem:$0x1FE20] =	vst v26  }
0x18d: {  	v41 =	vimm.s32 $0x21202F2E;
	[tilespmem:$0x1FDD0] =	vst v0;
	v0 =	vunpack.c.0.s8.s32 v20  }
0x18e: {  	v4 =	vld [tilespmem:$0x1F9D0];
	v23 =	vimm.s32 $0x34333231;
	v42 =	vunpack.c.0.s8.s32 v41;
	[tilespmem:$0x1FD00] =	vst v34  }
0x18f: {  	v6 =	vld [tilespmem:$0x1FA10];
	v21 =	vimm.s32 $0x303F3E3D;
	[tilespmem:$0x1FDE0] =	vst v0;
	v0 =	vunpack.c.0.s8.s32 v23  }
0x190: {  	v8 =	vld [tilespmem:$0x1FC50];
	v24 =	vimm.s32 $0x38373635;
	v22 =	vunpack.c.0.s8.s32 v21;
	[tilespmem:$0x1FD30] =	vst v42  }
0x191: {  	v38 =	vld [tilespmem:$0x1FC70];
	v17 =	vimm.s32 $0x27262524;
	[tilespmem:$0x1FE00] =	vst v0;
	v0 =	vunpack.c.0.s8.s32 v24  }
0x192: {  	v39 =	vld [tilespmem:$0x1FC90];
	v27 =	vimm.s32 $0x31303F3E;
	v18 =	vunpack.c.0.s8.s32 v17;
	[tilespmem:$0x1FDF0] =	vst v22  }
0x193: {  	v40 =	vld [tilespmem:$0x1FCB0];
	v29 =	vimm.s32 $0x39383736;
	[tilespmem:$0x1FE10] =	vst v0;
	v0 =	vunpack.c.0.s8.s32 v27  }
0x194: {  	v37 =	vld [tilespmem:$0x1FC00];
	v28 =	vimm.s32 $0x35343332;
	v30 =	vunpack.c.0.s8.s32 v29;
	[tilespmem:$0x1FDC0] =	vst v18  }
0x195: {  	s4 =	rddreg [dreg:$0x0];
	v5 =	vld [tilespmem:$0x1F9F0];
	v33 =	vimm.s32 $0x36353433;
	[tilespmem:$0x1FE30] =	vst v0;
	v0 =	vunpack.c.0.s8.s32 v28  }
0x196: {  	s2 =	rddreg [dreg:$0x1];
	s3 =	simm.s32 $0x0;
	v57 =	vld [tilespmem:$0x1FBC0];
	v41 =	vimm.s32 $0x33323130;
	v34 =	vunpack.c.0.s8.s32 v33;
	[tilespmem:$0x1FE50] =	vst v30  }
0x197: {  	s1 =	srdreg.scid;
	[smem:$0x7FF] =	sst s3;
	v60 =	vld [tilespmem:$0x1FC20];
	v42 =	vunpack.c.0.s8.s32 v41;
	[tilespmem:$0x1FE40] =	vst v0  }
0x198: {  	s5 =	sand.u32 $0x1, s1;
	s1 =	rddreg [dreg:$0x2];
	v58 =	vld [tilespmem:$0x1FBE0];
	_ =	strace $0x80000047;
	[tilespmem:$0x1FE80] =	vst v34  }
0x199: {  	[tilespmem:$0x1FEB0] =	vst v42  }
0x19a: {  	[tilespmem:$0x1FEE0] =	vst v54  }
0x19b: {  	[tilespmem:$0x1FEF0] =	vst v53  }
0x19c: {  	[tilespmem:$0x1FF00] =	vst v52  }
0x19d: {  	[tilespmem:$0x1FF10] =	vst v51  }
0x19e: {  	[tilespmem:$0x1FF20] =	vst v50  }
0x19f: {  	[tilespmem:$0x1FF30] =	vst v49  }
0x1a0: {  	vm0 =	vcmask $0x1F10;
	[tilespmem:$0x1FF40] =	vst v48  }
0x1a1: {  	v45 =	vsel vm0, v53, v54;
	[tilespmem:$0x1FF50] =	vst v47  }
0x1a2: {  	v31 =	vimm.s32 $0x3E3D3C3B;
	v61 =	vsel vm0, v49, v50;
	[tilespmem:$0x1FF70] =	vst v45  }
0x1a3: {  	v3 =	vsel vm0, v47, v48;
	v0 =	vunpack.c.0.s8.s32 v31;
	[tilespmem:$0x1FFA0] =	vst v61  }
0x1a4: {  	v32 =	vimm.s32 $0x3231303F;
	v63 =	vcombine.low v3, v61;
	[tilespmem:$0x1FFB0] =	vst v3  }
0x1a5: {  	[tilespmem:$0x1FE60] =	vst v0;
	v0 =	vunpack.c.0.s8.s32 v32  }
0x1a6: {  	v35 =	vimm.s32 $0x3A393837;
	[tilespmem:$0x1FFC0] =	vst v63  }
0x1a7: {  	[tilespmem:$0x1FE70] =	vst v0;
	v0 =	vunpack.c.0.s8.s32 v35  }
0x1a8: {  	v36 =	vimm.s32 $0x3F3E3D3C;
	[tilespmem:$0x1FFD0] =	vst v46  }
0x1a9: {  	s0 =	stileid.u32;
	s10 =	simm.s32 $0x1000;
	s11 =	simm.s32 $0x5;
	[tilespmem:$0x1FE90] =	vst v0;
	v0 =	vunpack.c.0.s8.s32 v36  }
0x1aa: {  	s12 =	simm.s32 $0xC800;
	s13 =	simm.s32 $0x10800;
	s14 =	simm.s32 $0x1;
	v43 =	vimm.s32 $0x37363534;
	[tilespmem:$0x1FFE0] =	vst v59  }
0x1ab: {  	s15 =	simm.s32 $0x14800;
	s16 =	simm.s32 $0x400;
	s17 =	simm.s32 $0x8000;
	[tilespmem:$0x1FEA0] =	vst v0;
	v0 =	vunpack.c.0.s8.s32 v43  }
0x1ac: {  	s18 =	simm.s32 $0x2;
	s19 =	simm.s32 $0x16800;
	s6 =	sshll.u32 s0, $0x1;
	v44 =	vimm.s32 $0x3B3A3938;
	[tilespmem:$0x1FFF0] =	vst v56  }
0x1ad: {  	s20 =	simm.s32 $0x3;
	s21 =	simm.s32 $0x4;
	s7 =	sor.u32 s5, s6;
	v54 =	vsel vm0, v51, v52;
	[tilespmem:$0x1FEC0] =	vst v0;
	v0 =	vunpack.c.0.s8.s32 v44  }
0x1ae: {  	s22 =	simm.s32 $0x0;
	s8 =	ssub.s32 $0x2, s5;
	s6 =	sshll.u32 s7, $0x4;
	v51 =	vlaneseq.u32;
	[tilespmem:$0x1FF80] =	vst v54  }
0x1af: {  	s9 =	sshrl.u32 s8, $0x1;
	s7 =	sshll.u32 s7, $0xA;
	s6 =	sadd.s32 s6, s4;
	v7 =	vor.u32 $0x10, v51;
	[tilespmem:$0x1FED0] =	vst v0;
	v0 =	vcombine.low v54, v45  }
0x1b0: {  	s4 =	sadd.s32 $0x32C00, s4;
	s8 =	ssub.s32 s8, s9;
	s9 =	simm.s32 $0x80;
	[tilespmem:$0x1FF60] =	vst v7  }
0x1b1: {  	s5 =	sadd.s32 $0x19C00, s6;
	s6 =	sadd.s32 $0xC00, s6;
	s8 =	smax.u32 s8, $0x1;
	[tilespmem:$0x1FF90] =	vst v0  }
.LBB2_1:
0x1b2: {  	[tilespmem:s3], [sflag:$0x5] =	stream.strided.gather [hbm4b:s5+s9], $0x6400, s10, s9, $0x38;
	[tilespmem:$0x18800] =	vst v63  }
0x1b3: {  	_ =	swait.ge [sflag:s11], $0x6400  }
0x1b4: {  	[sflag:s11] =	ssyncset.done $0x0  }
0x1b5: {  	s23 =	simm.s32 $0x6400;
	[sflag:s11] =	ssyncadd.s32 $0xFFFF9C00  }
0x1b6: {  	[tilespmem:s23], [sflag:$0x5] =	stream.strided.gather [hbm4b:s6+s9], $0x6400, s10, s9, $0x38;
	[tilespmem:$0x18800] =	vst v63  }
0x1b7: {  	_ =	swait.ge [sflag:s11], $0x6400  }
0x1b8: {  	[sflag:s11] =	ssyncset.done $0x0  }
0x1b9: {  	[sflag:s11] =	ssyncadd.s32 $0xFFFF9C00  }
0x1ba: {  	[tilespmem:s12], [sflag:$0x1] =	stream.indirect.gather [hbm4b:s4+s9], $0x80, s3, s9, $0xb8;
	[tilespmem:$0x18800] =	vst v63  }
0x1bb: {  	s24 =	simm.s32 $0x6480;
	s25 =	simm.s32 $0x0  }
0x1bc: {  	[tilespmem:s13], [sflag:$0x2] =	stream.indirect.gather [hbm4b:s4+s9], $0x80, s9, s9, $0xb8;
	[tilespmem:$0x18800] =	vst v63  }
.LBB2_2:
0x1bd: {  	_ =	swait.ge [sflag:s14], $0x4000  }
0x1be: {  	p0 =	seq.s32 s25, $0x0;
	[sflag:s14] =	ssyncset.done $0x0  }
0x1bf: {  	s28 =	simm.s32 @!p0 $0x3;
	[sflag:s14] =	ssyncadd.s32 $0xFFFFC000  }
0x1c0: {  	_ =	swait.ge @!p0 [sflag:s28], $0x2000  }
0x1c1: {  	s26 =	sshll.u32 s25, $0x1;
	s29 =	simm.s32 $0x0;
	[sflag:s28] =	ssyncset.done @!p0 $0x0  }
0x1c2: {  	s30 =	smov.u32 s23;
	v53 =	vld [tilespmem:$0x1FCD0];
	[sflag:s28] =	ssyncadd.s32 @!p0 $0xFFFFE000;
	s28 =	sshll.u32 s25, $0xA  }
.LBB2_3:
0x1c3: {  	v45 =	vld [tilespmem:s30+$0x0];
	_ =	sdelay $0x4  }
0x1c4: {  	v0 =	vor.u32 s29, v51;
	v1 =	vadd.s32 v51, v45  }
0x1c5: {  	v46 =	vshll.u32 v0, $0x7;
	v2 =	vand.u32 $0xFFFFFFF8, v1  }
0x1c6: {  	v1 =	vand.u32 $0x7, v1;
	v2 =	vadd.s32 v46, v2  }
0x1c7: {  	v1 =	vor.u32 v1, v2;
	_ =	sdelay $0x1  }
0x1c8: {  	v42 =	vld [tilespmem:$0x1F7C0];
	_ =	sdelay $0x1  }
0x1c9: {  	v44 =	vand.u32 $0x78, v0  }
0x1ca: {  	v3 =	vor.u32 v55, v44;
	v1 =	vld.idx.msk [tilespmem:v1+s12+$0x0], $0xffff;
	_ =	sdelay $0x1  }
0x1cb: {  	v2 =	vadd.s32 v42, v45  }
0x1cc: {  	v47 =	vld [tilespmem:$0x1F7E0];
	v43 =	vand.u32 $0xFFFFFFF8, v2  }
0x1cd: {  	v2 =	vand.u32 $0x7, v2;
	v0 =	vadd.s32 v46, v43  }
0x1ce: {  	v0 =	vor.u32 v2, v0;
	[tilespmem:v3+s15+$0x0] =	vst.idx.msk $0xffff, v1;
	v3 =	vld [tilespmem:$0x1F7D0];
	_ =	sdelay $0x2  }
0x1cf: {  	v2 =	vadd.s32 v47, v45  }
0x1d0: {  	v48 =	vand.u32 $0xFFFFFFF8, v2  }
0x1d1: {  	v2 =	vand.u32 $0x7, v2;
	v1 =	vadd.s32 v46, v48;
	v0 =	vld.idx.msk [tilespmem:v0+s12+$0x0], $0xffff;
	v3 =	vor.u32 v3, v44  }
0x1d2: {  	v1 =	vor.u32 v2, v1;
	_ =	sdelay $0x1  }
0x1d3: {  	v49 =	vld [tilespmem:$0x1F7F0];
	_ =	sdelay $0x1  }
0x1d4: {  	[tilespmem:v3+s15+$0x0] =	vst.idx.msk $0xffff, v0  }
0x1d5: {  	v3 =	vor.u32 v59, v44;
	v1 =	vld.idx.msk [tilespmem:v1+s12+$0x0], $0xffff;
	_ =	sdelay $0x1  }
0x1d6: {  	v2 =	vadd.s32 v49, v45  }
0x1d7: {  	v50 =	vand.u32 $0xFFFFFFF8, v2  }
0x1d8: {  	v2 =	vand.u32 $0x7, v2;
	v0 =	vadd.s32 v46, v50  }
0x1d9: {  	v0 =	vor.u32 v2, v0;
	[tilespmem:v3+s15+$0x0] =	vst.idx.msk $0xffff, v1;
	v3 =	vld [tilespmem:$0x1F800];
	_ =	sdelay $0x2  }
0x1da: {  	v52 =	vadd.s32 v62, v45  }
0x1db: {  	v54 =	vand.u32 $0xFFFFFFF8, v52  }
0x1dc: {  	v2 =	vand.u32 $0x7, v52;
	v1 =	vadd.s32 v46, v54;
	v0 =	vld.idx.msk [tilespmem:v0+s12+$0x0], $0xffff;
	v3 =	vor.u32 v3, v44  }
0x1dd: {  	v1 =	vor.u32 v2, v1;
	_ =	sdelay $0x2  }
0x1de: {  	v59 =	vadd.s32 v57, v45  }
0x1df: {  	v61 =	vand.u32 $0xFFFFFFF8, v59;
	[tilespmem:v3+s15+$0x0] =	vst.idx.msk $0xffff, v0  }
0x1e0: {  	v2 =	vand.u32 $0x7, v59;
	v3 =	vor.u32 v56, v44;
	v0 =	vadd.s32 v46, v61;
	v1 =	vld.idx.msk [tilespmem:v1+s12+$0x0], $0xffff  }
0x1e1: {  	v0 =	vor.u32 v2, v0;
	_ =	sdelay $0x2  }
0x1e2: {  	v63 =	vadd.s32 v37, v45  }
0x1e3: {  	v32 =	vand.u32 $0xFFFFFFF8, v63;
	[tilespmem:v3+s15+$0x0] =	vst.idx.msk $0xffff, v1  }
0x1e4: {  	v2 =	vand.u32 $0x7, v63;
	v3 =	vor.u32 v58, v44;
	v1 =	vadd.s32 v46, v32;
	v0 =	vld.idx.msk [tilespmem:v0+s12+$0x0], $0xffff  }
0x1e5: {  	v1 =	vor.u32 v2, v1;
	_ =	sdelay $0x2  }
0x1e6: {  	v33 =	vadd.s32 v8, v45  }
0x1e7: {  	v34 =	vand.u32 $0xFFFFFFF8, v33;
	[tilespmem:v3+s15+$0x0] =	vst.idx.msk $0xffff, v0  }
0x1e8: {  	v2 =	vand.u32 $0x7, v33;
	v3 =	vor.u32 v60, v44;
	v0 =	vadd.s32 v46, v34;
	v1 =	vld.idx.msk [tilespmem:v1+s12+$0x0], $0xffff  }
0x1e9: {  	v0 =	vor.u32 v2, v0;
	_ =	sdelay $0x2  }
0x1ea: {  	v35 =	vadd.s32 v4, v45  }
0x1eb: {  	v36 =	vand.u32 $0xFFFFFFF8, v35;
	[tilespmem:v3+s15+$0x0] =	vst.idx.msk $0xffff, v1  }
0x1ec: {  	v2 =	vand.u32 $0x7, v35;
	v3 =	vor.u32 v38, v44;
	v1 =	vadd.s32 v46, v36;
	v0 =	vld.idx.msk [tilespmem:v0+s12+$0x0], $0xffff  }
0x1ed: {  	v1 =	vor.u32 v2, v1;
	_ =	sdelay $0x2  }
0x1ee: {  	v37 =	vadd.s32 v5, v45  }
0x1ef: {  	v41 =	vand.u32 $0xFFFFFFF8, v37;
	[tilespmem:v3+s15+$0x0] =	vst.idx.msk $0xffff, v0  }
0x1f0: {  	v2 =	vand.u32 $0x7, v37;
	v3 =	vor.u32 v39, v44;
	v0 =	vadd.s32 v46, v41;
	v1 =	vld.idx.msk [tilespmem:v1+s12+$0x0], $0xffff  }
0x1f1: {  	v0 =	vor.u32 v2, v0;
	_ =	sdelay $0x3  }
0x1f2: {  	[tilespmem:v3+s15+$0x0] =	vst.idx.msk $0xffff, v1  }
0x1f3: {  	v3 =	vor.u32 v40, v44;
	v0 =	vld.idx.msk [tilespmem:v0+s12+$0x0], $0xffff;
	_ =	sdelay $0x1  }
0x1f4: {  	v42 =	vadd.s32 v6, v45  }
0x1f5: {  	v43 =	vand.u32 $0xFFFFFFF8, v42  }
0x1f6: {  	v2 =	vand.u32 $0x7, v42;
	v1 =	vadd.s32 v46, v43  }
0x1f7: {  	v1 =	vor.u32 v2, v1;
	[tilespmem:v3+s15+$0x0] =	vst.idx.msk $0xffff, v0;
	v3 =	vld [tilespmem:$0x1F810];
	_ =	sdelay $0x1  }
0x1f8: {  	v47 =	vld [tilespmem:$0x1F820];
	_ =	sdelay $0x2  }
0x1f9: {  	v1 =	vld.idx.msk [tilespmem:v1+s12+$0x0], $0xffff;
	v3 =	vor.u32 v3, v44;
	_ =	sdelay $0x1  }
0x1fa: {  	v2 =	vadd.s32 v47, v45  }
0x1fb: {  	v48 =	vand.u32 $0xFFFFFFF8, v2  }
0x1fc: {  	v2 =	vand.u32 $0x7, v2;
	v0 =	vadd.s32 v46, v48  }
0x1fd: {  	v0 =	vor.u32 v2, v0;
	[tilespmem:v3+s15+$0x0] =	vst.idx.msk $0xffff, v1;
	v3 =	vld [tilespmem:$0x1F830];
	_ =	sdelay $0x1  }
0x1fe: {  	v49 =	vld [tilespmem:$0x1F840];
	_ =	sdelay $0x2  }
0x1ff: {  	v0 =	vld.idx.msk [tilespmem:v0+s12+$0x0], $0xffff;
	v3 =	vor.u32 v3, v44;
	_ =	sdelay $0x1  }
0x200: {  	v2 =	vadd.s32 v49, v45  }
0x201: {  	v50 =	vand.u32 $0xFFFFFFF8, v2  }
0x202: {  	v2 =	vand.u32 $0x7, v2;
	v1 =	vadd.s32 v46, v50  }
0x203: {  	v1 =	vor.u32 v2, v1;
	[tilespmem:v3+s15+$0x0] =	vst.idx.msk $0xffff, v0;
	v3 =	vld [tilespmem:$0x1F850];
	_ =	sdelay $0x1  }
0x204: {  	v52 =	vld [tilespmem:$0x1F860];
	_ =	sdelay $0x2  }
0x205: {  	v1 =	vld.idx.msk [tilespmem:v1+s12+$0x0], $0xffff;
	v3 =	vor.u32 v3, v44;
	_ =	sdelay $0x1  }
0x206: {  	v2 =	vadd.s32 v52, v45  }
0x207: {  	v54 =	vand.u32 $0xFFFFFFF8, v2  }
0x208: {  	v2 =	vand.u32 $0x7, v2;
	v0 =	vadd.s32 v46, v54  }
0x209: {  	v0 =	vor.u32 v2, v0;
	[tilespmem:v3+s15+$0x0] =	vst.idx.msk $0xffff, v1;
	v3 =	vld [tilespmem:$0x1F870];
	_ =	sdelay $0x1  }
0x20a: {  	v56 =	vld [tilespmem:$0x1F880];
	_ =	sdelay $0x2  }
0x20b: {  	v0 =	vld.idx.msk [tilespmem:v0+s12+$0x0], $0xffff;
	v3 =	vor.u32 v3, v44;
	_ =	sdelay $0x1  }
0x20c: {  	v2 =	vadd.s32 v56, v45  }
0x20d: {  	v57 =	vmov v58;
	v58 =	vand.u32 $0xFFFFFFF8, v2  }
0x20e: {  	v2 =	vand.u32 $0x7, v2;
	v1 =	vadd.s32 v46, v58  }
0x20f: {  	v1 =	vor.u32 v2, v1;
	[tilespmem:v3+s15+$0x0] =	vst.idx.msk $0xffff, v0;
	v3 =	vld [tilespmem:$0x1F890];
	_ =	sdelay $0x1  }
0x210: {  	v59 =	vld [tilespmem:$0x1F8A0];
	_ =	sdelay $0x2  }
0x211: {  	v1 =	vld.idx.msk [tilespmem:v1+s12+$0x0], $0xffff;
	v3 =	vor.u32 v3, v44;
	_ =	sdelay $0x1  }
0x212: {  	v2 =	vadd.s32 v59, v45  }
0x213: {  	v60 =	vand.u32 $0xFFFFFFF8, v2  }
0x214: {  	v2 =	vand.u32 $0x7, v2;
	v0 =	vadd.s32 v46, v60  }
0x215: {  	v0 =	vor.u32 v2, v0;
	[tilespmem:v3+s15+$0x0] =	vst.idx.msk $0xffff, v1;
	v3 =	vld [tilespmem:$0x1F8B0];
	_ =	sdelay $0x1  }
0x216: {  	v63 =	vld [tilespmem:$0x1FF60];
	_ =	sdelay $0x2  }
0x217: {  	v0 =	vld.idx.msk [tilespmem:v0+s12+$0x0], $0xffff;
	v3 =	vor.u32 v3, v44;
	_ =	sdelay $0x1  }
0x218: {  	v2 =	vadd.s32 v63, v45  }
0x219: {  	v32 =	vand.u32 $0xFFFFFFF8, v2  }
0x21a: {  	v2 =	vand.u32 $0x7, v2;
	v1 =	vadd.s32 v46, v32  }
0x21b: {  	v1 =	vor.u32 v2, v1;
	[tilespmem:v3+s15+$0x0] =	vst.idx.msk $0xffff, v0;
	v3 =	vld [tilespmem:$0x1F8C0];
	_ =	sdelay $0x1  }
0x21c: {  	v33 =	vld [tilespmem:$0x1FF90];
	_ =	sdelay $0x2  }
0x21d: {  	v1 =	vld.idx.msk [tilespmem:v1+s12+$0x0], $0xffff;
	v3 =	vor.u32 v3, v44;
	_ =	sdelay $0x1  }
0x21e: {  	v2 =	vadd.s32 v33, v45  }
0x21f: {  	v34 =	vand.u32 $0xFFFFFFF8, v2  }
0x220: {  	v2 =	vand.u32 $0x7, v2;
	v0 =	vadd.s32 v46, v34  }
0x221: {  	v0 =	vor.u32 v2, v0;
	[tilespmem:v3+s15+$0x0] =	vst.idx.msk $0xffff, v1;
	v3 =	vld [tilespmem:$0x1F8D0];
	_ =	sdelay $0x1  }
0x222: {  	v35 =	vld [tilespmem:$0x1FFC0];
	_ =	sdelay $0x2  }
0x223: {  	v0 =	vld.idx.msk [tilespmem:v0+s12+$0x0], $0xffff;
	v3 =	vor.u32 v3, v44  }
0x224: {  	v13 =	vld [tilespmem:$0x1F8F0]  }
0x225: {  	v12 =	vld [tilespmem:$0x1F900];
	v2 =	vadd.s32 v35, v45  }
0x226: {  	v14 =	vld [tilespmem:$0x1F910];
	v36 =	vand.u32 $0xFFFFFFF8, v2  }
0x227: {  	v15 =	vld [tilespmem:$0x1F920];
	v2 =	vand.u32 $0x7, v2;
	v1 =	vadd.s32 v46, v36  }
0x228: {  	v1 =	vor.u32 v2, v1;
	[tilespmem:v3+s15+$0x0] =	vst.idx.msk $0xffff, v0;
	v3 =	vld [tilespmem:$0x1F8E0];
	_ =	sdelay $0x3  }
0x229: {  	v4 =	vsel vm0, v12, v13;
	v5 =	vsel vm0, v15, v14  }
0x22a: {  	v37 =	vcombine.low v5, v4;
	v1 =	vld.idx.msk [tilespmem:v1+s12+$0x0], $0xffff;
	v3 =	vor.u32 v3, v44  }
0x22b: {  	v16 =	vld [tilespmem:$0x1F940]  }
0x22c: {  	v17 =	vld [tilespmem:$0x1F950];
	v2 =	vadd.s32 v37, v45  }
0x22d: {  	v18 =	vld [tilespmem:$0x1F960];
	v61 =	vmov v39;
	v39 =	vand.u32 $0xFFFFFFF8, v2  }
0x22e: {  	v19 =	vld [tilespmem:$0x1F970];
	v2 =	vand.u32 $0x7, v2;
	v0 =	vadd.s32 v46, v39  }
0x22f: {  	v0 =	vor.u32 v2, v0;
	[tilespmem:v3+s15+$0x0] =	vst.idx.msk $0xffff, v1;
	v3 =	vld [tilespmem:$0x1F930];
	_ =	sdelay $0x3  }
0x230: {  	v7 =	vsel vm0, v19, v18;
	v6 =	vsel vm0, v17, v16  }
0x231: {  	v41 =	vcombine.low v7, v6;
	v0 =	vld.idx.msk [tilespmem:v0+s12+$0x0], $0xffff;
	v3 =	vor.u32 v3, v44  }
0x232: {  	v9 =	vld [tilespmem:$0x1FF10]  }
0x233: {  	v8 =	vld [tilespmem:$0x1FF00];
	v2 =	vadd.s32 v41, v45  }
0x234: {  	v43 =	vld [tilespmem:$0x1FEF0];
	v42 =	vand.u32 $0xFFFFFFF8, v2  }
0x235: {  	v47 =	vld [tilespmem:$0x1FEE0];
	v2 =	vand.u32 $0x7, v2;
	v1 =	vadd.s32 v46, v42  }
0x236: {  	v1 =	vor.u32 v2, v1;
	[tilespmem:v3+s15+$0x0] =	vst.idx.msk $0xffff, v0;
	v3 =	vld [tilespmem:$0x1F980];
	_ =	sdelay $0x3  }
0x237: {  	v8 =	vsel vm0, v8, v43;
	v9 =	vsel vm0, v47, v9  }
0x238: {  	v2 =	vcombine.low v9, v8;
	v1 =	vld.idx.msk [tilespmem:v1+s12+$0x0], $0xffff;
	v3 =	vor.u32 v3, v44  }
0x239: {  	v10 =	vld [tilespmem:$0x1FF40]  }
0x23a: {  	v11 =	vld [tilespmem:$0x1FF50];
	[tilespmem:$0x1F710] =	vst v2;
	v2 =	vadd.s32 v2, v45  }
0x23b: {  	v49 =	vld [tilespmem:$0x1FF30];
	v48 =	vand.u32 $0xFFFFFFF8, v2  }
0x23c: {  	v50 =	vld [tilespmem:$0x1FF20];
	v2 =	vand.u32 $0x7, v2;
	v0 =	vadd.s32 v46, v48  }
0x23d: {  	v0 =	vor.u32 v2, v0;
	[tilespmem:v3+s15+$0x0] =	vst.idx.msk $0xffff, v1;
	v3 =	vld [tilespmem:$0x1F990];
	_ =	sdelay $0x3  }
0x23e: {  	v10 =	vsel vm0, v10, v49;
	v11 =	vsel vm0, v50, v11  }
0x23f: {  	v2 =	vcombine.low v11, v10;
	v0 =	vld.idx.msk [tilespmem:v0+s12+$0x0], $0xffff;
	v3 =	vor.u32 v3, v44;
	_ =	sdelay $0x1  }
0x240: {  	[tilespmem:$0x1F720] =	vst v2;
	v2 =	vadd.s32 v2, v45  }
0x241: {  	v52 =	vand.u32 $0xFFFFFFF8, v2  }
0x242: {  	v12 =	vsel vm0, v14, v12;
	v2 =	vand.u32 $0x7, v2;
	v1 =	vadd.s32 v46, v52  }
0x243: {  	v13 =	vsel vm0, v13, v15;
	v1 =	vor.u32 v2, v1;
	[tilespmem:v3+s15+$0x0] =	vst.idx.msk $0xffff, v0;
	v3 =	vld [tilespmem:$0x1F9A0]  }
0x244: {  	v54 =	vcombine.low v13, v12;
	_ =	sdelay $0x1  }
0x245: {  	v2 =	vadd.s32 v54, v45  }
0x246: {  	v56 =	vand.u32 $0xFFFFFFF8, v2  }
0x247: {  	v2 =	vand.u32 $0x7, v2;
	v0 =	vadd.s32 v46, v56;
	v1 =	vld.idx.msk [tilespmem:v1+s12+$0x0], $0xffff;
	v3 =	vor.u32 v3, v44  }
0x248: {  	v14 =	vsel vm0, v16, v19;
	v58 =	vsel vm0, v18, v17;
	v60 =	vld [tilespmem:$0x1F9B0];
	v2 =	vor.u32 v2, v0  }
0x249: {  	v63 =	vld [tilespmem:$0x1FF70];
	v0 =	vcombine.low v14, v58  }
0x24a: {  	v32 =	vld [tilespmem:$0x1FF80]  }
0x24b: {  	v14 =	vadd.s32 v0, v45  }
0x24c: {  	v59 =	vand.u32 $0xFFFFFFF8, v14;
	[tilespmem:v3+s15+$0x0] =	vst.idx.msk $0xffff, v1  }
0x24d: {  	v14 =	vand.u32 $0x7, v14;
	v3 =	vor.u32 v60, v44;
	v1 =	vadd.s32 v46, v59;
	v2 =	vld.idx.msk [tilespmem:v2+s12+$0x0], $0xffff  }
0x24e: {  	v34 =	vld [tilespmem:$0x1F9C0];
	v14 =	vor.u32 v14, v1  }
0x24f: {  	v35 =	vld [tilespmem:$0x1FFA0];
	[tilespmem:$0x1F740] =	vst v0;
	v0 =	vcombine.low v63, v32  }
0x250: {  	v36 =	vld [tilespmem:$0x1FFB0]  }
0x251: {  	v15 =	vadd.s32 v0, v45  }
0x252: {  	v33 =	vand.u32 $0xFFFFFFF8, v15;
	[tilespmem:v3+s15+$0x0] =	vst.idx.msk $0xffff, v2  }
0x253: {  	v15 =	vand.u32 $0x7, v15;
	v2 =	vadd.s32 v46, v33;
	v3 =	vld.idx.msk [tilespmem:v14+s12+$0x0], $0xffff;
	v14 =	vor.u32 v34, v44  }
0x254: {  	[tilespmem:$0x1F6F0] =	vst v37;
	v37 =	vld [tilespmem:$0x1F9E0];
	v15 =	vor.u32 v15, v2  }
0x255: {  	[tilespmem:$0x1F750] =	vst v0;
	v0 =	vcombine.low v35, v36;
	_ =	sdelay $0x1  }
0x256: {  	v16 =	vadd.s32 v0, v45  }
0x257: {  	[tilespmem:v14+s15+$0x0] =	vst.idx.msk $0xffff, v3;
	v3 =	vand.u32 $0xFFFFFFF8, v16  }
0x258: {  	v16 =	vand.u32 $0x7, v16;
	v14 =	vld.idx.msk [tilespmem:v15+s12+$0x0], $0xffff;
	v15 =	vor.u32 v37, v44;
	v3 =	vadd.s32 v46, v3  }
0x259: {  	[tilespmem:$0x1F700] =	vst v41;
	v41 =	vld [tilespmem:$0x1FA00];
	v16 =	vor.u32 v16, v3  }
0x25a: {  	v39 =	vcombine.low v4, v5;
	_ =	sdelay $0x1  }
0x25b: {  	v4 =	vadd.s32 v39, v45  }
0x25c: {  	v5 =	vand.u32 $0xFFFFFFF8, v4;
	[tilespmem:v15+s15+$0x0] =	vst.idx.msk $0xffff, v14  }
0x25d: {  	v4 =	vand.u32 $0x7, v4;
	v5 =	vadd.s32 v46, v5;
	v15 =	vor.u32 v41, v44;
	v14 =	vld.idx.msk [tilespmem:v16+s12+$0x0], $0xffff  }
0x25e: {  	v43 =	vld [tilespmem:$0x1FA20];
	v5 =	vor.u32 v4, v5  }
0x25f: {  	v42 =	vcombine.low v6, v7;
	_ =	sdelay $0x1  }
0x260: {  	v6 =	vadd.s32 v42, v45  }
0x261: {  	v7 =	vand.u32 $0xFFFFFFF8, v6;
	[tilespmem:v15+s15+$0x0] =	vst.idx.msk $0xffff, v14  }
0x262: {  	v15 =	vor.u32 v43, v44;
	v14 =	vld.idx.msk [tilespmem:v5+s12+$0x0], $0xffff;
	v5 =	vand.u32 $0x7, v6;
	v6 =	vadd.s32 v46, v7  }
0x263: {  	v48 =	vld [tilespmem:$0x1FA30];
	v6 =	vor.u32 v5, v6  }
0x264: {  	v47 =	vcombine.low v8, v9;
	_ =	sdelay $0x1  }
0x265: {  	v7 =	vadd.s32 v47, v45  }
0x266: {  	v8 =	vand.u32 $0xFFFFFFF8, v7;
	[tilespmem:v15+s15+$0x0] =	vst.idx.msk $0xffff, v14  }
0x267: {  	v14 =	vor.u32 v48, v44;
	v9 =	vld.idx.msk [tilespmem:v6+s12+$0x0], $0xffff;
	v6 =	vand.u32 $0x7, v7;
	v7 =	vadd.s32 v46, v8  }
0x268: {  	v50 =	vld [tilespmem:$0x1FA40];
	v7 =	vor.u32 v6, v7  }
0x269: {  	v49 =	vcombine.low v10, v11;
	_ =	sdelay $0x1  }
0x26a: {  	v8 =	vadd.s32 v49, v45  }
0x26b: {  	[tilespmem:v14+s15+$0x0] =	vst.idx.msk $0xffff, v9;
	v9 =	vand.u32 $0xFFFFFFF8, v8  }
0x26c: {  	v11 =	vor.u32 v50, v44;
	v10 =	vld.idx.msk [tilespmem:v7+s12+$0x0], $0xffff;
	v7 =	vand.u32 $0x7, v8;
	v8 =	vadd.s32 v46, v9  }
0x26d: {  	[tilespmem:$0x1F730] =	vst v54;
	v54 =	vld [tilespmem:$0x1FA50];
	v8 =	vor.u32 v7, v8  }
0x26e: {  	v52 =	vcombine.low v12, v13  }
0x26f: {  	v4 =	vld [tilespmem:$0x1FD10]  }
0x270: {  	v58 =	vld [tilespmem:$0x1FA60];
	v9 =	vadd.s32 v52, v45  }
0x271: {  	v59 =	vld [tilespmem:$0x1FCE0];
	[tilespmem:v11+s15+$0x0] =	vst.idx.msk $0xffff, v10;
	v10 =	vand.u32 $0xFFFFFFF8, v9  }
0x272: {  	v12 =	vor.u32 v54, v44;
	v11 =	vld.idx.msk [tilespmem:v8+s12+$0x0], $0xffff;
	v8 =	vand.u32 $0x7, v9;
	v9 =	vadd.s32 v46, v10  }
0x273: {  	v60 =	vld [tilespmem:$0x1FCF0];
	v9 =	vor.u32 v8, v9  }
0x274: {  	v3 =	vld [tilespmem:$0x1FD00]  }
0x275: {  	v30 =	vld [tilespmem:$0x1FD50];
	v56 =	vor.u32 $0x20, v51  }
0x276: {  	v5 =	vld [tilespmem:$0x1FD20];
	v10 =	vadd.s32 v56, v45  }
0x277: {  	v6 =	vld [tilespmem:$0x1FD30];
	[tilespmem:v12+s15+$0x0] =	vst.idx.msk $0xffff, v11;
	v11 =	vand.u32 $0xFFFFFFF8, v10  }
0x278: {  	v13 =	vor.u32 v58, v44;
	v12 =	vld.idx.msk [tilespmem:v9+s12+$0x0], $0xffff;
	v9 =	vand.u32 $0x7, v10;
	v10 =	vadd.s32 v46, v11  }
0x279: {  	[tilespmem:$0x1F7B0] =	vst v52;
	v17 =	vsel vm0, v60, v59;
	v18 =	vsel vm0, v4, v3;
	v52 =	vld [tilespmem:$0x1FA70];
	v10 =	vor.u32 v9, v10  }
0x27a: {  	v33 =	vcombine.low v18, v17;
	v7 =	vld [tilespmem:$0x1FD40]  }
0x27b: {  	[tilespmem:$0x1F780] =	vst v42;
	v42 =	vld [tilespmem:$0x1FD80]  }
0x27c: {  	v54 =	vld [tilespmem:$0x1FA80];
	v11 =	vadd.s32 v33, v45  }
0x27d: {  	v36 =	vld [tilespmem:$0x1FD60];
	[tilespmem:v13+s15+$0x0] =	vst.idx.msk $0xffff, v12;
	v12 =	vand.u32 $0xFFFFFFF8, v11  }
0x27e: {  	v14 =	vor.u32 v52, v44;
	v13 =	vld.idx.msk [tilespmem:v10+s12+$0x0], $0xffff;
	v10 =	vand.u32 $0x7, v11;
	v11 =	vadd.s32 v46, v12  }
0x27f: {  	v41 =	vld [tilespmem:$0x1FD70];
	v19 =	vsel vm0, v6, v5;
	v20 =	vsel vm0, v30, v7;
	v11 =	vor.u32 v10, v11  }
0x280: {  	v43 =	vld [tilespmem:$0x1FD90];
	v34 =	vcombine.low v20, v19  }
0x281: {  	v50 =	vld [tilespmem:$0x1FDD0]  }
0x282: {  	[tilespmem:$0x1F790] =	vst v47;
	v47 =	vld [tilespmem:$0x1FDA0];
	v12 =	vadd.s32 v34, v45  }
0x283: {  	v48 =	vld [tilespmem:$0x1FDB0];
	[tilespmem:v14+s15+$0x0] =	vst.idx.msk $0xffff, v13;
	v13 =	vand.u32 $0xFFFFFFF8, v12  }
0x284: {  	v15 =	vor.u32 v54, v44;
	v14 =	vld.idx.msk [tilespmem:v11+s12+$0x0], $0xffff;
	v11 =	vand.u32 $0x7, v12;
	v12 =	vadd.s32 v46, v13  }
0x285: {  	v63 =	vmovc v56;
	v21 =	vsel vm0, v41, v36;
	v22 =	vsel vm0, v43, v42;
	v56 =	vld [tilespmem:$0x1FA90];
	v12 =	vor.u32 v11, v12  }
0x286: {  	[tilespmem:$0x1F7A0] =	vst v49;
	v32 =	vcombine.low v22, v21;
	v49 =	vld [tilespmem:$0x1FDC0];
	_ =	sdelay $0x1  }
0x287: {  	v13 =	vadd.s32 v32, v45  }
0x288: {  	[tilespmem:v15+s15+$0x0] =	vst.idx.msk $0xffff, v14;
	v14 =	vand.u32 $0xFFFFFFF8, v13  }
0x289: {  	v16 =	vor.u32 v56, v44;
	v15 =	vld.idx.msk [tilespmem:v12+s12+$0x0], $0xffff;
	v12 =	vand.u32 $0x7, v13;
	v13 =	vadd.s32 v46, v14  }
0x28a: {  	v58 =	vld [tilespmem:$0x1FAA0];
	v23 =	vsel vm0, v48, v47;
	v24 =	vsel vm0, v50, v49;
	v13 =	vor.u32 v12, v13  }
0x28b: {  	v35 =	vcombine.low v24, v23;
	_ =	sdelay $0x1  }
0x28c: {  	v14 =	vadd.s32 v35, v45  }
0x28d: {  	[tilespmem:v16+s15+$0x0] =	vst.idx.msk $0xffff, v15;
	v15 =	vand.u32 $0xFFFFFFF8, v14  }
0x28e: {  	v25 =	vor.u32 v58, v44;
	v16 =	vld.idx.msk [tilespmem:v13+s12+$0x0], $0xffff;
	v13 =	vand.u32 $0x7, v14;
	v14 =	vadd.s32 v46, v15  }
0x28f: {  	v27 =	vsel vm0, v59, v4;
	v59 =	vld [tilespmem:$0x1FAB0];
	v26 =	vsel vm0, v3, v60;
	v14 =	vor.u32 v13, v14  }
0x290: {  	v13 =	vcombine.low v27, v26;
	_ =	sdelay $0x1  }
0x291: {  	v15 =	vadd.s32 v13, v45  }
0x292: {  	[tilespmem:v25+s15+$0x0] =	vst.idx.msk $0xffff, v16;
	v16 =	vand.u32 $0xFFFFFFF8, v15  }
0x293: {  	v28 =	vor.u32 v59, v44;
	v25 =	vld.idx.msk [tilespmem:v14+s12+$0x0], $0xffff;
	v14 =	vand.u32 $0x7, v15;
	v15 =	vadd.s32 v46, v16  }
0x294: {  	v60 =	vld [tilespmem:$0x1FAC0];
	v29 =	vsel vm0, v7, v6;
	v30 =	vsel vm0, v5, v30;
	v15 =	vor.u32 v14, v15  }
0x295: {  	v14 =	vcombine.low v30, v29;
	_ =	sdelay $0x1  }
0x296: {  	v16 =	vadd.s32 v14, v45  }
0x297: {  	[tilespmem:v28+s15+$0x0] =	vst.idx.msk $0xffff, v25;
	v25 =	vand.u32 $0xFFFFFFF8, v16  }
0x298: {  	v31 =	vor.u32 v60, v44;
	v28 =	vld.idx.msk [tilespmem:v15+s12+$0x0], $0xffff;
	v15 =	vand.u32 $0x7, v16;
	v16 =	vadd.s32 v46, v25  }
0x299: {  	v36 =	vsel vm0, v36, v43;
	v52 =	vld [tilespmem:$0x1FAD0];
	v25 =	vsel vm0, v42, v41;
	v16 =	vor.u32 v15, v16  }
0x29a: {  	v15 =	vcombine.low v36, v25;
	_ =	sdelay $0x1  }
0x29b: {  	v37 =	vadd.s32 v15, v45  }
0x29c: {  	[tilespmem:v31+s15+$0x0] =	vst.idx.msk $0xffff, v28;
	v28 =	vand.u32 $0xFFFFFFF8, v37  }
0x29d: {  	v54 =	vor.u32 v52, v44;
	v31 =	vld.idx.msk [tilespmem:v16+s12+$0x0], $0xffff;
	v16 =	vand.u32 $0x7, v37;
	v28 =	vadd.s32 v46, v28  }
0x29e: {  	v58 =	vld [tilespmem:$0x1FAE0];
	v56 =	vsel vm0, v47, v50;
	v28 =	vor.u32 v16, v28;
	v16 =	vsel vm0, v49, v48  }
0x29f: {  	v16 =	vcombine.low v56, v16;
	_ =	sdelay $0x1  }
0x2a0: {  	v41 =	vadd.s32 v16, v45  }
0x2a1: {  	[tilespmem:v54+s15+$0x0] =	vst.idx.msk $0xffff, v31;
	v31 =	vand.u32 $0xFFFFFFF8, v41  }
0x2a2: {  	v59 =	vor.u32 v58, v44;
	v41 =	vand.u32 $0x7, v41;
	v28 =	vld.idx.msk [tilespmem:v28+s12+$0x0], $0xffff;
	v31 =	vadd.s32 v46, v31  }
0x2a3: {  	v60 =	vld [tilespmem:$0x1FAF0];
	v31 =	vor.u32 v41, v31  }
0x2a4: {  	v17 =	vcombine.low v17, v18;
	_ =	sdelay $0x1  }
0x2a5: {  	v18 =	vadd.s32 v17, v45  }
0x2a6: {  	[tilespmem:v59+s15+$0x0] =	vst.idx.msk $0xffff, v28;
	v28 =	vand.u32 $0xFFFFFFF8, v18  }
0x2a7: {  	v37 =	vor.u32 v60, v44;
	v18 =	vand.u32 $0x7, v18;
	v31 =	vld.idx.msk [tilespmem:v31+s12+$0x0], $0xffff;
	v28 =	vadd.s32 v46, v28  }
0x2a8: {  	v41 =	vld [tilespmem:$0x1FB00];
	v28 =	vor.u32 v18, v28  }
0x2a9: {  	v18 =	vcombine.low v19, v20;
	_ =	sdelay $0x1  }
0x2aa: {  	v19 =	vadd.s32 v18, v45  }
0x2ab: {  	v20 =	vand.u32 $0xFFFFFFF8, v19;
	[tilespmem:v37+s15+$0x0] =	vst.idx.msk $0xffff, v31  }
0x2ac: {  	v19 =	vand.u32 $0x7, v19;
	v31 =	vor.u32 v41, v44;
	v20 =	vadd.s32 v46, v20;
	v28 =	vld.idx.msk [tilespmem:v28+s12+$0x0], $0xffff  }
0x2ad: {  	v42 =	vld [tilespmem:$0x1FB10];
	v20 =	vor.u32 v19, v20  }
0x2ae: {  	v19 =	vcombine.low v21, v22;
	_ =	sdelay $0x1  }
0x2af: {  	v21 =	vadd.s32 v19, v45  }
0x2b0: {  	v22 =	vand.u32 $0xFFFFFFF8, v21;
	[tilespmem:v31+s15+$0x0] =	vst.idx.msk $0xffff, v28  }
0x2b1: {  	v31 =	vor.u32 v42, v44;
	v28 =	vld.idx.msk [tilespmem:v20+s12+$0x0], $0xffff;
	v20 =	vand.u32 $0x7, v21;
	v21 =	vadd.s32 v46, v22  }
0x2b2: {  	v43 =	vld [tilespmem:$0x1FB20];
	v21 =	vor.u32 v20, v21  }
0x2b3: {  	v20 =	vcombine.low v23, v24;
	_ =	sdelay $0x1  }
0x2b4: {  	v22 =	vadd.s32 v20, v45  }
0x2b5: {  	v23 =	vand.u32 $0xFFFFFFF8, v22;
	[tilespmem:v31+s15+$0x0] =	vst.idx.msk $0xffff, v28  }
0x2b6: {  	v28 =	vor.u32 v43, v44;
	v24 =	vld.idx.msk [tilespmem:v21+s12+$0x0], $0xffff;
	v21 =	vand.u32 $0x7, v22;
	v22 =	vadd.s32 v46, v23  }
0x2b7: {  	v47 =	vld [tilespmem:$0x1FB30];
	v22 =	vor.u32 v21, v22  }
0x2b8: {  	v21 =	vcombine.low v26, v27;
	_ =	sdelay $0x1  }
0x2b9: {  	v23 =	vadd.s32 v21, v45  }
0x2ba: {  	[tilespmem:v28+s15+$0x0] =	vst.idx.msk $0xffff, v24;
	v24 =	vand.u32 $0xFFFFFFF8, v23  }
0x2bb: {  	v27 =	vor.u32 v47, v44;
	v26 =	vld.idx.msk [tilespmem:v22+s12+$0x0], $0xffff;
	v22 =	vand.u32 $0x7, v23;
	v23 =	vadd.s32 v46, v24  }
0x2bc: {  	v48 =	vld [tilespmem:$0x1FB40];
	v23 =	vor.u32 v22, v23  }
0x2bd: {  	v22 =	vcombine.low v29, v30;
	_ =	sdelay $0x1  }
0x2be: {  	v24 =	vadd.s32 v22, v45  }
0x2bf: {  	[tilespmem:v27+s15+$0x0] =	vst.idx.msk $0xffff, v26;
	v26 =	vand.u32 $0xFFFFFFF8, v24  }
0x2c0: {  	v28 =	vor.u32 v48, v44;
	v27 =	vld.idx.msk [tilespmem:v23+s12+$0x0], $0xffff;
	v23 =	vand.u32 $0x7, v24;
	v24 =	vadd.s32 v46, v26  }
0x2c1: {  	v49 =	vld [tilespmem:$0x1FB50];
	v24 =	vor.u32 v23, v24  }
0x2c2: {  	v23 =	vcombine.low v25, v36  }
0x2c3: {  	v1 =	vld [tilespmem:$0x1FDE0]  }
0x2c4: {  	v2 =	vld [tilespmem:$0x1FDF0];
	v25 =	vadd.s32 v23, v45  }
0x2c5: {  	v3 =	vld [tilespmem:$0x1FE00];
	v26 =	vand.u32 $0xFFFFFFF8, v25;
	[tilespmem:v28+s15+$0x0] =	vst.idx.msk $0xffff, v27  }
0x2c6: {  	v28 =	vor.u32 v49, v44;
	v27 =	vld.idx.msk [tilespmem:v24+s12+$0x0], $0xffff;
	v24 =	vand.u32 $0x7, v25;
	v25 =	vadd.s32 v46, v26  }
0x2c7: {  	v50 =	vld [tilespmem:$0x1FB60];
	v25 =	vor.u32 v24, v25  }
0x2c8: {  	v4 =	vld [tilespmem:$0x1FE10]  }
0x2c9: {  	v58 =	vld [tilespmem:$0x1FE50];
	v24 =	vor.u32 $0x30, v51  }
0x2ca: {  	v5 =	vld [tilespmem:$0x1FE20];
	v26 =	vadd.s32 v24, v45  }
0x2cb: {  	v60 =	vld [tilespmem:$0x1FE30];
	[tilespmem:v28+s15+$0x0] =	vst.idx.msk $0xffff, v27;
	v27 =	vand.u32 $0xFFFFFFF8, v26  }
0x2cc: {  	v29 =	vor.u32 v50, v44;
	v28 =	vld.idx.msk [tilespmem:v25+s12+$0x0], $0xffff;
	v25 =	vand.u32 $0x7, v26;
	v26 =	vadd.s32 v46, v27  }
0x2cd: {  	v41 =	vsel vm0, v2, v1;
	v42 =	vsel vm0, v4, v3;
	v51 =	vld [tilespmem:$0x1FB70];
	v26 =	vor.u32 v25, v26  }
0x2ce: {  	v56 =	vld [tilespmem:$0x1FE40];
	v25 =	vcombine.low v42, v41  }
0x2cf: {  	[tilespmem:$0x1F770] =	vst v39;
	v39 =	vld [tilespmem:$0x1FE80]  }
0x2d0: {  	v8 =	vld [tilespmem:$0x1FE90];
	v27 =	vadd.s32 v25, v45  }
0x2d1: {  	v52 =	vld [tilespmem:$0x1FB80];
	[tilespmem:v29+s15+$0x0] =	vst.idx.msk $0xffff, v28;
	v28 =	vand.u32 $0xFFFFFFF8, v27  }
0x2d2: {  	v30 =	vor.u32 v51, v44;
	v29 =	vld.idx.msk [tilespmem:v26+s12+$0x0], $0xffff;
	v26 =	vand.u32 $0x7, v27;
	v27 =	vadd.s32 v46, v28  }
0x2d3: {  	v59 =	vld [tilespmem:$0x1FE60];
	v43 =	vsel vm0, v60, v5;
	v47 =	vsel vm0, v58, v56;
	v27 =	vor.u32 v26, v27  }
0x2d4: {  	v37 =	vld [tilespmem:$0x1FE70];
	v26 =	vcombine.low v47, v43  }
0x2d5: {  	v9 =	vld [tilespmem:$0x1FEA0]  }
0x2d6: {  	v10 =	vld [tilespmem:$0x1FEB0];
	v28 =	vadd.s32 v26, v45  }
0x2d7: {  	v11 =	vld [tilespmem:$0x1FEC0];
	[tilespmem:v30+s15+$0x0] =	vst.idx.msk $0xffff, v29;
	v29 =	vand.u32 $0xFFFFFFF8, v28  }
0x2d8: {  	v31 =	vor.u32 v52, v44;
	v30 =	vld.idx.msk [tilespmem:v27+s12+$0x0], $0xffff;
	v27 =	vand.u32 $0x7, v28;
	v28 =	vadd.s32 v46, v29  }
0x2d9: {  	v54 =	vld [tilespmem:$0x1FB90];
	v48 =	vsel vm0, v37, v59;
	v49 =	vsel vm0, v8, v39;
	v28 =	vor.u32 v27, v28  }
0x2da: {  	v12 =	vld [tilespmem:$0x1FED0];
	v27 =	vcombine.low v49, v48;
	_ =	sdelay $0x1  }
0x2db: {  	v29 =	vadd.s32 v27, v45  }
0x2dc: {  	[tilespmem:v31+s15+$0x0] =	vst.idx.msk $0xffff, v30;
	v30 =	vand.u32 $0xFFFFFFF8, v29  }
0x2dd: {  	[tilespmem:$0x1F760] =	vst v0;
	v0 =	vor.u32 v54, v44;
	v31 =	vld.idx.msk [tilespmem:v28+s12+$0x0], $0xffff;
	v28 =	vand.u32 $0x7, v29;
	v29 =	vadd.s32 v46, v30  }
0x2de: {  	v54 =	vld [tilespmem:$0x1FBA0];
	v50 =	vsel vm0, v10, v9;
	v51 =	vsel vm0, v12, v11;
	v29 =	vor.u32 v28, v29  }
0x2df: {  	v28 =	vcombine.low v51, v50;
	_ =	sdelay $0x1  }
0x2e0: {  	v30 =	vadd.s32 v28, v45  }
0x2e1: {  	v7 =	vmov v53;
	v53 =	vsel vm0, v3, v2;
	[tilespmem:v0+s15+$0x0] =	vst.idx.msk $0xffff, v31;
	v31 =	vand.u32 $0xFFFFFFF8, v30  }
0x2e2: {  	v52 =	vor.u32 v54, v44;
	v36 =	vld.idx.msk [tilespmem:v29+s12+$0x0], $0xffff;
	v29 =	vand.u32 $0x7, v30;
	v30 =	vadd.s32 v46, v31  }
0x2e3: {  	v54 =	vsel vm0, v1, v4;
	v4 =	vmovc v38;
	v38 =	vmovc v62;
	v62 =	vmov v55;
	v55 =	vld [tilespmem:$0x1FBB0];
	v30 =	vor.u32 v29, v30  }
0x2e4: {  	v29 =	vcombine.low v54, v53;
	_ =	sdelay $0x1  }
0x2e5: {  	v31 =	vadd.s32 v29, v45  }
0x2e6: {  	[tilespmem:v52+s15+$0x0] =	vst.idx.msk $0xffff, v36;
	v36 =	vand.u32 $0xFFFFFFF8, v31  }
0x2e7: {  	v55 =	vor.u32 v55, v44;
	v52 =	vld.idx.msk [tilespmem:v30+s12+$0x0], $0xffff;
	v30 =	vand.u32 $0x7, v31;
	v31 =	vadd.s32 v46, v36  }
0x2e8: {  	v56 =	vsel vm0, v56, v60;
	v60 =	vld [tilespmem:$0x1FBD0];
	v0 =	vmovc v57;
	v57 =	vsel vm0, v5, v58;
	v31 =	vor.u32 v30, v31  }
0x2e9: {  	v30 =	vcombine.low v57, v56;
	_ =	sdelay $0x1  }
0x2ea: {  	v36 =	vadd.s32 v30, v45  }
0x2eb: {  	[tilespmem:v55+s15+$0x0] =	vst.idx.msk $0xffff, v52;
	v52 =	vand.u32 $0xFFFFFFF8, v36  }
0x2ec: {  	v2 =	vor.u32 v60, v44;
	v55 =	vld.idx.msk [tilespmem:v31+s12+$0x0], $0xffff;
	v31 =	vand.u32 $0x7, v36;
	v60 =	vadd.s32 v46, v52  }
0x2ed: {  	v59 =	vsel vm0, v59, v8;
	v5 =	vmovc v61;
	v61 =	vld [tilespmem:$0x1FBF0];
	v52 =	vsel vm0, v39, v37;
	v36 =	vor.u32 v31, v60  }
0x2ee: {  	v31 =	vcombine.low v59, v52;
	_ =	sdelay $0x1  }
0x2ef: {  	v1 =	vadd.s32 v31, v45  }
0x2f0: {  	[tilespmem:v2+s15+$0x0] =	vst.idx.msk $0xffff, v55;
	v2 =	vand.u32 $0xFFFFFFF8, v1  }
0x2f1: {  	v61 =	vor.u32 v61, v44;
	v1 =	vand.u32 $0x7, v1;
	v58 =	vld.idx.msk [tilespmem:v36+s12+$0x0], $0xffff;
	v55 =	vadd.s32 v46, v2  }
0x2f2: {  	v37 =	vld [tilespmem:$0x1FC10];
	v2 =	vsel vm0, v11, v10;
	v55 =	vor.u32 v1, v55;
	v1 =	vsel vm0, v9, v12  }
0x2f3: {  	v36 =	vcombine.low v1, v2;
	_ =	sdelay $0x1  }
0x2f4: {  	v60 =	vadd.s32 v36, v45  }
0x2f5: {  	[tilespmem:v61+s15+$0x0] =	vst.idx.msk $0xffff, v58;
	v2 =	vand.u32 $0xFFFFFFF8, v60  }
0x2f6: {  	v61 =	vor.u32 v37, v44;
	v60 =	vand.u32 $0x7, v60;
	v55 =	vld.idx.msk [tilespmem:v55+s12+$0x0], $0xffff;
	v58 =	vadd.s32 v46, v2  }
0x2f7: {  	v3 =	vld [tilespmem:$0x1FC30];
	v58 =	vor.u32 v60, v58  }
0x2f8: {  	v41 =	vcombine.low v41, v42;
	_ =	sdelay $0x1  }
0x2f9: {  	v42 =	vadd.s32 v41, v45  }
0x2fa: {  	v39 =	vand.u32 $0xFFFFFFF8, v42;
	[tilespmem:v61+s15+$0x0] =	vst.idx.msk $0xffff, v55  }
0x2fb: {  	v42 =	vand.u32 $0x7, v42;
	v37 =	vor.u32 v3, v44;
	v55 =	vadd.s32 v46, v39;
	v58 =	vld.idx.msk [tilespmem:v58+s12+$0x0], $0xffff  }
0x2fc: {  	v61 =	vld [tilespmem:$0x1FC40];
	v55 =	vor.u32 v42, v55  }
0x2fd: {  	v42 =	vcombine.low v43, v47;
	_ =	sdelay $0x1  }
0x2fe: {  	v43 =	vadd.s32 v42, v45  }
0x2ff: {  	v39 =	vand.u32 $0xFFFFFFF8, v43;
	[tilespmem:v37+s15+$0x0] =	vst.idx.msk $0xffff, v58  }
0x300: {  	v43 =	vand.u32 $0x7, v43;
	v47 =	vadd.s32 v46, v39;
	v37 =	vor.u32 v61, v44;
	v55 =	vld.idx.msk [tilespmem:v55+s12+$0x0], $0xffff  }
0x301: {  	v47 =	vor.u32 v43, v47;
	v61 =	vld [tilespmem:$0x1FC60]  }
0x302: {  	v43 =	vcombine.low v48, v49;
	_ =	sdelay $0x1  }
0x303: {  	v48 =	vadd.s32 v43, v45  }
0x304: {  	v39 =	vand.u32 $0xFFFFFFF8, v48;
	[tilespmem:v37+s15+$0x0] =	vst.idx.msk $0xffff, v55  }
0x305: {  	v2 =	vand.u32 $0x7, v48;
	v1 =	vor.u32 v61, v44;
	v37 =	vadd.s32 v46, v39;
	v55 =	vld.idx.msk [tilespmem:v47+s12+$0x0], $0xffff  }
0x306: {  	v58 =	vld [tilespmem:$0x1FC80];
	v48 =	vor.u32 v2, v37  }
0x307: {  	v47 =	vcombine.low v50, v51;
	_ =	sdelay $0x1  }
0x308: {  	v49 =	vadd.s32 v47, v45  }
0x309: {  	v50 =	vand.u32 $0xFFFFFFF8, v49;
	[tilespmem:v1+s15+$0x0] =	vst.idx.msk $0xffff, v55  }
0x30a: {  	v61 =	vor.u32 v58, v44;
	v2 =	vadd.s32 v46, v50;
	v1 =	vand.u32 $0x7, v49;
	v39 =	vld.idx.msk [tilespmem:v48+s12+$0x0], $0xffff  }
0x30b: {  	v58 =	vld [tilespmem:$0x1FCA0];
	v49 =	vor.u32 v1, v2;
	_ =	sdelay $0x3  }
0x30c: {  	[tilespmem:v61+s15+$0x0] =	vst.idx.msk $0xffff, v39  }
0x30d: {  	v48 =	vcombine.low v53, v54;
	v61 =	vor.u32 v58, v44;
	v39 =	vld.idx.msk [tilespmem:v49+s12+$0x0], $0xffff;
	_ =	sdelay $0x1  }
0x30e: {  	v50 =	vadd.s32 v48, v45  }
0x30f: {  	v51 =	vand.u32 $0xFFFFFFF8, v50  }
0x310: {  	v1 =	vand.u32 $0x7, v50;
	v2 =	vadd.s32 v46, v51  }
0x311: {  	v50 =	vor.u32 v1, v2;
	[tilespmem:v61+s15+$0x0] =	vst.idx.msk $0xffff, v39;
	v61 =	vld [tilespmem:$0x1FCC0]  }
0x312: {  	v49 =	vcombine.low v56, v57;
	_ =	sdelay $0x1  }
0x313: {  	v51 =	vadd.s32 v49, v45  }
0x314: {  	v39 =	vand.u32 $0xFFFFFFF8, v51  }
0x315: {  	v58 =	vmovc v0;
	v54 =	vld.idx.msk [tilespmem:v50+s12+$0x0], $0xffff;
	v0 =	vadd.s32 v46, v39;
	v2 =	vor.u32 v61, v44;
	v61 =	vand.u32 $0x7, v51  }
0x316: {  	v51 =	vor.u32 v61, v0  }
0x317: {  	v50 =	vcombine.low v52, v59;
	_ =	sdelay $0x1  }
0x318: {  	v45 =	vadd.s32 v50, v45  }
0x319: {  	v1 =	vand.u32 $0xFFFFFFF8, v45;
	[tilespmem:v2+s15+$0x0] =	vst.idx.msk $0xffff, v54  }
0x31a: {  	v45 =	vand.u32 $0x7, v45;
	v46 =	vadd.s32 v46, v1;
	v2 =	vor.u32 v7, v44;
	v51 =	vld.idx.msk [tilespmem:v51+s12+$0x0], $0xffff  }
0x31b: {  	v45 =	vor.u32 v45, v46;
	v61 =	vld [tilespmem:$0x1FFD0]  }
0x31c: {  	v6 =	vld [tilespmem:$0x1FA10]  }
0x31d: {  	v8 =	vld [tilespmem:$0x1FC50]  }
0x31e: {  	v60 =	vld [tilespmem:$0x1FC20]  }
0x31f: {  	v37 =	vld [tilespmem:$0x1FC00];
	[tilespmem:v2+s15+$0x0] =	vst.idx.msk $0xffff, v51  }
0x320: {  	p1 =	sne.s32 s29, $0x70;
	v44 =	vor.u32 v61, v44;
	v45 =	vld.idx.msk [tilespmem:v45+s12+$0x0], $0xffff  }
.Ltmp0:
0x321: {  	v55 =	vmov v62;
	v62 =	vmov v38;
	v38 =	vmov v4;
	v4 =	vld [tilespmem:$0x1F9D0];
	(pc) =	sbr.rel @p1 .LBB2_3-.Ltmp0, $4  }
0x322: {  	v57 =	vld [tilespmem:$0x1FBC0]  }
0x323: {  	v56 =	vld [tilespmem:$0x1FFF0]  }
0x324: {  	v59 =	vld [tilespmem:$0x1FFE0]  }
0x325: {  	s30 =	sadd.s32 $0x10, s30;
	s29 =	sadd.s32 $0x10, s29;
	v53 =	vmov v7;
	v39 =	vmov v5;
	v5 =	vld [tilespmem:$0x1F9F0];
	v51 =	vlaneseq.u32;
	[tilespmem:v44+s15+$0x0] =	vst.idx.msk $0xffff, v45  }
0x326: {  	p1 =	seq.s32 s25, $0x63  }
0x327: {  	s28 =	sshrl.u32 @!p1 s28, $0x2  }
0x328: {  	s30 =	simm.s32 @!p1 $0x80;
	s31 =	simm.s32 @!p1 $0xC800;
	s29 =	sadd.s32 @!p1 $0x100, s28  }
0x329: {  	[tilespmem:s31], [sflag:$0x1] =	stream.indirect.gather @!p1 [hbm4b:s4+s30], $0x80, s29, s30, $0xb8;
	[tilespmem:$0x18800] =	vst v63  }
0x32a: {  	s29 =	sshll.u32 s25, $0x13  }
0x32b: {  	s29 =	sor.u32 s7, s29  }
0x32c: {  	s29 =	sshrl.u32 s29, $0x3  }
0x32d: {  	s29 =	sadd.s32 s2, s29  }
0x32e: {  	[hbm4b:s29+s16] =	stream.strided.scatter [tilespmem:s15], [sflag:$0x3], $0x2000, s17, s16, $0x38;
	[tilespmem:$0x18800] =	vst v63  }
0x32f: {  	_ =	swait.ge [sflag:s18], $0x4000  }
0x330: {  	[sflag:s18] =	ssyncset.done $0x0  }
0x331: {  	s29 =	simm.s32 @!p0 $0x4;
	[sflag:s18] =	ssyncadd.s32 $0xFFFFC000  }
0x332: {  	_ =	swait.ge @!p0 [sflag:s29], $0x2000  }
0x333: {  	v0 =	vld [tilespmem:$0x1F810]  }
0x334: {  	v1 =	vld [tilespmem:$0x1F820]  }
0x335: {  	s26 =	sor.u32 $0x1, s26;
	[sflag:s29] =	ssyncset.done @!p0 $0x0;
	v2 =	vld [tilespmem:$0x1F830]  }
0x336: {  	v11 =	vmov v32;
	v12 =	vmov v35;
	s30 =	smov.u32 s24;
	v3 =	vld [tilespmem:$0x1F840];
	[sflag:s29] =	ssyncadd.s32 @!p0 $0xFFFFE000;
	s29 =	simm.s32 $0x0  }
.LBB2_5:
0x337: {  	v45 =	vld [tilespmem:s30+$0x0];
	_ =	sdelay $0x3  }
0x338: {  	v46 =	vlaneseq.u32  }
0x339: {  	v32 =	vadd.s32 v46, v45  }
0x33a: {  	v44 =	vor.u32 s29, v51;
	v52 =	vand.u32 $0xFFFFFFF8, v32;
	v51 =	vand.u32 $0x7, v32;
	v32 =	vld [tilespmem:$0x1F7C0];
	_ =	sdelay $0x1  }
0x33b: {  	v46 =	vshll.u32 v44, $0x7  }
0x33c: {  	v52 =	vadd.s32 v46, v52  }
0x33d: {  	v51 =	vor.u32 v51, v52  }
0x33e: {  	v35 =	vadd.s32 v32, v45  }
0x33f: {  	v53 =	vand.u32 $0xFFFFFFF8, v35  }
0x340: {  	v52 =	vand.u32 $0x7, v35;
	v53 =	vadd.s32 v46, v53  }
0x341: {  	v44 =	vand.u32 $0x78, v44;
	v52 =	vor.u32 v52, v53;
	v53 =	vld [tilespmem:$0x1F7E0]  }
0x342: {  	v54 =	vor.u32 v55, v44;
	v51 =	vld.idx.msk [tilespmem:v51+s13+$0x0], $0xffff  }
0x343: {  	v61 =	vld [tilespmem:$0x1F7D0];
	_ =	sdelay $0x2  }
0x344: {  	v53 =	vadd.s32 v53, v45  }
0x345: {  	[tilespmem:v54+s19+$0x0] =	vst.idx.msk $0xffff, v51;
	v51 =	vand.u32 $0xFFFFFFF8, v53  }
0x346: {  	v54 =	vor.u32 v61, v44;
	v52 =	vld.idx.msk [tilespmem:v52+s13+$0x0], $0xffff;
	v53 =	vand.u32 $0x7, v53;
	v51 =	vadd.s32 v46, v51  }
0x347: {  	v51 =	vor.u32 v53, v51;
	_ =	sdelay $0x1  }
0x348: {  	v53 =	vld [tilespmem:$0x1F7F0];
	_ =	sdelay $0x1  }
0x349: {  	[tilespmem:v54+s19+$0x0] =	vst.idx.msk $0xffff, v52  }
0x34a: {  	v35 =	vor.u32 v59, v44;
	v51 =	vld.idx.msk [tilespmem:v51+s13+$0x0], $0xffff;
	_ =	sdelay $0x1  }
0x34b: {  	v61 =	vadd.s32 v53, v45  }
0x34c: {  	v32 =	vand.u32 $0xFFFFFFF8, v61  }
0x34d: {  	v53 =	vand.u32 $0x7, v61;
	v52 =	vadd.s32 v46, v32  }
0x34e: {  	v52 =	vor.u32 v53, v52;
	[tilespmem:v35+s19+$0x0] =	vst.idx.msk $0xffff, v51;
	v35 =	vld [tilespmem:$0x1F800];
	_ =	sdelay $0x2  }
0x34f: {  	v53 =	vadd.s32 v62, v45  }
0x350: {  	v51 =	vand.u32 $0xFFFFFFF8, v53  }
0x351: {  	v53 =	vand.u32 $0x7, v53;
	v51 =	vadd.s32 v46, v51;
	v52 =	vld.idx.msk [tilespmem:v52+s13+$0x0], $0xffff;
	v61 =	vor.u32 v35, v44  }
0x352: {  	v51 =	vor.u32 v53, v51;
	_ =	sdelay $0x2  }
0x353: {  	v32 =	vadd.s32 v57, v45  }
0x354: {  	v35 =	vand.u32 $0xFFFFFFF8, v32;
	[tilespmem:v61+s19+$0x0] =	vst.idx.msk $0xffff, v52  }
0x355: {  	v53 =	vand.u32 $0x7, v32;
	v61 =	vor.u32 v56, v44;
	v52 =	vadd.s32 v46, v35;
	v51 =	vld.idx.msk [tilespmem:v51+s13+$0x0], $0xffff  }
0x356: {  	v52 =	vor.u32 v53, v52;
	_ =	sdelay $0x2  }
0x357: {  	v32 =	vadd.s32 v37, v45  }
0x358: {  	v35 =	vand.u32 $0xFFFFFFF8, v32;
	[tilespmem:v61+s19+$0x0] =	vst.idx.msk $0xffff, v51  }
0x359: {  	v53 =	vand.u32 $0x7, v32;
	v61 =	vor.u32 v58, v44;
	v51 =	vadd.s32 v46, v35;
	v52 =	vld.idx.msk [tilespmem:v52+s13+$0x0], $0xffff  }
0x35a: {  	v51 =	vor.u32 v53, v51;
	_ =	sdelay $0x2  }
0x35b: {  	v32 =	vadd.s32 v8, v45  }
0x35c: {  	v35 =	vand.u32 $0xFFFFFFF8, v32;
	[tilespmem:v61+s19+$0x0] =	vst.idx.msk $0xffff, v52  }
0x35d: {  	v53 =	vand.u32 $0x7, v32;
	v61 =	vor.u32 v60, v44;
	v52 =	vadd.s32 v46, v35;
	v51 =	vld.idx.msk [tilespmem:v51+s13+$0x0], $0xffff  }
0x35e: {  	v52 =	vor.u32 v53, v52;
	_ =	sdelay $0x2  }
0x35f: {  	v32 =	vadd.s32 v4, v45  }
0x360: {  	v35 =	vand.u32 $0xFFFFFFF8, v32;
	[tilespmem:v61+s19+$0x0] =	vst.idx.msk $0xffff, v51  }
0x361: {  	v53 =	vand.u32 $0x7, v32;
	v61 =	vor.u32 v38, v44;
	v51 =	vadd.s32 v46, v35;
	v52 =	vld.idx.msk [tilespmem:v52+s13+$0x0], $0xffff  }
0x362: {  	v51 =	vor.u32 v53, v51;
	_ =	sdelay $0x2  }
0x363: {  	v32 =	vadd.s32 v5, v45  }
0x364: {  	v35 =	vand.u32 $0xFFFFFFF8, v32;
	[tilespmem:v61+s19+$0x0] =	vst.idx.msk $0xffff, v52  }
0x365: {  	v53 =	vand.u32 $0x7, v32;
	v61 =	vor.u32 v39, v44;
	v52 =	vadd.s32 v46, v35;
	v51 =	vld.idx.msk [tilespmem:v51+s13+$0x0], $0xffff  }
0x366: {  	v52 =	vor.u32 v53, v52;
	_ =	sdelay $0x2  }
0x367: {  	v32 =	vadd.s32 v6, v45  }
0x368: {  	v35 =	vand.u32 $0xFFFFFFF8, v32;
	[tilespmem:v61+s19+$0x0] =	vst.idx.msk $0xffff, v51  }
0x369: {  	v53 =	vand.u32 $0x7, v32;
	v61 =	vor.u32 v40, v44;
	v51 =	vadd.s32 v46, v35;
	v52 =	vld.idx.msk [tilespmem:v52+s13+$0x0], $0xffff  }
0x36a: {  	v51 =	vor.u32 v53, v51;
	_ =	sdelay $0x2  }
0x36b: {  	v32 =	vadd.s32 v1, v45  }
0x36c: {  	v35 =	vand.u32 $0xFFFFFFF8, v32;
	[tilespmem:v61+s19+$0x0] =	vst.idx.msk $0xffff, v52  }
0x36d: {  	v53 =	vand.u32 $0x7, v32;
	v61 =	vor.u32 v0, v44;
	v52 =	vadd.s32 v46, v35;
	v51 =	vld.idx.msk [tilespmem:v51+s13+$0x0], $0xffff  }
0x36e: {  	v52 =	vor.u32 v53, v52;
	_ =	sdelay $0x3  }
0x36f: {  	[tilespmem:v61+s19+$0x0] =	vst.idx.msk $0xffff, v51  }
0x370: {  	v61 =	vor.u32 v2, v44;
	v52 =	vld.idx.msk [tilespmem:v52+s13+$0x0], $0xffff;
	_ =	sdelay $0x1  }
0x371: {  	v32 =	vadd.s32 v3, v45  }
0x372: {  	v35 =	vand.u32 $0xFFFFFFF8, v32;
	v53 =	vand.u32 $0x7, v32;
	v32 =	vld [tilespmem:$0x1F860]  }
0x373: {  	v51 =	vadd.s32 v46, v35  }
0x374: {  	v51 =	vor.u32 v53, v51;
	[tilespmem:v61+s19+$0x0] =	vst.idx.msk $0xffff, v52;
	v61 =	vld [tilespmem:$0x1F850];
	_ =	sdelay $0x2  }
0x375: {  	v53 =	vadd.s32 v32, v45  }
0x376: {  	v32 =	vld [tilespmem:$0x1F880];
	v35 =	vand.u32 $0xFFFFFFF8, v53  }
0x377: {  	v53 =	vand.u32 $0x7, v53;
	v52 =	vadd.s32 v46, v35;
	v51 =	vld.idx.msk [tilespmem:v51+s13+$0x0], $0xffff;
	v54 =	vor.u32 v61, v44  }
0x378: {  	v52 =	vor.u32 v53, v52;
	v61 =	vld [tilespmem:$0x1F870];
	_ =	sdelay $0x2  }
0x379: {  	v53 =	vadd.s32 v32, v45  }
0x37a: {  	v32 =	vld [tilespmem:$0x1F8A0];
	v35 =	vand.u32 $0xFFFFFFF8, v53;
	[tilespmem:v54+s19+$0x0] =	vst.idx.msk $0xffff, v51  }
0x37b: {  	v53 =	vand.u32 $0x7, v53;
	v54 =	vor.u32 v61, v44;
	v51 =	vadd.s32 v46, v35;
	v52 =	vld.idx.msk [tilespmem:v52+s13+$0x0], $0xffff  }
0x37c: {  	v61 =	vld [tilespmem:$0x1F890];
	v51 =	vor.u32 v53, v51;
	_ =	sdelay $0x2  }
0x37d: {  	v53 =	vadd.s32 v32, v45  }
0x37e: {  	v32 =	vld [tilespmem:$0x1FF60];
	v35 =	vand.u32 $0xFFFFFFF8, v53;
	[tilespmem:v54+s19+$0x0] =	vst.idx.msk $0xffff, v52  }
0x37f: {  	v53 =	vand.u32 $0x7, v53;
	v54 =	vor.u32 v61, v44;
	v52 =	vadd.s32 v46, v35;
	v51 =	vld.idx.msk [tilespmem:v51+s13+$0x0], $0xffff  }
0x380: {  	v61 =	vld [tilespmem:$0x1F8B0];
	v52 =	vor.u32 v53, v52;
	_ =	sdelay $0x2  }
0x381: {  	v53 =	vadd.s32 v32, v45  }
0x382: {  	v32 =	vld [tilespmem:$0x1FF90];
	v35 =	vand.u32 $0xFFFFFFF8, v53;
	[tilespmem:v54+s19+$0x0] =	vst.idx.msk $0xffff, v51  }
0x383: {  	v53 =	vand.u32 $0x7, v53;
	v54 =	vor.u32 v61, v44;
	v51 =	vadd.s32 v46, v35;
	v52 =	vld.idx.msk [tilespmem:v52+s13+$0x0], $0xffff  }
0x384: {  	v61 =	vld [tilespmem:$0x1F8C0];
	v51 =	vor.u32 v53, v51;
	_ =	sdelay $0x2  }
0x385: {  	v53 =	vadd.s32 v32, v45  }
0x386: {  	v32 =	vld [tilespmem:$0x1FFC0];
	v35 =	vand.u32 $0xFFFFFFF8, v53;
	[tilespmem:v54+s19+$0x0] =	vst.idx.msk $0xffff, v52  }
0x387: {  	v53 =	vand.u32 $0x7, v53;
	v54 =	vor.u32 v61, v44;
	v52 =	vadd.s32 v46, v35;
	v51 =	vld.idx.msk [tilespmem:v51+s13+$0x0], $0xffff  }
0x388: {  	v61 =	vld [tilespmem:$0x1F8D0];
	v52 =	vor.u32 v53, v52;
	_ =	sdelay $0x2  }
0x389: {  	v53 =	vadd.s32 v32, v45  }
0x38a: {  	v32 =	vld [tilespmem:$0x1F6F0];
	v35 =	vand.u32 $0xFFFFFFF8, v53;
	[tilespmem:v54+s19+$0x0] =	vst.idx.msk $0xffff, v51  }
0x38b: {  	v53 =	vand.u32 $0x7, v53;
	v54 =	vor.u32 v61, v44;
	v51 =	vadd.s32 v46, v35;
	v52 =	vld.idx.msk [tilespmem:v52+s13+$0x0], $0xffff  }
0x38c: {  	v61 =	vld [tilespmem:$0x1F8E0];
	v51 =	vor.u32 v53, v51;
	_ =	sdelay $0x2  }
0x38d: {  	v53 =	vadd.s32 v32, v45  }
0x38e: {  	v32 =	vld [tilespmem:$0x1F700];
	v35 =	vand.u32 $0xFFFFFFF8, v53;
	[tilespmem:v54+s19+$0x0] =	vst.idx.msk $0xffff, v52  }
0x38f: {  	v53 =	vand.u32 $0x7, v53;
	v54 =	vor.u32 v61, v44;
	v52 =	vadd.s32 v46, v35;
	v51 =	vld.idx.msk [tilespmem:v51+s13+$0x0], $0xffff  }
0x390: {  	v61 =	vld [tilespmem:$0x1F930];
	v52 =	vor.u32 v53, v52;
	_ =	sdelay $0x2  }
0x391: {  	v53 =	vadd.s32 v32, v45  }
0x392: {  	v32 =	vld [tilespmem:$0x1F710];
	v35 =	vand.u32 $0xFFFFFFF8, v53;
	[tilespmem:v54+s19+$0x0] =	vst.idx.msk $0xffff, v51  }
0x393: {  	v53 =	vand.u32 $0x7, v53;
	v54 =	vor.u32 v61, v44;
	v51 =	vadd.s32 v46, v35;
	v52 =	vld.idx.msk [tilespmem:v52+s13+$0x0], $0xffff  }
0x394: {  	v61 =	vld [tilespmem:$0x1F980];
	v51 =	vor.u32 v53, v51;
	_ =	sdelay $0x2  }
0x395: {  	v53 =	vadd.s32 v32, v45  }
0x396: {  	v32 =	vld [tilespmem:$0x1F720];
	v35 =	vand.u32 $0xFFFFFFF8, v53;
	[tilespmem:v54+s19+$0x0] =	vst.idx.msk $0xffff, v52  }
0x397: {  	v53 =	vand.u32 $0x7, v53;
	v54 =	vor.u32 v61, v44;
	v52 =	vadd.s32 v46, v35;
	v51 =	vld.idx.msk [tilespmem:v51+s13+$0x0], $0xffff  }
0x398: {  	v61 =	vld [tilespmem:$0x1F990];
	v52 =	vor.u32 v53, v52;
	_ =	sdelay $0x2  }
0x399: {  	v53 =	vadd.s32 v32, v45  }
0x39a: {  	v32 =	vld [tilespmem:$0x1F730];
	v35 =	vand.u32 $0xFFFFFFF8, v53;
	[tilespmem:v54+s19+$0x0] =	vst.idx.msk $0xffff, v51  }
0x39b: {  	v53 =	vand.u32 $0x7, v53;
	v54 =	vor.u32 v61, v44;
	v51 =	vadd.s32 v46, v35;
	v52 =	vld.idx.msk [tilespmem:v52+s13+$0x0], $0xffff  }
0x39c: {  	v61 =	vld [tilespmem:$0x1F9A0];
	v51 =	vor.u32 v53, v51;
	_ =	sdelay $0x2  }
0x39d: {  	v53 =	vadd.s32 v32, v45  }
0x39e: {  	v32 =	vld [tilespmem:$0x1F740];
	v35 =	vand.u32 $0xFFFFFFF8, v53;
	[tilespmem:v54+s19+$0x0] =	vst.idx.msk $0xffff, v52  }
0x39f: {  	v53 =	vand.u32 $0x7, v53;
	v54 =	vor.u32 v61, v44;
	v52 =	vadd.s32 v46, v35;
	v51 =	vld.idx.msk [tilespmem:v51+s13+$0x0], $0xffff  }
0x3a0: {  	v61 =	vld [tilespmem:$0x1F9B0];
	v52 =	vor.u32 v53, v52;
	_ =	sdelay $0x2  }
0x3a1: {  	v53 =	vadd.s32 v32, v45  }
0x3a2: {  	v32 =	vld [tilespmem:$0x1F750];
	v35 =	vand.u32 $0xFFFFFFF8, v53;
	[tilespmem:v54+s19+$0x0] =	vst.idx.msk $0xffff, v51  }
0x3a3: {  	v53 =	vand.u32 $0x7, v53;
	v54 =	vor.u32 v61, v44;
	v51 =	vadd.s32 v46, v35;
	v52 =	vld.idx.msk [tilespmem:v52+s13+$0x0], $0xffff  }
0x3a4: {  	v61 =	vld [tilespmem:$0x1F9C0];
	v51 =	vor.u32 v53, v51;
	_ =	sdelay $0x2  }
0x3a5: {  	v53 =	vadd.s32 v32, v45  }
0x3a6: {  	v32 =	vld [tilespmem:$0x1F760];
	v35 =	vand.u32 $0xFFFFFFF8, v53;
	[tilespmem:v54+s19+$0x0] =	vst.idx.msk $0xffff, v52  }
0x3a7: {  	v53 =	vand.u32 $0x7, v53;
	v54 =	vor.u32 v61, v44;
	v52 =	vadd.s32 v46, v35;
	v51 =	vld.idx.msk [tilespmem:v51+s13+$0x0], $0xffff  }
0x3a8: {  	v61 =	vld [tilespmem:$0x1F9E0];
	v52 =	vor.u32 v53, v52;
	_ =	sdelay $0x2  }
0x3a9: {  	v53 =	vadd.s32 v32, v45  }
0x3aa: {  	v32 =	vld [tilespmem:$0x1F770];
	v35 =	vand.u32 $0xFFFFFFF8, v53;
	[tilespmem:v54+s19+$0x0] =	vst.idx.msk $0xffff, v51  }
0x3ab: {  	v53 =	vand.u32 $0x7, v53;
	v54 =	vor.u32 v61, v44;
	v51 =	vadd.s32 v46, v35;
	v52 =	vld.idx.msk [tilespmem:v52+s13+$0x0], $0xffff  }
0x3ac: {  	v61 =	vld [tilespmem:$0x1FA00];
	v51 =	vor.u32 v53, v51;
	_ =	sdelay $0x2  }
0x3ad: {  	v53 =	vadd.s32 v32, v45  }
0x3ae: {  	v32 =	vld [tilespmem:$0x1F780];
	v35 =	vand.u32 $0xFFFFFFF8, v53;
	[tilespmem:v54+s19+$0x0] =	vst.idx.msk $0xffff, v52  }
0x3af: {  	v53 =	vand.u32 $0x7, v53;
	v54 =	vor.u32 v61, v44;
	v52 =	vadd.s32 v46, v35;
	v51 =	vld.idx.msk [tilespmem:v51+s13+$0x0], $0xffff  }
0x3b0: {  	v61 =	vld [tilespmem:$0x1FA20];
	v52 =	vor.u32 v53, v52;
	_ =	sdelay $0x2  }
0x3b1: {  	v53 =	vadd.s32 v32, v45  }
0x3b2: {  	v32 =	vld [tilespmem:$0x1F790];
	v35 =	vand.u32 $0xFFFFFFF8, v53;
	[tilespmem:v54+s19+$0x0] =	vst.idx.msk $0xffff, v51  }
0x3b3: {  	v53 =	vand.u32 $0x7, v53;
	v54 =	vor.u32 v61, v44;
	v51 =	vadd.s32 v46, v35;
	v52 =	vld.idx.msk [tilespmem:v52+s13+$0x0], $0xffff  }
0x3b4: {  	v61 =	vld [tilespmem:$0x1FA30];
	v51 =	vor.u32 v53, v51;
	_ =	sdelay $0x2  }
0x3b5: {  	v53 =	vadd.s32 v32, v45  }
0x3b6: {  	v32 =	vld [tilespmem:$0x1F7A0];
	v35 =	vand.u32 $0xFFFFFFF8, v53;
	[tilespmem:v54+s19+$0x0] =	vst.idx.msk $0xffff, v52  }
0x3b7: {  	v53 =	vand.u32 $0x7, v53;
	v54 =	vor.u32 v61, v44;
	v52 =	vadd.s32 v46, v35;
	v51 =	vld.idx.msk [tilespmem:v51+s13+$0x0], $0xffff  }
0x3b8: {  	v61 =	vld [tilespmem:$0x1FA40];
	v52 =	vor.u32 v53, v52;
	_ =	sdelay $0x2  }
0x3b9: {  	v53 =	vadd.s32 v32, v45  }
0x3ba: {  	v32 =	vld [tilespmem:$0x1F7B0];
	v35 =	vand.u32 $0xFFFFFFF8, v53;
	[tilespmem:v54+s19+$0x0] =	vst.idx.msk $0xffff, v51  }
0x3bb: {  	v53 =	vand.u32 $0x7, v53;
	v54 =	vor.u32 v61, v44;
	v51 =	vadd.s32 v46, v35;
	v52 =	vld.idx.msk [tilespmem:v52+s13+$0x0], $0xffff  }
0x3bc: {  	v61 =	vld [tilespmem:$0x1FA50];
	v51 =	vor.u32 v53, v51;
	_ =	sdelay $0x2  }
0x3bd: {  	v53 =	vadd.s32 v32, v45  }
0x3be: {  	v35 =	vand.u32 $0xFFFFFFF8, v53;
	[tilespmem:v54+s19+$0x0] =	vst.idx.msk $0xffff, v52  }
0x3bf: {  	v53 =	vand.u32 $0x7, v53;
	v54 =	vor.u32 v61, v44;
	v52 =	vadd.s32 v46, v35;
	v51 =	vld.idx.msk [tilespmem:v51+s13+$0x0], $0xffff  }
0x3c0: {  	v61 =	vld [tilespmem:$0x1FA60];
	v52 =	vor.u32 v53, v52;
	_ =	sdelay $0x2  }
0x3c1: {  	v32 =	vadd.s32 v63, v45  }
0x3c2: {  	v35 =	vand.u32 $0xFFFFFFF8, v32;
	[tilespmem:v54+s19+$0x0] =	vst.idx.msk $0xffff, v51  }
0x3c3: {  	v53 =	vand.u32 $0x7, v32;
	v54 =	vor.u32 v61, v44;
	v51 =	vadd.s32 v46, v35;
	v52 =	vld.idx.msk [tilespmem:v52+s13+$0x0], $0xffff  }
0x3c4: {  	v61 =	vld [tilespmem:$0x1FA70];
	v51 =	vor.u32 v53, v51;
	_ =	sdelay $0x2  }
0x3c5: {  	v32 =	vadd.s32 v33, v45  }
0x3c6: {  	v35 =	vand.u32 $0xFFFFFFF8, v32;
	[tilespmem:v54+s19+$0x0] =	vst.idx.msk $0xffff, v52  }
0x3c7: {  	v53 =	vand.u32 $0x7, v32;
	v54 =	vor.u32 v61, v44;
	v52 =	vadd.s32 v46, v35;
	v51 =	vld.idx.msk [tilespmem:v51+s13+$0x0], $0xffff  }
0x3c8: {  	v61 =	vld [tilespmem:$0x1FA80];
	v52 =	vor.u32 v53, v52;
	_ =	sdelay $0x2  }
0x3c9: {  	v32 =	vadd.s32 v34, v45  }
0x3ca: {  	v35 =	vand.u32 $0xFFFFFFF8, v32;
	[tilespmem:v54+s19+$0x0] =	vst.idx.msk $0xffff, v51  }
0x3cb: {  	v53 =	vand.u32 $0x7, v32;
	v54 =	vor.u32 v61, v44;
	v51 =	vadd.s32 v46, v35;
	v52 =	vld.idx.msk [tilespmem:v52+s13+$0x0], $0xffff  }
0x3cc: {  	v61 =	vld [tilespmem:$0x1FA90];
	v51 =	vor.u32 v53, v51;
	_ =	sdelay $0x2  }
0x3cd: {  	v32 =	vadd.s32 v11, v45  }
0x3ce: {  	v35 =	vand.u32 $0xFFFFFFF8, v32;
	[tilespmem:v54+s19+$0x0] =	vst.idx.msk $0xffff, v52  }
0x3cf: {  	v53 =	vand.u32 $0x7, v32;
	v54 =	vor.u32 v61, v44;
	v52 =	vadd.s32 v46, v35;
	v51 =	vld.idx.msk [tilespmem:v51+s13+$0x0], $0xffff  }
0x3d0: {  	v61 =	vld [tilespmem:$0x1FAA0];
	v52 =	vor.u32 v53, v52;
	_ =	sdelay $0x2  }
0x3d1: {  	v32 =	vadd.s32 v12, v45  }
0x3d2: {  	v35 =	vand.u32 $0xFFFFFFF8, v32;
	[tilespmem:v54+s19+$0x0] =	vst.idx.msk $0xffff, v51  }
0x3d3: {  	v53 =	vand.u32 $0x7, v32;
	v54 =	vor.u32 v61, v44;
	v51 =	vadd.s32 v46, v35;
	v52 =	vld.idx.msk [tilespmem:v52+s13+$0x0], $0xffff  }
0x3d4: {  	v61 =	vld [tilespmem:$0x1FAB0];
	v51 =	vor.u32 v53, v51;
	_ =	sdelay $0x2  }
0x3d5: {  	v32 =	vadd.s32 v13, v45  }
0x3d6: {  	v35 =	vand.u32 $0xFFFFFFF8, v32;
	[tilespmem:v54+s19+$0x0] =	vst.idx.msk $0xffff, v52  }
0x3d7: {  	v53 =	vand.u32 $0x7, v32;
	v54 =	vor.u32 v61, v44;
	v52 =	vadd.s32 v46, v35;
	v51 =	vld.idx.msk [tilespmem:v51+s13+$0x0], $0xffff  }
0x3d8: {  	v61 =	vld [tilespmem:$0x1FAC0];
	v52 =	vor.u32 v53, v52;
	_ =	sdelay $0x2  }
0x3d9: {  	v32 =	vadd.s32 v14, v45  }
0x3da: {  	v35 =	vand.u32 $0xFFFFFFF8, v32;
	[tilespmem:v54+s19+$0x0] =	vst.idx.msk $0xffff, v51  }
0x3db: {  	v53 =	vand.u32 $0x7, v32;
	v54 =	vor.u32 v61, v44;
	v51 =	vadd.s32 v46, v35;
	v52 =	vld.idx.msk [tilespmem:v52+s13+$0x0], $0xffff  }
0x3dc: {  	v61 =	vld [tilespmem:$0x1FAD0];
	v51 =	vor.u32 v53, v51;
	_ =	sdelay $0x2  }
0x3dd: {  	v32 =	vadd.s32 v15, v45  }
0x3de: {  	v35 =	vand.u32 $0xFFFFFFF8, v32;
	[tilespmem:v54+s19+$0x0] =	vst.idx.msk $0xffff, v52  }
0x3df: {  	v53 =	vand.u32 $0x7, v32;
	v54 =	vor.u32 v61, v44;
	v52 =	vadd.s32 v46, v35;
	v51 =	vld.idx.msk [tilespmem:v51+s13+$0x0], $0xffff  }
0x3e0: {  	v61 =	vld [tilespmem:$0x1FAE0];
	v52 =	vor.u32 v53, v52;
	_ =	sdelay $0x2  }
0x3e1: {  	v32 =	vadd.s32 v16, v45  }
0x3e2: {  	v35 =	vand.u32 $0xFFFFFFF8, v32;
	[tilespmem:v54+s19+$0x0] =	vst.idx.msk $0xffff, v51  }
0x3e3: {  	v53 =	vand.u32 $0x7, v32;
	v54 =	vor.u32 v61, v44;
	v51 =	vadd.s32 v46, v35;
	v52 =	vld.idx.msk [tilespmem:v52+s13+$0x0], $0xffff  }
0x3e4: {  	v61 =	vld [tilespmem:$0x1FAF0];
	v51 =	vor.u32 v53, v51;
	_ =	sdelay $0x2  }
0x3e5: {  	v32 =	vadd.s32 v17, v45  }
0x3e6: {  	v35 =	vand.u32 $0xFFFFFFF8, v32;
	[tilespmem:v54+s19+$0x0] =	vst.idx.msk $0xffff, v52  }
0x3e7: {  	v53 =	vand.u32 $0x7, v32;
	v54 =	vor.u32 v61, v44;
	v52 =	vadd.s32 v46, v35;
	v51 =	vld.idx.msk [tilespmem:v51+s13+$0x0], $0xffff  }
0x3e8: {  	v61 =	vld [tilespmem:$0x1FB00];
	v52 =	vor.u32 v53, v52;
	_ =	sdelay $0x2  }
0x3e9: {  	v32 =	vadd.s32 v18, v45  }
0x3ea: {  	v35 =	vand.u32 $0xFFFFFFF8, v32;
	[tilespmem:v54+s19+$0x0] =	vst.idx.msk $0xffff, v51  }
0x3eb: {  	v53 =	vand.u32 $0x7, v32;
	v54 =	vor.u32 v61, v44;
	v51 =	vadd.s32 v46, v35;
	v52 =	vld.idx.msk [tilespmem:v52+s13+$0x0], $0xffff  }
0x3ec: {  	v61 =	vld [tilespmem:$0x1FB10];
	v51 =	vor.u32 v53, v51;
	_ =	sdelay $0x2  }
0x3ed: {  	v32 =	vadd.s32 v19, v45  }
0x3ee: {  	v35 =	vand.u32 $0xFFFFFFF8, v32;
	[tilespmem:v54+s19+$0x0] =	vst.idx.msk $0xffff, v52  }
0x3ef: {  	v53 =	vand.u32 $0x7, v32;
	v54 =	vor.u32 v61, v44;
	v52 =	vadd.s32 v46, v35;
	v51 =	vld.idx.msk [tilespmem:v51+s13+$0x0], $0xffff  }
0x3f0: {  	v61 =	vld [tilespmem:$0x1FB20];
	v52 =	vor.u32 v53, v52;
	_ =	sdelay $0x2  }
0x3f1: {  	v32 =	vadd.s32 v20, v45  }
0x3f2: {  	v35 =	vand.u32 $0xFFFFFFF8, v32;
	[tilespmem:v54+s19+$0x0] =	vst.idx.msk $0xffff, v51  }
0x3f3: {  	v53 =	vand.u32 $0x7, v32;
	v54 =	vor.u32 v61, v44;
	v51 =	vadd.s32 v46, v35;
	v52 =	vld.idx.msk [tilespmem:v52+s13+$0x0], $0xffff  }
0x3f4: {  	v61 =	vld [tilespmem:$0x1FB30];
	v51 =	vor.u32 v53, v51;
	_ =	sdelay $0x2  }
0x3f5: {  	v32 =	vadd.s32 v21, v45  }
0x3f6: {  	v35 =	vand.u32 $0xFFFFFFF8, v32;
	[tilespmem:v54+s19+$0x0] =	vst.idx.msk $0xffff, v52  }
0x3f7: {  	v53 =	vand.u32 $0x7, v32;
	v54 =	vor.u32 v61, v44;
	v52 =	vadd.s32 v46, v35;
	v51 =	vld.idx.msk [tilespmem:v51+s13+$0x0], $0xffff  }
0x3f8: {  	v61 =	vld [tilespmem:$0x1FB40];
	v52 =	vor.u32 v53, v52;
	_ =	sdelay $0x2  }
0x3f9: {  	v32 =	vadd.s32 v22, v45  }
0x3fa: {  	v35 =	vand.u32 $0xFFFFFFF8, v32;
	[tilespmem:v54+s19+$0x0] =	vst.idx.msk $0xffff, v51  }
0x3fb: {  	v53 =	vand.u32 $0x7, v32;
	v54 =	vor.u32 v61, v44;
	v51 =	vadd.s32 v46, v35;
	v52 =	vld.idx.msk [tilespmem:v52+s13+$0x0], $0xffff  }
0x3fc: {  	v61 =	vld [tilespmem:$0x1FB50];
	v51 =	vor.u32 v53, v51;
	_ =	sdelay $0x2  }
0x3fd: {  	v32 =	vadd.s32 v23, v45  }
0x3fe: {  	v35 =	vand.u32 $0xFFFFFFF8, v32;
	[tilespmem:v54+s19+$0x0] =	vst.idx.msk $0xffff, v52  }
0x3ff: {  	v53 =	vand.u32 $0x7, v32;
	v54 =	vor.u32 v61, v44;
	v52 =	vadd.s32 v46, v35;
	v51 =	vld.idx.msk [tilespmem:v51+s13+$0x0], $0xffff  }
0x400: {  	v61 =	vld [tilespmem:$0x1FB60];
	v52 =	vor.u32 v53, v52;
	_ =	sdelay $0x2  }
0x401: {  	v32 =	vadd.s32 v24, v45  }
0x402: {  	v35 =	vand.u32 $0xFFFFFFF8, v32;
	[tilespmem:v54+s19+$0x0] =	vst.idx.msk $0xffff, v51  }
0x403: {  	v53 =	vand.u32 $0x7, v32;
	v54 =	vor.u32 v61, v44;
	v51 =	vadd.s32 v46, v35;
	v52 =	vld.idx.msk [tilespmem:v52+s13+$0x0], $0xffff  }
0x404: {  	v61 =	vld [tilespmem:$0x1FB70];
	v51 =	vor.u32 v53, v51;
	_ =	sdelay $0x2  }
0x405: {  	v32 =	vadd.s32 v25, v45  }
0x406: {  	v35 =	vand.u32 $0xFFFFFFF8, v32;
	[tilespmem:v54+s19+$0x0] =	vst.idx.msk $0xffff, v52  }
0x407: {  	v53 =	vand.u32 $0x7, v32;
	v54 =	vor.u32 v61, v44;
	v52 =	vadd.s32 v46, v35;
	v51 =	vld.idx.msk [tilespmem:v51+s13+$0x0], $0xffff  }
0x408: {  	v61 =	vld [tilespmem:$0x1FB80];
	v52 =	vor.u32 v53, v52;
	_ =	sdelay $0x2  }
0x409: {  	v32 =	vadd.s32 v26, v45  }
0x40a: {  	v35 =	vand.u32 $0xFFFFFFF8, v32;
	[tilespmem:v54+s19+$0x0] =	vst.idx.msk $0xffff, v51  }
0x40b: {  	v53 =	vand.u32 $0x7, v32;
	v54 =	vor.u32 v61, v44;
	v51 =	vadd.s32 v46, v35;
	v52 =	vld.idx.msk [tilespmem:v52+s13+$0x0], $0xffff  }
0x40c: {  	v61 =	vld [tilespmem:$0x1FB90];
	v51 =	vor.u32 v53, v51;
	_ =	sdelay $0x2  }
0x40d: {  	v32 =	vadd.s32 v27, v45  }
0x40e: {  	v35 =	vand.u32 $0xFFFFFFF8, v32;
	[tilespmem:v54+s19+$0x0] =	vst.idx.msk $0xffff, v52  }
0x40f: {  	v53 =	vand.u32 $0x7, v32;
	v54 =	vor.u32 v61, v44;
	v52 =	vadd.s32 v46, v35;
	v51 =	vld.idx.msk [tilespmem:v51+s13+$0x0], $0xffff  }
0x410: {  	v61 =	vld [tilespmem:$0x1FBA0];
	v52 =	vor.u32 v53, v52;
	_ =	sdelay $0x2  }
0x411: {  	v32 =	vadd.s32 v28, v45  }
0x412: {  	v35 =	vand.u32 $0xFFFFFFF8, v32;
	[tilespmem:v54+s19+$0x0] =	vst.idx.msk $0xffff, v51  }
0x413: {  	v53 =	vand.u32 $0x7, v32;
	v54 =	vor.u32 v61, v44;
	v51 =	vadd.s32 v46, v35;
	v52 =	vld.idx.msk [tilespmem:v52+s13+$0x0], $0xffff  }
0x414: {  	v61 =	vld [tilespmem:$0x1FBB0];
	v51 =	vor.u32 v53, v51;
	_ =	sdelay $0x2  }
0x415: {  	v32 =	vadd.s32 v29, v45  }
0x416: {  	v35 =	vand.u32 $0xFFFFFFF8, v32;
	[tilespmem:v54+s19+$0x0] =	vst.idx.msk $0xffff, v52  }
0x417: {  	v53 =	vand.u32 $0x7, v32;
	v54 =	vor.u32 v61, v44;
	v52 =	vadd.s32 v46, v35;
	v51 =	vld.idx.msk [tilespmem:v51+s13+$0x0], $0xffff  }
0x418: {  	v61 =	vld [tilespmem:$0x1FBD0];
	v52 =	vor.u32 v53, v52;
	_ =	sdelay $0x2  }
0x419: {  	v32 =	vadd.s32 v30, v45  }
0x41a: {  	v35 =	vand.u32 $0xFFFFFFF8, v32;
	[tilespmem:v54+s19+$0x0] =	vst.idx.msk $0xffff, v51  }
0x41b: {  	v53 =	vand.u32 $0x7, v32;
	v54 =	vor.u32 v61, v44;
	v51 =	vadd.s32 v46, v35;
	v52 =	vld.idx.msk [tilespmem:v52+s13+$0x0], $0xffff  }
0x41c: {  	v61 =	vld [tilespmem:$0x1FBF0];
	v51 =	vor.u32 v53, v51;
	_ =	sdelay $0x2  }
0x41d: {  	v32 =	vadd.s32 v31, v45  }
0x41e: {  	v35 =	vand.u32 $0xFFFFFFF8, v32;
	[tilespmem:v54+s19+$0x0] =	vst.idx.msk $0xffff, v52  }
0x41f: {  	v53 =	vand.u32 $0x7, v32;
	v54 =	vor.u32 v61, v44;
	v52 =	vadd.s32 v46, v35;
	v51 =	vld.idx.msk [tilespmem:v51+s13+$0x0], $0xffff  }
0x420: {  	v61 =	vld [tilespmem:$0x1FC10];
	v52 =	vor.u32 v53, v52;
	_ =	sdelay $0x2  }
0x421: {  	v32 =	vadd.s32 v36, v45  }
0x422: {  	v35 =	vand.u32 $0xFFFFFFF8, v32;
	[tilespmem:v54+s19+$0x0] =	vst.idx.msk $0xffff, v51  }
0x423: {  	v53 =	vand.u32 $0x7, v32;
	v54 =	vor.u32 v61, v44;
	v51 =	vadd.s32 v46, v35;
	v52 =	vld.idx.msk [tilespmem:v52+s13+$0x0], $0xffff  }
0x424: {  	v61 =	vld [tilespmem:$0x1FC30];
	v51 =	vor.u32 v53, v51;
	_ =	sdelay $0x2  }
0x425: {  	v32 =	vadd.s32 v41, v45  }
0x426: {  	v35 =	vand.u32 $0xFFFFFFF8, v32;
	[tilespmem:v54+s19+$0x0] =	vst.idx.msk $0xffff, v52  }
0x427: {  	v53 =	vand.u32 $0x7, v32;
	v54 =	vor.u32 v61, v44;
	v52 =	vadd.s32 v46, v35;
	v51 =	vld.idx.msk [tilespmem:v51+s13+$0x0], $0xffff  }
0x428: {  	v61 =	vld [tilespmem:$0x1FC40];
	v52 =	vor.u32 v53, v52;
	_ =	sdelay $0x2  }
0x429: {  	v32 =	vadd.s32 v42, v45  }
0x42a: {  	v35 =	vand.u32 $0xFFFFFFF8, v32;
	[tilespmem:v54+s19+$0x0] =	vst.idx.msk $0xffff, v51  }
0x42b: {  	v53 =	vand.u32 $0x7, v32;
	v54 =	vor.u32 v61, v44;
	v51 =	vadd.s32 v46, v35;
	v52 =	vld.idx.msk [tilespmem:v52+s13+$0x0], $0xffff  }
0x42c: {  	v61 =	vld [tilespmem:$0x1FC60];
	v51 =	vor.u32 v53, v51;
	_ =	sdelay $0x2  }
0x42d: {  	v32 =	vadd.s32 v43, v45  }
0x42e: {  	v35 =	vand.u32 $0xFFFFFFF8, v32;
	[tilespmem:v54+s19+$0x0] =	vst.idx.msk $0xffff, v52  }
0x42f: {  	v53 =	vand.u32 $0x7, v32;
	v54 =	vor.u32 v61, v44;
	v52 =	vadd.s32 v46, v35;
	v51 =	vld.idx.msk [tilespmem:v51+s13+$0x0], $0xffff  }
0x430: {  	v61 =	vld [tilespmem:$0x1FC80];
	v52 =	vor.u32 v53, v52;
	_ =	sdelay $0x2  }
0x431: {  	v32 =	vadd.s32 v47, v45  }
0x432: {  	v35 =	vand.u32 $0xFFFFFFF8, v32;
	[tilespmem:v54+s19+$0x0] =	vst.idx.msk $0xffff, v51  }
0x433: {  	v53 =	vand.u32 $0x7, v32;
	v54 =	vor.u32 v61, v44;
	v51 =	vadd.s32 v46, v35;
	v52 =	vld.idx.msk [tilespmem:v52+s13+$0x0], $0xffff  }
0x434: {  	v61 =	vld [tilespmem:$0x1FCA0];
	v51 =	vor.u32 v53, v51;
	_ =	sdelay $0x2  }
0x435: {  	v32 =	vadd.s32 v48, v45  }
0x436: {  	v35 =	vand.u32 $0xFFFFFFF8, v32;
	[tilespmem:v54+s19+$0x0] =	vst.idx.msk $0xffff, v52  }
0x437: {  	v53 =	vand.u32 $0x7, v32;
	v54 =	vor.u32 v61, v44;
	v52 =	vadd.s32 v46, v35;
	v51 =	vld.idx.msk [tilespmem:v51+s13+$0x0], $0xffff  }
0x438: {  	v61 =	vld [tilespmem:$0x1FCC0];
	v52 =	vor.u32 v53, v52;
	_ =	sdelay $0x2  }
0x439: {  	v32 =	vadd.s32 v49, v45  }
0x43a: {  	v35 =	vand.u32 $0xFFFFFFF8, v32;
	[tilespmem:v54+s19+$0x0] =	vst.idx.msk $0xffff, v51  }
0x43b: {  	v53 =	vand.u32 $0x7, v32;
	v54 =	vor.u32 v61, v44;
	v51 =	vadd.s32 v46, v35;
	v52 =	vld.idx.msk [tilespmem:v52+s13+$0x0], $0xffff  }
0x43c: {  	v51 =	vor.u32 v53, v51;
	_ =	sdelay $0x2  }
0x43d: {  	v45 =	vadd.s32 v50, v45  }
0x43e: {  	v32 =	vand.u32 $0xFFFFFFF8, v45;
	[tilespmem:v54+s19+$0x0] =	vst.idx.msk $0xffff, v52  }
0x43f: {  	v45 =	vand.u32 $0x7, v45;
	v46 =	vadd.s32 v46, v32;
	v35 =	vor.u32 v7, v44;
	v51 =	vld.idx.msk [tilespmem:v51+s13+$0x0], $0xffff  }
0x440: {  	v61 =	vld [tilespmem:$0x1FFD0];
	v45 =	vor.u32 v45, v46;
	_ =	sdelay $0x3  }
0x441: {  	[tilespmem:v35+s19+$0x0] =	vst.idx.msk $0xffff, v51  }
0x442: {  	p0 =	sne.s32 s29, $0x70;
	v44 =	vor.u32 v61, v44;
	v45 =	vld.idx.msk [tilespmem:v45+s13+$0x0], $0xffff  }
.Ltmp1:
0x443: {  	_ = 	snop;
	(pc) =	sbr.rel @p0 .LBB2_5-.Ltmp1, $2  }
0x444: {  	_ =	sdelay $0x2  }
0x445: {  	s30 =	sadd.s32 $0x10, s30;
	s29 =	sadd.s32 $0x10, s29;
	v51 =	vlaneseq.u32;
	[tilespmem:v44+s19+$0x0] =	vst.idx.msk $0xffff, v45  }
0x446: {  	s28 =	sadd.s32 @!p1 $0x180, s28  }
0x447: {  	s29 =	simm.s32 @!p1 $0x80;
	s30 =	simm.s32 @!p1 $0x10800;
	s25 =	sadd.s32 $0x1, s25  }
0x448: {  	[tilespmem:s30], [sflag:$0x2] =	stream.indirect.gather @!p1 [hbm4b:s4+s29], $0x80, s28, s29, $0xb8;
	[tilespmem:$0x18800] =	vst v63  }
0x449: {  	p0 =	sne.s32 s25, $0x64  }
.Ltmp2:
0x44a: {  	s26 =	sshll.u32 s26, $0x12;
	(pc) =	sbr.rel @p0 .LBB2_2-.Ltmp2, $4  }
0x44b: {  	s26 =	sor.u32 s7, s26  }
0x44c: {  	s26 =	sshrl.u32 s26, $0x3  }
0x44d: {  	s23 =	sadd.s32 $0x100, s23;
	s24 =	sadd.s32 $0x100, s24;
	s26 =	sadd.s32 s2, s26  }
0x44e: {  	[hbm4b:s26+s16] =	stream.strided.scatter [tilespmem:s19], [sflag:$0x4], $0x2000, s17, s16, $0x38;
	[tilespmem:$0x18800] =	vst v63  }
0x44f: {  	s22 =	sadd.s32 $0x1, s22  }
0x450: {  	_ =	swait.ge [sflag:s20], $0x2000;
	p0 =	sne.s32 s22, s8  }
.Ltmp3:
0x451: {  	[sflag:s20] =	ssyncset.done $0x0;
	(pc) =	sbr.rel @p0 .LBB2_1-.Ltmp3, $4  }
0x452: {  	[sflag:s20] =	ssyncadd.s32 $0xFFFFE000  }
0x453: {  	_ =	swait.ge [sflag:s21], $0x2000  }
0x454: {  	[sflag:s21] =	ssyncset.done $0x0  }
0x455: {  	[sflag:s21] =	ssyncadd.s32 $0xFFFFE000  }
0x456: {  	_ =	sfence.sel $0x180000  }
0x457: {  	[bflag:$0x0] =	sbarrier.arrive $0xFFFF  }
0x458: {  	p0 =	sne.s32 s0, $0x0;
	_ =	strace $0x90000047  }
0x459: {  	s0 =	sadd.s32 @!p0 $0x100000, s1;
	[bflag:$0x2] =	sbarrier.arrive $0xFFFF  }
0x45a: {  	[sflag:s0] =	ssyncadd.tile.s32 @!p0 $0x1;
	_ =	shalt  }
.Lfunc_end2:
_tile_overlayer_lowered:
.L_overlay_start_2:
0x45b: {  	(tag) =	ssettag $0x2  }
0x45c: {  	s0 =	rddreg [dreg:$0x0];
	s2 =	stileid.u32  }
0x45d: {  	s1 =	rddreg [dreg:$0x1];
	p0 =	sne.s32 s2, $0x0  }
0x45e: {  	s3 =	rddreg [dreg:$0x2];
	[bflag:$0x3] =	sbarrier.arrive $0xFFFF;
	s2 =	simm.s32 @!p0 $0x1C05  }
0x45f: {  	[timem:s3], [sflag:s2] =	dma.local @!p0 [hbm:s0], s1  }
0x460: {  	s0 =	simm.s32 @!p0 $0x5  }
0x461: {  	_ =	swait.ge @!p0 [sflag:s0], s1  }
0x462: {  	s1 =	ssub.s32 @!p0 $0x0, s1;
	[sflag:s0] =	ssyncset.done @!p0 $0x0  }
0x463: {  	[sflag:s0] =	ssyncadd.s32 @!p0 s1  }
0x464: {  	[bflag:$0x3] =	sbarrier.arrive $0xFFFF  }
0x465: {  	_ =	shalt  }

</sc_bundles>
